<compile_context>
chip_gen: v7x
topology: tpu7x:2x2x1
jax: 0.10.2.dev20260603
libtpu: 0.0.44.dev20260713+nightly
codegen_flags: <defaults>
</compile_context>

<pallas_src>
import jax
import jax.numpy as jnp
from jax import lax
from jax.experimental import pallas as pl
from jax.experimental.pallas import tpu as pltpu
from jax.experimental.pallas import tpu_sc as plsc

N = 10000
D_IN, D_H, D_OUT = 128, 128, 64
E = 320000

N_PAD = 10240
NTILES = 16
NCORES = 2
NW = NCORES * NTILES
CH = 128
NCH = 80
EPW = NCH * CH
E_PAD = NW * EPW
NPAIR = NCH // 2
RPT = N_PAD // NTILES
D_DEG = 128
BLK = 512
GRID = N_PAD // BLK



def _fill(ref, width, value):
    per_row = width // 16

    def body(i, _):
        r = i // per_row
        col = (i % per_row) * 16
        ref[r, pl.ds(col, 16)] = jnp.full((16,), value, jnp.float32)
        return 0

    lax.fori_loop(0, ref.shape[0] * per_row, body, 0)


def _make_agg(D, chw=128, nbuf=2, nch0=80, nch1=80):
    mesh = plsc.VectorSubcoreMesh(core_axis_name="c", subcore_axis_name="s")
    assert (nch0 + nch1) * chw * NTILES == E_PAD

    def body(p_hbm, src_hbm, dst_hbm, acc_out, *rest):
        sidx = rest[0:nbuf]
        didx = rest[nbuf:2 * nbuf]
        rows = rest[2 * nbuf:3 * nbuf]
        acc = rest[3 * nbuf]
        gsem = rest[3 * nbuf + 1:4 * nbuf + 1]
        c = lax.axis_index("c")
        s = lax.axis_index("s")
        wid = c * NTILES + s

        _fill(rows[0], D, 0.0)
        base_r = s * RPT
        for j in range(RPT // chw):
            pltpu.sync_copy(rows[0], acc.at[pl.ds(base_r + j * chw, chw)])
        plsc.subcore_barrier()

        ebase = jnp.where(c == 0, s * nch0, NTILES * nch0 + s * nch1) * chw
        ngrp = jnp.where(c == 0, nch0 // nbuf, nch1 // nbuf)

        def load_idx(off, b):
            pltpu.sync_copy(src_hbm.at[pl.ds(off, chw)], sidx[b])
            pltpu.sync_copy(dst_hbm.at[pl.ds(off, chw)], didx[b])

        for b in range(nbuf):
            load_idx(ebase + b * chw, b)
            pltpu.async_copy(p_hbm.at[sidx[b]], rows[b], gsem[b])

        def step(j, _):
            i0 = nbuf * j
            for b in range(nbuf):
                pltpu.make_async_copy(p_hbm.at[sidx[b]], rows[b],
                                      gsem[b]).wait()
                pltpu.sync_copy(rows[b], acc.at[didx[b]], add=True)
                load_idx(ebase + (i0 + b + nbuf) * chw, b)
                pltpu.async_copy(p_hbm.at[sidx[b]], rows[b], gsem[b])
            return 0

        lax.fori_loop(0, ngrp, step, 0)
        for b in range(nbuf):
            pltpu.make_async_copy(p_hbm.at[sidx[b]], rows[b], gsem[b]).wait()
        plsc.subcore_barrier()

        for j in range(RPT // chw):
            r0 = base_r + j * chw
            pltpu.sync_copy(acc.at[pl.ds(r0, chw)], rows[0])
            pltpu.sync_copy(rows[0], acc_out.at[pl.ds(c * N_PAD + r0, chw)])

    return pl.kernel(
        body,
        out_type=jax.ShapeDtypeStruct((NCORES * N_PAD, D), jnp.float32),
        mesh=mesh,
        scratch_types=(
            tuple(pltpu.VMEM((chw,), jnp.int32) for _ in range(2 * nbuf))
            + tuple(pltpu.VMEM((chw, D), jnp.float32) for _ in range(nbuf))
            + (pltpu.VMEM_SHARED((N_PAD, D), jnp.float32),)
            + tuple(pltpu.SemaphoreType.DMA for _ in range(nbuf))
        ))


def _make_deg(W=D_DEG):
    mesh = plsc.VectorSubcoreMesh(core_axis_name="c", subcore_axis_name="s")

    def body(src_hbm, dst_hbm, deg_out, didx_a, didx_b, ones, acc):
        c = lax.axis_index("c")
        s = lax.axis_index("s")
        wid = c * NTILES + s

        _fill(ones, W, 0.0)
        base_r = s * RPT
        for j in range(RPT // CH):
            pltpu.sync_copy(ones, acc.at[pl.ds(base_r + j * CH, CH)])
        _fill(ones, W, 1.0)
        plsc.subcore_barrier()

        ebase = wid * EPW
        pltpu.sync_copy(dst_hbm.at[pl.ds(ebase, CH)], didx_a)

        def step(j, _):
            i0 = 2 * j
            pltpu.sync_copy(dst_hbm.at[pl.ds(ebase + (i0 + 1) * CH, CH)],
                            didx_b)
            pltpu.sync_copy(ones, acc.at[didx_a], add=True)
            pltpu.sync_copy(dst_hbm.at[pl.ds(ebase + (i0 + 2) * CH, CH)],
                            didx_a)
            pltpu.sync_copy(ones, acc.at[didx_b], add=True)
            return 0

        lax.fori_loop(0, NPAIR, step, 0)
        plsc.subcore_barrier()

        for j in range(RPT // CH):
            r0 = base_r + j * CH
            pltpu.sync_copy(acc.at[pl.ds(r0, CH)], ones)
            pltpu.sync_copy(ones, deg_out.at[pl.ds(c * N_PAD + r0, CH)])

    return pl.kernel(
        body,
        out_type=jax.ShapeDtypeStruct((NCORES * N_PAD, W), jnp.float32),
        mesh=mesh,
        scratch_types=(
            pltpu.VMEM((CH,), jnp.int32),
            pltpu.VMEM((CH,), jnp.int32),
            pltpu.VMEM((CH, W), jnp.float32),
            pltpu.VMEM_SHARED((N_PAD, W), jnp.float32),
        ))


_agg_h = _make_agg(D_H, nch0=40, nch1=120)
_deg_k = _make_deg()



def _pre_body(x_ref, wl_ref, wr_ref, bl_ref, p_ref, r_ref):
    h = x_ref[...]
    p_ref[...] = jnp.dot(h, wl_ref[...], preferred_element_type=jnp.float32)
    r_ref[...] = (jnp.dot(h, wr_ref[...], preferred_element_type=jnp.float32)
                  + bl_ref[...])


def _pre(x, wlT, wrT, bl):
    d_in, d_o = wlT.shape
    return pl.pallas_call(
        _pre_body,
        grid=(GRID,),
        in_specs=[
            pl.BlockSpec((BLK, d_in), lambda i: (i, 0)),
            pl.BlockSpec((d_in, d_o), lambda i: (0, 0)),
            pl.BlockSpec((d_in, d_o), lambda i: (0, 0)),
            pl.BlockSpec((1, d_o), lambda i: (0, 0)),
        ],
        out_specs=[
            pl.BlockSpec((BLK, d_o), lambda i: (i, 0)),
            pl.BlockSpec((BLK, d_o), lambda i: (i, 0)),
        ],
        out_shape=[
            jax.ShapeDtypeStruct((N_PAD, d_o), jnp.float32),
            jax.ShapeDtypeStruct((N_PAD, d_o), jnp.float32),
        ],
    )(x, wlT, wrT, bl)


def _combine(acc_ref, dacc_ref, r_ref):
    deg = dacc_ref[0] + dacc_ref[1]
    mean = (acc_ref[0] + acc_ref[1]) / jnp.maximum(deg, 1.0)
    return mean + r_ref[...]


def _mid_body(acc_ref, dacc_ref, r_ref, wl_ref, wr_ref, bl_ref, p_ref, rn_ref):
    h = jnp.maximum(_combine(acc_ref, dacc_ref, r_ref), 0.0)
    p_ref[...] = jnp.dot(h, wl_ref[...], preferred_element_type=jnp.float32)
    rn_ref[...] = (jnp.dot(h, wr_ref[...], preferred_element_type=jnp.float32)
                   + bl_ref[...])


def _mid(acc, dacc, r, wlT, wrT, bl):
    d, d_po = wlT.shape
    d_ro = wrT.shape[1]
    return pl.pallas_call(
        _mid_body,
        grid=(GRID,),
        in_specs=[
            pl.BlockSpec((NCORES, BLK, d), lambda i: (0, i, 0)),
            pl.BlockSpec((NCORES, BLK, 1), lambda i: (0, i, 0)),
            pl.BlockSpec((BLK, d), lambda i: (i, 0)),
            pl.BlockSpec((d, d_po), lambda i: (0, 0)),
            pl.BlockSpec((d, d_ro), lambda i: (0, 0)),
            pl.BlockSpec((1, d_ro), lambda i: (0, 0)),
        ],
        out_specs=[
            pl.BlockSpec((BLK, d_po), lambda i: (i, 0)),
            pl.BlockSpec((BLK, d_ro), lambda i: (i, 0)),
        ],
        out_shape=[
            jax.ShapeDtypeStruct((N_PAD, d_po), jnp.float32),
            jax.ShapeDtypeStruct((N_PAD, d_ro), jnp.float32),
        ],
    )(acc, dacc, r, wlT, wrT, bl)


def _final_body(acc_ref, dacc_ref, r_ref, o_ref):
    d = r_ref.shape[1]
    deg = dacc_ref[0] + dacc_ref[1]
    mean = (acc_ref[0, :, :d] + acc_ref[1, :, :d]) / jnp.maximum(deg, 1.0)
    z = mean + r_ref[...]
    m = jnp.max(z, axis=1, keepdims=True)
    ez = jnp.exp(z - m)
    lse = jnp.log(jnp.sum(ez, axis=1, keepdims=True)) + m
    o_ref[...] = z - lse


def _final(acc, dacc, r):
    d = r.shape[1]
    return pl.pallas_call(
        _final_body,
        grid=(GRID,),
        in_specs=[
            pl.BlockSpec((NCORES, BLK, acc.shape[2]), lambda i: (0, i, 0)),
            pl.BlockSpec((NCORES, BLK, 1), lambda i: (0, i, 0)),
            pl.BlockSpec((BLK, d), lambda i: (i, 0)),
        ],
        out_specs=pl.BlockSpec((BLK, d), lambda i: (i, 0)),
        out_shape=jax.ShapeDtypeStruct((N_PAD, d), jnp.float32),
    )(acc, dacc, r)



@jax.jit
def kernel(x, edge_index, Wl1, bl1, Wr1, Wl2, bl2, Wr2, Wl3, bl3, Wr3):
    x_pad = jnp.zeros((N_PAD, D_IN), jnp.float32).at[:N].set(x)
    pad_e = E_PAD + 2 * CH - E
    pad_dst = N + jnp.arange(pad_e, dtype=jnp.int32) % (N_PAD - N)
    src = jnp.concatenate([edge_index[0], jnp.zeros((pad_e,), jnp.int32)])
    dst = jnp.concatenate([edge_index[1], pad_dst])

    dacc = _deg_k(src, dst).reshape(NCORES, N_PAD, D_DEG)[:, :, :1]

    p1, r1 = _pre(x_pad, Wl1.T, Wr1.T, bl1[None])
    acc1 = _agg_h(p1, src, dst).reshape(NCORES, N_PAD, D_H)
    p2, r2 = _mid(acc1, dacc, r1, Wl2.T, Wr2.T, bl2[None])
    acc2 = _agg_h(p2, src, dst).reshape(NCORES, N_PAD, D_H)
    wl3T_pad = jnp.pad(Wl3.T, ((0, 0), (0, D_H - D_OUT)))
    p3, r3 = _mid(acc2, dacc, r2, wl3T_pad, Wr3.T, bl3[None])
    acc3 = _agg_h(p3, src, dst).reshape(NCORES, N_PAD, D_H)
    out = _final(acc3, dacc, r3)
    return out[:N]

# --- scband reference (transcript-rebuilt; emitter-appended) ---
"""Pipeline reference for scband-sage-71064528879754 (READ-ONLY COPY).

The authoritative reference and input builder live on the scoring server;
editing this copy changes nothing except your own understanding.
"""

import jax, jax.numpy as jnp
import numpy as np

N, E = 10000, 320000
D_IN, D_H, D_OUT = 128, 128, 64


def _init_linear(key, out_dim, in_dim, bias=True):
    k1, k2 = jax.random.split(key)
    scale = 1.0 / np.sqrt(in_dim)
    W = jax.random.uniform(k1, (out_dim, in_dim), minval=-scale, maxval=scale, dtype=jnp.float32)
    if bias:
        b = jax.random.uniform(k2, (out_dim,), minval=-scale, maxval=scale, dtype=jnp.float32)
        return W, b
    return W, None


def setup_inputs(seed: int = 0) -> dict:
    key = jax.random.key(seed)
    ks = jax.random.split(key, 8)
    x = jax.random.normal(ks[0], (N, D_IN), dtype=jnp.float32)
    edge_index = jax.random.randint(ks[1], (2, E), 0, N, dtype=jnp.int32)
    Wl1, bl1 = _init_linear(ks[2], D_H, D_IN, bias=True)
    Wr1, _ = _init_linear(ks[3], D_H, D_IN, bias=False)
    Wl2, bl2 = _init_linear(ks[4], D_H, D_H, bias=True)
    Wr2, _ = _init_linear(ks[5], D_H, D_H, bias=False)
    Wl3, bl3 = _init_linear(ks[6], D_OUT, D_H, bias=True)
    Wr3, _ = _init_linear(ks[7], D_OUT, D_H, bias=False)
    return {"x": x, "edge_index": edge_index,
            "Wl1": Wl1, "bl1": bl1, "Wr1": Wr1,
            "Wl2": Wl2, "bl2": bl2, "Wr2": Wr2,
            "Wl3": Wl3, "bl3": bl3, "Wr3": Wr3}


def _sage_conv(h, src, dst, Wl, bl, Wr, n_nodes):
    # PyG SAGEConv (mean aggr): out = lin_l(mean_{j in N(i)} x_j) + lin_r(x_i)
    msg = jnp.take(h, src, axis=0)
    agg = jax.ops.segment_sum(msg, dst, num_segments=n_nodes)
    deg = jax.ops.segment_sum(jnp.ones((src.shape[0],), h.dtype), dst, num_segments=n_nodes)
    mean = agg / jnp.maximum(deg, 1.0)[:, None]
    return mean @ Wl.T + bl + h @ Wr.T


def reference(x, edge_index, Wl1, bl1, Wr1, Wl2, bl2, Wr2, Wl3, bl3, Wr3):
    n_nodes = x.shape[0]
    src = edge_index[0]
    dst = edge_index[1]
    h = jax.nn.relu(_sage_conv(x, src, dst, Wl1, bl1, Wr1, n_nodes))
    h = jax.nn.relu(_sage_conv(h, src, dst, Wl2, bl2, Wr2, n_nodes))
    h = _sage_conv(h, src, dst, Wl3, bl3, Wr3, n_nodes)
    return jax.nn.log_softmax(h, axis=1)

if __name__ == "__main__":
    import jax
    _d = setup_inputs()
    print(jax.jit(kernel)(*tuple(_d.values())))

</pallas_src>

<mosaic_0001>
#map = affine_map<(d0, d1) -> (0, 0)>
#map1 = affine_map<(d0, d1) -> (0)>
module attributes {stable_mosaic.version = 14 : i64} {
  func.func @body(%arg0: i32, %arg1: i32, %arg2: memref<10240x128xf32, #tpu.memory_space<hbm>>, %arg3: memref<327936xi32, #tpu.memory_space<hbm>>, %arg4: memref<327936xi32, #tpu.memory_space<hbm>>, %arg5: memref<20480x128xf32, #tpu.memory_space<hbm>>, %arg6: memref<128xi32, #tpu.memory_space<vmem>>, %arg7: memref<128xi32, #tpu.memory_space<vmem>>, %arg8: memref<128xi32, #tpu.memory_space<vmem>>, %arg9: memref<128xi32, #tpu.memory_space<vmem>>, %arg10: memref<128x128xf32, #tpu.memory_space<vmem>>, %arg11: memref<128x128xf32, #tpu.memory_space<vmem>>, %arg12: memref<10240x128xf32, #tpu.memory_space<vmem_shared>>, %arg13: memref<!tpu.dma_semaphore, #tpu.memory_space<semaphore_mem>>, %arg14: memref<!tpu.dma_semaphore, #tpu.memory_space<semaphore_mem>>) attributes {dimension_semantics = [#tpu.dimension_semantics<core_parallel>, #tpu.dimension_semantics<subcore_parallel>], iteration_bounds = array<i64: 2, 16>, scalar_prefetch = 0 : i64, scratch_operands = 9 : i64, tpu.core_type = #tpu.core_type<sc_vector_subcore>, window_params = [{transform_indices = #map}, {transform_indices = #map1}, {transform_indices = #map1}, {transform_indices = #map}]} {
    %mul3A = arith.constant 16 : i32
    %mul3A_0 = arith.muli %arg0, %mul3A : i32
    %add3A = arith.addi %mul3A_0, %arg1 : i32
    %scan3A = arith.constant 0 : i32
    %scan3A_1 = arith.constant 0 : i32
    %scan3A_2 = arith.constant 1024 : i32
    %scan3A_3 = arith.addi %scan3A_1, %scan3A_2 : i32
    %scan3A_4 = arith.constant 1 : i32
    %scan3A_5 = scf.for %scan3A_83 = %scan3A_1 to %scan3A_3 step %scan3A_4 iter_args(%scan3A_84 = %scan3A) -> (i32)  : i32 {
      %jit3A_85 = arith.constant 8 : i32
      %div3A = arith.divsi %scan3A_83, %jit3A_85 : i32
      %sign3A = arith.constant 0 : i32
      %sign3A_86 = arith.cmpi sgt, %scan3A_83, %sign3A : i32
      %sign3A_87 = arith.extui %sign3A_86 : i1 to i32
      %sign3A_88 = arith.constant 0 : i32
      %sign3A_89 = arith.cmpi slt, %scan3A_83, %sign3A_88 : i32
      %sign3A_90 = arith.extui %sign3A_89 : i1 to i32
      %sign3A_91 = arith.subi %sign3A_87, %sign3A_90 : i32
      %sign3A_92 = arith.constant 0 : i32
      %sign3A_93 = arith.cmpi sgt, %jit3A_85, %sign3A_92 : i32
      %sign3A_94 = arith.extui %sign3A_93 : i1 to i32
      %sign3A_95 = arith.constant 0 : i32
      %sign3A_96 = arith.cmpi slt, %jit3A_85, %sign3A_95 : i32
      %sign3A_97 = arith.extui %sign3A_96 : i1 to i32
      %sign3A_98 = arith.subi %sign3A_94, %sign3A_97 : i32
      %ne3A = arith.cmpi ne, %sign3A_91, %sign3A_98 : i32
      %rem3A = arith.remsi %scan3A_83, %jit3A_85 : i32
      %ne3A_99 = arith.constant 0 : i32
      %ne3A_100 = arith.cmpi ne, %rem3A, %ne3A_99 : i32
      %and3A = arith.andi %ne3A, %ne3A_100 : i1
      %sub3A = arith.constant 1 : i32
      %sub3A_101 = arith.subi %div3A, %sub3A : i32
      %select_n3A_102 = arith.select %and3A, %sub3A_101, %div3A : i32
      %jit3A_103 = arith.constant 8 : i32
      %eq3A_104 = arith.constant 0 : i32
      %eq3A_105 = arith.cmpi eq, %jit3A_103, %eq3A_104 : i32
      %jit3A_106 = arith.constant 1 : i32
      %select_n3A_107 = arith.select %eq3A_105, %jit3A_106, %jit3A_103 : i32
      %rem3A_108 = arith.remsi %scan3A_83, %select_n3A_107 : i32
      %ne3A_109 = arith.constant 0 : i32
      %ne3A_110 = arith.cmpi ne, %rem3A_108, %ne3A_109 : i32
      %lt3A = arith.constant 0 : i32
      %lt3A_111 = arith.cmpi slt, %rem3A_108, %lt3A : i32
      %lt3A_112 = arith.constant 0 : i32
      %lt3A_113 = arith.cmpi slt, %select_n3A_107, %lt3A_112 : i32
      %ne3A_114 = arith.xori %lt3A_111, %lt3A_113 : i1
      %and3A_115 = arith.andi %ne3A_114, %ne3A_110 : i1
      %add3A_116 = arith.addi %rem3A_108, %select_n3A_107 : i32
      %select_n3A_117 = arith.select %and3A_115, %add3A_116, %rem3A_108 : i32
      %mul3A_118 = arith.constant 16 : i32
      %mul3A_119 = arith.muli %select_n3A_117, %mul3A_118 : i32
      %broadcast_in_dim3A = arith.constant 0.000000e+00 : f32
      %broadcast_in_dim3A_120 = vector.broadcast %broadcast_in_dim3A : f32 to vector<16xf32>
      %swap3A = arith.index_cast %select_n3A_102 : i32 to index
      %swap3A_121 = arith.index_cast %mul3A_119 : i32 to index
      %swap3A_122 = tpu.vector_load %arg10[%swap3A, %swap3A_121] {strides = array<i32>} : memref<128x128xf32, #tpu.memory_space<vmem>>, vector<1x16xf32>,
      %swap3A_123 = vector.shape_cast %swap3A_122 : vector<1x16xf32> to vector<16xf32>
      %swap3A_124 = vector.shape_cast %broadcast_in_dim3A_120 : vector<16xf32> to vector<1x16xf32>
      tpu.vector_store %arg10[%swap3A, %swap3A_121], %swap3A_124 {strides = array<i32>} : memref<128x128xf32, #tpu.memory_space<vmem>>, vector<1x16xf32>,
      %scan3A_125 = arith.constant 0 : i32
      scf.yield %scan3A_125 : i32
    }
    %scan3A_6 = arith.constant 1024 : i32
    %mul3A_7 = arith.constant 640 : i32
    %mul3A_8 = arith.muli %arg1, %mul3A_7 : i32
    %add3A_9 = arith.constant 0 : i32
    %add3A_10 = arith.addi %mul3A_8, %add3A_9 : i32
    "tpu.region"() ({
      %run_scoped3A = tpu.sem_alloc : memref<!tpu.dma_semaphore, #tpu.memory_space<semaphore_mem>>
      %dma_start3A_83 = arith.constant 0 : i32
      %dma_start3A_84 = tpu.memref_slice %arg12[%add3A_10, %dma_start3A_83] : memref<10240x128xf32, #tpu.memory_space<vmem_shared>> -> memref<128x128xf32, #tpu.memory_space<vmem_shared>>
      %dma_start3A_85 = arith.constant 0 : i32
      %dma_start3A_86 = tpu.memref_slice %arg12[%add3A_10, %dma_start3A_85] : memref<10240x128xf32, #tpu.memory_space<vmem_shared>> -> memref<128x128xf32, #tpu.memory_space<vmem_shared>>
      tpu.enqueue_dma source(%arg10 : memref<128x128xf32, #tpu.memory_space<vmem>>) target(%dma_start3A_86 : memref<128x128xf32, #tpu.memory_space<vmem_shared>>) target_semaphore(%run_scoped3A : memref<!tpu.dma_semaphore, #tpu.memory_space<semaphore_mem>>)
      %dma_wait3A_87 = arith.constant 0 : i32
      %dma_wait3A_88 = tpu.memref_slice %arg12[%add3A_10, %dma_wait3A_87] : memref<10240x128xf32, #tpu.memory_space<vmem_shared>> -> memref<128x128xf32, #tpu.memory_space<vmem_shared>>
      %dma_wait3A_89 = arith.constant 0 : i32
      %dma_wait3A_90 = tpu.memref_slice %arg12[%add3A_10, %dma_wait3A_89] : memref<10240x128xf32, #tpu.memory_space<vmem_shared>> -> memref<128x128xf32, #tpu.memory_space<vmem_shared>>
      tpu.wait_dma2 semaphore(%run_scoped3A : memref<!tpu.dma_semaphore, #tpu.memory_space<semaphore_mem>>) src(%arg10 : memref<128x128xf32, #tpu.memory_space<vmem>>) dst(%dma_wait3A_90 : memref<128x128xf32, #tpu.memory_space<vmem_shared>>)
      tpu.yield
    }) : () -> ()
    %add3A_11 = arith.constant 128 : i32
    %add3A_12 = arith.addi %mul3A_8, %add3A_11 : i32
    "tpu.region"() ({
      %run_scoped3A = tpu.sem_alloc : memref<!tpu.dma_semaphore, #tpu.memory_space<semaphore_mem>>
      %dma_start3A_83 = arith.constant 0 : i32
      %dma_start3A_84 = tpu.memref_slice %arg12[%add3A_12, %dma_start3A_83] : memref<10240x128xf32, #tpu.memory_space<vmem_shared>> -> memref<128x128xf32, #tpu.memory_space<vmem_shared>>
      %dma_start3A_85 = arith.constant 0 : i32
      %dma_start3A_86 = tpu.memref_slice %arg12[%add3A_12, %dma_start3A_85] : memref<10240x128xf32, #tpu.memory_space<vmem_shared>> -> memref<128x128xf32, #tpu.memory_space<vmem_shared>>
      tpu.enqueue_dma source(%arg10 : memref<128x128xf32, #tpu.memory_space<vmem>>) target(%dma_start3A_86 : memref<128x128xf32, #tpu.memory_space<vmem_shared>>) target_semaphore(%run_scoped3A : memref<!tpu.dma_semaphore, #tpu.memory_space<semaphore_mem>>)
      %dma_wait3A_87 = arith.constant 0 : i32
      %dma_wait3A_88 = tpu.memref_slice %arg12[%add3A_12, %dma_wait3A_87] : memref<10240x128xf32, #tpu.memory_space<vmem_shared>> -> memref<128x128xf32, #tpu.memory_space<vmem_shared>>
      %dma_wait3A_89 = arith.constant 0 : i32
      %dma_wait3A_90 = tpu.memref_slice %arg12[%add3A_12, %dma_wait3A_89] : memref<10240x128xf32, #tpu.memory_space<vmem_shared>> -> memref<128x128xf32, #tpu.memory_space<vmem_shared>>
      tpu.wait_dma2 semaphore(%run_scoped3A : memref<!tpu.dma_semaphore, #tpu.memory_space<semaphore_mem>>) src(%arg10 : memref<128x128xf32, #tpu.memory_space<vmem>>) dst(%dma_wait3A_90 : memref<128x128xf32, #tpu.memory_space<vmem_shared>>)
      tpu.yield
    }) : () -> ()
    %add3A_13 = arith.constant 256 : i32
    %add3A_14 = arith.addi %mul3A_8, %add3A_13 : i32
    "tpu.region"() ({
      %run_scoped3A = tpu.sem_alloc : memref<!tpu.dma_semaphore, #tpu.memory_space<semaphore_mem>>
      %dma_start3A_83 = arith.constant 0 : i32
      %dma_start3A_84 = tpu.memref_slice %arg12[%add3A_14, %dma_start3A_83] : memref<10240x128xf32, #tpu.memory_space<vmem_shared>> -> memref<128x128xf32, #tpu.memory_space<vmem_shared>>
      %dma_start3A_85 = arith.constant 0 : i32
      %dma_start3A_86 = tpu.memref_slice %arg12[%add3A_14, %dma_start3A_85] : memref<10240x128xf32, #tpu.memory_space<vmem_shared>> -> memref<128x128xf32, #tpu.memory_space<vmem_shared>>
      tpu.enqueue_dma source(%arg10 : memref<128x128xf32, #tpu.memory_space<vmem>>) target(%dma_start3A_86 : memref<128x128xf32, #tpu.memory_space<vmem_shared>>) target_semaphore(%run_scoped3A : memref<!tpu.dma_semaphore, #tpu.memory_space<semaphore_mem>>)
      %dma_wait3A_87 = arith.constant 0 : i32
      %dma_wait3A_88 = tpu.memref_slice %arg12[%add3A_14, %dma_wait3A_87] : memref<10240x128xf32, #tpu.memory_space<vmem_shared>> -> memref<128x128xf32, #tpu.memory_space<vmem_shared>>
      %dma_wait3A_89 = arith.constant 0 : i32
      %dma_wait3A_90 = tpu.memref_slice %arg12[%add3A_14, %dma_wait3A_89] : memref<10240x128xf32, #tpu.memory_space<vmem_shared>> -> memref<128x128xf32, #tpu.memory_space<vmem_shared>>
      tpu.wait_dma2 semaphore(%run_scoped3A : memref<!tpu.dma_semaphore, #tpu.memory_space<semaphore_mem>>) src(%arg10 : memref<128x128xf32, #tpu.memory_space<vmem>>) dst(%dma_wait3A_90 : memref<128x128xf32, #tpu.memory_space<vmem_shared>>)
      tpu.yield
    }) : () -> ()
    %add3A_15 = arith.constant 384 : i32
    %add3A_16 = arith.addi %mul3A_8, %add3A_15 : i32
    "tpu.region"() ({
      %run_scoped3A = tpu.sem_alloc : memref<!tpu.dma_semaphore, #tpu.memory_space<semaphore_mem>>
      %dma_start3A_83 = arith.constant 0 : i32
      %dma_start3A_84 = tpu.memref_slice %arg12[%add3A_16, %dma_start3A_83] : memref<10240x128xf32, #tpu.memory_space<vmem_shared>> -> memref<128x128xf32, #tpu.memory_space<vmem_shared>>
      %dma_start3A_85 = arith.constant 0 : i32
      %dma_start3A_86 = tpu.memref_slice %arg12[%add3A_16, %dma_start3A_85] : memref<10240x128xf32, #tpu.memory_space<vmem_shared>> -> memref<128x128xf32, #tpu.memory_space<vmem_shared>>
      tpu.enqueue_dma source(%arg10 : memref<128x128xf32, #tpu.memory_space<vmem>>) target(%dma_start3A_86 : memref<128x128xf32, #tpu.memory_space<vmem_shared>>) target_semaphore(%run_scoped3A : memref<!tpu.dma_semaphore, #tpu.memory_space<semaphore_mem>>)
      %dma_wait3A_87 = arith.constant 0 : i32
      %dma_wait3A_88 = tpu.memref_slice %arg12[%add3A_16, %dma_wait3A_87] : memref<10240x128xf32, #tpu.memory_space<vmem_shared>> -> memref<128x128xf32, #tpu.memory_space<vmem_shared>>
      %dma_wait3A_89 = arith.constant 0 : i32
      %dma_wait3A_90 = tpu.memref_slice %arg12[%add3A_16, %dma_wait3A_89] : memref<10240x128xf32, #tpu.memory_space<vmem_shared>> -> memref<128x128xf32, #tpu.memory_space<vmem_shared>>
      tpu.wait_dma2 semaphore(%run_scoped3A : memref<!tpu.dma_semaphore, #tpu.memory_space<semaphore_mem>>) src(%arg10 : memref<128x128xf32, #tpu.memory_space<vmem>>) dst(%dma_wait3A_90 : memref<128x128xf32, #tpu.memory_space<vmem_shared>>)
      tpu.yield
    }) : () -> ()
    %add3A_17 = arith.constant 512 : i32
    %add3A_18 = arith.addi %mul3A_8, %add3A_17 : i32
    "tpu.region"() ({
      %run_scoped3A = tpu.sem_alloc : memref<!tpu.dma_semaphore, #tpu.memory_space<semaphore_mem>>
      %dma_start3A_83 = arith.constant 0 : i32
      %dma_start3A_84 = tpu.memref_slice %arg12[%add3A_18, %dma_start3A_83] : memref<10240x128xf32, #tpu.memory_space<vmem_shared>> -> memref<128x128xf32, #tpu.memory_space<vmem_shared>>
      %dma_start3A_85 = arith.constant 0 : i32
      %dma_start3A_86 = tpu.memref_slice %arg12[%add3A_18, %dma_start3A_85] : memref<10240x128xf32, #tpu.memory_space<vmem_shared>> -> memref<128x128xf32, #tpu.memory_space<vmem_shared>>
      tpu.enqueue_dma source(%arg10 : memref<128x128xf32, #tpu.memory_space<vmem>>) target(%dma_start3A_86 : memref<128x128xf32, #tpu.memory_space<vmem_shared>>) target_semaphore(%run_scoped3A : memref<!tpu.dma_semaphore, #tpu.memory_space<semaphore_mem>>)
      %dma_wait3A_87 = arith.constant 0 : i32
      %dma_wait3A_88 = tpu.memref_slice %arg12[%add3A_18, %dma_wait3A_87] : memref<10240x128xf32, #tpu.memory_space<vmem_shared>> -> memref<128x128xf32, #tpu.memory_space<vmem_shared>>
      %dma_wait3A_89 = arith.constant 0 : i32
      %dma_wait3A_90 = tpu.memref_slice %arg12[%add3A_18, %dma_wait3A_89] : memref<10240x128xf32, #tpu.memory_space<vmem_shared>> -> memref<128x128xf32, #tpu.memory_space<vmem_shared>>
      tpu.wait_dma2 semaphore(%run_scoped3A : memref<!tpu.dma_semaphore, #tpu.memory_space<semaphore_mem>>) src(%arg10 : memref<128x128xf32, #tpu.memory_space<vmem>>) dst(%dma_wait3A_90 : memref<128x128xf32, #tpu.memory_space<vmem_shared>>)
      tpu.yield
    }) : () -> ()
    %barrier3A = arith.constant 0 : index
    tpu.barrier barrier_id(%barrier3A)
    %eq3A = arith.constant 0 : i32
    %eq3A_19 = arith.cmpi eq, %arg0, %eq3A : i32
    %mul3A_20 = arith.constant 40 : i32
    %mul3A_21 = arith.muli %arg1, %mul3A_20 : i32
    %mul3A_22 = arith.constant 120 : i32
    %mul3A_23 = arith.muli %arg1, %mul3A_22 : i32
    %add3A_24 = arith.constant 640 : i32
    %add3A_25 = arith.addi %add3A_24, %mul3A_23 : i32
    %select_n3A = arith.select %eq3A_19, %mul3A_21, %add3A_25 : i32
    %mul3A_26 = arith.constant 128 : i32
    %mul3A_27 = arith.muli %select_n3A, %mul3A_26 : i32
    %eq3A_28 = arith.constant 0 : i32
    %eq3A_29 = arith.cmpi eq, %arg0, %eq3A_28 : i32
    %jit3A = arith.constant 20 : i32
    %jit3A_30 = arith.constant 60 : i32
    %select_n3A_31 = arith.select %eq3A_29, %jit3A, %jit3A_30 : i32
    %add3A_32 = arith.constant 0 : i32
    %add3A_33 = arith.addi %mul3A_27, %add3A_32 : i32
    "tpu.region"() ({
      %run_scoped3A = tpu.sem_alloc : memref<!tpu.dma_semaphore, #tpu.memory_space<semaphore_mem>>
      %dma_start3A_83 = tpu.memref_slice %arg3[%add3A_33] : memref<327936xi32, #tpu.memory_space<hbm>> -> memref<128xi32, #tpu.memory_space<hbm>>
      %dma_start3A_84 = tpu.memref_slice %arg3[%add3A_33] : memref<327936xi32, #tpu.memory_space<hbm>> -> memref<128xi32, #tpu.memory_space<hbm>>
      tpu.enqueue_dma source(%dma_start3A_84 : memref<128xi32, #tpu.memory_space<hbm>>) target(%arg6 : memref<128xi32, #tpu.memory_space<vmem>>) target_semaphore(%run_scoped3A : memref<!tpu.dma_semaphore, #tpu.memory_space<semaphore_mem>>)
      %dma_wait3A_85 = tpu.memref_slice %arg3[%add3A_33] : memref<327936xi32, #tpu.memory_space<hbm>> -> memref<128xi32, #tpu.memory_space<hbm>>
      %dma_wait3A_86 = tpu.memref_slice %arg3[%add3A_33] : memref<327936xi32, #tpu.memory_space<hbm>> -> memref<128xi32, #tpu.memory_space<hbm>>
      tpu.wait_dma2 semaphore(%run_scoped3A : memref<!tpu.dma_semaphore, #tpu.memory_space<semaphore_mem>>) src(%dma_wait3A_86 : memref<128xi32, #tpu.memory_space<hbm>>) dst(%arg6 : memref<128xi32, #tpu.memory_space<vmem>>)
      tpu.yield
    }) : () -> ()
    "tpu.region"() ({
      %run_scoped3A = tpu.sem_alloc : memref<!tpu.dma_semaphore, #tpu.memory_space<semaphore_mem>>
      %dma_start3A_83 = tpu.memref_slice %arg4[%add3A_33] : memref<327936xi32, #tpu.memory_space<hbm>> -> memref<128xi32, #tpu.memory_space<hbm>>
      %dma_start3A_84 = tpu.memref_slice %arg4[%add3A_33] : memref<327936xi32, #tpu.memory_space<hbm>> -> memref<128xi32, #tpu.memory_space<hbm>>
      tpu.enqueue_dma source(%dma_start3A_84 : memref<128xi32, #tpu.memory_space<hbm>>) target(%arg8 : memref<128xi32, #tpu.memory_space<vmem>>) target_semaphore(%run_scoped3A : memref<!tpu.dma_semaphore, #tpu.memory_space<semaphore_mem>>)
      %dma_wait3A_85 = tpu.memref_slice %arg4[%add3A_33] : memref<327936xi32, #tpu.memory_space<hbm>> -> memref<128xi32, #tpu.memory_space<hbm>>
      %dma_wait3A_86 = tpu.memref_slice %arg4[%add3A_33] : memref<327936xi32, #tpu.memory_space<hbm>> -> memref<128xi32, #tpu.memory_space<hbm>>
      tpu.wait_dma2 semaphore(%run_scoped3A : memref<!tpu.dma_semaphore, #tpu.memory_space<semaphore_mem>>) src(%dma_wait3A_86 : memref<128xi32, #tpu.memory_space<hbm>>) dst(%arg8 : memref<128xi32, #tpu.memory_space<vmem>>)
      tpu.yield
    }) : () -> ()
    %dma_start3A = arith.constant 0 : i32
    %dma_start3A_34 = arith.constant 0 : i32
    %dma_start3A_35 = tpu.memref_slice %arg2[%dma_start3A, %dma_start3A_34] : memref<10240x128xf32, #tpu.memory_space<hbm>> -> memref<10240x128xf32, #tpu.memory_space<hbm>>
    tpu.enqueue_indirect_dma source(%dma_start3A_35 : memref<10240x128xf32, #tpu.memory_space<hbm>>) target(%arg10 : memref<128x128xf32, #tpu.memory_space<vmem>>) offsets(%arg6 : memref<128xi32, #tpu.memory_space<vmem>>) semaphore(%arg13 : memref<!tpu.dma_semaphore, #tpu.memory_space<semaphore_mem>>)
    %add3A_36 = arith.constant 128 : i32
    %add3A_37 = arith.addi %mul3A_27, %add3A_36 : i32
    "tpu.region"() ({
      %run_scoped3A = tpu.sem_alloc : memref<!tpu.dma_semaphore, #tpu.memory_space<semaphore_mem>>
      %dma_start3A_83 = tpu.memref_slice %arg3[%add3A_37] : memref<327936xi32, #tpu.memory_space<hbm>> -> memref<128xi32, #tpu.memory_space<hbm>>
      %dma_start3A_84 = tpu.memref_slice %arg3[%add3A_37] : memref<327936xi32, #tpu.memory_space<hbm>> -> memref<128xi32, #tpu.memory_space<hbm>>
      tpu.enqueue_dma source(%dma_start3A_84 : memref<128xi32, #tpu.memory_space<hbm>>) target(%arg7 : memref<128xi32, #tpu.memory_space<vmem>>) target_semaphore(%run_scoped3A : memref<!tpu.dma_semaphore, #tpu.memory_space<semaphore_mem>>)
      %dma_wait3A_85 = tpu.memref_slice %arg3[%add3A_37] : memref<327936xi32, #tpu.memory_space<hbm>> -> memref<128xi32, #tpu.memory_space<hbm>>
      %dma_wait3A_86 = tpu.memref_slice %arg3[%add3A_37] : memref<327936xi32, #tpu.memory_space<hbm>> -> memref<128xi32, #tpu.memory_space<hbm>>
      tpu.wait_dma2 semaphore(%run_scoped3A : memref<!tpu.dma_semaphore, #tpu.memory_space<semaphore_mem>>) src(%dma_wait3A_86 : memref<128xi32, #tpu.memory_space<hbm>>) dst(%arg7 : memref<128xi32, #tpu.memory_space<vmem>>)
      tpu.yield
    }) : () -> ()
    "tpu.region"() ({
      %run_scoped3A = tpu.sem_alloc : memref<!tpu.dma_semaphore, #tpu.memory_space<semaphore_mem>>
      %dma_start3A_83 = tpu.memref_slice %arg4[%add3A_37] : memref<327936xi32, #tpu.memory_space<hbm>> -> memref<128xi32, #tpu.memory_space<hbm>>
      %dma_start3A_84 = tpu.memref_slice %arg4[%add3A_37] : memref<327936xi32, #tpu.memory_space<hbm>> -> memref<128xi32, #tpu.memory_space<hbm>>
      tpu.enqueue_dma source(%dma_start3A_84 : memref<128xi32, #tpu.memory_space<hbm>>) target(%arg9 : memref<128xi32, #tpu.memory_space<vmem>>) target_semaphore(%run_scoped3A : memref<!tpu.dma_semaphore, #tpu.memory_space<semaphore_mem>>)
      %dma_wait3A_85 = tpu.memref_slice %arg4[%add3A_37] : memref<327936xi32, #tpu.memory_space<hbm>> -> memref<128xi32, #tpu.memory_space<hbm>>
      %dma_wait3A_86 = tpu.memref_slice %arg4[%add3A_37] : memref<327936xi32, #tpu.memory_space<hbm>> -> memref<128xi32, #tpu.memory_space<hbm>>
      tpu.wait_dma2 semaphore(%run_scoped3A : memref<!tpu.dma_semaphore, #tpu.memory_space<semaphore_mem>>) src(%dma_wait3A_86 : memref<128xi32, #tpu.memory_space<hbm>>) dst(%arg9 : memref<128xi32, #tpu.memory_space<vmem>>)
      tpu.yield
    }) : () -> ()
    %dma_start3A_38 = arith.constant 0 : i32
    %dma_start3A_39 = arith.constant 0 : i32
    %dma_start3A_40 = tpu.memref_slice %arg2[%dma_start3A_38, %dma_start3A_39] : memref<10240x128xf32, #tpu.memory_space<hbm>> -> memref<10240x128xf32, #tpu.memory_space<hbm>>
    tpu.enqueue_indirect_dma source(%dma_start3A_40 : memref<10240x128xf32, #tpu.memory_space<hbm>>) target(%arg11 : memref<128x128xf32, #tpu.memory_space<vmem>>) offsets(%arg7 : memref<128xi32, #tpu.memory_space<vmem>>) semaphore(%arg14 : memref<!tpu.dma_semaphore, #tpu.memory_space<semaphore_mem>>)
    %while3A = arith.constant 0 : i32
    %while3A_41 = arith.constant 0 : i32
    %while3A_42 = arith.subi %select_n3A_31, %while3A : i32
    %while3A_43 = arith.addi %while3A, %while3A_42 : i32
    %while3A_44 = arith.constant 1 : i32
    %while3A_45 = arith.divsi %while3A_42, %while3A_44 : i32
    %while3A_46 = arith.muli %while3A_45, %while3A_44 : i32
    %while3A_47 = arith.addi %while3A, %while3A_46 : i32
    %while3A_48 = arith.constant 1 : i32
    %while3A_49 = scf.for %while3A_83 = %while3A to %while3A_47 step %while3A_48 iter_args(%while3A_84 = %while3A_41) -> (i32)  : i32 {
      %mul3A_85 = arith.constant 2 : i32
      %mul3A_86 = arith.muli %mul3A_85, %while3A_83 : i32
      %dma_wait3A_87 = arith.constant 0 : i32
      %dma_wait3A_88 = arith.constant 0 : i32
      %dma_wait3A_89 = tpu.memref_slice %arg2[%dma_wait3A_87, %dma_wait3A_88] : memref<10240x128xf32, #tpu.memory_space<hbm>> -> memref<10240x128xf32, #tpu.memory_space<hbm>>
      tpu.wait_indirect_dma semaphore(%arg13 : memref<!tpu.dma_semaphore, #tpu.memory_space<semaphore_mem>>) src(%dma_wait3A_89 : memref<10240x128xf32, #tpu.memory_space<hbm>>) dst(%arg10 : memref<128x128xf32, #tpu.memory_space<vmem>>)
      "tpu.region"() ({
        %run_scoped3A = tpu.sem_alloc : memref<!tpu.dma_semaphore, #tpu.memory_space<semaphore_mem>>
        %dma_start3A_114 = arith.constant 0 : i32
        %dma_start3A_115 = arith.constant 0 : i32
        %dma_start3A_116 = tpu.memref_slice %arg12[%dma_start3A_114, %dma_start3A_115] : memref<10240x128xf32, #tpu.memory_space<vmem_shared>> -> memref<10240x128xf32, #tpu.memory_space<vmem_shared>>
        tpu.enqueue_indirect_dma source(%arg10 : memref<128x128xf32, #tpu.memory_space<vmem>>) target(%dma_start3A_116 : memref<10240x128xf32, #tpu.memory_space<vmem_shared>>) offsets(%arg8 : memref<128xi32, #tpu.memory_space<vmem>>) semaphore(%run_scoped3A : memref<!tpu.dma_semaphore, #tpu.memory_space<semaphore_mem>>) {add = true}
        %dma_wait3A_117 = arith.constant 0 : i32
        %dma_wait3A_118 = arith.constant 0 : i32
        %dma_wait3A_119 = tpu.memref_slice %arg12[%dma_wait3A_117, %dma_wait3A_118] : memref<10240x128xf32, #tpu.memory_space<vmem_shared>> -> memref<10240x128xf32, #tpu.memory_space<vmem_shared>>
        tpu.wait_indirect_dma semaphore(%run_scoped3A : memref<!tpu.dma_semaphore, #tpu.memory_space<semaphore_mem>>) src(%arg10 : memref<128x128xf32, #tpu.memory_space<vmem>>) dst(%dma_wait3A_119 : memref<10240x128xf32, #tpu.memory_space<vmem_shared>>)
        tpu.yield
      }) : () -> ()
      %add3A_90 = arith.constant 0 : i32
      %add3A_91 = arith.addi %mul3A_86, %add3A_90 : i32
      %add3A_92 = arith.constant 2 : i32
      %add3A_93 = arith.addi %add3A_91, %add3A_92 : i32
      %mul3A_94 = arith.constant 128 : i32
      %mul3A_95 = arith.muli %add3A_93, %mul3A_94 : i32
      %add3A_96 = arith.addi %mul3A_27, %mul3A_95 : i32
      "tpu.region"() ({
        %run_scoped3A = tpu.sem_alloc : memref<!tpu.dma_semaphore, #tpu.memory_space<semaphore_mem>>
        %dma_start3A_114 = tpu.memref_slice %arg3[%add3A_96] : memref<327936xi32, #tpu.memory_space<hbm>> -> memref<128xi32, #tpu.memory_space<hbm>>
        %dma_start3A_115 = tpu.memref_slice %arg3[%add3A_96] : memref<327936xi32, #tpu.memory_space<hbm>> -> memref<128xi32, #tpu.memory_space<hbm>>
        tpu.enqueue_dma source(%dma_start3A_115 : memref<128xi32, #tpu.memory_space<hbm>>) target(%arg6 : memref<128xi32, #tpu.memory_space<vmem>>) target_semaphore(%run_scoped3A : memref<!tpu.dma_semaphore, #tpu.memory_space<semaphore_mem>>)
        %dma_wait3A_116 = tpu.memref_slice %arg3[%add3A_96] : memref<327936xi32, #tpu.memory_space<hbm>> -> memref<128xi32, #tpu.memory_space<hbm>>
        %dma_wait3A_117 = tpu.memref_slice %arg3[%add3A_96] : memref<327936xi32, #tpu.memory_space<hbm>> -> memref<128xi32, #tpu.memory_space<hbm>>
        tpu.wait_dma2 semaphore(%run_scoped3A : memref<!tpu.dma_semaphore, #tpu.memory_space<semaphore_mem>>) src(%dma_wait3A_117 : memref<128xi32, #tpu.memory_space<hbm>>) dst(%arg6 : memref<128xi32, #tpu.memory_space<vmem>>)
        tpu.yield
      }) : () -> ()
      "tpu.region"() ({
        %run_scoped3A = tpu.sem_alloc : memref<!tpu.dma_semaphore, #tpu.memory_space<semaphore_mem>>
        %dma_start3A_114 = tpu.memref_slice %arg4[%add3A_96] : memref<327936xi32, #tpu.memory_space<hbm>> -> memref<128xi32, #tpu.memory_space<hbm>>
        %dma_start3A_115 = tpu.memref_slice %arg4[%add3A_96] : memref<327936xi32, #tpu.memory_space<hbm>> -> memref<128xi32, #tpu.memory_space<hbm>>
        tpu.enqueue_dma source(%dma_start3A_115 : memref<128xi32, #tpu.memory_space<hbm>>) target(%arg8 : memref<128xi32, #tpu.memory_space<vmem>>) target_semaphore(%run_scoped3A : memref<!tpu.dma_semaphore, #tpu.memory_space<semaphore_mem>>)
        %dma_wait3A_116 = tpu.memref_slice %arg4[%add3A_96] : memref<327936xi32, #tpu.memory_space<hbm>> -> memref<128xi32, #tpu.memory_space<hbm>>
        %dma_wait3A_117 = tpu.memref_slice %arg4[%add3A_96] : memref<327936xi32, #tpu.memory_space<hbm>> -> memref<128xi32, #tpu.memory_space<hbm>>
        tpu.wait_dma2 semaphore(%run_scoped3A : memref<!tpu.dma_semaphore, #tpu.memory_space<semaphore_mem>>) src(%dma_wait3A_117 : memref<128xi32, #tpu.memory_space<hbm>>) dst(%arg8 : memref<128xi32, #tpu.memory_space<vmem>>)
        tpu.yield
      }) : () -> ()
      %dma_start3A_97 = arith.constant 0 : i32
      %dma_start3A_98 = arith.constant 0 : i32
      %dma_start3A_99 = tpu.memref_slice %arg2[%dma_start3A_97, %dma_start3A_98] : memref<10240x128xf32, #tpu.memory_space<hbm>> -> memref<10240x128xf32, #tpu.memory_space<hbm>>
      tpu.enqueue_indirect_dma source(%dma_start3A_99 : memref<10240x128xf32, #tpu.memory_space<hbm>>) target(%arg10 : memref<128x128xf32, #tpu.memory_space<vmem>>) offsets(%arg6 : memref<128xi32, #tpu.memory_space<vmem>>) semaphore(%arg13 : memref<!tpu.dma_semaphore, #tpu.memory_space<semaphore_mem>>)
      %dma_wait3A_100 = arith.constant 0 : i32
      %dma_wait3A_101 = arith.constant 0 : i32
      %dma_wait3A_102 = tpu.memref_slice %arg2[%dma_wait3A_100, %dma_wait3A_101] : memref<10240x128xf32, #tpu.memory_space<hbm>> -> memref<10240x128xf32, #tpu.memory_space<hbm>>
      tpu.wait_indirect_dma semaphore(%arg14 : memref<!tpu.dma_semaphore, #tpu.memory_space<semaphore_mem>>) src(%dma_wait3A_102 : memref<10240x128xf32, #tpu.memory_space<hbm>>) dst(%arg11 : memref<128x128xf32, #tpu.memory_space<vmem>>)
      "tpu.region"() ({
        %run_scoped3A = tpu.sem_alloc : memref<!tpu.dma_semaphore, #tpu.memory_space<semaphore_mem>>
        %dma_start3A_114 = arith.constant 0 : i32
        %dma_start3A_115 = arith.constant 0 : i32
        %dma_start3A_116 = tpu.memref_slice %arg12[%dma_start3A_114, %dma_start3A_115] : memref<10240x128xf32, #tpu.memory_space<vmem_shared>> -> memref<10240x128xf32, #tpu.memory_space<vmem_shared>>
        tpu.enqueue_indirect_dma source(%arg11 : memref<128x128xf32, #tpu.memory_space<vmem>>) target(%dma_start3A_116 : memref<10240x128xf32, #tpu.memory_space<vmem_shared>>) offsets(%arg9 : memref<128xi32, #tpu.memory_space<vmem>>) semaphore(%run_scoped3A : memref<!tpu.dma_semaphore, #tpu.memory_space<semaphore_mem>>) {add = true}
        %dma_wait3A_117 = arith.constant 0 : i32
        %dma_wait3A_118 = arith.constant 0 : i32
        %dma_wait3A_119 = tpu.memref_slice %arg12[%dma_wait3A_117, %dma_wait3A_118] : memref<10240x128xf32, #tpu.memory_space<vmem_shared>> -> memref<10240x128xf32, #tpu.memory_space<vmem_shared>>
        tpu.wait_indirect_dma semaphore(%run_scoped3A : memref<!tpu.dma_semaphore, #tpu.memory_space<semaphore_mem>>) src(%arg11 : memref<128x128xf32, #tpu.memory_space<vmem>>) dst(%dma_wait3A_119 : memref<10240x128xf32, #tpu.memory_space<vmem_shared>>)
        tpu.yield
      }) : () -> ()
      %add3A_103 = arith.constant 1 : i32
      %add3A_104 = arith.addi %mul3A_86, %add3A_103 : i32
      %add3A_105 = arith.constant 2 : i32
      %add3A_106 = arith.addi %add3A_104, %add3A_105 : i32
      %mul3A_107 = arith.constant 128 : i32
      %mul3A_108 = arith.muli %add3A_106, %mul3A_107 : i32
      %add3A_109 = arith.addi %mul3A_27, %mul3A_108 : i32
      "tpu.region"() ({
        %run_scoped3A = tpu.sem_alloc : memref<!tpu.dma_semaphore, #tpu.memory_space<semaphore_mem>>
        %dma_start3A_114 = tpu.memref_slice %arg3[%add3A_109] : memref<327936xi32, #tpu.memory_space<hbm>> -> memref<128xi32, #tpu.memory_space<hbm>>
        %dma_start3A_115 = tpu.memref_slice %arg3[%add3A_109] : memref<327936xi32, #tpu.memory_space<hbm>> -> memref<128xi32, #tpu.memory_space<hbm>>
        tpu.enqueue_dma source(%dma_start3A_115 : memref<128xi32, #tpu.memory_space<hbm>>) target(%arg7 : memref<128xi32, #tpu.memory_space<vmem>>) target_semaphore(%run_scoped3A : memref<!tpu.dma_semaphore, #tpu.memory_space<semaphore_mem>>)
        %dma_wait3A_116 = tpu.memref_slice %arg3[%add3A_109] : memref<327936xi32, #tpu.memory_space<hbm>> -> memref<128xi32, #tpu.memory_space<hbm>>
        %dma_wait3A_117 = tpu.memref_slice %arg3[%add3A_109] : memref<327936xi32, #tpu.memory_space<hbm>> -> memref<128xi32, #tpu.memory_space<hbm>>
        tpu.wait_dma2 semaphore(%run_scoped3A : memref<!tpu.dma_semaphore, #tpu.memory_space<semaphore_mem>>) src(%dma_wait3A_117 : memref<128xi32, #tpu.memory_space<hbm>>) dst(%arg7 : memref<128xi32, #tpu.memory_space<vmem>>)
        tpu.yield
      }) : () -> ()
      "tpu.region"() ({
        %run_scoped3A = tpu.sem_alloc : memref<!tpu.dma_semaphore, #tpu.memory_space<semaphore_mem>>
        %dma_start3A_114 = tpu.memref_slice %arg4[%add3A_109] : memref<327936xi32, #tpu.memory_space<hbm>> -> memref<128xi32, #tpu.memory_space<hbm>>
        %dma_start3A_115 = tpu.memref_slice %arg4[%add3A_109] : memref<327936xi32, #tpu.memory_space<hbm>> -> memref<128xi32, #tpu.memory_space<hbm>>
        tpu.enqueue_dma source(%dma_start3A_115 : memref<128xi32, #tpu.memory_space<hbm>>) target(%arg9 : memref<128xi32, #tpu.memory_space<vmem>>) target_semaphore(%run_scoped3A : memref<!tpu.dma_semaphore, #tpu.memory_space<semaphore_mem>>)
        %dma_wait3A_116 = tpu.memref_slice %arg4[%add3A_109] : memref<327936xi32, #tpu.memory_space<hbm>> -> memref<128xi32, #tpu.memory_space<hbm>>
        %dma_wait3A_117 = tpu.memref_slice %arg4[%add3A_109] : memref<327936xi32, #tpu.memory_space<hbm>> -> memref<128xi32, #tpu.memory_space<hbm>>
        tpu.wait_dma2 semaphore(%run_scoped3A : memref<!tpu.dma_semaphore, #tpu.memory_space<semaphore_mem>>) src(%dma_wait3A_117 : memref<128xi32, #tpu.memory_space<hbm>>) dst(%arg9 : memref<128xi32, #tpu.memory_space<vmem>>)
        tpu.yield
      }) : () -> ()
      %dma_start3A_110 = arith.constant 0 : i32
      %dma_start3A_111 = arith.constant 0 : i32
      %dma_start3A_112 = tpu.memref_slice %arg2[%dma_start3A_110, %dma_start3A_111] : memref<10240x128xf32, #tpu.memory_space<hbm>> -> memref<10240x128xf32, #tpu.memory_space<hbm>>
      tpu.enqueue_indirect_dma source(%dma_start3A_112 : memref<10240x128xf32, #tpu.memory_space<hbm>>) target(%arg11 : memref<128x128xf32, #tpu.memory_space<vmem>>) offsets(%arg7 : memref<128xi32, #tpu.memory_space<vmem>>) semaphore(%arg14 : memref<!tpu.dma_semaphore, #tpu.memory_space<semaphore_mem>>)
      %while3A_113 = arith.constant 0 : i32
      scf.yield %while3A_113 : i32
    }
    %while3A_50 = arith.constant 1 : i32
    %while3A_51 = scf.for %while3A_83 = %while3A_47 to %while3A_43 step %while3A_50 iter_args(%while3A_84 = %while3A_49) -> (i32)  : i32 {
      %mul3A_85 = arith.constant 2 : i32
      %mul3A_86 = arith.muli %mul3A_85, %while3A_83 : i32
      %dma_wait3A_87 = arith.constant 0 : i32
      %dma_wait3A_88 = arith.constant 0 : i32
      %dma_wait3A_89 = tpu.memref_slice %arg2[%dma_wait3A_87, %dma_wait3A_88] : memref<10240x128xf32, #tpu.memory_space<hbm>> -> memref<10240x128xf32, #tpu.memory_space<hbm>>
      tpu.wait_indirect_dma semaphore(%arg13 : memref<!tpu.dma_semaphore, #tpu.memory_space<semaphore_mem>>) src(%dma_wait3A_89 : memref<10240x128xf32, #tpu.memory_space<hbm>>) dst(%arg10 : memref<128x128xf32, #tpu.memory_space<vmem>>)
      "tpu.region"() ({
        %run_scoped3A = tpu.sem_alloc : memref<!tpu.dma_semaphore, #tpu.memory_space<semaphore_mem>>
        %dma_start3A_114 = arith.constant 0 : i32
        %dma_start3A_115 = arith.constant 0 : i32
        %dma_start3A_116 = tpu.memref_slice %arg12[%dma_start3A_114, %dma_start3A_115] : memref<10240x128xf32, #tpu.memory_space<vmem_shared>> -> memref<10240x128xf32, #tpu.memory_space<vmem_shared>>
        tpu.enqueue_indirect_dma source(%arg10 : memref<128x128xf32, #tpu.memory_space<vmem>>) target(%dma_start3A_116 : memref<10240x128xf32, #tpu.memory_space<vmem_shared>>) offsets(%arg8 : memref<128xi32, #tpu.memory_space<vmem>>) semaphore(%run_scoped3A : memref<!tpu.dma_semaphore, #tpu.memory_space<semaphore_mem>>) {add = true}
        %dma_wait3A_117 = arith.constant 0 : i32
        %dma_wait3A_118 = arith.constant 0 : i32
        %dma_wait3A_119 = tpu.memref_slice %arg12[%dma_wait3A_117, %dma_wait3A_118] : memref<10240x128xf32, #tpu.memory_space<vmem_shared>> -> memref<10240x128xf32, #tpu.memory_space<vmem_shared>>
        tpu.wait_indirect_dma semaphore(%run_scoped3A : memref<!tpu.dma_semaphore, #tpu.memory_space<semaphore_mem>>) src(%arg10 : memref<128x128xf32, #tpu.memory_space<vmem>>) dst(%dma_wait3A_119 : memref<10240x128xf32, #tpu.memory_space<vmem_shared>>)
        tpu.yield
      }) : () -> ()
      %add3A_90 = arith.constant 0 : i32
      %add3A_91 = arith.addi %mul3A_86, %add3A_90 : i32
      %add3A_92 = arith.constant 2 : i32
      %add3A_93 = arith.addi %add3A_91, %add3A_92 : i32
      %mul3A_94 = arith.constant 128 : i32
      %mul3A_95 = arith.muli %add3A_93, %mul3A_94 : i32
      %add3A_96 = arith.addi %mul3A_27, %mul3A_95 : i32
      "tpu.region"() ({
        %run_scoped3A = tpu.sem_alloc : memref<!tpu.dma_semaphore, #tpu.memory_space<semaphore_mem>>
        %dma_start3A_114 = tpu.memref_slice %arg3[%add3A_96] : memref<327936xi32, #tpu.memory_space<hbm>> -> memref<128xi32, #tpu.memory_space<hbm>>
        %dma_start3A_115 = tpu.memref_slice %arg3[%add3A_96] : memref<327936xi32, #tpu.memory_space<hbm>> -> memref<128xi32, #tpu.memory_space<hbm>>
        tpu.enqueue_dma source(%dma_start3A_115 : memref<128xi32, #tpu.memory_space<hbm>>) target(%arg6 : memref<128xi32, #tpu.memory_space<vmem>>) target_semaphore(%run_scoped3A : memref<!tpu.dma_semaphore, #tpu.memory_space<semaphore_mem>>)
        %dma_wait3A_116 = tpu.memref_slice %arg3[%add3A_96] : memref<327936xi32, #tpu.memory_space<hbm>> -> memref<128xi32, #tpu.memory_space<hbm>>
        %dma_wait3A_117 = tpu.memref_slice %arg3[%add3A_96] : memref<327936xi32, #tpu.memory_space<hbm>> -> memref<128xi32, #tpu.memory_space<hbm>>
        tpu.wait_dma2 semaphore(%run_scoped3A : memref<!tpu.dma_semaphore, #tpu.memory_space<semaphore_mem>>) src(%dma_wait3A_117 : memref<128xi32, #tpu.memory_space<hbm>>) dst(%arg6 : memref<128xi32, #tpu.memory_space<vmem>>)
        tpu.yield
      }) : () -> ()
      "tpu.region"() ({
        %run_scoped3A = tpu.sem_alloc : memref<!tpu.dma_semaphore, #tpu.memory_space<semaphore_mem>>
        %dma_start3A_114 = tpu.memref_slice %arg4[%add3A_96] : memref<327936xi32, #tpu.memory_space<hbm>> -> memref<128xi32, #tpu.memory_space<hbm>>
        %dma_start3A_115 = tpu.memref_slice %arg4[%add3A_96] : memref<327936xi32, #tpu.memory_space<hbm>> -> memref<128xi32, #tpu.memory_space<hbm>>
        tpu.enqueue_dma source(%dma_start3A_115 : memref<128xi32, #tpu.memory_space<hbm>>) target(%arg8 : memref<128xi32, #tpu.memory_space<vmem>>) target_semaphore(%run_scoped3A : memref<!tpu.dma_semaphore, #tpu.memory_space<semaphore_mem>>)
        %dma_wait3A_116 = tpu.memref_slice %arg4[%add3A_96] : memref<327936xi32, #tpu.memory_space<hbm>> -> memref<128xi32, #tpu.memory_space<hbm>>
        %dma_wait3A_117 = tpu.memref_slice %arg4[%add3A_96] : memref<327936xi32, #tpu.memory_space<hbm>> -> memref<128xi32, #tpu.memory_space<hbm>>
        tpu.wait_dma2 semaphore(%run_scoped3A : memref<!tpu.dma_semaphore, #tpu.memory_space<semaphore_mem>>) src(%dma_wait3A_117 : memref<128xi32, #tpu.memory_space<hbm>>) dst(%arg8 : memref<128xi32, #tpu.memory_space<vmem>>)
        tpu.yield
      }) : () -> ()
      %dma_start3A_97 = arith.constant 0 : i32
      %dma_start3A_98 = arith.constant 0 : i32
      %dma_start3A_99 = tpu.memref_slice %arg2[%dma_start3A_97, %dma_start3A_98] : memref<10240x128xf32, #tpu.memory_space<hbm>> -> memref<10240x128xf32, #tpu.memory_space<hbm>>
      tpu.enqueue_indirect_dma source(%dma_start3A_99 : memref<10240x128xf32, #tpu.memory_space<hbm>>) target(%arg10 : memref<128x128xf32, #tpu.memory_space<vmem>>) offsets(%arg6 : memref<128xi32, #tpu.memory_space<vmem>>) semaphore(%arg13 : memref<!tpu.dma_semaphore, #tpu.memory_space<semaphore_mem>>)
      %dma_wait3A_100 = arith.constant 0 : i32
      %dma_wait3A_101 = arith.constant 0 : i32
      %dma_wait3A_102 = tpu.memref_slice %arg2[%dma_wait3A_100, %dma_wait3A_101] : memref<10240x128xf32, #tpu.memory_space<hbm>> -> memref<10240x128xf32, #tpu.memory_space<hbm>>
      tpu.wait_indirect_dma semaphore(%arg14 : memref<!tpu.dma_semaphore, #tpu.memory_space<semaphore_mem>>) src(%dma_wait3A_102 : memref<10240x128xf32, #tpu.memory_space<hbm>>) dst(%arg11 : memref<128x128xf32, #tpu.memory_space<vmem>>)
      "tpu.region"() ({
        %run_scoped3A = tpu.sem_alloc : memref<!tpu.dma_semaphore, #tpu.memory_space<semaphore_mem>>
        %dma_start3A_114 = arith.constant 0 : i32
        %dma_start3A_115 = arith.constant 0 : i32
        %dma_start3A_116 = tpu.memref_slice %arg12[%dma_start3A_114, %dma_start3A_115] : memref<10240x128xf32, #tpu.memory_space<vmem_shared>> -> memref<10240x128xf32, #tpu.memory_space<vmem_shared>>
        tpu.enqueue_indirect_dma source(%arg11 : memref<128x128xf32, #tpu.memory_space<vmem>>) target(%dma_start3A_116 : memref<10240x128xf32, #tpu.memory_space<vmem_shared>>) offsets(%arg9 : memref<128xi32, #tpu.memory_space<vmem>>) semaphore(%run_scoped3A : memref<!tpu.dma_semaphore, #tpu.memory_space<semaphore_mem>>) {add = true}
        %dma_wait3A_117 = arith.constant 0 : i32
        %dma_wait3A_118 = arith.constant 0 : i32
        %dma_wait3A_119 = tpu.memref_slice %arg12[%dma_wait3A_117, %dma_wait3A_118] : memref<10240x128xf32, #tpu.memory_space<vmem_shared>> -> memref<10240x128xf32, #tpu.memory_space<vmem_shared>>
        tpu.wait_indirect_dma semaphore(%run_scoped3A : memref<!tpu.dma_semaphore, #tpu.memory_space<semaphore_mem>>) src(%arg11 : memref<128x128xf32, #tpu.memory_space<vmem>>) dst(%dma_wait3A_119 : memref<10240x128xf32, #tpu.memory_space<vmem_shared>>)
        tpu.yield
      }) : () -> ()
      %add3A_103 = arith.constant 1 : i32
      %add3A_104 = arith.addi %mul3A_86, %add3A_103 : i32
      %add3A_105 = arith.constant 2 : i32
      %add3A_106 = arith.addi %add3A_104, %add3A_105 : i32
      %mul3A_107 = arith.constant 128 : i32
      %mul3A_108 = arith.muli %add3A_106, %mul3A_107 : i32
      %add3A_109 = arith.addi %mul3A_27, %mul3A_108 : i32
      "tpu.region"() ({
        %run_scoped3A = tpu.sem_alloc : memref<!tpu.dma_semaphore, #tpu.memory_space<semaphore_mem>>
        %dma_start3A_114 = tpu.memref_slice %arg3[%add3A_109] : memref<327936xi32, #tpu.memory_space<hbm>> -> memref<128xi32, #tpu.memory_space<hbm>>
        %dma_start3A_115 = tpu.memref_slice %arg3[%add3A_109] : memref<327936xi32, #tpu.memory_space<hbm>> -> memref<128xi32, #tpu.memory_space<hbm>>
        tpu.enqueue_dma source(%dma_start3A_115 : memref<128xi32, #tpu.memory_space<hbm>>) target(%arg7 : memref<128xi32, #tpu.memory_space<vmem>>) target_semaphore(%run_scoped3A : memref<!tpu.dma_semaphore, #tpu.memory_space<semaphore_mem>>)
        %dma_wait3A_116 = tpu.memref_slice %arg3[%add3A_109] : memref<327936xi32, #tpu.memory_space<hbm>> -> memref<128xi32, #tpu.memory_space<hbm>>
        %dma_wait3A_117 = tpu.memref_slice %arg3[%add3A_109] : memref<327936xi32, #tpu.memory_space<hbm>> -> memref<128xi32, #tpu.memory_space<hbm>>
        tpu.wait_dma2 semaphore(%run_scoped3A : memref<!tpu.dma_semaphore, #tpu.memory_space<semaphore_mem>>) src(%dma_wait3A_117 : memref<128xi32, #tpu.memory_space<hbm>>) dst(%arg7 : memref<128xi32, #tpu.memory_space<vmem>>)
        tpu.yield
      }) : () -> ()
      "tpu.region"() ({
        %run_scoped3A = tpu.sem_alloc : memref<!tpu.dma_semaphore, #tpu.memory_space<semaphore_mem>>
        %dma_start3A_114 = tpu.memref_slice %arg4[%add3A_109] : memref<327936xi32, #tpu.memory_space<hbm>> -> memref<128xi32, #tpu.memory_space<hbm>>
        %dma_start3A_115 = tpu.memref_slice %arg4[%add3A_109] : memref<327936xi32, #tpu.memory_space<hbm>> -> memref<128xi32, #tpu.memory_space<hbm>>
        tpu.enqueue_dma source(%dma_start3A_115 : memref<128xi32, #tpu.memory_space<hbm>>) target(%arg9 : memref<128xi32, #tpu.memory_space<vmem>>) target_semaphore(%run_scoped3A : memref<!tpu.dma_semaphore, #tpu.memory_space<semaphore_mem>>)
        %dma_wait3A_116 = tpu.memref_slice %arg4[%add3A_109] : memref<327936xi32, #tpu.memory_space<hbm>> -> memref<128xi32, #tpu.memory_space<hbm>>
        %dma_wait3A_117 = tpu.memref_slice %arg4[%add3A_109] : memref<327936xi32, #tpu.memory_space<hbm>> -> memref<128xi32, #tpu.memory_space<hbm>>
        tpu.wait_dma2 semaphore(%run_scoped3A : memref<!tpu.dma_semaphore, #tpu.memory_space<semaphore_mem>>) src(%dma_wait3A_117 : memref<128xi32, #tpu.memory_space<hbm>>) dst(%arg9 : memref<128xi32, #tpu.memory_space<vmem>>)
        tpu.yield
      }) : () -> ()
      %dma_start3A_110 = arith.constant 0 : i32
      %dma_start3A_111 = arith.constant 0 : i32
      %dma_start3A_112 = tpu.memref_slice %arg2[%dma_start3A_110, %dma_start3A_111] : memref<10240x128xf32, #tpu.memory_space<hbm>> -> memref<10240x128xf32, #tpu.memory_space<hbm>>
      tpu.enqueue_indirect_dma source(%dma_start3A_112 : memref<10240x128xf32, #tpu.memory_space<hbm>>) target(%arg11 : memref<128x128xf32, #tpu.memory_space<vmem>>) offsets(%arg7 : memref<128xi32, #tpu.memory_space<vmem>>) semaphore(%arg14 : memref<!tpu.dma_semaphore, #tpu.memory_space<semaphore_mem>>)
      %while3A_113 = arith.constant 0 : i32
      scf.yield %while3A_113 : i32
    }
    %dma_wait3A = arith.constant 0 : i32
    %dma_wait3A_52 = arith.constant 0 : i32
    %dma_wait3A_53 = tpu.memref_slice %arg2[%dma_wait3A, %dma_wait3A_52] : memref<10240x128xf32, #tpu.memory_space<hbm>> -> memref<10240x128xf32, #tpu.memory_space<hbm>>
    tpu.wait_indirect_dma semaphore(%arg13 : memref<!tpu.dma_semaphore, #tpu.memory_space<semaphore_mem>>) src(%dma_wait3A_53 : memref<10240x128xf32, #tpu.memory_space<hbm>>) dst(%arg10 : memref<128x128xf32, #tpu.memory_space<vmem>>)
    %dma_wait3A_54 = arith.constant 0 : i32
    %dma_wait3A_55 = arith.constant 0 : i32
    %dma_wait3A_56 = tpu.memref_slice %arg2[%dma_wait3A_54, %dma_wait3A_55] : memref<10240x128xf32, #tpu.memory_space<hbm>> -> memref<10240x128xf32, #tpu.memory_space<hbm>>
    tpu.wait_indirect_dma semaphore(%arg14 : memref<!tpu.dma_semaphore, #tpu.memory_space<semaphore_mem>>) src(%dma_wait3A_56 : memref<10240x128xf32, #tpu.memory_space<hbm>>) dst(%arg11 : memref<128x128xf32, #tpu.memory_space<vmem>>)
    %barrier3A_57 = arith.constant 0 : index
    tpu.barrier barrier_id(%barrier3A_57)
    %add3A_58 = arith.constant 0 : i32
    %add3A_59 = arith.addi %mul3A_8, %add3A_58 : i32
    "tpu.region"() ({
      %run_scoped3A = tpu.sem_alloc : memref<!tpu.dma_semaphore, #tpu.memory_space<semaphore_mem>>
      %dma_start3A_83 = arith.constant 0 : i32
      %dma_start3A_84 = tpu.memref_slice %arg12[%add3A_59, %dma_start3A_83] : memref<10240x128xf32, #tpu.memory_space<vmem_shared>> -> memref<128x128xf32, #tpu.memory_space<vmem_shared>>
      %dma_start3A_85 = arith.constant 0 : i32
      %dma_start3A_86 = tpu.memref_slice %arg12[%add3A_59, %dma_start3A_85] : memref<10240x128xf32, #tpu.memory_space<vmem_shared>> -> memref<128x128xf32, #tpu.memory_space<vmem_shared>>
      tpu.enqueue_dma source(%dma_start3A_86 : memref<128x128xf32, #tpu.memory_space<vmem_shared>>) target(%arg10 : memref<128x128xf32, #tpu.memory_space<vmem>>) target_semaphore(%run_scoped3A : memref<!tpu.dma_semaphore, #tpu.memory_space<semaphore_mem>>)
      %dma_wait3A_87 = arith.constant 0 : i32
      %dma_wait3A_88 = tpu.memref_slice %arg12[%add3A_59, %dma_wait3A_87] : memref<10240x128xf32, #tpu.memory_space<vmem_shared>> -> memref<128x128xf32, #tpu.memory_space<vmem_shared>>
      %dma_wait3A_89 = arith.constant 0 : i32
      %dma_wait3A_90 = tpu.memref_slice %arg12[%add3A_59, %dma_wait3A_89] : memref<10240x128xf32, #tpu.memory_space<vmem_shared>> -> memref<128x128xf32, #tpu.memory_space<vmem_shared>>
      tpu.wait_dma2 semaphore(%run_scoped3A : memref<!tpu.dma_semaphore, #tpu.memory_space<semaphore_mem>>) src(%dma_wait3A_90 : memref<128x128xf32, #tpu.memory_space<vmem_shared>>) dst(%arg10 : memref<128x128xf32, #tpu.memory_space<vmem>>)
      tpu.yield
    }) : () -> ()
    %mul3A_60 = arith.constant 10240 : i32
    %mul3A_61 = arith.muli %arg0, %mul3A_60 : i32
    %add3A_62 = arith.addi %mul3A_61, %add3A_59 : i32
    "tpu.region"() ({
      %run_scoped3A = tpu.sem_alloc : memref<!tpu.dma_semaphore, #tpu.memory_space<semaphore_mem>>
      %dma_start3A_83 = arith.constant 0 : i32
      %dma_start3A_84 = tpu.memref_slice %arg5[%add3A_62, %dma_start3A_83] : memref<20480x128xf32, #tpu.memory_space<hbm>> -> memref<128x128xf32, #tpu.memory_space<hbm>>
      %dma_start3A_85 = arith.constant 0 : i32
      %dma_start3A_86 = tpu.memref_slice %arg5[%add3A_62, %dma_start3A_85] : memref<20480x128xf32, #tpu.memory_space<hbm>> -> memref<128x128xf32, #tpu.memory_space<hbm>>
      tpu.enqueue_dma source(%arg10 : memref<128x128xf32, #tpu.memory_space<vmem>>) target(%dma_start3A_86 : memref<128x128xf32, #tpu.memory_space<hbm>>) target_semaphore(%run_scoped3A : memref<!tpu.dma_semaphore, #tpu.memory_space<semaphore_mem>>)
      %dma_wait3A_87 = arith.constant 0 : i32
      %dma_wait3A_88 = tpu.memref_slice %arg5[%add3A_62, %dma_wait3A_87] : memref<20480x128xf32, #tpu.memory_space<hbm>> -> memref<128x128xf32, #tpu.memory_space<hbm>>
      %dma_wait3A_89 = arith.constant 0 : i32
      %dma_wait3A_90 = tpu.memref_slice %arg5[%add3A_62, %dma_wait3A_89] : memref<20480x128xf32, #tpu.memory_space<hbm>> -> memref<128x128xf32, #tpu.memory_space<hbm>>
      tpu.wait_dma2 semaphore(%run_scoped3A : memref<!tpu.dma_semaphore, #tpu.memory_space<semaphore_mem>>) src(%arg10 : memref<128x128xf32, #tpu.memory_space<vmem>>) dst(%dma_wait3A_90 : memref<128x128xf32, #tpu.memory_space<hbm>>)
      tpu.yield
    }) : () -> ()
    %add3A_63 = arith.constant 128 : i32
    %add3A_64 = arith.addi %mul3A_8, %add3A_63 : i32
    "tpu.region"() ({
      %run_scoped3A = tpu.sem_alloc : memref<!tpu.dma_semaphore, #tpu.memory_space<semaphore_mem>>
      %dma_start3A_83 = arith.constant 0 : i32
      %dma_start3A_84 = tpu.memref_slice %arg12[%add3A_64, %dma_start3A_83] : memref<10240x128xf32, #tpu.memory_space<vmem_shared>> -> memref<128x128xf32, #tpu.memory_space<vmem_shared>>
      %dma_start3A_85 = arith.constant 0 : i32
      %dma_start3A_86 = tpu.memref_slice %arg12[%add3A_64, %dma_start3A_85] : memref<10240x128xf32, #tpu.memory_space<vmem_shared>> -> memref<128x128xf32, #tpu.memory_space<vmem_shared>>
      tpu.enqueue_dma source(%dma_start3A_86 : memref<128x128xf32, #tpu.memory_space<vmem_shared>>) target(%arg10 : memref<128x128xf32, #tpu.memory_space<vmem>>) target_semaphore(%run_scoped3A : memref<!tpu.dma_semaphore, #tpu.memory_space<semaphore_mem>>)
      %dma_wait3A_87 = arith.constant 0 : i32
      %dma_wait3A_88 = tpu.memref_slice %arg12[%add3A_64, %dma_wait3A_87] : memref<10240x128xf32, #tpu.memory_space<vmem_shared>> -> memref<128x128xf32, #tpu.memory_space<vmem_shared>>
      %dma_wait3A_89 = arith.constant 0 : i32
      %dma_wait3A_90 = tpu.memref_slice %arg12[%add3A_64, %dma_wait3A_89] : memref<10240x128xf32, #tpu.memory_space<vmem_shared>> -> memref<128x128xf32, #tpu.memory_space<vmem_shared>>
      tpu.wait_dma2 semaphore(%run_scoped3A : memref<!tpu.dma_semaphore, #tpu.memory_space<semaphore_mem>>) src(%dma_wait3A_90 : memref<128x128xf32, #tpu.memory_space<vmem_shared>>) dst(%arg10 : memref<128x128xf32, #tpu.memory_space<vmem>>)
      tpu.yield
    }) : () -> ()
    %mul3A_65 = arith.constant 10240 : i32
    %mul3A_66 = arith.muli %arg0, %mul3A_65 : i32
    %add3A_67 = arith.addi %mul3A_66, %add3A_64 : i32
    "tpu.region"() ({
      %run_scoped3A = tpu.sem_alloc : memref<!tpu.dma_semaphore, #tpu.memory_space<semaphore_mem>>
      %dma_start3A_83 = arith.constant 0 : i32
      %dma_start3A_84 = tpu.memref_slice %arg5[%add3A_67, %dma_start3A_83] : memref<20480x128xf32, #tpu.memory_space<hbm>> -> memref<128x128xf32, #tpu.memory_space<hbm>>
      %dma_start3A_85 = arith.constant 0 : i32
      %dma_start3A_86 = tpu.memref_slice %arg5[%add3A_67, %dma_start3A_85] : memref<20480x128xf32, #tpu.memory_space<hbm>> -> memref<128x128xf32, #tpu.memory_space<hbm>>
      tpu.enqueue_dma source(%arg10 : memref<128x128xf32, #tpu.memory_space<vmem>>) target(%dma_start3A_86 : memref<128x128xf32, #tpu.memory_space<hbm>>) target_semaphore(%run_scoped3A : memref<!tpu.dma_semaphore, #tpu.memory_space<semaphore_mem>>)
      %dma_wait3A_87 = arith.constant 0 : i32
      %dma_wait3A_88 = tpu.memref_slice %arg5[%add3A_67, %dma_wait3A_87] : memref<20480x128xf32, #tpu.memory_space<hbm>> -> memref<128x128xf32, #tpu.memory_space<hbm>>
      %dma_wait3A_89 = arith.constant 0 : i32
      %dma_wait3A_90 = tpu.memref_slice %arg5[%add3A_67, %dma_wait3A_89] : memref<20480x128xf32, #tpu.memory_space<hbm>> -> memref<128x128xf32, #tpu.memory_space<hbm>>
      tpu.wait_dma2 semaphore(%run_scoped3A : memref<!tpu.dma_semaphore, #tpu.memory_space<semaphore_mem>>) src(%arg10 : memref<128x128xf32, #tpu.memory_space<vmem>>) dst(%dma_wait3A_90 : memref<128x128xf32, #tpu.memory_space<hbm>>)
      tpu.yield
    }) : () -> ()
    %add3A_68 = arith.constant 256 : i32
    %add3A_69 = arith.addi %mul3A_8, %add3A_68 : i32
    "tpu.region"() ({
      %run_scoped3A = tpu.sem_alloc : memref<!tpu.dma_semaphore, #tpu.memory_space<semaphore_mem>>
      %dma_start3A_83 = arith.constant 0 : i32
      %dma_start3A_84 = tpu.memref_slice %arg12[%add3A_69, %dma_start3A_83] : memref<10240x128xf32, #tpu.memory_space<vmem_shared>> -> memref<128x128xf32, #tpu.memory_space<vmem_shared>>
      %dma_start3A_85 = arith.constant 0 : i32
      %dma_start3A_86 = tpu.memref_slice %arg12[%add3A_69, %dma_start3A_85] : memref<10240x128xf32, #tpu.memory_space<vmem_shared>> -> memref<128x128xf32, #tpu.memory_space<vmem_shared>>
      tpu.enqueue_dma source(%dma_start3A_86 : memref<128x128xf32, #tpu.memory_space<vmem_shared>>) target(%arg10 : memref<128x128xf32, #tpu.memory_space<vmem>>) target_semaphore(%run_scoped3A : memref<!tpu.dma_semaphore, #tpu.memory_space<semaphore_mem>>)
      %dma_wait3A_87 = arith.constant 0 : i32
      %dma_wait3A_88 = tpu.memref_slice %arg12[%add3A_69, %dma_wait3A_87] : memref<10240x128xf32, #tpu.memory_space<vmem_shared>> -> memref<128x128xf32, #tpu.memory_space<vmem_shared>>
      %dma_wait3A_89 = arith.constant 0 : i32
      %dma_wait3A_90 = tpu.memref_slice %arg12[%add3A_69, %dma_wait3A_89] : memref<10240x128xf32, #tpu.memory_space<vmem_shared>> -> memref<128x128xf32, #tpu.memory_space<vmem_shared>>
      tpu.wait_dma2 semaphore(%run_scoped3A : memref<!tpu.dma_semaphore, #tpu.memory_space<semaphore_mem>>) src(%dma_wait3A_90 : memref<128x128xf32, #tpu.memory_space<vmem_shared>>) dst(%arg10 : memref<128x128xf32, #tpu.memory_space<vmem>>)
      tpu.yield
    }) : () -> ()
    %mul3A_70 = arith.constant 10240 : i32
    %mul3A_71 = arith.muli %arg0, %mul3A_70 : i32
    %add3A_72 = arith.addi %mul3A_71, %add3A_69 : i32
    "tpu.region"() ({
      %run_scoped3A = tpu.sem_alloc : memref<!tpu.dma_semaphore, #tpu.memory_space<semaphore_mem>>
      %dma_start3A_83 = arith.constant 0 : i32
      %dma_start3A_84 = tpu.memref_slice %arg5[%add3A_72, %dma_start3A_83] : memref<20480x128xf32, #tpu.memory_space<hbm>> -> memref<128x128xf32, #tpu.memory_space<hbm>>
      %dma_start3A_85 = arith.constant 0 : i32
      %dma_start3A_86 = tpu.memref_slice %arg5[%add3A_72, %dma_start3A_85] : memref<20480x128xf32, #tpu.memory_space<hbm>> -> memref<128x128xf32, #tpu.memory_space<hbm>>
      tpu.enqueue_dma source(%arg10 : memref<128x128xf32, #tpu.memory_space<vmem>>) target(%dma_start3A_86 : memref<128x128xf32, #tpu.memory_space<hbm>>) target_semaphore(%run_scoped3A : memref<!tpu.dma_semaphore, #tpu.memory_space<semaphore_mem>>)
      %dma_wait3A_87 = arith.constant 0 : i32
      %dma_wait3A_88 = tpu.memref_slice %arg5[%add3A_72, %dma_wait3A_87] : memref<20480x128xf32, #tpu.memory_space<hbm>> -> memref<128x128xf32, #tpu.memory_space<hbm>>
      %dma_wait3A_89 = arith.constant 0 : i32
      %dma_wait3A_90 = tpu.memref_slice %arg5[%add3A_72, %dma_wait3A_89] : memref<20480x128xf32, #tpu.memory_space<hbm>> -> memref<128x128xf32, #tpu.memory_space<hbm>>
      tpu.wait_dma2 semaphore(%run_scoped3A : memref<!tpu.dma_semaphore, #tpu.memory_space<semaphore_mem>>) src(%arg10 : memref<128x128xf32, #tpu.memory_space<vmem>>) dst(%dma_wait3A_90 : memref<128x128xf32, #tpu.memory_space<hbm>>)
      tpu.yield
    }) : () -> ()
    %add3A_73 = arith.constant 384 : i32
    %add3A_74 = arith.addi %mul3A_8, %add3A_73 : i32
    "tpu.region"() ({
      %run_scoped3A = tpu.sem_alloc : memref<!tpu.dma_semaphore, #tpu.memory_space<semaphore_mem>>
      %dma_start3A_83 = arith.constant 0 : i32
      %dma_start3A_84 = tpu.memref_slice %arg12[%add3A_74, %dma_start3A_83] : memref<10240x128xf32, #tpu.memory_space<vmem_shared>> -> memref<128x128xf32, #tpu.memory_space<vmem_shared>>
      %dma_start3A_85 = arith.constant 0 : i32
      %dma_start3A_86 = tpu.memref_slice %arg12[%add3A_74, %dma_start3A_85] : memref<10240x128xf32, #tpu.memory_space<vmem_shared>> -> memref<128x128xf32, #tpu.memory_space<vmem_shared>>
      tpu.enqueue_dma source(%dma_start3A_86 : memref<128x128xf32, #tpu.memory_space<vmem_shared>>) target(%arg10 : memref<128x128xf32, #tpu.memory_space<vmem>>) target_semaphore(%run_scoped3A : memref<!tpu.dma_semaphore, #tpu.memory_space<semaphore_mem>>)
      %dma_wait3A_87 = arith.constant 0 : i32
      %dma_wait3A_88 = tpu.memref_slice %arg12[%add3A_74, %dma_wait3A_87] : memref<10240x128xf32, #tpu.memory_space<vmem_shared>> -> memref<128x128xf32, #tpu.memory_space<vmem_shared>>
      %dma_wait3A_89 = arith.constant 0 : i32
      %dma_wait3A_90 = tpu.memref_slice %arg12[%add3A_74, %dma_wait3A_89] : memref<10240x128xf32, #tpu.memory_space<vmem_shared>> -> memref<128x128xf32, #tpu.memory_space<vmem_shared>>
      tpu.wait_dma2 semaphore(%run_scoped3A : memref<!tpu.dma_semaphore, #tpu.memory_space<semaphore_mem>>) src(%dma_wait3A_90 : memref<128x128xf32, #tpu.memory_space<vmem_shared>>) dst(%arg10 : memref<128x128xf32, #tpu.memory_space<vmem>>)
      tpu.yield
    }) : () -> ()
    %mul3A_75 = arith.constant 10240 : i32
    %mul3A_76 = arith.muli %arg0, %mul3A_75 : i32
    %add3A_77 = arith.addi %mul3A_76, %add3A_74 : i32
    "tpu.region"() ({
      %run_scoped3A = tpu.sem_alloc : memref<!tpu.dma_semaphore, #tpu.memory_space<semaphore_mem>>
      %dma_start3A_83 = arith.constant 0 : i32
      %dma_start3A_84 = tpu.memref_slice %arg5[%add3A_77, %dma_start3A_83] : memref<20480x128xf32, #tpu.memory_space<hbm>> -> memref<128x128xf32, #tpu.memory_space<hbm>>
      %dma_start3A_85 = arith.constant 0 : i32
      %dma_start3A_86 = tpu.memref_slice %arg5[%add3A_77, %dma_start3A_85] : memref<20480x128xf32, #tpu.memory_space<hbm>> -> memref<128x128xf32, #tpu.memory_space<hbm>>
      tpu.enqueue_dma source(%arg10 : memref<128x128xf32, #tpu.memory_space<vmem>>) target(%dma_start3A_86 : memref<128x128xf32, #tpu.memory_space<hbm>>) target_semaphore(%run_scoped3A : memref<!tpu.dma_semaphore, #tpu.memory_space<semaphore_mem>>)
      %dma_wait3A_87 = arith.constant 0 : i32
      %dma_wait3A_88 = tpu.memref_slice %arg5[%add3A_77, %dma_wait3A_87] : memref<20480x128xf32, #tpu.memory_space<hbm>> -> memref<128x128xf32, #tpu.memory_space<hbm>>
      %dma_wait3A_89 = arith.constant 0 : i32
      %dma_wait3A_90 = tpu.memref_slice %arg5[%add3A_77, %dma_wait3A_89] : memref<20480x128xf32, #tpu.memory_space<hbm>> -> memref<128x128xf32, #tpu.memory_space<hbm>>
      tpu.wait_dma2 semaphore(%run_scoped3A : memref<!tpu.dma_semaphore, #tpu.memory_space<semaphore_mem>>) src(%arg10 : memref<128x128xf32, #tpu.memory_space<vmem>>) dst(%dma_wait3A_90 : memref<128x128xf32, #tpu.memory_space<hbm>>)
      tpu.yield
    }) : () -> ()
    %add3A_78 = arith.constant 512 : i32
    %add3A_79 = arith.addi %mul3A_8, %add3A_78 : i32
    "tpu.region"() ({
      %run_scoped3A = tpu.sem_alloc : memref<!tpu.dma_semaphore, #tpu.memory_space<semaphore_mem>>
      %dma_start3A_83 = arith.constant 0 : i32
      %dma_start3A_84 = tpu.memref_slice %arg12[%add3A_79, %dma_start3A_83] : memref<10240x128xf32, #tpu.memory_space<vmem_shared>> -> memref<128x128xf32, #tpu.memory_space<vmem_shared>>
      %dma_start3A_85 = arith.constant 0 : i32
      %dma_start3A_86 = tpu.memref_slice %arg12[%add3A_79, %dma_start3A_85] : memref<10240x128xf32, #tpu.memory_space<vmem_shared>> -> memref<128x128xf32, #tpu.memory_space<vmem_shared>>
      tpu.enqueue_dma source(%dma_start3A_86 : memref<128x128xf32, #tpu.memory_space<vmem_shared>>) target(%arg10 : memref<128x128xf32, #tpu.memory_space<vmem>>) target_semaphore(%run_scoped3A : memref<!tpu.dma_semaphore, #tpu.memory_space<semaphore_mem>>)
      %dma_wait3A_87 = arith.constant 0 : i32
      %dma_wait3A_88 = tpu.memref_slice %arg12[%add3A_79, %dma_wait3A_87] : memref<10240x128xf32, #tpu.memory_space<vmem_shared>> -> memref<128x128xf32, #tpu.memory_space<vmem_shared>>
      %dma_wait3A_89 = arith.constant 0 : i32
      %dma_wait3A_90 = tpu.memref_slice %arg12[%add3A_79, %dma_wait3A_89] : memref<10240x128xf32, #tpu.memory_space<vmem_shared>> -> memref<128x128xf32, #tpu.memory_space<vmem_shared>>
      tpu.wait_dma2 semaphore(%run_scoped3A : memref<!tpu.dma_semaphore, #tpu.memory_space<semaphore_mem>>) src(%dma_wait3A_90 : memref<128x128xf32, #tpu.memory_space<vmem_shared>>) dst(%arg10 : memref<128x128xf32, #tpu.memory_space<vmem>>)
      tpu.yield
    }) : () -> ()
    %mul3A_80 = arith.constant 10240 : i32
    %mul3A_81 = arith.muli %arg0, %mul3A_80 : i32
    %add3A_82 = arith.addi %mul3A_81, %add3A_79 : i32
    "tpu.region"() ({
      %run_scoped3A = tpu.sem_alloc : memref<!tpu.dma_semaphore, #tpu.memory_space<semaphore_mem>>
      %dma_start3A_83 = arith.constant 0 : i32
      %dma_start3A_84 = tpu.memref_slice %arg5[%add3A_82, %dma_start3A_83] : memref<20480x128xf32, #tpu.memory_space<hbm>> -> memref<128x128xf32, #tpu.memory_space<hbm>>
      %dma_start3A_85 = arith.constant 0 : i32
      %dma_start3A_86 = tpu.memref_slice %arg5[%add3A_82, %dma_start3A_85] : memref<20480x128xf32, #tpu.memory_space<hbm>> -> memref<128x128xf32, #tpu.memory_space<hbm>>
      tpu.enqueue_dma source(%arg10 : memref<128x128xf32, #tpu.memory_space<vmem>>) target(%dma_start3A_86 : memref<128x128xf32, #tpu.memory_space<hbm>>) target_semaphore(%run_scoped3A : memref<!tpu.dma_semaphore, #tpu.memory_space<semaphore_mem>>)
      %dma_wait3A_87 = arith.constant 0 : i32
      %dma_wait3A_88 = tpu.memref_slice %arg5[%add3A_82, %dma_wait3A_87] : memref<20480x128xf32, #tpu.memory_space<hbm>> -> memref<128x128xf32, #tpu.memory_space<hbm>>
      %dma_wait3A_89 = arith.constant 0 : i32
      %dma_wait3A_90 = tpu.memref_slice %arg5[%add3A_82, %dma_wait3A_89] : memref<20480x128xf32, #tpu.memory_space<hbm>> -> memref<128x128xf32, #tpu.memory_space<hbm>>
      tpu.wait_dma2 semaphore(%run_scoped3A : memref<!tpu.dma_semaphore, #tpu.memory_space<semaphore_mem>>) src(%arg10 : memref<128x128xf32, #tpu.memory_space<vmem>>) dst(%dma_wait3A_90 : memref<128x128xf32, #tpu.memory_space<hbm>>)
      tpu.yield
    }) : () -> ()
    return
  }
}

#map = affine_map<(d0, d1) -> (0, 0)>
#map1 = affine_map<(d0, d1) -> (0)>
module attributes {stable_mosaic.version = 14 : i64} {
  func.func @body(%arg0: i32, %arg1: i32, %arg2: memref<10240x128xf32, #tpu.memory_space<hbm>>, %arg3: memref<327936xi32, #tpu.memory_space<hbm>>, %arg4: memref<327936xi32, #tpu.memory_space<hbm>>, %arg5: memref<20480x128xf32, #tpu.memory_space<hbm>>, %arg6: memref<128xi32, #tpu.memory_space<vmem>>, %arg7: memref<128xi32, #tpu.memory_space<vmem>>, %arg8: memref<128xi32, #tpu.memory_space<vmem>>, %arg9: memref<128xi32, #tpu.memory_space<vmem>>, %arg10: memref<128x128xf32, #tpu.memory_space<vmem>>, %arg11: memref<128x128xf32, #tpu.memory_space<vmem>>, %arg12: memref<10240x128xf32, #tpu.memory_space<vmem_shared>>, %arg13: memref<!tpu.dma_semaphore, #tpu.memory_space<semaphore_mem>>, %arg14: memref<!tpu.dma_semaphore, #tpu.memory_space<semaphore_mem>>) attributes {dimension_semantics = [#tpu.dimension_semantics<core_parallel>, #tpu.dimension_semantics<subcore_parallel>], iteration_bounds = array<i64: 2, 16>, scalar_prefetch = 0 : i64, scratch_operands = 9 : i64, tpu.core_type = #tpu.core_type<sc_vector_subcore>, window_params = [{transform_indices = #map}, {transform_indices = #map1}, {transform_indices = #map1}, {transform_indices = #map}]} {
    %mul3A = arith.constant 16 : i32
    %mul3A_0 = arith.muli %arg0, %mul3A : i32
    %add3A = arith.addi %mul3A_0, %arg1 : i32
    %scan3A = arith.constant 0 : i32
    %scan3A_1 = arith.constant 0 : i32
    %scan3A_2 = arith.constant 1024 : i32
    %scan3A_3 = arith.addi %scan3A_1, %scan3A_2 : i32
    %scan3A_4 = arith.constant 1 : i32
    %scan3A_5 = scf.for %scan3A_83 = %scan3A_1 to %scan3A_3 step %scan3A_4 iter_args(%scan3A_84 = %scan3A) -> (i32)  : i32 {
      %jit3A_85 = arith.constant 8 : i32
      %div3A = arith.divsi %scan3A_83, %jit3A_85 : i32
      %sign3A = arith.constant 0 : i32
      %sign3A_86 = arith.cmpi sgt, %scan3A_83, %sign3A : i32
      %sign3A_87 = arith.extui %sign3A_86 : i1 to i32
      %sign3A_88 = arith.constant 0 : i32
      %sign3A_89 = arith.cmpi slt, %scan3A_83, %sign3A_88 : i32
      %sign3A_90 = arith.extui %sign3A_89 : i1 to i32
      %sign3A_91 = arith.subi %sign3A_87, %sign3A_90 : i32
      %sign3A_92 = arith.constant 0 : i32
      %sign3A_93 = arith.cmpi sgt, %jit3A_85, %sign3A_92 : i32
      %sign3A_94 = arith.extui %sign3A_93 : i1 to i32
      %sign3A_95 = arith.constant 0 : i32
      %sign3A_96 = arith.cmpi slt, %jit3A_85, %sign3A_95 : i32
      %sign3A_97 = arith.extui %sign3A_96 : i1 to i32
      %sign3A_98 = arith.subi %sign3A_94, %sign3A_97 : i32
      %ne3A = arith.cmpi ne, %sign3A_91, %sign3A_98 : i32
      %rem3A = arith.remsi %scan3A_83, %jit3A_85 : i32
      %ne3A_99 = arith.constant 0 : i32
      %ne3A_100 = arith.cmpi ne, %rem3A, %ne3A_99 : i32
      %and3A = arith.andi %ne3A, %ne3A_100 : i1
      %sub3A = arith.constant 1 : i32
      %sub3A_101 = arith.subi %div3A, %sub3A : i32
      %select_n3A_102 = arith.select %and3A, %sub3A_101, %div3A : i32
      %jit3A_103 = arith.constant 8 : i32
      %eq3A_104 = arith.constant 0 : i32
      %eq3A_105 = arith.cmpi eq, %jit3A_103, %eq3A_104 : i32
      %jit3A_106 = arith.constant 1 : i32
      %select_n3A_107 = arith.select %eq3A_105, %jit3A_106, %jit3A_103 : i32
      %rem3A_108 = arith.remsi %scan3A_83, %select_n3A_107 : i32
      %ne3A_109 = arith.constant 0 : i32
      %ne3A_110 = arith.cmpi ne, %rem3A_108, %ne3A_109 : i32
      %lt3A = arith.constant 0 : i32
      %lt3A_111 = arith.cmpi slt, %rem3A_108, %lt3A : i32
      %lt3A_112 = arith.constant 0 : i32
      %lt3A_113 = arith.cmpi slt, %select_n3A_107, %lt3A_112 : i32
      %ne3A_114 = arith.xori %lt3A_111, %lt3A_113 : i1
      %and3A_115 = arith.andi %ne3A_114, %ne3A_110 : i1
      %add3A_116 = arith.addi %rem3A_108, %select_n3A_107 : i32
      %select_n3A_117 = arith.select %and3A_115, %add3A_116, %rem3A_108 : i32
      %mul3A_118 = arith.constant 16 : i32
      %mul3A_119 = arith.muli %select_n3A_117, %mul3A_118 : i32
      %broadcast_in_dim3A = arith.constant 0.000000e+00 : f32
      %broadcast_in_dim3A_120 = vector.broadcast %broadcast_in_dim3A : f32 to vector<16xf32>
      %swap3A = arith.index_cast %select_n3A_102 : i32 to index
      %swap3A_121 = arith.index_cast %mul3A_119 : i32 to index
      %swap3A_122 = tpu.vector_load %arg10[%swap3A, %swap3A_121] {strides = array<i32>} : memref<128x128xf32, #tpu.memory_space<vmem>>, vector<1x16xf32>,
      %swap3A_123 = vector.shape_cast %swap3A_122 : vector<1x16xf32> to vector<16xf32>
      %swap3A_124 = vector.shape_cast %broadcast_in_dim3A_120 : vector<16xf32> to vector<1x16xf32>
      tpu.vector_store %arg10[%swap3A, %swap3A_121], %swap3A_124 {strides = array<i32>} : memref<128x128xf32, #tpu.memory_space<vmem>>, vector<1x16xf32>,
      %scan3A_125 = arith.constant 0 : i32
      scf.yield %scan3A_125 : i32
    }
    %scan3A_6 = arith.constant 1024 : i32
    %mul3A_7 = arith.constant 640 : i32
    %mul3A_8 = arith.muli %arg1, %mul3A_7 : i32
    %add3A_9 = arith.constant 0 : i32
    %add3A_10 = arith.addi %mul3A_8, %add3A_9 : i32
    "tpu.region"() ({
      %run_scoped3A = tpu.sem_alloc : memref<!tpu.dma_semaphore, #tpu.memory_space<semaphore_mem>>
      %dma_start3A_83 = arith.constant 0 : i32
      %dma_start3A_84 = tpu.memref_slice %arg12[%add3A_10, %dma_start3A_83] : memref<10240x128xf32, #tpu.memory_space<vmem_shared>> -> memref<128x128xf32, #tpu.memory_space<vmem_shared>>
      %dma_start3A_85 = arith.constant 0 : i32
      %dma_start3A_86 = tpu.memref_slice %arg12[%add3A_10, %dma_start3A_85] : memref<10240x128xf32, #tpu.memory_space<vmem_shared>> -> memref<128x128xf32, #tpu.memory_space<vmem_shared>>
      tpu.enqueue_dma source(%arg10 : memref<128x128xf32, #tpu.memory_space<vmem>>) target(%dma_start3A_86 : memref<128x128xf32, #tpu.memory_space<vmem_shared>>) target_semaphore(%run_scoped3A : memref<!tpu.dma_semaphore, #tpu.memory_space<semaphore_mem>>)
      %dma_wait3A_87 = arith.constant 0 : i32
      %dma_wait3A_88 = tpu.memref_slice %arg12[%add3A_10, %dma_wait3A_87] : memref<10240x128xf32, #tpu.memory_space<vmem_shared>> -> memref<128x128xf32, #tpu.memory_space<vmem_shared>>
      %dma_wait3A_89 = arith.constant 0 : i32
      %dma_wait3A_90 = tpu.memref_slice %arg12[%add3A_10, %dma_wait3A_89] : memref<10240x128xf32, #tpu.memory_space<vmem_shared>> -> memref<128x128xf32, #tpu.memory_space<vmem_shared>>
      tpu.wait_dma2 semaphore(%run_scoped3A : memref<!tpu.dma_semaphore, #tpu.memory_space<semaphore_mem>>) src(%arg10 : memref<128x128xf32, #tpu.memory_space<vmem>>) dst(%dma_wait3A_90 : memref<128x128xf32, #tpu.memory_space<vmem_shared>>)
      tpu.yield
    }) : () -> ()
    %add3A_11 = arith.constant 128 : i32
    %add3A_12 = arith.addi %mul3A_8, %add3A_11 : i32
    "tpu.region"() ({
      %run_scoped3A = tpu.sem_alloc : memref<!tpu.dma_semaphore, #tpu.memory_space<semaphore_mem>>
      %dma_start3A_83 = arith.constant 0 : i32
      %dma_start3A_84 = tpu.memref_slice %arg12[%add3A_12, %dma_start3A_83] : memref<10240x128xf32, #tpu.memory_space<vmem_shared>> -> memref<128x128xf32, #tpu.memory_space<vmem_shared>>
      %dma_start3A_85 = arith.constant 0 : i32
      %dma_start3A_86 = tpu.memref_slice %arg12[%add3A_12, %dma_start3A_85] : memref<10240x128xf32, #tpu.memory_space<vmem_shared>> -> memref<128x128xf32, #tpu.memory_space<vmem_shared>>
      tpu.enqueue_dma source(%arg10 : memref<128x128xf32, #tpu.memory_space<vmem>>) target(%dma_start3A_86 : memref<128x128xf32, #tpu.memory_space<vmem_shared>>) target_semaphore(%run_scoped3A : memref<!tpu.dma_semaphore, #tpu.memory_space<semaphore_mem>>)
      %dma_wait3A_87 = arith.constant 0 : i32
      %dma_wait3A_88 = tpu.memref_slice %arg12[%add3A_12, %dma_wait3A_87] : memref<10240x128xf32, #tpu.memory_space<vmem_shared>> -> memref<128x128xf32, #tpu.memory_space<vmem_shared>>
      %dma_wait3A_89 = arith.constant 0 : i32
      %dma_wait3A_90 = tpu.memref_slice %arg12[%add3A_12, %dma_wait3A_89] : memref<10240x128xf32, #tpu.memory_space<vmem_shared>> -> memref<128x128xf32, #tpu.memory_space<vmem_shared>>
      tpu.wait_dma2 semaphore(%run_scoped3A : memref<!tpu.dma_semaphore, #tpu.memory_space<semaphore_mem>>) src(%arg10 : memref<128x128xf32, #tpu.memory_space<vmem>>) dst(%dma_wait3A_90 : memref<128x128xf32, #tpu.memory_space<vmem_shared>>)
      tpu.yield
    }) : () -> ()
    %add3A_13 = arith.constant 256 : i32
    %add3A_14 = arith.addi %mul3A_8, %add3A_13 : i32
    "tpu.region"() ({
      %run_scoped3A = tpu.sem_alloc : memref<!tpu.dma_semaphore, #tpu.memory_space<semaphore_mem>>
      %dma_start3A_83 = arith.constant 0 : i32
      %dma_start3A_84 = tpu.memref_slice %arg12[%add3A_14, %dma_start3A_83] : memref<10240x128xf32, #tpu.memory_space<vmem_shared>> -> memref<128x128xf32, #tpu.memory_space<vmem_shared>>
      %dma_start3A_85 = arith.constant 0 : i32
      %dma_start3A_86 = tpu.memref_slice %arg12[%add3A_14, %dma_start3A_85] : memref<10240x128xf32, #tpu.memory_space<vmem_shared>> -> memref<128x128xf32, #tpu.memory_space<vmem_shared>>
      tpu.enqueue_dma source(%arg10 : memref<128x128xf32, #tpu.memory_space<vmem>>) target(%dma_start3A_86 : memref<128x128xf32, #tpu.memory_space<vmem_shared>>) target_semaphore(%run_scoped3A : memref<!tpu.dma_semaphore, #tpu.memory_space<semaphore_mem>>)
      %dma_wait3A_87 = arith.constant 0 : i32
      %dma_wait3A_88 = tpu.memref_slice %arg12[%add3A_14, %dma_wait3A_87] : memref<10240x128xf32, #tpu.memory_space<vmem_shared>> -> memref<128x128xf32, #tpu.memory_space<vmem_shared>>
      %dma_wait3A_89 = arith.constant 0 : i32
      %dma_wait3A_90 = tpu.memref_slice %arg12[%add3A_14, %dma_wait3A_89] : memref<10240x128xf32, #tpu.memory_space<vmem_shared>> -> memref<128x128xf32, #tpu.memory_space<vmem_shared>>
      tpu.wait_dma2 semaphore(%run_scoped3A : memref<!tpu.dma_semaphore, #tpu.memory_space<semaphore_mem>>) src(%arg10 : memref<128x128xf32, #tpu.memory_space<vmem>>) dst(%dma_wait3A_90 : memref<128x128xf32, #tpu.memory_space<vmem_shared>>)
      tpu.yield
    }) : () -> ()
    %add3A_15 = arith.constant 384 : i32
    %add3A_16 = arith.addi %mul3A_8, %add3A_15 : i32
    "tpu.region"() ({
      %run_scoped3A = tpu.sem_alloc : memref<!tpu.dma_semaphore, #tpu.memory_space<semaphore_mem>>
      %dma_start3A_83 = arith.constant 0 : i32
      %dma_start3A_84 = tpu.memref_slice %arg12[%add3A_16, %dma_start3A_83] : memref<10240x128xf32, #tpu.memory_space<vmem_shared>> -> memref<128x128xf32, #tpu.memory_space<vmem_shared>>
      %dma_start3A_85 = arith.constant 0 : i32
      %dma_start3A_86 = tpu.memref_slice %arg12[%add3A_16, %dma_start3A_85] : memref<10240x128xf32, #tpu.memory_space<vmem_shared>> -> memref<128x128xf32, #tpu.memory_space<vmem_shared>>
      tpu.enqueue_dma source(%arg10 : memref<128x128xf32, #tpu.memory_space<vmem>>) target(%dma_start3A_86 : memref<128x128xf32, #tpu.memory_space<vmem_shared>>) target_semaphore(%run_scoped3A : memref<!tpu.dma_semaphore, #tpu.memory_space<semaphore_mem>>)
      %dma_wait3A_87 = arith.constant 0 : i32
      %dma_wait3A_88 = tpu.memref_slice %arg12[%add3A_16, %dma_wait3A_87] : memref<10240x128xf32, #tpu.memory_space<vmem_shared>> -> memref<128x128xf32, #tpu.memory_space<vmem_shared>>
      %dma_wait3A_89 = arith.constant 0 : i32
      %dma_wait3A_90 = tpu.memref_slice %arg12[%add3A_16, %dma_wait3A_89] : memref<10240x128xf32, #tpu.memory_space<vmem_shared>> -> memref<128x128xf32, #tpu.memory_space<vmem_shared>>
      tpu.wait_dma2 semaphore(%run_scoped3A : memref<!tpu.dma_semaphore, #tpu.memory_space<semaphore_mem>>) src(%arg10 : memref<128x128xf32, #tpu.memory_space<vmem>>) dst(%dma_wait3A_90 : memref<128x128xf32, #tpu.memory_space<vmem_shared>>)
      tpu.yield
    }) : () -> ()
    %add3A_17 = arith.constant 512 : i32
    %add3A_18 = arith.addi %mul3A_8, %add3A_17 : i32
    "tpu.region"() ({
      %run_scoped3A = tpu.sem_alloc : memref<!tpu.dma_semaphore, #tpu.memory_space<semaphore_mem>>
      %dma_start3A_83 = arith.constant 0 : i32
      %dma_start3A_84 = tpu.memref_slice %arg12[%add3A_18, %dma_start3A_83] : memref<10240x128xf32, #tpu.memory_space<vmem_shared>> -> memref<128x128xf32, #tpu.memory_space<vmem_shared>>
      %dma_start3A_85 = arith.constant 0 : i32
      %dma_start3A_86 = tpu.memref_slice %arg12[%add3A_18, %dma_start3A_85] : memref<10240x128xf32, #tpu.memory_space<vmem_shared>> -> memref<128x128xf32, #tpu.memory_space<vmem_shared>>
      tpu.enqueue_dma source(%arg10 : memref<128x128xf32, #tpu.memory_space<vmem>>) target(%dma_start3A_86 : memref<128x128xf32, #tpu.memory_space<vmem_shared>>) target_semaphore(%run_scoped3A : memref<!tpu.dma_semaphore, #tpu.memory_space<semaphore_mem>>)
      %dma_wait3A_87 = arith.constant 0 : i32
      %dma_wait3A_88 = tpu.memref_slice %arg12[%add3A_18, %dma_wait3A_87] : memref<10240x128xf32, #tpu.memory_space<vmem_shared>> -> memref<128x128xf32, #tpu.memory_space<vmem_shared>>
      %dma_wait3A_89 = arith.constant 0 : i32
      %dma_wait3A_90 = tpu.memref_slice %arg12[%add3A_18, %dma_wait3A_89] : memref<10240x128xf32, #tpu.memory_space<vmem_shared>> -> memref<128x128xf32, #tpu.memory_space<vmem_shared>>
      tpu.wait_dma2 semaphore(%run_scoped3A : memref<!tpu.dma_semaphore, #tpu.memory_space<semaphore_mem>>) src(%arg10 : memref<128x128xf32, #tpu.memory_space<vmem>>) dst(%dma_wait3A_90 : memref<128x128xf32, #tpu.memory_space<vmem_shared>>)
      tpu.yield
    }) : () -> ()
    %barrier3A = arith.constant 0 : index
    tpu.barrier barrier_id(%barrier3A)
    %eq3A = arith.constant 0 : i32
    %eq3A_19 = arith.cmpi eq, %arg0, %eq3A : i32
    %mul3A_20 = arith.constant 40 : i32
    %mul3A_21 = arith.muli %arg1, %mul3A_20 : i32
    %mul3A_22 = arith.constant 120 : i32
    %mul3A_23 = arith.muli %arg1, %mul3A_22 : i32
    %add3A_24 = arith.constant 640 : i32
    %add3A_25 = arith.addi %add3A_24, %mul3A_23 : i32
    %select_n3A = arith.select %eq3A_19, %mul3A_21, %add3A_25 : i32
    %mul3A_26 = arith.constant 128 : i32
    %mul3A_27 = arith.muli %select_n3A, %mul3A_26 : i32
    %eq3A_28 = arith.constant 0 : i32
    %eq3A_29 = arith.cmpi eq, %arg0, %eq3A_28 : i32
    %jit3A = arith.constant 20 : i32
    %jit3A_30 = arith.constant 60 : i32
    %select_n3A_31 = arith.select %eq3A_29, %jit3A, %jit3A_30 : i32
    %add3A_32 = arith.constant 0 : i32
    %add3A_33 = arith.addi %mul3A_27, %add3A_32 : i32
    "tpu.region"() ({
      %run_scoped3A = tpu.sem_alloc : memref<!tpu.dma_semaphore, #tpu.memory_space<semaphore_mem>>
      %dma_start3A_83 = tpu.memref_slice %arg3[%add3A_33] : memref<327936xi32, #tpu.memory_space<hbm>> -> memref<128xi32, #tpu.memory_space<hbm>>
      %dma_start3A_84 = tpu.memref_slice %arg3[%add3A_33] : memref<327936xi32, #tpu.memory_space<hbm>> -> memref<128xi32, #tpu.memory_space<hbm>>
      tpu.enqueue_dma source(%dma_start3A_84 : memref<128xi32, #tpu.memory_space<hbm>>) target(%arg6 : memref<128xi32, #tpu.memory_space<vmem>>) target_semaphore(%run_scoped3A : memref<!tpu.dma_semaphore, #tpu.memory_space<semaphore_mem>>)
      %dma_wait3A_85 = tpu.memref_slice %arg3[%add3A_33] : memref<327936xi32, #tpu.memory_space<hbm>> -> memref<128xi32, #tpu.memory_space<hbm>>
      %dma_wait3A_86 = tpu.memref_slice %arg3[%add3A_33] : memref<327936xi32, #tpu.memory_space<hbm>> -> memref<128xi32, #tpu.memory_space<hbm>>
      tpu.wait_dma2 semaphore(%run_scoped3A : memref<!tpu.dma_semaphore, #tpu.memory_space<semaphore_mem>>) src(%dma_wait3A_86 : memref<128xi32, #tpu.memory_space<hbm>>) dst(%arg6 : memref<128xi32, #tpu.memory_space<vmem>>)
      tpu.yield
    }) : () -> ()
    "tpu.region"() ({
      %run_scoped3A = tpu.sem_alloc : memref<!tpu.dma_semaphore, #tpu.memory_space<semaphore_mem>>
      %dma_start3A_83 = tpu.memref_slice %arg4[%add3A_33] : memref<327936xi32, #tpu.memory_space<hbm>> -> memref<128xi32, #tpu.memory_space<hbm>>
      %dma_start3A_84 = tpu.memref_slice %arg4[%add3A_33] : memref<327936xi32, #tpu.memory_space<hbm>> -> memref<128xi32, #tpu.memory_space<hbm>>
      tpu.enqueue_dma source(%dma_start3A_84 : memref<128xi32, #tpu.memory_space<hbm>>) target(%arg8 : memref<128xi32, #tpu.memory_space<vmem>>) target_semaphore(%run_scoped3A : memref<!tpu.dma_semaphore, #tpu.memory_space<semaphore_mem>>)
      %dma_wait3A_85 = tpu.memref_slice %arg4[%add3A_33] : memref<327936xi32, #tpu.memory_space<hbm>> -> memref<128xi32, #tpu.memory_space<hbm>>
      %dma_wait3A_86 = tpu.memref_slice %arg4[%add3A_33] : memref<327936xi32, #tpu.memory_space<hbm>> -> memref<128xi32, #tpu.memory_space<hbm>>
      tpu.wait_dma2 semaphore(%run_scoped3A : memref<!tpu.dma_semaphore, #tpu.memory_space<semaphore_mem>>) src(%dma_wait3A_86 : memref<128xi32, #tpu.memory_space<hbm>>) dst(%arg8 : memref<128xi32, #tpu.memory_space<vmem>>)
      tpu.yield
    }) : () -> ()
    %dma_start3A = arith.constant 0 : i32
    %dma_start3A_34 = arith.constant 0 : i32
    %dma_start3A_35 = tpu.memref_slice %arg2[%dma_start3A, %dma_start3A_34] : memref<10240x128xf32, #tpu.memory_space<hbm>> -> memref<10240x128xf32, #tpu.memory_space<hbm>>
    tpu.enqueue_indirect_dma source(%dma_start3A_35 : memref<10240x128xf32, #tpu.memory_space<hbm>>) target(%arg10 : memref<128x128xf32, #tpu.memory_space<vmem>>) offsets(%arg6 : memref<128xi32, #tpu.memory_space<vmem>>) semaphore(%arg13 : memref<!tpu.dma_semaphore, #tpu.memory_space<semaphore_mem>>)
    %add3A_36 = arith.constant 128 : i32
    %add3A_37 = arith.addi %mul3A_27, %add3A_36 : i32
    "tpu.region"() ({
      %run_scoped3A = tpu.sem_alloc : memref<!tpu.dma_semaphore, #tpu.memory_space<semaphore_mem>>
      %dma_start3A_83 = tpu.memref_slice %arg3[%add3A_37] : memref<327936xi32, #tpu.memory_space<hbm>> -> memref<128xi32, #tpu.memory_space<hbm>>
      %dma_start3A_84 = tpu.memref_slice %arg3[%add3A_37] : memref<327936xi32, #tpu.memory_space<hbm>> -> memref<128xi32, #tpu.memory_space<hbm>>
      tpu.enqueue_dma source(%dma_start3A_84 : memref<128xi32, #tpu.memory_space<hbm>>) target(%arg7 : memref<128xi32, #tpu.memory_space<vmem>>) target_semaphore(%run_scoped3A : memref<!tpu.dma_semaphore, #tpu.memory_space<semaphore_mem>>)
      %dma_wait3A_85 = tpu.memref_slice %arg3[%add3A_37] : memref<327936xi32, #tpu.memory_space<hbm>> -> memref<128xi32, #tpu.memory_space<hbm>>
      %dma_wait3A_86 = tpu.memref_slice %arg3[%add3A_37] : memref<327936xi32, #tpu.memory_space<hbm>> -> memref<128xi32, #tpu.memory_space<hbm>>
      tpu.wait_dma2 semaphore(%run_scoped3A : memref<!tpu.dma_semaphore, #tpu.memory_space<semaphore_mem>>) src(%dma_wait3A_86 : memref<128xi32, #tpu.memory_space<hbm>>) dst(%arg7 : memref<128xi32, #tpu.memory_space<vmem>>)
      tpu.yield
    }) : () -> ()
    "tpu.region"() ({
      %run_scoped3A = tpu.sem_alloc : memref<!tpu.dma_semaphore, #tpu.memory_space<semaphore_mem>>
      %dma_start3A_83 = tpu.memref_slice %arg4[%add3A_37] : memref<327936xi32, #tpu.memory_space<hbm>> -> memref<128xi32, #tpu.memory_space<hbm>>
      %dma_start3A_84 = tpu.memref_slice %arg4[%add3A_37] : memref<327936xi32, #tpu.memory_space<hbm>> -> memref<128xi32, #tpu.memory_space<hbm>>
      tpu.enqueue_dma source(%dma_start3A_84 : memref<128xi32, #tpu.memory_space<hbm>>) target(%arg9 : memref<128xi32, #tpu.memory_space<vmem>>) target_semaphore(%run_scoped3A : memref<!tpu.dma_semaphore, #tpu.memory_space<semaphore_mem>>)
      %dma_wait3A_85 = tpu.memref_slice %arg4[%add3A_37] : memref<327936xi32, #tpu.memory_space<hbm>> -> memref<128xi32, #tpu.memory_space<hbm>>
      %dma_wait3A_86 = tpu.memref_slice %arg4[%add3A_37] : memref<327936xi32, #tpu.memory_space<hbm>> -> memref<128xi32, #tpu.memory_space<hbm>>
      tpu.wait_dma2 semaphore(%run_scoped3A : memref<!tpu.dma_semaphore, #tpu.memory_space<semaphore_mem>>) src(%dma_wait3A_86 : memref<128xi32, #tpu.memory_space<hbm>>) dst(%arg9 : memref<128xi32, #tpu.memory_space<vmem>>)
      tpu.yield
    }) : () -> ()
    %dma_start3A_38 = arith.constant 0 : i32
    %dma_start3A_39 = arith.constant 0 : i32
    %dma_start3A_40 = tpu.memref_slice %arg2[%dma_start3A_38, %dma_start3A_39] : memref<10240x128xf32, #tpu.memory_space<hbm>> -> memref<10240x128xf32, #tpu.memory_space<hbm>>
    tpu.enqueue_indirect_dma source(%dma_start3A_40 : memref<10240x128xf32, #tpu.memory_space<hbm>>) target(%arg11 : memref<128x128xf32, #tpu.memory_space<vmem>>) offsets(%arg7 : memref<128xi32, #tpu.memory_space<vmem>>) semaphore(%arg14 : memref<!tpu.dma_semaphore, #tpu.memory_space<semaphore_mem>>)
    %while3A = arith.constant 0 : i32
    %while3A_41 = arith.constant 0 : i32
    %while3A_42 = arith.subi %select_n3A_31, %while3A : i32
    %while3A_43 = arith.addi %while3A, %while3A_42 : i32
    %while3A_44 = arith.constant 1 : i32
    %while3A_45 = arith.divsi %while3A_42, %while3A_44 : i32
    %while3A_46 = arith.muli %while3A_45, %while3A_44 : i32
    %while3A_47 = arith.addi %while3A, %while3A_46 : i32
    %while3A_48 = arith.constant 1 : i32
    %while3A_49 = scf.for %while3A_83 = %while3A to %while3A_47 step %while3A_48 iter_args(%while3A_84 = %while3A_41) -> (i32)  : i32 {
      %mul3A_85 = arith.constant 2 : i32
      %mul3A_86 = arith.muli %mul3A_85, %while3A_83 : i32
      %dma_wait3A_87 = arith.constant 0 : i32
      %dma_wait3A_88 = arith.constant 0 : i32
      %dma_wait3A_89 = tpu.memref_slice %arg2[%dma_wait3A_87, %dma_wait3A_88] : memref<10240x128xf32, #tpu.memory_space<hbm>> -> memref<10240x128xf32, #tpu.memory_space<hbm>>
      tpu.wait_indirect_dma semaphore(%arg13 : memref<!tpu.dma_semaphore, #tpu.memory_space<semaphore_mem>>) src(%dma_wait3A_89 : memref<10240x128xf32, #tpu.memory_space<hbm>>) dst(%arg10 : memref<128x128xf32, #tpu.memory_space<vmem>>)
      "tpu.region"() ({
        %run_scoped3A = tpu.sem_alloc : memref<!tpu.dma_semaphore, #tpu.memory_space<semaphore_mem>>
        %dma_start3A_114 = arith.constant 0 : i32
        %dma_start3A_115 = arith.constant 0 : i32
        %dma_start3A_116 = tpu.memref_slice %arg12[%dma_start3A_114, %dma_start3A_115] : memref<10240x128xf32, #tpu.memory_space<vmem_shared>> -> memref<10240x128xf32, #tpu.memory_space<vmem_shared>>
        tpu.enqueue_indirect_dma source(%arg10 : memref<128x128xf32, #tpu.memory_space<vmem>>) target(%dma_start3A_116 : memref<10240x128xf32, #tpu.memory_space<vmem_shared>>) offsets(%arg8 : memref<128xi32, #tpu.memory_space<vmem>>) semaphore(%run_scoped3A : memref<!tpu.dma_semaphore, #tpu.memory_space<semaphore_mem>>) {add = true}
        %dma_wait3A_117 = arith.constant 0 : i32
        %dma_wait3A_118 = arith.constant 0 : i32
        %dma_wait3A_119 = tpu.memref_slice %arg12[%dma_wait3A_117, %dma_wait3A_118] : memref<10240x128xf32, #tpu.memory_space<vmem_shared>> -> memref<10240x128xf32, #tpu.memory_space<vmem_shared>>
        tpu.wait_indirect_dma semaphore(%run_scoped3A : memref<!tpu.dma_semaphore, #tpu.memory_space<semaphore_mem>>) src(%arg10 : memref<128x128xf32, #tpu.memory_space<vmem>>) dst(%dma_wait3A_119 : memref<10240x128xf32, #tpu.memory_space<vmem_shared>>)
        tpu.yield
      }) : () -> ()
      %add3A_90 = arith.constant 0 : i32
      %add3A_91 = arith.addi %mul3A_86, %add3A_90 : i32
      %add3A_92 = arith.constant 2 : i32
      %add3A_93 = arith.addi %add3A_91, %add3A_92 : i32
      %mul3A_94 = arith.constant 128 : i32
      %mul3A_95 = arith.muli %add3A_93, %mul3A_94 : i32
      %add3A_96 = arith.addi %mul3A_27, %mul3A_95 : i32
      "tpu.region"() ({
        %run_scoped3A = tpu.sem_alloc : memref<!tpu.dma_semaphore, #tpu.memory_space<semaphore_mem>>
        %dma_start3A_114 = tpu.memref_slice %arg3[%add3A_96] : memref<327936xi32, #tpu.memory_space<hbm>> -> memref<128xi32, #tpu.memory_space<hbm>>
        %dma_start3A_115 = tpu.memref_slice %arg3[%add3A_96] : memref<327936xi32, #tpu.memory_space<hbm>> -> memref<128xi32, #tpu.memory_space<hbm>>
        tpu.enqueue_dma source(%dma_start3A_115 : memref<128xi32, #tpu.memory_space<hbm>>) target(%arg6 : memref<128xi32, #tpu.memory_space<vmem>>) target_semaphore(%run_scoped3A : memref<!tpu.dma_semaphore, #tpu.memory_space<semaphore_mem>>)
        %dma_wait3A_116 = tpu.memref_slice %arg3[%add3A_96] : memref<327936xi32, #tpu.memory_space<hbm>> -> memref<128xi32, #tpu.memory_space<hbm>>
        %dma_wait3A_117 = tpu.memref_slice %arg3[%add3A_96] : memref<327936xi32, #tpu.memory_space<hbm>> -> memref<128xi32, #tpu.memory_space<hbm>>
        tpu.wait_dma2 semaphore(%run_scoped3A : memref<!tpu.dma_semaphore, #tpu.memory_space<semaphore_mem>>) src(%dma_wait3A_117 : memref<128xi32, #tpu.memory_space<hbm>>) dst(%arg6 : memref<128xi32, #tpu.memory_space<vmem>>)
        tpu.yield
      }) : () -> ()
      "tpu.region"() ({
        %run_scoped3A = tpu.sem_alloc : memref<!tpu.dma_semaphore, #tpu.memory_space<semaphore_mem>>
        %dma_start3A_114 = tpu.memref_slice %arg4[%add3A_96] : memref<327936xi32, #tpu.memory_space<hbm>> -> memref<128xi32, #tpu.memory_space<hbm>>
        %dma_start3A_115 = tpu.memref_slice %arg4[%add3A_96] : memref<327936xi32, #tpu.memory_space<hbm>> -> memref<128xi32, #tpu.memory_space<hbm>>
        tpu.enqueue_dma source(%dma_start3A_115 : memref<128xi32, #tpu.memory_space<hbm>>) target(%arg8 : memref<128xi32, #tpu.memory_space<vmem>>) target_semaphore(%run_scoped3A : memref<!tpu.dma_semaphore, #tpu.memory_space<semaphore_mem>>)
        %dma_wait3A_116 = tpu.memref_slice %arg4[%add3A_96] : memref<327936xi32, #tpu.memory_space<hbm>> -> memref<128xi32, #tpu.memory_space<hbm>>
        %dma_wait3A_117 = tpu.memref_slice %arg4[%add3A_96] : memref<327936xi32, #tpu.memory_space<hbm>> -> memref<128xi32, #tpu.memory_space<hbm>>
        tpu.wait_dma2 semaphore(%run_scoped3A : memref<!tpu.dma_semaphore, #tpu.memory_space<semaphore_mem>>) src(%dma_wait3A_117 : memref<128xi32, #tpu.memory_space<hbm>>) dst(%arg8 : memref<128xi32, #tpu.memory_space<vmem>>)
        tpu.yield
      }) : () -> ()
      %dma_start3A_97 = arith.constant 0 : i32
      %dma_start3A_98 = arith.constant 0 : i32
      %dma_start3A_99 = tpu.memref_slice %arg2[%dma_start3A_97, %dma_start3A_98] : memref<10240x128xf32, #tpu.memory_space<hbm>> -> memref<10240x128xf32, #tpu.memory_space<hbm>>
      tpu.enqueue_indirect_dma source(%dma_start3A_99 : memref<10240x128xf32, #tpu.memory_space<hbm>>) target(%arg10 : memref<128x128xf32, #tpu.memory_space<vmem>>) offsets(%arg6 : memref<128xi32, #tpu.memory_space<vmem>>) semaphore(%arg13 : memref<!tpu.dma_semaphore, #tpu.memory_space<semaphore_mem>>)
      %dma_wait3A_100 = arith.constant 0 : i32
      %dma_wait3A_101 = arith.constant 0 : i32
      %dma_wait3A_102 = tpu.memref_slice %arg2[%dma_wait3A_100, %dma_wait3A_101] : memref<10240x128xf32, #tpu.memory_space<hbm>> -> memref<10240x128xf32, #tpu.memory_space<hbm>>
      tpu.wait_indirect_dma semaphore(%arg14 : memref<!tpu.dma_semaphore, #tpu.memory_space<semaphore_mem>>) src(%dma_wait3A_102 : memref<10240x128xf32, #tpu.memory_space<hbm>>) dst(%arg11 : memref<128x128xf32, #tpu.memory_space<vmem>>)
      "tpu.region"() ({
        %run_scoped3A = tpu.sem_alloc : memref<!tpu.dma_semaphore, #tpu.memory_space<semaphore_mem>>
        %dma_start3A_114 = arith.constant 0 : i32
        %dma_start3A_115 = arith.constant 0 : i32
        %dma_start3A_116 = tpu.memref_slice %arg12[%dma_start3A_114, %dma_start3A_115] : memref<10240x128xf32, #tpu.memory_space<vmem_shared>> -> memref<10240x128xf32, #tpu.memory_space<vmem_shared>>
        tpu.enqueue_indirect_dma source(%arg11 : memref<128x128xf32, #tpu.memory_space<vmem>>) target(%dma_start3A_116 : memref<10240x128xf32, #tpu.memory_space<vmem_shared>>) offsets(%arg9 : memref<128xi32, #tpu.memory_space<vmem>>) semaphore(%run_scoped3A : memref<!tpu.dma_semaphore, #tpu.memory_space<semaphore_mem>>) {add = true}
        %dma_wait3A_117 = arith.constant 0 : i32
        %dma_wait3A_118 = arith.constant 0 : i32
        %dma_wait3A_119 = tpu.memref_slice %arg12[%dma_wait3A_117, %dma_wait3A_118] : memref<10240x128xf32, #tpu.memory_space<vmem_shared>> -> memref<10240x128xf32, #tpu.memory_space<vmem_shared>>
        tpu.wait_indirect_dma semaphore(%run_scoped3A : memref<!tpu.dma_semaphore, #tpu.memory_space<semaphore_mem>>) src(%arg11 : memref<128x128xf32, #tpu.memory_space<vmem>>) dst(%dma_wait3A_119 : memref<10240x128xf32, #tpu.memory_space<vmem_shared>>)
        tpu.yield
      }) : () -> ()
      %add3A_103 = arith.constant 1 : i32
      %add3A_104 = arith.addi %mul3A_86, %add3A_103 : i32
      %add3A_105 = arith.constant 2 : i32
      %add3A_106 = arith.addi %add3A_104, %add3A_105 : i32
      %mul3A_107 = arith.constant 128 : i32
      %mul3A_108 = arith.muli %add3A_106, %mul3A_107 : i32
      %add3A_109 = arith.addi %mul3A_27, %mul3A_108 : i32
      "tpu.region"() ({
        %run_scoped3A = tpu.sem_alloc : memref<!tpu.dma_semaphore, #tpu.memory_space<semaphore_mem>>
        %dma_start3A_114 = tpu.memref_slice %arg3[%add3A_109] : memref<327936xi32, #tpu.memory_space<hbm>> -> memref<128xi32, #tpu.memory_space<hbm>>
        %dma_start3A_115 = tpu.memref_slice %arg3[%add3A_109] : memref<327936xi32, #tpu.memory_space<hbm>> -> memref<128xi32, #tpu.memory_space<hbm>>
        tpu.enqueue_dma source(%dma_start3A_115 : memref<128xi32, #tpu.memory_space<hbm>>) target(%arg7 : memref<128xi32, #tpu.memory_space<vmem>>) target_semaphore(%run_scoped3A : memref<!tpu.dma_semaphore, #tpu.memory_space<semaphore_mem>>)
        %dma_wait3A_116 = tpu.memref_slice %arg3[%add3A_109] : memref<327936xi32, #tpu.memory_space<hbm>> -> memref<128xi32, #tpu.memory_space<hbm>>
        %dma_wait3A_117 = tpu.memref_slice %arg3[%add3A_109] : memref<327936xi32, #tpu.memory_space<hbm>> -> memref<128xi32, #tpu.memory_space<hbm>>
        tpu.wait_dma2 semaphore(%run_scoped3A : memref<!tpu.dma_semaphore, #tpu.memory_space<semaphore_mem>>) src(%dma_wait3A_117 : memref<128xi32, #tpu.memory_space<hbm>>) dst(%arg7 : memref<128xi32, #tpu.memory_space<vmem>>)
        tpu.yield
      }) : () -> ()
      "tpu.region"() ({
        %run_scoped3A = tpu.sem_alloc : memref<!tpu.dma_semaphore, #tpu.memory_space<semaphore_mem>>
        %dma_start3A_114 = tpu.memref_slice %arg4[%add3A_109] : memref<327936xi32, #tpu.memory_space<hbm>> -> memref<128xi32, #tpu.memory_space<hbm>>
        %dma_start3A_115 = tpu.memref_slice %arg4[%add3A_109] : memref<327936xi32, #tpu.memory_space<hbm>> -> memref<128xi32, #tpu.memory_space<hbm>>
        tpu.enqueue_dma source(%dma_start3A_115 : memref<128xi32, #tpu.memory_space<hbm>>) target(%arg9 : memref<128xi32, #tpu.memory_space<vmem>>) target_semaphore(%run_scoped3A : memref<!tpu.dma_semaphore, #tpu.memory_space<semaphore_mem>>)
        %dma_wait3A_116 = tpu.memref_slice %arg4[%add3A_109] : memref<327936xi32, #tpu.memory_space<hbm>> -> memref<128xi32, #tpu.memory_space<hbm>>
        %dma_wait3A_117 = tpu.memref_slice %arg4[%add3A_109] : memref<327936xi32, #tpu.memory_space<hbm>> -> memref<128xi32, #tpu.memory_space<hbm>>
        tpu.wait_dma2 semaphore(%run_scoped3A : memref<!tpu.dma_semaphore, #tpu.memory_space<semaphore_mem>>) src(%dma_wait3A_117 : memref<128xi32, #tpu.memory_space<hbm>>) dst(%arg9 : memref<128xi32, #tpu.memory_space<vmem>>)
        tpu.yield
      }) : () -> ()
      %dma_start3A_110 = arith.constant 0 : i32
      %dma_start3A_111 = arith.constant 0 : i32
      %dma_start3A_112 = tpu.memref_slice %arg2[%dma_start3A_110, %dma_start3A_111] : memref<10240x128xf32, #tpu.memory_space<hbm>> -> memref<10240x128xf32, #tpu.memory_space<hbm>>
      tpu.enqueue_indirect_dma source(%dma_start3A_112 : memref<10240x128xf32, #tpu.memory_space<hbm>>) target(%arg11 : memref<128x128xf32, #tpu.memory_space<vmem>>) offsets(%arg7 : memref<128xi32, #tpu.memory_space<vmem>>) semaphore(%arg14 : memref<!tpu.dma_semaphore, #tpu.memory_space<semaphore_mem>>)
      %while3A_113 = arith.constant 0 : i32
      scf.yield %while3A_113 : i32
    }
    %while3A_50 = arith.constant 1 : i32
    %while3A_51 = scf.for %while3A_83 = %while3A_47 to %while3A_43 step %while3A_50 iter_args(%while3A_84 = %while3A_49) -> (i32)  : i32 {
      %mul3A_85 = arith.constant 2 : i32
      %mul3A_86 = arith.muli %mul3A_85, %while3A_83 : i32
      %dma_wait3A_87 = arith.constant 0 : i32
      %dma_wait3A_88 = arith.constant 0 : i32
      %dma_wait3A_89 = tpu.memref_slice %arg2[%dma_wait3A_87, %dma_wait3A_88] : memref<10240x128xf32, #tpu.memory_space<hbm>> -> memref<10240x128xf32, #tpu.memory_space<hbm>>
      tpu.wait_indirect_dma semaphore(%arg13 : memref<!tpu.dma_semaphore, #tpu.memory_space<semaphore_mem>>) src(%dma_wait3A_89 : memref<10240x128xf32, #tpu.memory_space<hbm>>) dst(%arg10 : memref<128x128xf32, #tpu.memory_space<vmem>>)
      "tpu.region"() ({
        %run_scoped3A = tpu.sem_alloc : memref<!tpu.dma_semaphore, #tpu.memory_space<semaphore_mem>>
        %dma_start3A_114 = arith.constant 0 : i32
        %dma_start3A_115 = arith.constant 0 : i32
        %dma_start3A_116 = tpu.memref_slice %arg12[%dma_start3A_114, %dma_start3A_115] : memref<10240x128xf32, #tpu.memory_space<vmem_shared>> -> memref<10240x128xf32, #tpu.memory_space<vmem_shared>>
        tpu.enqueue_indirect_dma source(%arg10 : memref<128x128xf32, #tpu.memory_space<vmem>>) target(%dma_start3A_116 : memref<10240x128xf32, #tpu.memory_space<vmem_shared>>) offsets(%arg8 : memref<128xi32, #tpu.memory_space<vmem>>) semaphore(%run_scoped3A : memref<!tpu.dma_semaphore, #tpu.memory_space<semaphore_mem>>) {add = true}
        %dma_wait3A_117 = arith.constant 0 : i32
        %dma_wait3A_118 = arith.constant 0 : i32
        %dma_wait3A_119 = tpu.memref_slice %arg12[%dma_wait3A_117, %dma_wait3A_118] : memref<10240x128xf32, #tpu.memory_space<vmem_shared>> -> memref<10240x128xf32, #tpu.memory_space<vmem_shared>>
        tpu.wait_indirect_dma semaphore(%run_scoped3A : memref<!tpu.dma_semaphore, #tpu.memory_space<semaphore_mem>>) src(%arg10 : memref<128x128xf32, #tpu.memory_space<vmem>>) dst(%dma_wait3A_119 : memref<10240x128xf32, #tpu.memory_space<vmem_shared>>)
        tpu.yield
      }) : () -> ()
      %add3A_90 = arith.constant 0 : i32
      %add3A_91 = arith.addi %mul3A_86, %add3A_90 : i32
      %add3A_92 = arith.constant 2 : i32
      %add3A_93 = arith.addi %add3A_91, %add3A_92 : i32
      %mul3A_94 = arith.constant 128 : i32
      %mul3A_95 = arith.muli %add3A_93, %mul3A_94 : i32
      %add3A_96 = arith.addi %mul3A_27, %mul3A_95 : i32
      "tpu.region"() ({
        %run_scoped3A = tpu.sem_alloc : memref<!tpu.dma_semaphore, #tpu.memory_space<semaphore_mem>>
        %dma_start3A_114 = tpu.memref_slice %arg3[%add3A_96] : memref<327936xi32, #tpu.memory_space<hbm>> -> memref<128xi32, #tpu.memory_space<hbm>>
        %dma_start3A_115 = tpu.memref_slice %arg3[%add3A_96] : memref<327936xi32, #tpu.memory_space<hbm>> -> memref<128xi32, #tpu.memory_space<hbm>>
        tpu.enqueue_dma source(%dma_start3A_115 : memref<128xi32, #tpu.memory_space<hbm>>) target(%arg6 : memref<128xi32, #tpu.memory_space<vmem>>) target_semaphore(%run_scoped3A : memref<!tpu.dma_semaphore, #tpu.memory_space<semaphore_mem>>)
        %dma_wait3A_116 = tpu.memref_slice %arg3[%add3A_96] : memref<327936xi32, #tpu.memory_space<hbm>> -> memref<128xi32, #tpu.memory_space<hbm>>
        %dma_wait3A_117 = tpu.memref_slice %arg3[%add3A_96] : memref<327936xi32, #tpu.memory_space<hbm>> -> memref<128xi32, #tpu.memory_space<hbm>>
        tpu.wait_dma2 semaphore(%run_scoped3A : memref<!tpu.dma_semaphore, #tpu.memory_space<semaphore_mem>>) src(%dma_wait3A_117 : memref<128xi32, #tpu.memory_space<hbm>>) dst(%arg6 : memref<128xi32, #tpu.memory_space<vmem>>)
        tpu.yield
      }) : () -> ()
      "tpu.region"() ({
        %run_scoped3A = tpu.sem_alloc : memref<!tpu.dma_semaphore, #tpu.memory_space<semaphore_mem>>
        %dma_start3A_114 = tpu.memref_slice %arg4[%add3A_96] : memref<327936xi32, #tpu.memory_space<hbm>> -> memref<128xi32, #tpu.memory_space<hbm>>
        %dma_start3A_115 = tpu.memref_slice %arg4[%add3A_96] : memref<327936xi32, #tpu.memory_space<hbm>> -> memref<128xi32, #tpu.memory_space<hbm>>
        tpu.enqueue_dma source(%dma_start3A_115 : memref<128xi32, #tpu.memory_space<hbm>>) target(%arg8 : memref<128xi32, #tpu.memory_space<vmem>>) target_semaphore(%run_scoped3A : memref<!tpu.dma_semaphore, #tpu.memory_space<semaphore_mem>>)
        %dma_wait3A_116 = tpu.memref_slice %arg4[%add3A_96] : memref<327936xi32, #tpu.memory_space<hbm>> -> memref<128xi32, #tpu.memory_space<hbm>>
        %dma_wait3A_117 = tpu.memref_slice %arg4[%add3A_96] : memref<327936xi32, #tpu.memory_space<hbm>> -> memref<128xi32, #tpu.memory_space<hbm>>
        tpu.wait_dma2 semaphore(%run_scoped3A : memref<!tpu.dma_semaphore, #tpu.memory_space<semaphore_mem>>) src(%dma_wait3A_117 : memref<128xi32, #tpu.memory_space<hbm>>) dst(%arg8 : memref<128xi32, #tpu.memory_space<vmem>>)
        tpu.yield
      }) : () -> ()
      %dma_start3A_97 = arith.constant 0 : i32
      %dma_start3A_98 = arith.constant 0 : i32
      %dma_start3A_99 = tpu.memref_slice %arg2[%dma_start3A_97, %dma_start3A_98] : memref<10240x128xf32, #tpu.memory_space<hbm>> -> memref<10240x128xf32, #tpu.memory_space<hbm>>
      tpu.enqueue_indirect_dma source(%dma_start3A_99 : memref<10240x128xf32, #tpu.memory_space<hbm>>) target(%arg10 : memref<128x128xf32, #tpu.memory_space<vmem>>) offsets(%arg6 : memref<128xi32, #tpu.memory_space<vmem>>) semaphore(%arg13 : memref<!tpu.dma_semaphore, #tpu.memory_space<semaphore_mem>>)
      %dma_wait3A_100 = arith.constant 0 : i32
      %dma_wait3A_101 = arith.constant 0 : i32
      %dma_wait3A_102 = tpu.memref_slice %arg2[%dma_wait3A_100, %dma_wait3A_101] : memref<10240x128xf32, #tpu.memory_space<hbm>> -> memref<10240x128xf32, #tpu.memory_space<hbm>>
      tpu.wait_indirect_dma semaphore(%arg14 : memref<!tpu.dma_semaphore, #tpu.memory_space<semaphore_mem>>) src(%dma_wait3A_102 : memref<10240x128xf32, #tpu.memory_space<hbm>>) dst(%arg11 : memref<128x128xf32, #tpu.memory_space<vmem>>)
      "tpu.region"() ({
        %run_scoped3A = tpu.sem_alloc : memref<!tpu.dma_semaphore, #tpu.memory_space<semaphore_mem>>
        %dma_start3A_114 = arith.constant 0 : i32
        %dma_start3A_115 = arith.constant 0 : i32
        %dma_start3A_116 = tpu.memref_slice %arg12[%dma_start3A_114, %dma_start3A_115] : memref<10240x128xf32, #tpu.memory_space<vmem_shared>> -> memref<10240x128xf32, #tpu.memory_space<vmem_shared>>
        tpu.enqueue_indirect_dma source(%arg11 : memref<128x128xf32, #tpu.memory_space<vmem>>) target(%dma_start3A_116 : memref<10240x128xf32, #tpu.memory_space<vmem_shared>>) offsets(%arg9 : memref<128xi32, #tpu.memory_space<vmem>>) semaphore(%run_scoped3A : memref<!tpu.dma_semaphore, #tpu.memory_space<semaphore_mem>>) {add = true}
        %dma_wait3A_117 = arith.constant 0 : i32
        %dma_wait3A_118 = arith.constant 0 : i32
        %dma_wait3A_119 = tpu.memref_slice %arg12[%dma_wait3A_117, %dma_wait3A_118] : memref<10240x128xf32, #tpu.memory_space<vmem_shared>> -> memref<10240x128xf32, #tpu.memory_space<vmem_shared>>
        tpu.wait_indirect_dma semaphore(%run_scoped3A : memref<!tpu.dma_semaphore, #tpu.memory_space<semaphore_mem>>) src(%arg11 : memref<128x128xf32, #tpu.memory_space<vmem>>) dst(%dma_wait3A_119 : memref<10240x128xf32, #tpu.memory_space<vmem_shared>>)
        tpu.yield
      }) : () -> ()
      %add3A_103 = arith.constant 1 : i32
      %add3A_104 = arith.addi %mul3A_86, %add3A_103 : i32
      %add3A_105 = arith.constant 2 : i32
      %add3A_106 = arith.addi %add3A_104, %add3A_105 : i32
      %mul3A_107 = arith.constant 128 : i32
      %mul3A_108 = arith.muli %add3A_106, %mul3A_107 : i32
      %add3A_109 = arith.addi %mul3A_27, %mul3A_108 : i32
      "tpu.region"() ({
        %run_scoped3A = tpu.sem_alloc : memref<!tpu.dma_semaphore, #tpu.memory_space<semaphore_mem>>
        %dma_start3A_114 = tpu.memref_slice %arg3[%add3A_109] : memref<327936xi32, #tpu.memory_space<hbm>> -> memref<128xi32, #tpu.memory_space<hbm>>
        %dma_start3A_115 = tpu.memref_slice %arg3[%add3A_109] : memref<327936xi32, #tpu.memory_space<hbm>> -> memref<128xi32, #tpu.memory_space<hbm>>
        tpu.enqueue_dma source(%dma_start3A_115 : memref<128xi32, #tpu.memory_space<hbm>>) target(%arg7 : memref<128xi32, #tpu.memory_space<vmem>>) target_semaphore(%run_scoped3A : memref<!tpu.dma_semaphore, #tpu.memory_space<semaphore_mem>>)
        %dma_wait3A_116 = tpu.memref_slice %arg3[%add3A_109] : memref<327936xi32, #tpu.memory_space<hbm>> -> memref<128xi32, #tpu.memory_space<hbm>>
        %dma_wait3A_117 = tpu.memref_slice %arg3[%add3A_109] : memref<327936xi32, #tpu.memory_space<hbm>> -> memref<128xi32, #tpu.memory_space<hbm>>
        tpu.wait_dma2 semaphore(%run_scoped3A : memref<!tpu.dma_semaphore, #tpu.memory_space<semaphore_mem>>) src(%dma_wait3A_117 : memref<128xi32, #tpu.memory_space<hbm>>) dst(%arg7 : memref<128xi32, #tpu.memory_space<vmem>>)
        tpu.yield
      }) : () -> ()
      "tpu.region"() ({
        %run_scoped3A = tpu.sem_alloc : memref<!tpu.dma_semaphore, #tpu.memory_space<semaphore_mem>>
        %dma_start3A_114 = tpu.memref_slice %arg4[%add3A_109] : memref<327936xi32, #tpu.memory_space<hbm>> -> memref<128xi32, #tpu.memory_space<hbm>>
        %dma_start3A_115 = tpu.memref_slice %arg4[%add3A_109] : memref<327936xi32, #tpu.memory_space<hbm>> -> memref<128xi32, #tpu.memory_space<hbm>>
        tpu.enqueue_dma source(%dma_start3A_115 : memref<128xi32, #tpu.memory_space<hbm>>) target(%arg9 : memref<128xi32, #tpu.memory_space<vmem>>) target_semaphore(%run_scoped3A : memref<!tpu.dma_semaphore, #tpu.memory_space<semaphore_mem>>)
        %dma_wait3A_116 = tpu.memref_slice %arg4[%add3A_109] : memref<327936xi32, #tpu.memory_space<hbm>> -> memref<128xi32, #tpu.memory_space<hbm>>
        %dma_wait3A_117 = tpu.memref_slice %arg4[%add3A_109] : memref<327936xi32, #tpu.memory_space<hbm>> -> memref<128xi32, #tpu.memory_space<hbm>>
        tpu.wait_dma2 semaphore(%run_scoped3A : memref<!tpu.dma_semaphore, #tpu.memory_space<semaphore_mem>>) src(%dma_wait3A_117 : memref<128xi32, #tpu.memory_space<hbm>>) dst(%arg9 : memref<128xi32, #tpu.memory_space<vmem>>)
        tpu.yield
      }) : () -> ()
      %dma_start3A_110 = arith.constant 0 : i32
      %dma_start3A_111 = arith.constant 0 : i32
      %dma_start3A_112 = tpu.memref_slice %arg2[%dma_start3A_110, %dma_start3A_111] : memref<10240x128xf32, #tpu.memory_space<hbm>> -> memref<10240x128xf32, #tpu.memory_space<hbm>>
      tpu.enqueue_indirect_dma source(%dma_start3A_112 : memref<10240x128xf32, #tpu.memory_space<hbm>>) target(%arg11 : memref<128x128xf32, #tpu.memory_space<vmem>>) offsets(%arg7 : memref<128xi32, #tpu.memory_space<vmem>>) semaphore(%arg14 : memref<!tpu.dma_semaphore, #tpu.memory_space<semaphore_mem>>)
      %while3A_113 = arith.constant 0 : i32
      scf.yield %while3A_113 : i32
    }
    %dma_wait3A = arith.constant 0 : i32
    %dma_wait3A_52 = arith.constant 0 : i32
    %dma_wait3A_53 = tpu.memref_slice %arg2[%dma_wait3A, %dma_wait3A_52] : memref<10240x128xf32, #tpu.memory_space<hbm>> -> memref<10240x128xf32, #tpu.memory_space<hbm>>
    tpu.wait_indirect_dma semaphore(%arg13 : memref<!tpu.dma_semaphore, #tpu.memory_space<semaphore_mem>>) src(%dma_wait3A_53 : memref<10240x128xf32, #tpu.memory_space<hbm>>) dst(%arg10 : memref<128x128xf32, #tpu.memory_space<vmem>>)
    %dma_wait3A_54 = arith.constant 0 : i32
    %dma_wait3A_55 = arith.constant 0 : i32
    %dma_wait3A_56 = tpu.memref_slice %arg2[%dma_wait3A_54, %dma_wait3A_55] : memref<10240x128xf32, #tpu.memory_space<hbm>> -> memref<10240x128xf32, #tpu.memory_space<hbm>>
    tpu.wait_indirect_dma semaphore(%arg14 : memref<!tpu.dma_semaphore, #tpu.memory_space<semaphore_mem>>) src(%dma_wait3A_56 : memref<10240x128xf32, #tpu.memory_space<hbm>>) dst(%arg11 : memref<128x128xf32, #tpu.memory_space<vmem>>)
    %barrier3A_57 = arith.constant 0 : index
    tpu.barrier barrier_id(%barrier3A_57)
    %add3A_58 = arith.constant 0 : i32
    %add3A_59 = arith.addi %mul3A_8, %add3A_58 : i32
    "tpu.region"() ({
      %run_scoped3A = tpu.sem_alloc : memref<!tpu.dma_semaphore, #tpu.memory_space<semaphore_mem>>
      %dma_start3A_83 = arith.constant 0 : i32
      %dma_start3A_84 = tpu.memref_slice %arg12[%add3A_59, %dma_start3A_83] : memref<10240x128xf32, #tpu.memory_space<vmem_shared>> -> memref<128x128xf32, #tpu.memory_space<vmem_shared>>
      %dma_start3A_85 = arith.constant 0 : i32
      %dma_start3A_86 = tpu.memref_slice %arg12[%add3A_59, %dma_start3A_85] : memref<10240x128xf32, #tpu.memory_space<vmem_shared>> -> memref<128x128xf32, #tpu.memory_space<vmem_shared>>
      tpu.enqueue_dma source(%dma_start3A_86 : memref<128x128xf32, #tpu.memory_space<vmem_shared>>) target(%arg10 : memref<128x128xf32, #tpu.memory_space<vmem>>) target_semaphore(%run_scoped3A : memref<!tpu.dma_semaphore, #tpu.memory_space<semaphore_mem>>)
      %dma_wait3A_87 = arith.constant 0 : i32
      %dma_wait3A_88 = tpu.memref_slice %arg12[%add3A_59, %dma_wait3A_87] : memref<10240x128xf32, #tpu.memory_space<vmem_shared>> -> memref<128x128xf32, #tpu.memory_space<vmem_shared>>
      %dma_wait3A_89 = arith.constant 0 : i32
      %dma_wait3A_90 = tpu.memref_slice %arg12[%add3A_59, %dma_wait3A_89] : memref<10240x128xf32, #tpu.memory_space<vmem_shared>> -> memref<128x128xf32, #tpu.memory_space<vmem_shared>>
      tpu.wait_dma2 semaphore(%run_scoped3A : memref<!tpu.dma_semaphore, #tpu.memory_space<semaphore_mem>>) src(%dma_wait3A_90 : memref<128x128xf32, #tpu.memory_space<vmem_shared>>) dst(%arg10 : memref<128x128xf32, #tpu.memory_space<vmem>>)
      tpu.yield
    }) : () -> ()
    %mul3A_60 = arith.constant 10240 : i32
    %mul3A_61 = arith.muli %arg0, %mul3A_60 : i32
    %add3A_62 = arith.addi %mul3A_61, %add3A_59 : i32
    "tpu.region"() ({
      %run_scoped3A = tpu.sem_alloc : memref<!tpu.dma_semaphore, #tpu.memory_space<semaphore_mem>>
      %dma_start3A_83 = arith.constant 0 : i32
      %dma_start3A_84 = tpu.memref_slice %arg5[%add3A_62, %dma_start3A_83] : memref<20480x128xf32, #tpu.memory_space<hbm>> -> memref<128x128xf32, #tpu.memory_space<hbm>>
      %dma_start3A_85 = arith.constant 0 : i32
      %dma_start3A_86 = tpu.memref_slice %arg5[%add3A_62, %dma_start3A_85] : memref<20480x128xf32, #tpu.memory_space<hbm>> -> memref<128x128xf32, #tpu.memory_space<hbm>>
      tpu.enqueue_dma source(%arg10 : memref<128x128xf32, #tpu.memory_space<vmem>>) target(%dma_start3A_86 : memref<128x128xf32, #tpu.memory_space<hbm>>) target_semaphore(%run_scoped3A : memref<!tpu.dma_semaphore, #tpu.memory_space<semaphore_mem>>)
      %dma_wait3A_87 = arith.constant 0 : i32
      %dma_wait3A_88 = tpu.memref_slice %arg5[%add3A_62, %dma_wait3A_87] : memref<20480x128xf32, #tpu.memory_space<hbm>> -> memref<128x128xf32, #tpu.memory_space<hbm>>
      %dma_wait3A_89 = arith.constant 0 : i32
      %dma_wait3A_90 = tpu.memref_slice %arg5[%add3A_62, %dma_wait3A_89] : memref<20480x128xf32, #tpu.memory_space<hbm>> -> memref<128x128xf32, #tpu.memory_space<hbm>>
      tpu.wait_dma2 semaphore(%run_scoped3A : memref<!tpu.dma_semaphore, #tpu.memory_space<semaphore_mem>>) src(%arg10 : memref<128x128xf32, #tpu.memory_space<vmem>>) dst(%dma_wait3A_90 : memref<128x128xf32, #tpu.memory_space<hbm>>)
      tpu.yield
    }) : () -> ()
    %add3A_63 = arith.constant 128 : i32
    %add3A_64 = arith.addi %mul3A_8, %add3A_63 : i32
    "tpu.region"() ({
      %run_scoped3A = tpu.sem_alloc : memref<!tpu.dma_semaphore, #tpu.memory_space<semaphore_mem>>
      %dma_start3A_83 = arith.constant 0 : i32
      %dma_start3A_84 = tpu.memref_slice %arg12[%add3A_64, %dma_start3A_83] : memref<10240x128xf32, #tpu.memory_space<vmem_shared>> -> memref<128x128xf32, #tpu.memory_space<vmem_shared>>
      %dma_start3A_85 = arith.constant 0 : i32
      %dma_start3A_86 = tpu.memref_slice %arg12[%add3A_64, %dma_start3A_85] : memref<10240x128xf32, #tpu.memory_space<vmem_shared>> -> memref<128x128xf32, #tpu.memory_space<vmem_shared>>
      tpu.enqueue_dma source(%dma_start3A_86 : memref<128x128xf32, #tpu.memory_space<vmem_shared>>) target(%arg10 : memref<128x128xf32, #tpu.memory_space<vmem>>) target_semaphore(%run_scoped3A : memref<!tpu.dma_semaphore, #tpu.memory_space<semaphore_mem>>)
      %dma_wait3A_87 = arith.constant 0 : i32
      %dma_wait3A_88 = tpu.memref_slice %arg12[%add3A_64, %dma_wait3A_87] : memref<10240x128xf32, #tpu.memory_space<vmem_shared>> -> memref<128x128xf32, #tpu.memory_space<vmem_shared>>
      %dma_wait3A_89 = arith.constant 0 : i32
      %dma_wait3A_90 = tpu.memref_slice %arg12[%add3A_64, %dma_wait3A_89] : memref<10240x128xf32, #tpu.memory_space<vmem_shared>> -> memref<128x128xf32, #tpu.memory_space<vmem_shared>>
      tpu.wait_dma2 semaphore(%run_scoped3A : memref<!tpu.dma_semaphore, #tpu.memory_space<semaphore_mem>>) src(%dma_wait3A_90 : memref<128x128xf32, #tpu.memory_space<vmem_shared>>) dst(%arg10 : memref<128x128xf32, #tpu.memory_space<vmem>>)
      tpu.yield
    }) : () -> ()
    %mul3A_65 = arith.constant 10240 : i32
    %mul3A_66 = arith.muli %arg0, %mul3A_65 : i32
    %add3A_67 = arith.addi %mul3A_66, %add3A_64 : i32
    "tpu.region"() ({
      %run_scoped3A = tpu.sem_alloc : memref<!tpu.dma_semaphore, #tpu.memory_space<semaphore_mem>>
      %dma_start3A_83 = arith.constant 0 : i32
      %dma_start3A_84 = tpu.memref_slice %arg5[%add3A_67, %dma_start3A_83] : memref<20480x128xf32, #tpu.memory_space<hbm>> -> memref<128x128xf32, #tpu.memory_space<hbm>>
      %dma_start3A_85 = arith.constant 0 : i32
      %dma_start3A_86 = tpu.memref_slice %arg5[%add3A_67, %dma_start3A_85] : memref<20480x128xf32, #tpu.memory_space<hbm>> -> memref<128x128xf32, #tpu.memory_space<hbm>>
      tpu.enqueue_dma source(%arg10 : memref<128x128xf32, #tpu.memory_space<vmem>>) target(%dma_start3A_86 : memref<128x128xf32, #tpu.memory_space<hbm>>) target_semaphore(%run_scoped3A : memref<!tpu.dma_semaphore, #tpu.memory_space<semaphore_mem>>)
      %dma_wait3A_87 = arith.constant 0 : i32
      %dma_wait3A_88 = tpu.memref_slice %arg5[%add3A_67, %dma_wait3A_87] : memref<20480x128xf32, #tpu.memory_space<hbm>> -> memref<128x128xf32, #tpu.memory_space<hbm>>
      %dma_wait3A_89 = arith.constant 0 : i32
      %dma_wait3A_90 = tpu.memref_slice %arg5[%add3A_67, %dma_wait3A_89] : memref<20480x128xf32, #tpu.memory_space<hbm>> -> memref<128x128xf32, #tpu.memory_space<hbm>>
      tpu.wait_dma2 semaphore(%run_scoped3A : memref<!tpu.dma_semaphore, #tpu.memory_space<semaphore_mem>>) src(%arg10 : memref<128x128xf32, #tpu.memory_space<vmem>>) dst(%dma_wait3A_90 : memref<128x128xf32, #tpu.memory_space<hbm>>)
      tpu.yield
    }) : () -> ()
    %add3A_68 = arith.constant 256 : i32
    %add3A_69 = arith.addi %mul3A_8, %add3A_68 : i32
    "tpu.region"() ({
      %run_scoped3A = tpu.sem_alloc : memref<!tpu.dma_semaphore, #tpu.memory_space<semaphore_mem>>
      %dma_start3A_83 = arith.constant 0 : i32
      %dma_start3A_84 = tpu.memref_slice %arg12[%add3A_69, %dma_start3A_83] : memref<10240x128xf32, #tpu.memory_space<vmem_shared>> -> memref<128x128xf32, #tpu.memory_space<vmem_shared>>
      %dma_start3A_85 = arith.constant 0 : i32
      %dma_start3A_86 = tpu.memref_slice %arg12[%add3A_69, %dma_start3A_85] : memref<10240x128xf32, #tpu.memory_space<vmem_shared>> -> memref<128x128xf32, #tpu.memory_space<vmem_shared>>
      tpu.enqueue_dma source(%dma_start3A_86 : memref<128x128xf32, #tpu.memory_space<vmem_shared>>) target(%arg10 : memref<128x128xf32, #tpu.memory_space<vmem>>) target_semaphore(%run_scoped3A : memref<!tpu.dma_semaphore, #tpu.memory_space<semaphore_mem>>)
      %dma_wait3A_87 = arith.constant 0 : i32
      %dma_wait3A_88 = tpu.memref_slice %arg12[%add3A_69, %dma_wait3A_87] : memref<10240x128xf32, #tpu.memory_space<vmem_shared>> -> memref<128x128xf32, #tpu.memory_space<vmem_shared>>
      %dma_wait3A_89 = arith.constant 0 : i32
      %dma_wait3A_90 = tpu.memref_slice %arg12[%add3A_69, %dma_wait3A_89] : memref<10240x128xf32, #tpu.memory_space<vmem_shared>> -> memref<128x128xf32, #tpu.memory_space<vmem_shared>>
      tpu.wait_dma2 semaphore(%run_scoped3A : memref<!tpu.dma_semaphore, #tpu.memory_space<semaphore_mem>>) src(%dma_wait3A_90 : memref<128x128xf32, #tpu.memory_space<vmem_shared>>) dst(%arg10 : memref<128x128xf32, #tpu.memory_space<vmem>>)
      tpu.yield
    }) : () -> ()
    %mul3A_70 = arith.constant 10240 : i32
    %mul3A_71 = arith.muli %arg0, %mul3A_70 : i32
    %add3A_72 = arith.addi %mul3A_71, %add3A_69 : i32
    "tpu.region"() ({
      %run_scoped3A = tpu.sem_alloc : memref<!tpu.dma_semaphore, #tpu.memory_space<semaphore_mem>>
      %dma_start3A_83 = arith.constant 0 : i32
      %dma_start3A_84 = tpu.memref_slice %arg5[%add3A_72, %dma_start3A_83] : memref<20480x128xf32, #tpu.memory_space<hbm>> -> memref<128x128xf32, #tpu.memory_space<hbm>>
      %dma_start3A_85 = arith.constant 0 : i32
      %dma_start3A_86 = tpu.memref_slice %arg5[%add3A_72, %dma_start3A_85] : memref<20480x128xf32, #tpu.memory_space<hbm>> -> memref<128x128xf32, #tpu.memory_space<hbm>>
      tpu.enqueue_dma source(%arg10 : memref<128x128xf32, #tpu.memory_space<vmem>>) target(%dma_start3A_86 : memref<128x128xf32, #tpu.memory_space<hbm>>) target_semaphore(%run_scoped3A : memref<!tpu.dma_semaphore, #tpu.memory_space<semaphore_mem>>)
      %dma_wait3A_87 = arith.constant 0 : i32
      %dma_wait3A_88 = tpu.memref_slice %arg5[%add3A_72, %dma_wait3A_87] : memref<20480x128xf32, #tpu.memory_space<hbm>> -> memref<128x128xf32, #tpu.memory_space<hbm>>
      %dma_wait3A_89 = arith.constant 0 : i32
      %dma_wait3A_90 = tpu.memref_slice %arg5[%add3A_72, %dma_wait3A_89] : memref<20480x128xf32, #tpu.memory_space<hbm>> -> memref<128x128xf32, #tpu.memory_space<hbm>>
      tpu.wait_dma2 semaphore(%run_scoped3A : memref<!tpu.dma_semaphore, #tpu.memory_space<semaphore_mem>>) src(%arg10 : memref<128x128xf32, #tpu.memory_space<vmem>>) dst(%dma_wait3A_90 : memref<128x128xf32, #tpu.memory_space<hbm>>)
      tpu.yield
    }) : () -> ()
    %add3A_73 = arith.constant 384 : i32
    %add3A_74 = arith.addi %mul3A_8, %add3A_73 : i32
    "tpu.region"() ({
      %run_scoped3A = tpu.sem_alloc : memref<!tpu.dma_semaphore, #tpu.memory_space<semaphore_mem>>
      %dma_start3A_83 = arith.constant 0 : i32
      %dma_start3A_84 = tpu.memref_slice %arg12[%add3A_74, %dma_start3A_83] : memref<10240x128xf32, #tpu.memory_space<vmem_shared>> -> memref<128x128xf32, #tpu.memory_space<vmem_shared>>
      %dma_start3A_85 = arith.constant 0 : i32
      %dma_start3A_86 = tpu.memref_slice %arg12[%add3A_74, %dma_start3A_85] : memref<10240x128xf32, #tpu.memory_space<vmem_shared>> -> memref<128x128xf32, #tpu.memory_space<vmem_shared>>
      tpu.enqueue_dma source(%dma_start3A_86 : memref<128x128xf32, #tpu.memory_space<vmem_shared>>) target(%arg10 : memref<128x128xf32, #tpu.memory_space<vmem>>) target_semaphore(%run_scoped3A : memref<!tpu.dma_semaphore, #tpu.memory_space<semaphore_mem>>)
      %dma_wait3A_87 = arith.constant 0 : i32
      %dma_wait3A_88 = tpu.memref_slice %arg12[%add3A_74, %dma_wait3A_87] : memref<10240x128xf32, #tpu.memory_space<vmem_shared>> -> memref<128x128xf32, #tpu.memory_space<vmem_shared>>
      %dma_wait3A_89 = arith.constant 0 : i32
      %dma_wait3A_90 = tpu.memref_slice %arg12[%add3A_74, %dma_wait3A_89] : memref<10240x128xf32, #tpu.memory_space<vmem_shared>> -> memref<128x128xf32, #tpu.memory_space<vmem_shared>>
      tpu.wait_dma2 semaphore(%run_scoped3A : memref<!tpu.dma_semaphore, #tpu.memory_space<semaphore_mem>>) src(%dma_wait3A_90 : memref<128x128xf32, #tpu.memory_space<vmem_shared>>) dst(%arg10 : memref<128x128xf32, #tpu.memory_space<vmem>>)
      tpu.yield
    }) : () -> ()
    %mul3A_75 = arith.constant 10240 : i32
    %mul3A_76 = arith.muli %arg0, %mul3A_75 : i32
    %add3A_77 = arith.addi %mul3A_76, %add3A_74 : i32
    "tpu.region"() ({
      %run_scoped3A = tpu.sem_alloc : memref<!tpu.dma_semaphore, #tpu.memory_space<semaphore_mem>>
      %dma_start3A_83 = arith.constant 0 : i32
      %dma_start3A_84 = tpu.memref_slice %arg5[%add3A_77, %dma_start3A_83] : memref<20480x128xf32, #tpu.memory_space<hbm>> -> memref<128x128xf32, #tpu.memory_space<hbm>>
      %dma_start3A_85 = arith.constant 0 : i32
      %dma_start3A_86 = tpu.memref_slice %arg5[%add3A_77, %dma_start3A_85] : memref<20480x128xf32, #tpu.memory_space<hbm>> -> memref<128x128xf32, #tpu.memory_space<hbm>>
      tpu.enqueue_dma source(%arg10 : memref<128x128xf32, #tpu.memory_space<vmem>>) target(%dma_start3A_86 : memref<128x128xf32, #tpu.memory_space<hbm>>) target_semaphore(%run_scoped3A : memref<!tpu.dma_semaphore, #tpu.memory_space<semaphore_mem>>)
      %dma_wait3A_87 = arith.constant 0 : i32
      %dma_wait3A_88 = tpu.memref_slice %arg5[%add3A_77, %dma_wait3A_87] : memref<20480x128xf32, #tpu.memory_space<hbm>> -> memref<128x128xf32, #tpu.memory_space<hbm>>
      %dma_wait3A_89 = arith.constant 0 : i32
      %dma_wait3A_90 = tpu.memref_slice %arg5[%add3A_77, %dma_wait3A_89] : memref<20480x128xf32, #tpu.memory_space<hbm>> -> memref<128x128xf32, #tpu.memory_space<hbm>>
      tpu.wait_dma2 semaphore(%run_scoped3A : memref<!tpu.dma_semaphore, #tpu.memory_space<semaphore_mem>>) src(%arg10 : memref<128x128xf32, #tpu.memory_space<vmem>>) dst(%dma_wait3A_90 : memref<128x128xf32, #tpu.memory_space<hbm>>)
      tpu.yield
    }) : () -> ()
    %add3A_78 = arith.constant 512 : i32
    %add3A_79 = arith.addi %mul3A_8, %add3A_78 : i32
    "tpu.region"() ({
      %run_scoped3A = tpu.sem_alloc : memref<!tpu.dma_semaphore, #tpu.memory_space<semaphore_mem>>
      %dma_start3A_83 = arith.constant 0 : i32
      %dma_start3A_84 = tpu.memref_slice %arg12[%add3A_79, %dma_start3A_83] : memref<10240x128xf32, #tpu.memory_space<vmem_shared>> -> memref<128x128xf32, #tpu.memory_space<vmem_shared>>
      %dma_start3A_85 = arith.constant 0 : i32
      %dma_start3A_86 = tpu.memref_slice %arg12[%add3A_79, %dma_start3A_85] : memref<10240x128xf32, #tpu.memory_space<vmem_shared>> -> memref<128x128xf32, #tpu.memory_space<vmem_shared>>
      tpu.enqueue_dma source(%dma_start3A_86 : memref<128x128xf32, #tpu.memory_space<vmem_shared>>) target(%arg10 : memref<128x128xf32, #tpu.memory_space<vmem>>) target_semaphore(%run_scoped3A : memref<!tpu.dma_semaphore, #tpu.memory_space<semaphore_mem>>)
      %dma_wait3A_87 = arith.constant 0 : i32
      %dma_wait3A_88 = tpu.memref_slice %arg12[%add3A_79, %dma_wait3A_87] : memref<10240x128xf32, #tpu.memory_space<vmem_shared>> -> memref<128x128xf32, #tpu.memory_space<vmem_shared>>
      %dma_wait3A_89 = arith.constant 0 : i32
      %dma_wait3A_90 = tpu.memref_slice %arg12[%add3A_79, %dma_wait3A_89] : memref<10240x128xf32, #tpu.memory_space<vmem_shared>> -> memref<128x128xf32, #tpu.memory_space<vmem_shared>>
      tpu.wait_dma2 semaphore(%run_scoped3A : memref<!tpu.dma_semaphore, #tpu.memory_space<semaphore_mem>>) src(%dma_wait3A_90 : memref<128x128xf32, #tpu.memory_space<vmem_shared>>) dst(%arg10 : memref<128x128xf32, #tpu.memory_space<vmem>>)
      tpu.yield
    }) : () -> ()
    %mul3A_80 = arith.constant 10240 : i32
    %mul3A_81 = arith.muli %arg0, %mul3A_80 : i32
    %add3A_82 = arith.addi %mul3A_81, %add3A_79 : i32
    "tpu.region"() ({
      %run_scoped3A = tpu.sem_alloc : memref<!tpu.dma_semaphore, #tpu.memory_space<semaphore_mem>>
      %dma_start3A_83 = arith.constant 0 : i32
      %dma_start3A_84 = tpu.memref_slice %arg5[%add3A_82, %dma_start3A_83] : memref<20480x128xf32, #tpu.memory_space<hbm>> -> memref<128x128xf32, #tpu.memory_space<hbm>>
      %dma_start3A_85 = arith.constant 0 : i32
      %dma_start3A_86 = tpu.memref_slice %arg5[%add3A_82, %dma_start3A_85] : memref<20480x128xf32, #tpu.memory_space<hbm>> -> memref<128x128xf32, #tpu.memory_space<hbm>>
      tpu.enqueue_dma source(%arg10 : memref<128x128xf32, #tpu.memory_space<vmem>>) target(%dma_start3A_86 : memref<128x128xf32, #tpu.memory_space<hbm>>) target_semaphore(%run_scoped3A : memref<!tpu.dma_semaphore, #tpu.memory_space<semaphore_mem>>)
      %dma_wait3A_87 = arith.constant 0 : i32
      %dma_wait3A_88 = tpu.memref_slice %arg5[%add3A_82, %dma_wait3A_87] : memref<20480x128xf32, #tpu.memory_space<hbm>> -> memref<128x128xf32, #tpu.memory_space<hbm>>
      %dma_wait3A_89 = arith.constant 0 : i32
      %dma_wait3A_90 = tpu.memref_slice %arg5[%add3A_82, %dma_wait3A_89] : memref<20480x128xf32, #tpu.memory_space<hbm>> -> memref<128x128xf32, #tpu.memory_space<hbm>>
      tpu.wait_dma2 semaphore(%run_scoped3A : memref<!tpu.dma_semaphore, #tpu.memory_space<semaphore_mem>>) src(%arg10 : memref<128x128xf32, #tpu.memory_space<vmem>>) dst(%dma_wait3A_90 : memref<128x128xf32, #tpu.memory_space<hbm>>)
      tpu.yield
    }) : () -> ()
    return
  }
}

#map = affine_map<(d0, d1) -> (0)>
#map1 = affine_map<(d0, d1) -> (0, 0)>
module attributes {stable_mosaic.version = 14 : i64} {
  func.func @body(%arg0: i32, %arg1: i32, %arg2: memref<327936xi32, #tpu.memory_space<hbm>>, %arg3: memref<327936xi32, #tpu.memory_space<hbm>>, %arg4: memref<20480x128xf32, #tpu.memory_space<hbm>>, %arg5: memref<128xi32, #tpu.memory_space<vmem>>, %arg6: memref<128xi32, #tpu.memory_space<vmem>>, %arg7: memref<128x128xf32, #tpu.memory_space<vmem>>, %arg8: memref<10240x128xf32, #tpu.memory_space<vmem_shared>>) attributes {dimension_semantics = [#tpu.dimension_semantics<core_parallel>, #tpu.dimension_semantics<subcore_parallel>], iteration_bounds = array<i64: 2, 16>, scalar_prefetch = 0 : i64, scratch_operands = 4 : i64, tpu.core_type = #tpu.core_type<sc_vector_subcore>, window_params = [{transform_indices = #map}, {transform_indices = #map}, {transform_indices = #map1}]} {
    %mul3A = arith.constant 16 : i32
    %mul3A_0 = arith.muli %arg0, %mul3A : i32
    %add3A = arith.addi %mul3A_0, %arg1 : i32
    %scan3A = arith.constant 0 : i32
    %scan3A_1 = arith.constant 0 : i32
    %scan3A_2 = arith.constant 1024 : i32
    %scan3A_3 = arith.addi %scan3A_1, %scan3A_2 : i32
    %scan3A_4 = arith.constant 1 : i32
    %scan3A_5 = scf.for %scan3A_61 = %scan3A_1 to %scan3A_3 step %scan3A_4 iter_args(%scan3A_62 = %scan3A) -> (i32)  : i32 {
      %jit3A = arith.constant 8 : i32
      %div3A = arith.divsi %scan3A_61, %jit3A : i32
      %sign3A = arith.constant 0 : i32
      %sign3A_63 = arith.cmpi sgt, %scan3A_61, %sign3A : i32
      %sign3A_64 = arith.extui %sign3A_63 : i1 to i32
      %sign3A_65 = arith.constant 0 : i32
      %sign3A_66 = arith.cmpi slt, %scan3A_61, %sign3A_65 : i32
      %sign3A_67 = arith.extui %sign3A_66 : i1 to i32
      %sign3A_68 = arith.subi %sign3A_64, %sign3A_67 : i32
      %sign3A_69 = arith.constant 0 : i32
      %sign3A_70 = arith.cmpi sgt, %jit3A, %sign3A_69 : i32
      %sign3A_71 = arith.extui %sign3A_70 : i1 to i32
      %sign3A_72 = arith.constant 0 : i32
      %sign3A_73 = arith.cmpi slt, %jit3A, %sign3A_72 : i32
      %sign3A_74 = arith.extui %sign3A_73 : i1 to i32
      %sign3A_75 = arith.subi %sign3A_71, %sign3A_74 : i32
      %ne3A = arith.cmpi ne, %sign3A_68, %sign3A_75 : i32
      %rem3A = arith.remsi %scan3A_61, %jit3A : i32
      %ne3A_76 = arith.constant 0 : i32
      %ne3A_77 = arith.cmpi ne, %rem3A, %ne3A_76 : i32
      %and3A = arith.andi %ne3A, %ne3A_77 : i1
      %sub3A = arith.constant 1 : i32
      %sub3A_78 = arith.subi %div3A, %sub3A : i32
      %select_n3A = arith.select %and3A, %sub3A_78, %div3A : i32
      %jit3A_79 = arith.constant 8 : i32
      %eq3A = arith.constant 0 : i32
      %eq3A_80 = arith.cmpi eq, %jit3A_79, %eq3A : i32
      %jit3A_81 = arith.constant 1 : i32
      %select_n3A_82 = arith.select %eq3A_80, %jit3A_81, %jit3A_79 : i32
      %rem3A_83 = arith.remsi %scan3A_61, %select_n3A_82 : i32
      %ne3A_84 = arith.constant 0 : i32
      %ne3A_85 = arith.cmpi ne, %rem3A_83, %ne3A_84 : i32
      %lt3A = arith.constant 0 : i32
      %lt3A_86 = arith.cmpi slt, %rem3A_83, %lt3A : i32
      %lt3A_87 = arith.constant 0 : i32
      %lt3A_88 = arith.cmpi slt, %select_n3A_82, %lt3A_87 : i32
      %ne3A_89 = arith.xori %lt3A_86, %lt3A_88 : i1
      %and3A_90 = arith.andi %ne3A_89, %ne3A_85 : i1
      %add3A_91 = arith.addi %rem3A_83, %select_n3A_82 : i32
      %select_n3A_92 = arith.select %and3A_90, %add3A_91, %rem3A_83 : i32
      %mul3A_93 = arith.constant 16 : i32
      %mul3A_94 = arith.muli %select_n3A_92, %mul3A_93 : i32
      %broadcast_in_dim3A = arith.constant 0.000000e+00 : f32
      %broadcast_in_dim3A_95 = vector.broadcast %broadcast_in_dim3A : f32 to vector<16xf32>
      %swap3A = arith.index_cast %select_n3A : i32 to index
      %swap3A_96 = arith.index_cast %mul3A_94 : i32 to index
      %swap3A_97 = tpu.vector_load %arg7[%swap3A, %swap3A_96] {strides = array<i32>} : memref<128x128xf32, #tpu.memory_space<vmem>>, vector<1x16xf32>,
      %swap3A_98 = vector.shape_cast %swap3A_97 : vector<1x16xf32> to vector<16xf32>
      %swap3A_99 = vector.shape_cast %broadcast_in_dim3A_95 : vector<16xf32> to vector<1x16xf32>
      tpu.vector_store %arg7[%swap3A, %swap3A_96], %swap3A_99 {strides = array<i32>} : memref<128x128xf32, #tpu.memory_space<vmem>>, vector<1x16xf32>,
      %scan3A_100 = arith.constant 0 : i32
      scf.yield %scan3A_100 : i32
    }
    %scan3A_6 = arith.constant 1024 : i32
    %mul3A_7 = arith.constant 640 : i32
    %mul3A_8 = arith.muli %arg1, %mul3A_7 : i32
    %add3A_9 = arith.constant 0 : i32
    %add3A_10 = arith.addi %mul3A_8, %add3A_9 : i32
    "tpu.region"() ({
      %run_scoped3A = tpu.sem_alloc : memref<!tpu.dma_semaphore, #tpu.memory_space<semaphore_mem>>
      %dma_start3A = arith.constant 0 : i32
      %dma_start3A_61 = tpu.memref_slice %arg8[%add3A_10, %dma_start3A] : memref<10240x128xf32, #tpu.memory_space<vmem_shared>> -> memref<128x128xf32, #tpu.memory_space<vmem_shared>>
      %dma_start3A_62 = arith.constant 0 : i32
      %dma_start3A_63 = tpu.memref_slice %arg8[%add3A_10, %dma_start3A_62] : memref<10240x128xf32, #tpu.memory_space<vmem_shared>> -> memref<128x128xf32, #tpu.memory_space<vmem_shared>>
      tpu.enqueue_dma source(%arg7 : memref<128x128xf32, #tpu.memory_space<vmem>>) target(%dma_start3A_63 : memref<128x128xf32, #tpu.memory_space<vmem_shared>>) target_semaphore(%run_scoped3A : memref<!tpu.dma_semaphore, #tpu.memory_space<semaphore_mem>>)
      %dma_wait3A = arith.constant 0 : i32
      %dma_wait3A_64 = tpu.memref_slice %arg8[%add3A_10, %dma_wait3A] : memref<10240x128xf32, #tpu.memory_space<vmem_shared>> -> memref<128x128xf32, #tpu.memory_space<vmem_shared>>
      %dma_wait3A_65 = arith.constant 0 : i32
      %dma_wait3A_66 = tpu.memref_slice %arg8[%add3A_10, %dma_wait3A_65] : memref<10240x128xf32, #tpu.memory_space<vmem_shared>> -> memref<128x128xf32, #tpu.memory_space<vmem_shared>>
      tpu.wait_dma2 semaphore(%run_scoped3A : memref<!tpu.dma_semaphore, #tpu.memory_space<semaphore_mem>>) src(%arg7 : memref<128x128xf32, #tpu.memory_space<vmem>>) dst(%dma_wait3A_66 : memref<128x128xf32, #tpu.memory_space<vmem_shared>>)
      tpu.yield
    }) : () -> ()
    %add3A_11 = arith.constant 128 : i32
    %add3A_12 = arith.addi %mul3A_8, %add3A_11 : i32
    "tpu.region"() ({
      %run_scoped3A = tpu.sem_alloc : memref<!tpu.dma_semaphore, #tpu.memory_space<semaphore_mem>>
      %dma_start3A = arith.constant 0 : i32
      %dma_start3A_61 = tpu.memref_slice %arg8[%add3A_12, %dma_start3A] : memref<10240x128xf32, #tpu.memory_space<vmem_shared>> -> memref<128x128xf32, #tpu.memory_space<vmem_shared>>
      %dma_start3A_62 = arith.constant 0 : i32
      %dma_start3A_63 = tpu.memref_slice %arg8[%add3A_12, %dma_start3A_62] : memref<10240x128xf32, #tpu.memory_space<vmem_shared>> -> memref<128x128xf32, #tpu.memory_space<vmem_shared>>
      tpu.enqueue_dma source(%arg7 : memref<128x128xf32, #tpu.memory_space<vmem>>) target(%dma_start3A_63 : memref<128x128xf32, #tpu.memory_space<vmem_shared>>) target_semaphore(%run_scoped3A : memref<!tpu.dma_semaphore, #tpu.memory_space<semaphore_mem>>)
      %dma_wait3A = arith.constant 0 : i32
      %dma_wait3A_64 = tpu.memref_slice %arg8[%add3A_12, %dma_wait3A] : memref<10240x128xf32, #tpu.memory_space<vmem_shared>> -> memref<128x128xf32, #tpu.memory_space<vmem_shared>>
      %dma_wait3A_65 = arith.constant 0 : i32
      %dma_wait3A_66 = tpu.memref_slice %arg8[%add3A_12, %dma_wait3A_65] : memref<10240x128xf32, #tpu.memory_space<vmem_shared>> -> memref<128x128xf32, #tpu.memory_space<vmem_shared>>
      tpu.wait_dma2 semaphore(%run_scoped3A : memref<!tpu.dma_semaphore, #tpu.memory_space<semaphore_mem>>) src(%arg7 : memref<128x128xf32, #tpu.memory_space<vmem>>) dst(%dma_wait3A_66 : memref<128x128xf32, #tpu.memory_space<vmem_shared>>)
      tpu.yield
    }) : () -> ()
    %add3A_13 = arith.constant 256 : i32
    %add3A_14 = arith.addi %mul3A_8, %add3A_13 : i32
    "tpu.region"() ({
      %run_scoped3A = tpu.sem_alloc : memref<!tpu.dma_semaphore, #tpu.memory_space<semaphore_mem>>
      %dma_start3A = arith.constant 0 : i32
      %dma_start3A_61 = tpu.memref_slice %arg8[%add3A_14, %dma_start3A] : memref<10240x128xf32, #tpu.memory_space<vmem_shared>> -> memref<128x128xf32, #tpu.memory_space<vmem_shared>>
      %dma_start3A_62 = arith.constant 0 : i32
      %dma_start3A_63 = tpu.memref_slice %arg8[%add3A_14, %dma_start3A_62] : memref<10240x128xf32, #tpu.memory_space<vmem_shared>> -> memref<128x128xf32, #tpu.memory_space<vmem_shared>>
      tpu.enqueue_dma source(%arg7 : memref<128x128xf32, #tpu.memory_space<vmem>>) target(%dma_start3A_63 : memref<128x128xf32, #tpu.memory_space<vmem_shared>>) target_semaphore(%run_scoped3A : memref<!tpu.dma_semaphore, #tpu.memory_space<semaphore_mem>>)
      %dma_wait3A = arith.constant 0 : i32
      %dma_wait3A_64 = tpu.memref_slice %arg8[%add3A_14, %dma_wait3A] : memref<10240x128xf32, #tpu.memory_space<vmem_shared>> -> memref<128x128xf32, #tpu.memory_space<vmem_shared>>
      %dma_wait3A_65 = arith.constant 0 : i32
      %dma_wait3A_66 = tpu.memref_slice %arg8[%add3A_14, %dma_wait3A_65] : memref<10240x128xf32, #tpu.memory_space<vmem_shared>> -> memref<128x128xf32, #tpu.memory_space<vmem_shared>>
      tpu.wait_dma2 semaphore(%run_scoped3A : memref<!tpu.dma_semaphore, #tpu.memory_space<semaphore_mem>>) src(%arg7 : memref<128x128xf32, #tpu.memory_space<vmem>>) dst(%dma_wait3A_66 : memref<128x128xf32, #tpu.memory_space<vmem_shared>>)
      tpu.yield
    }) : () -> ()
    %add3A_15 = arith.constant 384 : i32
    %add3A_16 = arith.addi %mul3A_8, %add3A_15 : i32
    "tpu.region"() ({
      %run_scoped3A = tpu.sem_alloc : memref<!tpu.dma_semaphore, #tpu.memory_space<semaphore_mem>>
      %dma_start3A = arith.constant 0 : i32
      %dma_start3A_61 = tpu.memref_slice %arg8[%add3A_16, %dma_start3A] : memref<10240x128xf32, #tpu.memory_space<vmem_shared>> -> memref<128x128xf32, #tpu.memory_space<vmem_shared>>
      %dma_start3A_62 = arith.constant 0 : i32
      %dma_start3A_63 = tpu.memref_slice %arg8[%add3A_16, %dma_start3A_62] : memref<10240x128xf32, #tpu.memory_space<vmem_shared>> -> memref<128x128xf32, #tpu.memory_space<vmem_shared>>
      tpu.enqueue_dma source(%arg7 : memref<128x128xf32, #tpu.memory_space<vmem>>) target(%dma_start3A_63 : memref<128x128xf32, #tpu.memory_space<vmem_shared>>) target_semaphore(%run_scoped3A : memref<!tpu.dma_semaphore, #tpu.memory_space<semaphore_mem>>)
      %dma_wait3A = arith.constant 0 : i32
      %dma_wait3A_64 = tpu.memref_slice %arg8[%add3A_16, %dma_wait3A] : memref<10240x128xf32, #tpu.memory_space<vmem_shared>> -> memref<128x128xf32, #tpu.memory_space<vmem_shared>>
      %dma_wait3A_65 = arith.constant 0 : i32
      %dma_wait3A_66 = tpu.memref_slice %arg8[%add3A_16, %dma_wait3A_65] : memref<10240x128xf32, #tpu.memory_space<vmem_shared>> -> memref<128x128xf32, #tpu.memory_space<vmem_shared>>
      tpu.wait_dma2 semaphore(%run_scoped3A : memref<!tpu.dma_semaphore, #tpu.memory_space<semaphore_mem>>) src(%arg7 : memref<128x128xf32, #tpu.memory_space<vmem>>) dst(%dma_wait3A_66 : memref<128x128xf32, #tpu.memory_space<vmem_shared>>)
      tpu.yield
    }) : () -> ()
    %add3A_17 = arith.constant 512 : i32
    %add3A_18 = arith.addi %mul3A_8, %add3A_17 : i32
    "tpu.region"() ({
      %run_scoped3A = tpu.sem_alloc : memref<!tpu.dma_semaphore, #tpu.memory_space<semaphore_mem>>
      %dma_start3A = arith.constant 0 : i32
      %dma_start3A_61 = tpu.memref_slice %arg8[%add3A_18, %dma_start3A] : memref<10240x128xf32, #tpu.memory_space<vmem_shared>> -> memref<128x128xf32, #tpu.memory_space<vmem_shared>>
      %dma_start3A_62 = arith.constant 0 : i32
      %dma_start3A_63 = tpu.memref_slice %arg8[%add3A_18, %dma_start3A_62] : memref<10240x128xf32, #tpu.memory_space<vmem_shared>> -> memref<128x128xf32, #tpu.memory_space<vmem_shared>>
      tpu.enqueue_dma source(%arg7 : memref<128x128xf32, #tpu.memory_space<vmem>>) target(%dma_start3A_63 : memref<128x128xf32, #tpu.memory_space<vmem_shared>>) target_semaphore(%run_scoped3A : memref<!tpu.dma_semaphore, #tpu.memory_space<semaphore_mem>>)
      %dma_wait3A = arith.constant 0 : i32
      %dma_wait3A_64 = tpu.memref_slice %arg8[%add3A_18, %dma_wait3A] : memref<10240x128xf32, #tpu.memory_space<vmem_shared>> -> memref<128x128xf32, #tpu.memory_space<vmem_shared>>
      %dma_wait3A_65 = arith.constant 0 : i32
      %dma_wait3A_66 = tpu.memref_slice %arg8[%add3A_18, %dma_wait3A_65] : memref<10240x128xf32, #tpu.memory_space<vmem_shared>> -> memref<128x128xf32, #tpu.memory_space<vmem_shared>>
      tpu.wait_dma2 semaphore(%run_scoped3A : memref<!tpu.dma_semaphore, #tpu.memory_space<semaphore_mem>>) src(%arg7 : memref<128x128xf32, #tpu.memory_space<vmem>>) dst(%dma_wait3A_66 : memref<128x128xf32, #tpu.memory_space<vmem_shared>>)
      tpu.yield
    }) : () -> ()
    %scan3A_19 = arith.constant 0 : i32
    %scan3A_20 = arith.constant 0 : i32
    %scan3A_21 = arith.constant 1024 : i32
    %scan3A_22 = arith.addi %scan3A_20, %scan3A_21 : i32
    %scan3A_23 = arith.constant 1 : i32
    %scan3A_24 = scf.for %scan3A_61 = %scan3A_20 to %scan3A_22 step %scan3A_23 iter_args(%scan3A_62 = %scan3A_19) -> (i32)  : i32 {
      %jit3A = arith.constant 8 : i32
      %div3A = arith.divsi %scan3A_61, %jit3A : i32
      %sign3A = arith.constant 0 : i32
      %sign3A_63 = arith.cmpi sgt, %scan3A_61, %sign3A : i32
      %sign3A_64 = arith.extui %sign3A_63 : i1 to i32
      %sign3A_65 = arith.constant 0 : i32
      %sign3A_66 = arith.cmpi slt, %scan3A_61, %sign3A_65 : i32
      %sign3A_67 = arith.extui %sign3A_66 : i1 to i32
      %sign3A_68 = arith.subi %sign3A_64, %sign3A_67 : i32
      %sign3A_69 = arith.constant 0 : i32
      %sign3A_70 = arith.cmpi sgt, %jit3A, %sign3A_69 : i32
      %sign3A_71 = arith.extui %sign3A_70 : i1 to i32
      %sign3A_72 = arith.constant 0 : i32
      %sign3A_73 = arith.cmpi slt, %jit3A, %sign3A_72 : i32
      %sign3A_74 = arith.extui %sign3A_73 : i1 to i32
      %sign3A_75 = arith.subi %sign3A_71, %sign3A_74 : i32
      %ne3A = arith.cmpi ne, %sign3A_68, %sign3A_75 : i32
      %rem3A = arith.remsi %scan3A_61, %jit3A : i32
      %ne3A_76 = arith.constant 0 : i32
      %ne3A_77 = arith.cmpi ne, %rem3A, %ne3A_76 : i32
      %and3A = arith.andi %ne3A, %ne3A_77 : i1
      %sub3A = arith.constant 1 : i32
      %sub3A_78 = arith.subi %div3A, %sub3A : i32
      %select_n3A = arith.select %and3A, %sub3A_78, %div3A : i32
      %jit3A_79 = arith.constant 8 : i32
      %eq3A = arith.constant 0 : i32
      %eq3A_80 = arith.cmpi eq, %jit3A_79, %eq3A : i32
      %jit3A_81 = arith.constant 1 : i32
      %select_n3A_82 = arith.select %eq3A_80, %jit3A_81, %jit3A_79 : i32
      %rem3A_83 = arith.remsi %scan3A_61, %select_n3A_82 : i32
      %ne3A_84 = arith.constant 0 : i32
      %ne3A_85 = arith.cmpi ne, %rem3A_83, %ne3A_84 : i32
      %lt3A = arith.constant 0 : i32
      %lt3A_86 = arith.cmpi slt, %rem3A_83, %lt3A : i32
      %lt3A_87 = arith.constant 0 : i32
      %lt3A_88 = arith.cmpi slt, %select_n3A_82, %lt3A_87 : i32
      %ne3A_89 = arith.xori %lt3A_86, %lt3A_88 : i1
      %and3A_90 = arith.andi %ne3A_89, %ne3A_85 : i1
      %add3A_91 = arith.addi %rem3A_83, %select_n3A_82 : i32
      %select_n3A_92 = arith.select %and3A_90, %add3A_91, %rem3A_83 : i32
      %mul3A_93 = arith.constant 16 : i32
      %mul3A_94 = arith.muli %select_n3A_92, %mul3A_93 : i32
      %broadcast_in_dim3A = arith.constant 1.000000e+00 : f32
      %broadcast_in_dim3A_95 = vector.broadcast %broadcast_in_dim3A : f32 to vector<16xf32>
      %swap3A = arith.index_cast %select_n3A : i32 to index
      %swap3A_96 = arith.index_cast %mul3A_94 : i32 to index
      %swap3A_97 = tpu.vector_load %arg7[%swap3A, %swap3A_96] {strides = array<i32>} : memref<128x128xf32, #tpu.memory_space<vmem>>, vector<1x16xf32>,
      %swap3A_98 = vector.shape_cast %swap3A_97 : vector<1x16xf32> to vector<16xf32>
      %swap3A_99 = vector.shape_cast %broadcast_in_dim3A_95 : vector<16xf32> to vector<1x16xf32>
      tpu.vector_store %arg7[%swap3A, %swap3A_96], %swap3A_99 {strides = array<i32>} : memref<128x128xf32, #tpu.memory_space<vmem>>, vector<1x16xf32>,
      %scan3A_100 = arith.constant 0 : i32
      scf.yield %scan3A_100 : i32
    }
    %scan3A_25 = arith.constant 1024 : i32
    %barrier3A = arith.constant 0 : index
    tpu.barrier barrier_id(%barrier3A)
    %mul3A_26 = arith.constant 10240 : i32
    %mul3A_27 = arith.muli %add3A, %mul3A_26 : i32
    "tpu.region"() ({
      %run_scoped3A = tpu.sem_alloc : memref<!tpu.dma_semaphore, #tpu.memory_space<semaphore_mem>>
      %dma_start3A = tpu.memref_slice %arg3[%mul3A_27] : memref<327936xi32, #tpu.memory_space<hbm>> -> memref<128xi32, #tpu.memory_space<hbm>>
      %dma_start3A_61 = tpu.memref_slice %arg3[%mul3A_27] : memref<327936xi32, #tpu.memory_space<hbm>> -> memref<128xi32, #tpu.memory_space<hbm>>
      tpu.enqueue_dma source(%dma_start3A_61 : memref<128xi32, #tpu.memory_space<hbm>>) target(%arg5 : memref<128xi32, #tpu.memory_space<vmem>>) target_semaphore(%run_scoped3A : memref<!tpu.dma_semaphore, #tpu.memory_space<semaphore_mem>>)
      %dma_wait3A = tpu.memref_slice %arg3[%mul3A_27] : memref<327936xi32, #tpu.memory_space<hbm>> -> memref<128xi32, #tpu.memory_space<hbm>>
      %dma_wait3A_62 = tpu.memref_slice %arg3[%mul3A_27] : memref<327936xi32, #tpu.memory_space<hbm>> -> memref<128xi32, #tpu.memory_space<hbm>>
      tpu.wait_dma2 semaphore(%run_scoped3A : memref<!tpu.dma_semaphore, #tpu.memory_space<semaphore_mem>>) src(%dma_wait3A_62 : memref<128xi32, #tpu.memory_space<hbm>>) dst(%arg5 : memref<128xi32, #tpu.memory_space<vmem>>)
      tpu.yield
    }) : () -> ()
    %scan3A_28 = arith.constant 0 : i32
    %scan3A_29 = arith.constant 0 : i32
    %scan3A_30 = arith.constant 40 : i32
    %scan3A_31 = arith.addi %scan3A_29, %scan3A_30 : i32
    %scan3A_32 = arith.constant 1 : i32
    %scan3A_33 = scf.for %scan3A_61 = %scan3A_29 to %scan3A_31 step %scan3A_32 iter_args(%scan3A_62 = %scan3A_28) -> (i32)  : i32 {
      %mul3A_63 = arith.constant 2 : i32
      %mul3A_64 = arith.muli %mul3A_63, %scan3A_61 : i32
      %add3A_65 = arith.constant 1 : i32
      %add3A_66 = arith.addi %mul3A_64, %add3A_65 : i32
      %mul3A_67 = arith.constant 128 : i32
      %mul3A_68 = arith.muli %add3A_66, %mul3A_67 : i32
      %add3A_69 = arith.addi %mul3A_27, %mul3A_68 : i32
      "tpu.region"() ({
        %run_scoped3A = tpu.sem_alloc : memref<!tpu.dma_semaphore, #tpu.memory_space<semaphore_mem>>
        %dma_start3A = tpu.memref_slice %arg3[%add3A_69] : memref<327936xi32, #tpu.memory_space<hbm>> -> memref<128xi32, #tpu.memory_space<hbm>>
        %dma_start3A_76 = tpu.memref_slice %arg3[%add3A_69] : memref<327936xi32, #tpu.memory_space<hbm>> -> memref<128xi32, #tpu.memory_space<hbm>>
        tpu.enqueue_dma source(%dma_start3A_76 : memref<128xi32, #tpu.memory_space<hbm>>) target(%arg6 : memref<128xi32, #tpu.memory_space<vmem>>) target_semaphore(%run_scoped3A : memref<!tpu.dma_semaphore, #tpu.memory_space<semaphore_mem>>)
        %dma_wait3A = tpu.memref_slice %arg3[%add3A_69] : memref<327936xi32, #tpu.memory_space<hbm>> -> memref<128xi32, #tpu.memory_space<hbm>>
        %dma_wait3A_77 = tpu.memref_slice %arg3[%add3A_69] : memref<327936xi32, #tpu.memory_space<hbm>> -> memref<128xi32, #tpu.memory_space<hbm>>
        tpu.wait_dma2 semaphore(%run_scoped3A : memref<!tpu.dma_semaphore, #tpu.memory_space<semaphore_mem>>) src(%dma_wait3A_77 : memref<128xi32, #tpu.memory_space<hbm>>) dst(%arg6 : memref<128xi32, #tpu.memory_space<vmem>>)
        tpu.yield
      }) : () -> ()
      "tpu.region"() ({
        %run_scoped3A = tpu.sem_alloc : memref<!tpu.dma_semaphore, #tpu.memory_space<semaphore_mem>>
        %dma_start3A = arith.constant 0 : i32
        %dma_start3A_76 = arith.constant 0 : i32
        %dma_start3A_77 = tpu.memref_slice %arg8[%dma_start3A, %dma_start3A_76] : memref<10240x128xf32, #tpu.memory_space<vmem_shared>> -> memref<10240x128xf32, #tpu.memory_space<vmem_shared>>
        tpu.enqueue_indirect_dma source(%arg7 : memref<128x128xf32, #tpu.memory_space<vmem>>) target(%dma_start3A_77 : memref<10240x128xf32, #tpu.memory_space<vmem_shared>>) offsets(%arg5 : memref<128xi32, #tpu.memory_space<vmem>>) semaphore(%run_scoped3A : memref<!tpu.dma_semaphore, #tpu.memory_space<semaphore_mem>>) {add = true}
        %dma_wait3A = arith.constant 0 : i32
        %dma_wait3A_78 = arith.constant 0 : i32
        %dma_wait3A_79 = tpu.memref_slice %arg8[%dma_wait3A, %dma_wait3A_78] : memref<10240x128xf32, #tpu.memory_space<vmem_shared>> -> memref<10240x128xf32, #tpu.memory_space<vmem_shared>>
        tpu.wait_indirect_dma semaphore(%run_scoped3A : memref<!tpu.dma_semaphore, #tpu.memory_space<semaphore_mem>>) src(%arg7 : memref<128x128xf32, #tpu.memory_space<vmem>>) dst(%dma_wait3A_79 : memref<10240x128xf32, #tpu.memory_space<vmem_shared>>)
        tpu.yield
      }) : () -> ()
      %add3A_70 = arith.constant 2 : i32
      %add3A_71 = arith.addi %mul3A_64, %add3A_70 : i32
      %mul3A_72 = arith.constant 128 : i32
      %mul3A_73 = arith.muli %add3A_71, %mul3A_72 : i32
      %add3A_74 = arith.addi %mul3A_27, %mul3A_73 : i32
      "tpu.region"() ({
        %run_scoped3A = tpu.sem_alloc : memref<!tpu.dma_semaphore, #tpu.memory_space<semaphore_mem>>
        %dma_start3A = tpu.memref_slice %arg3[%add3A_74] : memref<327936xi32, #tpu.memory_space<hbm>> -> memref<128xi32, #tpu.memory_space<hbm>>
        %dma_start3A_76 = tpu.memref_slice %arg3[%add3A_74] : memref<327936xi32, #tpu.memory_space<hbm>> -> memref<128xi32, #tpu.memory_space<hbm>>
        tpu.enqueue_dma source(%dma_start3A_76 : memref<128xi32, #tpu.memory_space<hbm>>) target(%arg5 : memref<128xi32, #tpu.memory_space<vmem>>) target_semaphore(%run_scoped3A : memref<!tpu.dma_semaphore, #tpu.memory_space<semaphore_mem>>)
        %dma_wait3A = tpu.memref_slice %arg3[%add3A_74] : memref<327936xi32, #tpu.memory_space<hbm>> -> memref<128xi32, #tpu.memory_space<hbm>>
        %dma_wait3A_77 = tpu.memref_slice %arg3[%add3A_74] : memref<327936xi32, #tpu.memory_space<hbm>> -> memref<128xi32, #tpu.memory_space<hbm>>
        tpu.wait_dma2 semaphore(%run_scoped3A : memref<!tpu.dma_semaphore, #tpu.memory_space<semaphore_mem>>) src(%dma_wait3A_77 : memref<128xi32, #tpu.memory_space<hbm>>) dst(%arg5 : memref<128xi32, #tpu.memory_space<vmem>>)
        tpu.yield
      }) : () -> ()
      "tpu.region"() ({
        %run_scoped3A = tpu.sem_alloc : memref<!tpu.dma_semaphore, #tpu.memory_space<semaphore_mem>>
        %dma_start3A = arith.constant 0 : i32
        %dma_start3A_76 = arith.constant 0 : i32
        %dma_start3A_77 = tpu.memref_slice %arg8[%dma_start3A, %dma_start3A_76] : memref<10240x128xf32, #tpu.memory_space<vmem_shared>> -> memref<10240x128xf32, #tpu.memory_space<vmem_shared>>
        tpu.enqueue_indirect_dma source(%arg7 : memref<128x128xf32, #tpu.memory_space<vmem>>) target(%dma_start3A_77 : memref<10240x128xf32, #tpu.memory_space<vmem_shared>>) offsets(%arg6 : memref<128xi32, #tpu.memory_space<vmem>>) semaphore(%run_scoped3A : memref<!tpu.dma_semaphore, #tpu.memory_space<semaphore_mem>>) {add = true}
        %dma_wait3A = arith.constant 0 : i32
        %dma_wait3A_78 = arith.constant 0 : i32
        %dma_wait3A_79 = tpu.memref_slice %arg8[%dma_wait3A, %dma_wait3A_78] : memref<10240x128xf32, #tpu.memory_space<vmem_shared>> -> memref<10240x128xf32, #tpu.memory_space<vmem_shared>>
        tpu.wait_indirect_dma semaphore(%run_scoped3A : memref<!tpu.dma_semaphore, #tpu.memory_space<semaphore_mem>>) src(%arg7 : memref<128x128xf32, #tpu.memory_space<vmem>>) dst(%dma_wait3A_79 : memref<10240x128xf32, #tpu.memory_space<vmem_shared>>)
        tpu.yield
      }) : () -> ()
      %scan3A_75 = arith.constant 0 : i32
      scf.yield %scan3A_75 : i32
    }
    %scan3A_34 = arith.constant 40 : i32
    %barrier3A_35 = arith.constant 0 : index
    tpu.barrier barrier_id(%barrier3A_35)
    %add3A_36 = arith.constant 0 : i32
    %add3A_37 = arith.addi %mul3A_8, %add3A_36 : i32
    "tpu.region"() ({
      %run_scoped3A = tpu.sem_alloc : memref<!tpu.dma_semaphore, #tpu.memory_space<semaphore_mem>>
      %dma_start3A = arith.constant 0 : i32
      %dma_start3A_61 = tpu.memref_slice %arg8[%add3A_37, %dma_start3A] : memref<10240x128xf32, #tpu.memory_space<vmem_shared>> -> memref<128x128xf32, #tpu.memory_space<vmem_shared>>
      %dma_start3A_62 = arith.constant 0 : i32
      %dma_start3A_63 = tpu.memref_slice %arg8[%add3A_37, %dma_start3A_62] : memref<10240x128xf32, #tpu.memory_space<vmem_shared>> -> memref<128x128xf32, #tpu.memory_space<vmem_shared>>
      tpu.enqueue_dma source(%dma_start3A_63 : memref<128x128xf32, #tpu.memory_space<vmem_shared>>) target(%arg7 : memref<128x128xf32, #tpu.memory_space<vmem>>) target_semaphore(%run_scoped3A : memref<!tpu.dma_semaphore, #tpu.memory_space<semaphore_mem>>)
      %dma_wait3A = arith.constant 0 : i32
      %dma_wait3A_64 = tpu.memref_slice %arg8[%add3A_37, %dma_wait3A] : memref<10240x128xf32, #tpu.memory_space<vmem_shared>> -> memref<128x128xf32, #tpu.memory_space<vmem_shared>>
      %dma_wait3A_65 = arith.constant 0 : i32
      %dma_wait3A_66 = tpu.memref_slice %arg8[%add3A_37, %dma_wait3A_65] : memref<10240x128xf32, #tpu.memory_space<vmem_shared>> -> memref<128x128xf32, #tpu.memory_space<vmem_shared>>
      tpu.wait_dma2 semaphore(%run_scoped3A : memref<!tpu.dma_semaphore, #tpu.memory_space<semaphore_mem>>) src(%dma_wait3A_66 : memref<128x128xf32, #tpu.memory_space<vmem_shared>>) dst(%arg7 : memref<128x128xf32, #tpu.memory_space<vmem>>)
      tpu.yield
    }) : () -> ()
    %mul3A_38 = arith.constant 10240 : i32
    %mul3A_39 = arith.muli %arg0, %mul3A_38 : i32
    %add3A_40 = arith.addi %mul3A_39, %add3A_37 : i32
    "tpu.region"() ({
      %run_scoped3A = tpu.sem_alloc : memref<!tpu.dma_semaphore, #tpu.memory_space<semaphore_mem>>
      %dma_start3A = arith.constant 0 : i32
      %dma_start3A_61 = tpu.memref_slice %arg4[%add3A_40, %dma_start3A] : memref<20480x128xf32, #tpu.memory_space<hbm>> -> memref<128x128xf32, #tpu.memory_space<hbm>>
      %dma_start3A_62 = arith.constant 0 : i32
      %dma_start3A_63 = tpu.memref_slice %arg4[%add3A_40, %dma_start3A_62] : memref<20480x128xf32, #tpu.memory_space<hbm>> -> memref<128x128xf32, #tpu.memory_space<hbm>>
      tpu.enqueue_dma source(%arg7 : memref<128x128xf32, #tpu.memory_space<vmem>>) target(%dma_start3A_63 : memref<128x128xf32, #tpu.memory_space<hbm>>) target_semaphore(%run_scoped3A : memref<!tpu.dma_semaphore, #tpu.memory_space<semaphore_mem>>)
      %dma_wait3A = arith.constant 0 : i32
      %dma_wait3A_64 = tpu.memref_slice %arg4[%add3A_40, %dma_wait3A] : memref<20480x128xf32, #tpu.memory_space<hbm>> -> memref<128x128xf32, #tpu.memory_space<hbm>>
      %dma_wait3A_65 = arith.constant 0 : i32
      %dma_wait3A_66 = tpu.memref_slice %arg4[%add3A_40, %dma_wait3A_65] : memref<20480x128xf32, #tpu.memory_space<hbm>> -> memref<128x128xf32, #tpu.memory_space<hbm>>
      tpu.wait_dma2 semaphore(%run_scoped3A : memref<!tpu.dma_semaphore, #tpu.memory_space<semaphore_mem>>) src(%arg7 : memref<128x128xf32, #tpu.memory_space<vmem>>) dst(%dma_wait3A_66 : memref<128x128xf32, #tpu.memory_space<hbm>>)
      tpu.yield
    }) : () -> ()
    %add3A_41 = arith.constant 128 : i32
    %add3A_42 = arith.addi %mul3A_8, %add3A_41 : i32
    "tpu.region"() ({
      %run_scoped3A = tpu.sem_alloc : memref<!tpu.dma_semaphore, #tpu.memory_space<semaphore_mem>>
      %dma_start3A = arith.constant 0 : i32
      %dma_start3A_61 = tpu.memref_slice %arg8[%add3A_42, %dma_start3A] : memref<10240x128xf32, #tpu.memory_space<vmem_shared>> -> memref<128x128xf32, #tpu.memory_space<vmem_shared>>
      %dma_start3A_62 = arith.constant 0 : i32
      %dma_start3A_63 = tpu.memref_slice %arg8[%add3A_42, %dma_start3A_62] : memref<10240x128xf32, #tpu.memory_space<vmem_shared>> -> memref<128x128xf32, #tpu.memory_space<vmem_shared>>
      tpu.enqueue_dma source(%dma_start3A_63 : memref<128x128xf32, #tpu.memory_space<vmem_shared>>) target(%arg7 : memref<128x128xf32, #tpu.memory_space<vmem>>) target_semaphore(%run_scoped3A : memref<!tpu.dma_semaphore, #tpu.memory_space<semaphore_mem>>)
      %dma_wait3A = arith.constant 0 : i32
      %dma_wait3A_64 = tpu.memref_slice %arg8[%add3A_42, %dma_wait3A] : memref<10240x128xf32, #tpu.memory_space<vmem_shared>> -> memref<128x128xf32, #tpu.memory_space<vmem_shared>>
      %dma_wait3A_65 = arith.constant 0 : i32
      %dma_wait3A_66 = tpu.memref_slice %arg8[%add3A_42, %dma_wait3A_65] : memref<10240x128xf32, #tpu.memory_space<vmem_shared>> -> memref<128x128xf32, #tpu.memory_space<vmem_shared>>
      tpu.wait_dma2 semaphore(%run_scoped3A : memref<!tpu.dma_semaphore, #tpu.memory_space<semaphore_mem>>) src(%dma_wait3A_66 : memref<128x128xf32, #tpu.memory_space<vmem_shared>>) dst(%arg7 : memref<128x128xf32, #tpu.memory_space<vmem>>)
      tpu.yield
    }) : () -> ()
    %mul3A_43 = arith.constant 10240 : i32
    %mul3A_44 = arith.muli %arg0, %mul3A_43 : i32
    %add3A_45 = arith.addi %mul3A_44, %add3A_42 : i32
    "tpu.region"() ({
      %run_scoped3A = tpu.sem_alloc : memref<!tpu.dma_semaphore, #tpu.memory_space<semaphore_mem>>
      %dma_start3A = arith.constant 0 : i32
      %dma_start3A_61 = tpu.memref_slice %arg4[%add3A_45, %dma_start3A] : memref<20480x128xf32, #tpu.memory_space<hbm>> -> memref<128x128xf32, #tpu.memory_space<hbm>>
      %dma_start3A_62 = arith.constant 0 : i32
      %dma_start3A_63 = tpu.memref_slice %arg4[%add3A_45, %dma_start3A_62] : memref<20480x128xf32, #tpu.memory_space<hbm>> -> memref<128x128xf32, #tpu.memory_space<hbm>>
      tpu.enqueue_dma source(%arg7 : memref<128x128xf32, #tpu.memory_space<vmem>>) target(%dma_start3A_63 : memref<128x128xf32, #tpu.memory_space<hbm>>) target_semaphore(%run_scoped3A : memref<!tpu.dma_semaphore, #tpu.memory_space<semaphore_mem>>)
      %dma_wait3A = arith.constant 0 : i32
      %dma_wait3A_64 = tpu.memref_slice %arg4[%add3A_45, %dma_wait3A] : memref<20480x128xf32, #tpu.memory_space<hbm>> -> memref<128x128xf32, #tpu.memory_space<hbm>>
      %dma_wait3A_65 = arith.constant 0 : i32
      %dma_wait3A_66 = tpu.memref_slice %arg4[%add3A_45, %dma_wait3A_65] : memref<20480x128xf32, #tpu.memory_space<hbm>> -> memref<128x128xf32, #tpu.memory_space<hbm>>
      tpu.wait_dma2 semaphore(%run_scoped3A : memref<!tpu.dma_semaphore, #tpu.memory_space<semaphore_mem>>) src(%arg7 : memref<128x128xf32, #tpu.memory_space<vmem>>) dst(%dma_wait3A_66 : memref<128x128xf32, #tpu.memory_space<hbm>>)
      tpu.yield
    }) : () -> ()
    %add3A_46 = arith.constant 256 : i32
    %add3A_47 = arith.addi %mul3A_8, %add3A_46 : i32
    "tpu.region"() ({
      %run_scoped3A = tpu.sem_alloc : memref<!tpu.dma_semaphore, #tpu.memory_space<semaphore_mem>>
      %dma_start3A = arith.constant 0 : i32
      %dma_start3A_61 = tpu.memref_slice %arg8[%add3A_47, %dma_start3A] : memref<10240x128xf32, #tpu.memory_space<vmem_shared>> -> memref<128x128xf32, #tpu.memory_space<vmem_shared>>
      %dma_start3A_62 = arith.constant 0 : i32
      %dma_start3A_63 = tpu.memref_slice %arg8[%add3A_47, %dma_start3A_62] : memref<10240x128xf32, #tpu.memory_space<vmem_shared>> -> memref<128x128xf32, #tpu.memory_space<vmem_shared>>
      tpu.enqueue_dma source(%dma_start3A_63 : memref<128x128xf32, #tpu.memory_space<vmem_shared>>) target(%arg7 : memref<128x128xf32, #tpu.memory_space<vmem>>) target_semaphore(%run_scoped3A : memref<!tpu.dma_semaphore, #tpu.memory_space<semaphore_mem>>)
      %dma_wait3A = arith.constant 0 : i32
      %dma_wait3A_64 = tpu.memref_slice %arg8[%add3A_47, %dma_wait3A] : memref<10240x128xf32, #tpu.memory_space<vmem_shared>> -> memref<128x128xf32, #tpu.memory_space<vmem_shared>>
      %dma_wait3A_65 = arith.constant 0 : i32
      %dma_wait3A_66 = tpu.memref_slice %arg8[%add3A_47, %dma_wait3A_65] : memref<10240x128xf32, #tpu.memory_space<vmem_shared>> -> memref<128x128xf32, #tpu.memory_space<vmem_shared>>
      tpu.wait_dma2 semaphore(%run_scoped3A : memref<!tpu.dma_semaphore, #tpu.memory_space<semaphore_mem>>) src(%dma_wait3A_66 : memref<128x128xf32, #tpu.memory_space<vmem_shared>>) dst(%arg7 : memref<128x128xf32, #tpu.memory_space<vmem>>)
      tpu.yield
    }) : () -> ()
    %mul3A_48 = arith.constant 10240 : i32
    %mul3A_49 = arith.muli %arg0, %mul3A_48 : i32
    %add3A_50 = arith.addi %mul3A_49, %add3A_47 : i32
    "tpu.region"() ({
      %run_scoped3A = tpu.sem_alloc : memref<!tpu.dma_semaphore, #tpu.memory_space<semaphore_mem>>
      %dma_start3A = arith.constant 0 : i32
      %dma_start3A_61 = tpu.memref_slice %arg4[%add3A_50, %dma_start3A] : memref<20480x128xf32, #tpu.memory_space<hbm>> -> memref<128x128xf32, #tpu.memory_space<hbm>>
      %dma_start3A_62 = arith.constant 0 : i32
      %dma_start3A_63 = tpu.memref_slice %arg4[%add3A_50, %dma_start3A_62] : memref<20480x128xf32, #tpu.memory_space<hbm>> -> memref<128x128xf32, #tpu.memory_space<hbm>>
      tpu.enqueue_dma source(%arg7 : memref<128x128xf32, #tpu.memory_space<vmem>>) target(%dma_start3A_63 : memref<128x128xf32, #tpu.memory_space<hbm>>) target_semaphore(%run_scoped3A : memref<!tpu.dma_semaphore, #tpu.memory_space<semaphore_mem>>)
      %dma_wait3A = arith.constant 0 : i32
      %dma_wait3A_64 = tpu.memref_slice %arg4[%add3A_50, %dma_wait3A] : memref<20480x128xf32, #tpu.memory_space<hbm>> -> memref<128x128xf32, #tpu.memory_space<hbm>>
      %dma_wait3A_65 = arith.constant 0 : i32
      %dma_wait3A_66 = tpu.memref_slice %arg4[%add3A_50, %dma_wait3A_65] : memref<20480x128xf32, #tpu.memory_space<hbm>> -> memref<128x128xf32, #tpu.memory_space<hbm>>
      tpu.wait_dma2 semaphore(%run_scoped3A : memref<!tpu.dma_semaphore, #tpu.memory_space<semaphore_mem>>) src(%arg7 : memref<128x128xf32, #tpu.memory_space<vmem>>) dst(%dma_wait3A_66 : memref<128x128xf32, #tpu.memory_space<hbm>>)
      tpu.yield
    }) : () -> ()
    %add3A_51 = arith.constant 384 : i32
    %add3A_52 = arith.addi %mul3A_8, %add3A_51 : i32
    "tpu.region"() ({
      %run_scoped3A = tpu.sem_alloc : memref<!tpu.dma_semaphore, #tpu.memory_space<semaphore_mem>>
      %dma_start3A = arith.constant 0 : i32
      %dma_start3A_61 = tpu.memref_slice %arg8[%add3A_52, %dma_start3A] : memref<10240x128xf32, #tpu.memory_space<vmem_shared>> -> memref<128x128xf32, #tpu.memory_space<vmem_shared>>
      %dma_start3A_62 = arith.constant 0 : i32
      %dma_start3A_63 = tpu.memref_slice %arg8[%add3A_52, %dma_start3A_62] : memref<10240x128xf32, #tpu.memory_space<vmem_shared>> -> memref<128x128xf32, #tpu.memory_space<vmem_shared>>
      tpu.enqueue_dma source(%dma_start3A_63 : memref<128x128xf32, #tpu.memory_space<vmem_shared>>) target(%arg7 : memref<128x128xf32, #tpu.memory_space<vmem>>) target_semaphore(%run_scoped3A : memref<!tpu.dma_semaphore, #tpu.memory_space<semaphore_mem>>)
      %dma_wait3A = arith.constant 0 : i32
      %dma_wait3A_64 = tpu.memref_slice %arg8[%add3A_52, %dma_wait3A] : memref<10240x128xf32, #tpu.memory_space<vmem_shared>> -> memref<128x128xf32, #tpu.memory_space<vmem_shared>>
      %dma_wait3A_65 = arith.constant 0 : i32
      %dma_wait3A_66 = tpu.memref_slice %arg8[%add3A_52, %dma_wait3A_65] : memref<10240x128xf32, #tpu.memory_space<vmem_shared>> -> memref<128x128xf32, #tpu.memory_space<vmem_shared>>
      tpu.wait_dma2 semaphore(%run_scoped3A : memref<!tpu.dma_semaphore, #tpu.memory_space<semaphore_mem>>) src(%dma_wait3A_66 : memref<128x128xf32, #tpu.memory_space<vmem_shared>>) dst(%arg7 : memref<128x128xf32, #tpu.memory_space<vmem>>)
      tpu.yield
    }) : () -> ()
    %mul3A_53 = arith.constant 10240 : i32
    %mul3A_54 = arith.muli %arg0, %mul3A_53 : i32
    %add3A_55 = arith.addi %mul3A_54, %add3A_52 : i32
    "tpu.region"() ({
      %run_scoped3A = tpu.sem_alloc : memref<!tpu.dma_semaphore, #tpu.memory_space<semaphore_mem>>
      %dma_start3A = arith.constant 0 : i32
      %dma_start3A_61 = tpu.memref_slice %arg4[%add3A_55, %dma_start3A] : memref<20480x128xf32, #tpu.memory_space<hbm>> -> memref<128x128xf32, #tpu.memory_space<hbm>>
      %dma_start3A_62 = arith.constant 0 : i32
      %dma_start3A_63 = tpu.memref_slice %arg4[%add3A_55, %dma_start3A_62] : memref<20480x128xf32, #tpu.memory_space<hbm>> -> memref<128x128xf32, #tpu.memory_space<hbm>>
      tpu.enqueue_dma source(%arg7 : memref<128x128xf32, #tpu.memory_space<vmem>>) target(%dma_start3A_63 : memref<128x128xf32, #tpu.memory_space<hbm>>) target_semaphore(%run_scoped3A : memref<!tpu.dma_semaphore, #tpu.memory_space<semaphore_mem>>)
      %dma_wait3A = arith.constant 0 : i32
      %dma_wait3A_64 = tpu.memref_slice %arg4[%add3A_55, %dma_wait3A] : memref<20480x128xf32, #tpu.memory_space<hbm>> -> memref<128x128xf32, #tpu.memory_space<hbm>>
      %dma_wait3A_65 = arith.constant 0 : i32
      %dma_wait3A_66 = tpu.memref_slice %arg4[%add3A_55, %dma_wait3A_65] : memref<20480x128xf32, #tpu.memory_space<hbm>> -> memref<128x128xf32, #tpu.memory_space<hbm>>
      tpu.wait_dma2 semaphore(%run_scoped3A : memref<!tpu.dma_semaphore, #tpu.memory_space<semaphore_mem>>) src(%arg7 : memref<128x128xf32, #tpu.memory_space<vmem>>) dst(%dma_wait3A_66 : memref<128x128xf32, #tpu.memory_space<hbm>>)
      tpu.yield
    }) : () -> ()
    %add3A_56 = arith.constant 512 : i32
    %add3A_57 = arith.addi %mul3A_8, %add3A_56 : i32
    "tpu.region"() ({
      %run_scoped3A = tpu.sem_alloc : memref<!tpu.dma_semaphore, #tpu.memory_space<semaphore_mem>>
      %dma_start3A = arith.constant 0 : i32
      %dma_start3A_61 = tpu.memref_slice %arg8[%add3A_57, %dma_start3A] : memref<10240x128xf32, #tpu.memory_space<vmem_shared>> -> memref<128x128xf32, #tpu.memory_space<vmem_shared>>
      %dma_start3A_62 = arith.constant 0 : i32
      %dma_start3A_63 = tpu.memref_slice %arg8[%add3A_57, %dma_start3A_62] : memref<10240x128xf32, #tpu.memory_space<vmem_shared>> -> memref<128x128xf32, #tpu.memory_space<vmem_shared>>
      tpu.enqueue_dma source(%dma_start3A_63 : memref<128x128xf32, #tpu.memory_space<vmem_shared>>) target(%arg7 : memref<128x128xf32, #tpu.memory_space<vmem>>) target_semaphore(%run_scoped3A : memref<!tpu.dma_semaphore, #tpu.memory_space<semaphore_mem>>)
      %dma_wait3A = arith.constant 0 : i32
      %dma_wait3A_64 = tpu.memref_slice %arg8[%add3A_57, %dma_wait3A] : memref<10240x128xf32, #tpu.memory_space<vmem_shared>> -> memref<128x128xf32, #tpu.memory_space<vmem_shared>>
      %dma_wait3A_65 = arith.constant 0 : i32
      %dma_wait3A_66 = tpu.memref_slice %arg8[%add3A_57, %dma_wait3A_65] : memref<10240x128xf32, #tpu.memory_space<vmem_shared>> -> memref<128x128xf32, #tpu.memory_space<vmem_shared>>
      tpu.wait_dma2 semaphore(%run_scoped3A : memref<!tpu.dma_semaphore, #tpu.memory_space<semaphore_mem>>) src(%dma_wait3A_66 : memref<128x128xf32, #tpu.memory_space<vmem_shared>>) dst(%arg7 : memref<128x128xf32, #tpu.memory_space<vmem>>)
      tpu.yield
    }) : () -> ()
    %mul3A_58 = arith.constant 10240 : i32
    %mul3A_59 = arith.muli %arg0, %mul3A_58 : i32
    %add3A_60 = arith.addi %mul3A_59, %add3A_57 : i32
    "tpu.region"() ({
      %run_scoped3A = tpu.sem_alloc : memref<!tpu.dma_semaphore, #tpu.memory_space<semaphore_mem>>
      %dma_start3A = arith.constant 0 : i32
      %dma_start3A_61 = tpu.memref_slice %arg4[%add3A_60, %dma_start3A] : memref<20480x128xf32, #tpu.memory_space<hbm>> -> memref<128x128xf32, #tpu.memory_space<hbm>>
      %dma_start3A_62 = arith.constant 0 : i32
      %dma_start3A_63 = tpu.memref_slice %arg4[%add3A_60, %dma_start3A_62] : memref<20480x128xf32, #tpu.memory_space<hbm>> -> memref<128x128xf32, #tpu.memory_space<hbm>>
      tpu.enqueue_dma source(%arg7 : memref<128x128xf32, #tpu.memory_space<vmem>>) target(%dma_start3A_63 : memref<128x128xf32, #tpu.memory_space<hbm>>) target_semaphore(%run_scoped3A : memref<!tpu.dma_semaphore, #tpu.memory_space<semaphore_mem>>)
      %dma_wait3A = arith.constant 0 : i32
      %dma_wait3A_64 = tpu.memref_slice %arg4[%add3A_60, %dma_wait3A] : memref<20480x128xf32, #tpu.memory_space<hbm>> -> memref<128x128xf32, #tpu.memory_space<hbm>>
      %dma_wait3A_65 = arith.constant 0 : i32
      %dma_wait3A_66 = tpu.memref_slice %arg4[%add3A_60, %dma_wait3A_65] : memref<20480x128xf32, #tpu.memory_space<hbm>> -> memref<128x128xf32, #tpu.memory_space<hbm>>
      tpu.wait_dma2 semaphore(%run_scoped3A : memref<!tpu.dma_semaphore, #tpu.memory_space<semaphore_mem>>) src(%arg7 : memref<128x128xf32, #tpu.memory_space<vmem>>) dst(%dma_wait3A_66 : memref<128x128xf32, #tpu.memory_space<hbm>>)
      tpu.yield
    }) : () -> ()
    return
  }
}

#map = affine_map<(d0, d1) -> (0, 0)>
#map1 = affine_map<(d0, d1) -> (0)>
module attributes {stable_mosaic.version = 14 : i64} {
  func.func @body(%arg0: i32, %arg1: i32, %arg2: memref<10240x128xf32, #tpu.memory_space<hbm>>, %arg3: memref<327936xi32, #tpu.memory_space<hbm>>, %arg4: memref<327936xi32, #tpu.memory_space<hbm>>, %arg5: memref<20480x128xf32, #tpu.memory_space<hbm>>, %arg6: memref<128xi32, #tpu.memory_space<vmem>>, %arg7: memref<128xi32, #tpu.memory_space<vmem>>, %arg8: memref<128xi32, #tpu.memory_space<vmem>>, %arg9: memref<128xi32, #tpu.memory_space<vmem>>, %arg10: memref<128x128xf32, #tpu.memory_space<vmem>>, %arg11: memref<128x128xf32, #tpu.memory_space<vmem>>, %arg12: memref<10240x128xf32, #tpu.memory_space<vmem_shared>>, %arg13: memref<!tpu.dma_semaphore, #tpu.memory_space<semaphore_mem>>, %arg14: memref<!tpu.dma_semaphore, #tpu.memory_space<semaphore_mem>>) attributes {dimension_semantics = [#tpu.dimension_semantics<core_parallel>, #tpu.dimension_semantics<subcore_parallel>], iteration_bounds = array<i64: 2, 16>, scalar_prefetch = 0 : i64, scratch_operands = 9 : i64, tpu.core_type = #tpu.core_type<sc_vector_subcore>, window_params = [{transform_indices = #map}, {transform_indices = #map1}, {transform_indices = #map1}, {transform_indices = #map}]} {
    %mul3A = arith.constant 16 : i32
    %mul3A_0 = arith.muli %arg0, %mul3A : i32
    %add3A = arith.addi %mul3A_0, %arg1 : i32
    %scan3A = arith.constant 0 : i32
    %scan3A_1 = arith.constant 0 : i32
    %scan3A_2 = arith.constant 1024 : i32
    %scan3A_3 = arith.addi %scan3A_1, %scan3A_2 : i32
    %scan3A_4 = arith.constant 1 : i32
    %scan3A_5 = scf.for %scan3A_83 = %scan3A_1 to %scan3A_3 step %scan3A_4 iter_args(%scan3A_84 = %scan3A) -> (i32)  : i32 {
      %jit3A_85 = arith.constant 8 : i32
      %div3A = arith.divsi %scan3A_83, %jit3A_85 : i32
      %sign3A = arith.constant 0 : i32
      %sign3A_86 = arith.cmpi sgt, %scan3A_83, %sign3A : i32
      %sign3A_87 = arith.extui %sign3A_86 : i1 to i32
      %sign3A_88 = arith.constant 0 : i32
      %sign3A_89 = arith.cmpi slt, %scan3A_83, %sign3A_88 : i32
      %sign3A_90 = arith.extui %sign3A_89 : i1 to i32
      %sign3A_91 = arith.subi %sign3A_87, %sign3A_90 : i32
      %sign3A_92 = arith.constant 0 : i32
      %sign3A_93 = arith.cmpi sgt, %jit3A_85, %sign3A_92 : i32
      %sign3A_94 = arith.extui %sign3A_93 : i1 to i32
      %sign3A_95 = arith.constant 0 : i32
      %sign3A_96 = arith.cmpi slt, %jit3A_85, %sign3A_95 : i32
      %sign3A_97 = arith.extui %sign3A_96 : i1 to i32
      %sign3A_98 = arith.subi %sign3A_94, %sign3A_97 : i32
      %ne3A = arith.cmpi ne, %sign3A_91, %sign3A_98 : i32
      %rem3A = arith.remsi %scan3A_83, %jit3A_85 : i32
      %ne3A_99 = arith.constant 0 : i32
      %ne3A_100 = arith.cmpi ne, %rem3A, %ne3A_99 : i32
      %and3A = arith.andi %ne3A, %ne3A_100 : i1
      %sub3A = arith.constant 1 : i32
      %sub3A_101 = arith.subi %div3A, %sub3A : i32
      %select_n3A_102 = arith.select %and3A, %sub3A_101, %div3A : i32
      %jit3A_103 = arith.constant 8 : i32
      %eq3A_104 = arith.constant 0 : i32
      %eq3A_105 = arith.cmpi eq, %jit3A_103, %eq3A_104 : i32
      %jit3A_106 = arith.constant 1 : i32
      %select_n3A_107 = arith.select %eq3A_105, %jit3A_106, %jit3A_103 : i32
      %rem3A_108 = arith.remsi %scan3A_83, %select_n3A_107 : i32
      %ne3A_109 = arith.constant 0 : i32
      %ne3A_110 = arith.cmpi ne, %rem3A_108, %ne3A_109 : i32
      %lt3A = arith.constant 0 : i32
      %lt3A_111 = arith.cmpi slt, %rem3A_108, %lt3A : i32
      %lt3A_112 = arith.constant 0 : i32
      %lt3A_113 = arith.cmpi slt, %select_n3A_107, %lt3A_112 : i32
      %ne3A_114 = arith.xori %lt3A_111, %lt3A_113 : i1
      %and3A_115 = arith.andi %ne3A_114, %ne3A_110 : i1
      %add3A_116 = arith.addi %rem3A_108, %select_n3A_107 : i32
      %select_n3A_117 = arith.select %and3A_115, %add3A_116, %rem3A_108 : i32
      %mul3A_118 = arith.constant 16 : i32
      %mul3A_119 = arith.muli %select_n3A_117, %mul3A_118 : i32
      %broadcast_in_dim3A = arith.constant 0.000000e+00 : f32
      %broadcast_in_dim3A_120 = vector.broadcast %broadcast_in_dim3A : f32 to vector<16xf32>
      %swap3A = arith.index_cast %select_n3A_102 : i32 to index
      %swap3A_121 = arith.index_cast %mul3A_119 : i32 to index
      %swap3A_122 = tpu.vector_load %arg10[%swap3A, %swap3A_121] {strides = array<i32>} : memref<128x128xf32, #tpu.memory_space<vmem>>, vector<1x16xf32>,
      %swap3A_123 = vector.shape_cast %swap3A_122 : vector<1x16xf32> to vector<16xf32>
      %swap3A_124 = vector.shape_cast %broadcast_in_dim3A_120 : vector<16xf32> to vector<1x16xf32>
      tpu.vector_store %arg10[%swap3A, %swap3A_121], %swap3A_124 {strides = array<i32>} : memref<128x128xf32, #tpu.memory_space<vmem>>, vector<1x16xf32>,
      %scan3A_125 = arith.constant 0 : i32
      scf.yield %scan3A_125 : i32
    }
    %scan3A_6 = arith.constant 1024 : i32
    %mul3A_7 = arith.constant 640 : i32
    %mul3A_8 = arith.muli %arg1, %mul3A_7 : i32
    %add3A_9 = arith.constant 0 : i32
    %add3A_10 = arith.addi %mul3A_8, %add3A_9 : i32
    "tpu.region"() ({
      %run_scoped3A = tpu.sem_alloc : memref<!tpu.dma_semaphore, #tpu.memory_space<semaphore_mem>>
      %dma_start3A_83 = arith.constant 0 : i32
      %dma_start3A_84 = tpu.memref_slice %arg12[%add3A_10, %dma_start3A_83] : memref<10240x128xf32, #tpu.memory_space<vmem_shared>> -> memref<128x128xf32, #tpu.memory_space<vmem_shared>>
      %dma_start3A_85 = arith.constant 0 : i32
      %dma_start3A_86 = tpu.memref_slice %arg12[%add3A_10, %dma_start3A_85] : memref<10240x128xf32, #tpu.memory_space<vmem_shared>> -> memref<128x128xf32, #tpu.memory_space<vmem_shared>>
      tpu.enqueue_dma source(%arg10 : memref<128x128xf32, #tpu.memory_space<vmem>>) target(%dma_start3A_86 : memref<128x128xf32, #tpu.memory_space<vmem_shared>>) target_semaphore(%run_scoped3A : memref<!tpu.dma_semaphore, #tpu.memory_space<semaphore_mem>>)
      %dma_wait3A_87 = arith.constant 0 : i32
      %dma_wait3A_88 = tpu.memref_slice %arg12[%add3A_10, %dma_wait3A_87] : memref<10240x128xf32, #tpu.memory_space<vmem_shared>> -> memref<128x128xf32, #tpu.memory_space<vmem_shared>>
      %dma_wait3A_89 = arith.constant 0 : i32
      %dma_wait3A_90 = tpu.memref_slice %arg12[%add3A_10, %dma_wait3A_89] : memref<10240x128xf32, #tpu.memory_space<vmem_shared>> -> memref<128x128xf32, #tpu.memory_space<vmem_shared>>
      tpu.wait_dma2 semaphore(%run_scoped3A : memref<!tpu.dma_semaphore, #tpu.memory_space<semaphore_mem>>) src(%arg10 : memref<128x128xf32, #tpu.memory_space<vmem>>) dst(%dma_wait3A_90 : memref<128x128xf32, #tpu.memory_space<vmem_shared>>)
      tpu.yield
    }) : () -> ()
    %add3A_11 = arith.constant 128 : i32
    %add3A_12 = arith.addi %mul3A_8, %add3A_11 : i32
    "tpu.region"() ({
      %run_scoped3A = tpu.sem_alloc : memref<!tpu.dma_semaphore, #tpu.memory_space<semaphore_mem>>
      %dma_start3A_83 = arith.constant 0 : i32
      %dma_start3A_84 = tpu.memref_slice %arg12[%add3A_12, %dma_start3A_83] : memref<10240x128xf32, #tpu.memory_space<vmem_shared>> -> memref<128x128xf32, #tpu.memory_space<vmem_shared>>
      %dma_start3A_85 = arith.constant 0 : i32
      %dma_start3A_86 = tpu.memref_slice %arg12[%add3A_12, %dma_start3A_85] : memref<10240x128xf32, #tpu.memory_space<vmem_shared>> -> memref<128x128xf32, #tpu.memory_space<vmem_shared>>
      tpu.enqueue_dma source(%arg10 : memref<128x128xf32, #tpu.memory_space<vmem>>) target(%dma_start3A_86 : memref<128x128xf32, #tpu.memory_space<vmem_shared>>) target_semaphore(%run_scoped3A : memref<!tpu.dma_semaphore, #tpu.memory_space<semaphore_mem>>)
      %dma_wait3A_87 = arith.constant 0 : i32
      %dma_wait3A_88 = tpu.memref_slice %arg12[%add3A_12, %dma_wait3A_87] : memref<10240x128xf32, #tpu.memory_space<vmem_shared>> -> memref<128x128xf32, #tpu.memory_space<vmem_shared>>
      %dma_wait3A_89 = arith.constant 0 : i32
      %dma_wait3A_90 = tpu.memref_slice %arg12[%add3A_12, %dma_wait3A_89] : memref<10240x128xf32, #tpu.memory_space<vmem_shared>> -> memref<128x128xf32, #tpu.memory_space<vmem_shared>>
      tpu.wait_dma2 semaphore(%run_scoped3A : memref<!tpu.dma_semaphore, #tpu.memory_space<semaphore_mem>>) src(%arg10 : memref<128x128xf32, #tpu.memory_space<vmem>>) dst(%dma_wait3A_90 : memref<128x128xf32, #tpu.memory_space<vmem_shared>>)
      tpu.yield
    }) : () -> ()
    %add3A_13 = arith.constant 256 : i32
    %add3A_14 = arith.addi %mul3A_8, %add3A_13 : i32
    "tpu.region"() ({
      %run_scoped3A = tpu.sem_alloc : memref<!tpu.dma_semaphore, #tpu.memory_space<semaphore_mem>>
      %dma_start3A_83 = arith.constant 0 : i32
      %dma_start3A_84 = tpu.memref_slice %arg12[%add3A_14, %dma_start3A_83] : memref<10240x128xf32, #tpu.memory_space<vmem_shared>> -> memref<128x128xf32, #tpu.memory_space<vmem_shared>>
      %dma_start3A_85 = arith.constant 0 : i32
      %dma_start3A_86 = tpu.memref_slice %arg12[%add3A_14, %dma_start3A_85] : memref<10240x128xf32, #tpu.memory_space<vmem_shared>> -> memref<128x128xf32, #tpu.memory_space<vmem_shared>>
      tpu.enqueue_dma source(%arg10 : memref<128x128xf32, #tpu.memory_space<vmem>>) target(%dma_start3A_86 : memref<128x128xf32, #tpu.memory_space<vmem_shared>>) target_semaphore(%run_scoped3A : memref<!tpu.dma_semaphore, #tpu.memory_space<semaphore_mem>>)
      %dma_wait3A_87 = arith.constant 0 : i32
      %dma_wait3A_88 = tpu.memref_slice %arg12[%add3A_14, %dma_wait3A_87] : memref<10240x128xf32, #tpu.memory_space<vmem_shared>> -> memref<128x128xf32, #tpu.memory_space<vmem_shared>>
      %dma_wait3A_89 = arith.constant 0 : i32
      %dma_wait3A_90 = tpu.memref_slice %arg12[%add3A_14, %dma_wait3A_89] : memref<10240x128xf32, #tpu.memory_space<vmem_shared>> -> memref<128x128xf32, #tpu.memory_space<vmem_shared>>
      tpu.wait_dma2 semaphore(%run_scoped3A : memref<!tpu.dma_semaphore, #tpu.memory_space<semaphore_mem>>) src(%arg10 : memref<128x128xf32, #tpu.memory_space<vmem>>) dst(%dma_wait3A_90 : memref<128x128xf32, #tpu.memory_space<vmem_shared>>)
      tpu.yield
    }) : () -> ()
    %add3A_15 = arith.constant 384 : i32
    %add3A_16 = arith.addi %mul3A_8, %add3A_15 : i32
    "tpu.region"() ({
      %run_scoped3A = tpu.sem_alloc : memref<!tpu.dma_semaphore, #tpu.memory_space<semaphore_mem>>
      %dma_start3A_83 = arith.constant 0 : i32
      %dma_start3A_84 = tpu.memref_slice %arg12[%add3A_16, %dma_start3A_83] : memref<10240x128xf32, #tpu.memory_space<vmem_shared>> -> memref<128x128xf32, #tpu.memory_space<vmem_shared>>
      %dma_start3A_85 = arith.constant 0 : i32
      %dma_start3A_86 = tpu.memref_slice %arg12[%add3A_16, %dma_start3A_85] : memref<10240x128xf32, #tpu.memory_space<vmem_shared>> -> memref<128x128xf32, #tpu.memory_space<vmem_shared>>
      tpu.enqueue_dma source(%arg10 : memref<128x128xf32, #tpu.memory_space<vmem>>) target(%dma_start3A_86 : memref<128x128xf32, #tpu.memory_space<vmem_shared>>) target_semaphore(%run_scoped3A : memref<!tpu.dma_semaphore, #tpu.memory_space<semaphore_mem>>)
      %dma_wait3A_87 = arith.constant 0 : i32
      %dma_wait3A_88 = tpu.memref_slice %arg12[%add3A_16, %dma_wait3A_87] : memref<10240x128xf32, #tpu.memory_space<vmem_shared>> -> memref<128x128xf32, #tpu.memory_space<vmem_shared>>
      %dma_wait3A_89 = arith.constant 0 : i32
      %dma_wait3A_90 = tpu.memref_slice %arg12[%add3A_16, %dma_wait3A_89] : memref<10240x128xf32, #tpu.memory_space<vmem_shared>> -> memref<128x128xf32, #tpu.memory_space<vmem_shared>>
      tpu.wait_dma2 semaphore(%run_scoped3A : memref<!tpu.dma_semaphore, #tpu.memory_space<semaphore_mem>>) src(%arg10 : memref<128x128xf32, #tpu.memory_space<vmem>>) dst(%dma_wait3A_90 : memref<128x128xf32, #tpu.memory_space<vmem_shared>>)
      tpu.yield
    }) : () -> ()
    %add3A_17 = arith.constant 512 : i32
    %add3A_18 = arith.addi %mul3A_8, %add3A_17 : i32
    "tpu.region"() ({
      %run_scoped3A = tpu.sem_alloc : memref<!tpu.dma_semaphore, #tpu.memory_space<semaphore_mem>>
      %dma_start3A_83 = arith.constant 0 : i32
      %dma_start3A_84 = tpu.memref_slice %arg12[%add3A_18, %dma_start3A_83] : memref<10240x128xf32, #tpu.memory_space<vmem_shared>> -> memref<128x128xf32, #tpu.memory_space<vmem_shared>>
      %dma_start3A_85 = arith.constant 0 : i32
      %dma_start3A_86 = tpu.memref_slice %arg12[%add3A_18, %dma_start3A_85] : memref<10240x128xf32, #tpu.memory_space<vmem_shared>> -> memref<128x128xf32, #tpu.memory_space<vmem_shared>>
      tpu.enqueue_dma source(%arg10 : memref<128x128xf32, #tpu.memory_space<vmem>>) target(%dma_start3A_86 : memref<128x128xf32, #tpu.memory_space<vmem_shared>>) target_semaphore(%run_scoped3A : memref<!tpu.dma_semaphore, #tpu.memory_space<semaphore_mem>>)
      %dma_wait3A_87 = arith.constant 0 : i32
      %dma_wait3A_88 = tpu.memref_slice %arg12[%add3A_18, %dma_wait3A_87] : memref<10240x128xf32, #tpu.memory_space<vmem_shared>> -> memref<128x128xf32, #tpu.memory_space<vmem_shared>>
      %dma_wait3A_89 = arith.constant 0 : i32
      %dma_wait3A_90 = tpu.memref_slice %arg12[%add3A_18, %dma_wait3A_89] : memref<10240x128xf32, #tpu.memory_space<vmem_shared>> -> memref<128x128xf32, #tpu.memory_space<vmem_shared>>
      tpu.wait_dma2 semaphore(%run_scoped3A : memref<!tpu.dma_semaphore, #tpu.memory_space<semaphore_mem>>) src(%arg10 : memref<128x128xf32, #tpu.memory_space<vmem>>) dst(%dma_wait3A_90 : memref<128x128xf32, #tpu.memory_space<vmem_shared>>)
      tpu.yield
    }) : () -> ()
    %barrier3A = arith.constant 0 : index
    tpu.barrier barrier_id(%barrier3A)
    %eq3A = arith.constant 0 : i32
    %eq3A_19 = arith.cmpi eq, %arg0, %eq3A : i32
    %mul3A_20 = arith.constant 40 : i32
    %mul3A_21 = arith.muli %arg1, %mul3A_20 : i32
    %mul3A_22 = arith.constant 120 : i32
    %mul3A_23 = arith.muli %arg1, %mul3A_22 : i32
    %add3A_24 = arith.constant 640 : i32
    %add3A_25 = arith.addi %add3A_24, %mul3A_23 : i32
    %select_n3A = arith.select %eq3A_19, %mul3A_21, %add3A_25 : i32
    %mul3A_26 = arith.constant 128 : i32
    %mul3A_27 = arith.muli %select_n3A, %mul3A_26 : i32
    %eq3A_28 = arith.constant 0 : i32
    %eq3A_29 = arith.cmpi eq, %arg0, %eq3A_28 : i32
    %jit3A = arith.constant 20 : i32
    %jit3A_30 = arith.constant 60 : i32
    %select_n3A_31 = arith.select %eq3A_29, %jit3A, %jit3A_30 : i32
    %add3A_32 = arith.constant 0 : i32
    %add3A_33 = arith.addi %mul3A_27, %add3A_32 : i32
    "tpu.region"() ({
      %run_scoped3A = tpu.sem_alloc : memref<!tpu.dma_semaphore, #tpu.memory_space<semaphore_mem>>
      %dma_start3A_83 = tpu.memref_slice %arg3[%add3A_33] : memref<327936xi32, #tpu.memory_space<hbm>> -> memref<128xi32, #tpu.memory_space<hbm>>
      %dma_start3A_84 = tpu.memref_slice %arg3[%add3A_33] : memref<327936xi32, #tpu.memory_space<hbm>> -> memref<128xi32, #tpu.memory_space<hbm>>
      tpu.enqueue_dma source(%dma_start3A_84 : memref<128xi32, #tpu.memory_space<hbm>>) target(%arg6 : memref<128xi32, #tpu.memory_space<vmem>>) target_semaphore(%run_scoped3A : memref<!tpu.dma_semaphore, #tpu.memory_space<semaphore_mem>>)
      %dma_wait3A_85 = tpu.memref_slice %arg3[%add3A_33] : memref<327936xi32, #tpu.memory_space<hbm>> -> memref<128xi32, #tpu.memory_space<hbm>>
      %dma_wait3A_86 = tpu.memref_slice %arg3[%add3A_33] : memref<327936xi32, #tpu.memory_space<hbm>> -> memref<128xi32, #tpu.memory_space<hbm>>
      tpu.wait_dma2 semaphore(%run_scoped3A : memref<!tpu.dma_semaphore, #tpu.memory_space<semaphore_mem>>) src(%dma_wait3A_86 : memref<128xi32, #tpu.memory_space<hbm>>) dst(%arg6 : memref<128xi32, #tpu.memory_space<vmem>>)
      tpu.yield
    }) : () -> ()
    "tpu.region"() ({
      %run_scoped3A = tpu.sem_alloc : memref<!tpu.dma_semaphore, #tpu.memory_space<semaphore_mem>>
      %dma_start3A_83 = tpu.memref_slice %arg4[%add3A_33] : memref<327936xi32, #tpu.memory_space<hbm>> -> memref<128xi32, #tpu.memory_space<hbm>>
      %dma_start3A_84 = tpu.memref_slice %arg4[%add3A_33] : memref<327936xi32, #tpu.memory_space<hbm>> -> memref<128xi32, #tpu.memory_space<hbm>>
      tpu.enqueue_dma source(%dma_start3A_84 : memref<128xi32, #tpu.memory_space<hbm>>) target(%arg8 : memref<128xi32, #tpu.memory_space<vmem>>) target_semaphore(%run_scoped3A : memref<!tpu.dma_semaphore, #tpu.memory_space<semaphore_mem>>)
      %dma_wait3A_85 = tpu.memref_slice %arg4[%add3A_33] : memref<327936xi32, #tpu.memory_space<hbm>> -> memref<128xi32, #tpu.memory_space<hbm>>
      %dma_wait3A_86 = tpu.memref_slice %arg4[%add3A_33] : memref<327936xi32, #tpu.memory_space<hbm>> -> memref<128xi32, #tpu.memory_space<hbm>>
      tpu.wait_dma2 semaphore(%run_scoped3A : memref<!tpu.dma_semaphore, #tpu.memory_space<semaphore_mem>>) src(%dma_wait3A_86 : memref<128xi32, #tpu.memory_space<hbm>>) dst(%arg8 : memref<128xi32, #tpu.memory_space<vmem>>)
      tpu.yield
    }) : () -> ()
    %dma_start3A = arith.constant 0 : i32
    %dma_start3A_34 = arith.constant 0 : i32
    %dma_start3A_35 = tpu.memref_slice %arg2[%dma_start3A, %dma_start3A_34] : memref<10240x128xf32, #tpu.memory_space<hbm>> -> memref<10240x128xf32, #tpu.memory_space<hbm>>
    tpu.enqueue_indirect_dma source(%dma_start3A_35 : memref<10240x128xf32, #tpu.memory_space<hbm>>) target(%arg10 : memref<128x128xf32, #tpu.memory_space<vmem>>) offsets(%arg6 : memref<128xi32, #tpu.memory_space<vmem>>) semaphore(%arg13 : memref<!tpu.dma_semaphore, #tpu.memory_space<semaphore_mem>>)
    %add3A_36 = arith.constant 128 : i32
    %add3A_37 = arith.addi %mul3A_27, %add3A_36 : i32
    "tpu.region"() ({
      %run_scoped3A = tpu.sem_alloc : memref<!tpu.dma_semaphore, #tpu.memory_space<semaphore_mem>>
      %dma_start3A_83 = tpu.memref_slice %arg3[%add3A_37] : memref<327936xi32, #tpu.memory_space<hbm>> -> memref<128xi32, #tpu.memory_space<hbm>>
      %dma_start3A_84 = tpu.memref_slice %arg3[%add3A_37] : memref<327936xi32, #tpu.memory_space<hbm>> -> memref<128xi32, #tpu.memory_space<hbm>>
      tpu.enqueue_dma source(%dma_start3A_84 : memref<128xi32, #tpu.memory_space<hbm>>) target(%arg7 : memref<128xi32, #tpu.memory_space<vmem>>) target_semaphore(%run_scoped3A : memref<!tpu.dma_semaphore, #tpu.memory_space<semaphore_mem>>)
      %dma_wait3A_85 = tpu.memref_slice %arg3[%add3A_37] : memref<327936xi32, #tpu.memory_space<hbm>> -> memref<128xi32, #tpu.memory_space<hbm>>
      %dma_wait3A_86 = tpu.memref_slice %arg3[%add3A_37] : memref<327936xi32, #tpu.memory_space<hbm>> -> memref<128xi32, #tpu.memory_space<hbm>>
      tpu.wait_dma2 semaphore(%run_scoped3A : memref<!tpu.dma_semaphore, #tpu.memory_space<semaphore_mem>>) src(%dma_wait3A_86 : memref<128xi32, #tpu.memory_space<hbm>>) dst(%arg7 : memref<128xi32, #tpu.memory_space<vmem>>)
      tpu.yield
    }) : () -> ()
    "tpu.region"() ({
      %run_scoped3A = tpu.sem_alloc : memref<!tpu.dma_semaphore, #tpu.memory_space<semaphore_mem>>
      %dma_start3A_83 = tpu.memref_slice %arg4[%add3A_37] : memref<327936xi32, #tpu.memory_space<hbm>> -> memref<128xi32, #tpu.memory_space<hbm>>
      %dma_start3A_84 = tpu.memref_slice %arg4[%add3A_37] : memref<327936xi32, #tpu.memory_space<hbm>> -> memref<128xi32, #tpu.memory_space<hbm>>
      tpu.enqueue_dma source(%dma_start3A_84 : memref<128xi32, #tpu.memory_space<hbm>>) target(%arg9 : memref<128xi32, #tpu.memory_space<vmem>>) target_semaphore(%run_scoped3A : memref<!tpu.dma_semaphore, #tpu.memory_space<semaphore_mem>>)
      %dma_wait3A_85 = tpu.memref_slice %arg4[%add3A_37] : memref<327936xi32, #tpu.memory_space<hbm>> -> memref<128xi32, #tpu.memory_space<hbm>>
      %dma_wait3A_86 = tpu.memref_slice %arg4[%add3A_37] : memref<327936xi32, #tpu.memory_space<hbm>> -> memref<128xi32, #tpu.memory_space<hbm>>
      tpu.wait_dma2 semaphore(%run_scoped3A : memref<!tpu.dma_semaphore, #tpu.memory_space<semaphore_mem>>) src(%dma_wait3A_86 : memref<128xi32, #tpu.memory_space<hbm>>) dst(%arg9 : memref<128xi32, #tpu.memory_space<vmem>>)
      tpu.yield
    }) : () -> ()
    %dma_start3A_38 = arith.constant 0 : i32
    %dma_start3A_39 = arith.constant 0 : i32
    %dma_start3A_40 = tpu.memref_slice %arg2[%dma_start3A_38, %dma_start3A_39] : memref<10240x128xf32, #tpu.memory_space<hbm>> -> memref<10240x128xf32, #tpu.memory_space<hbm>>
    tpu.enqueue_indirect_dma source(%dma_start3A_40 : memref<10240x128xf32, #tpu.memory_space<hbm>>) target(%arg11 : memref<128x128xf32, #tpu.memory_space<vmem>>) offsets(%arg7 : memref<128xi32, #tpu.memory_space<vmem>>) semaphore(%arg14 : memref<!tpu.dma_semaphore, #tpu.memory_space<semaphore_mem>>)
    %while3A = arith.constant 0 : i32
    %while3A_41 = arith.constant 0 : i32
    %while3A_42 = arith.subi %select_n3A_31, %while3A : i32
    %while3A_43 = arith.addi %while3A, %while3A_42 : i32
    %while3A_44 = arith.constant 1 : i32
    %while3A_45 = arith.divsi %while3A_42, %while3A_44 : i32
    %while3A_46 = arith.muli %while3A_45, %while3A_44 : i32
    %while3A_47 = arith.addi %while3A, %while3A_46 : i32
    %while3A_48 = arith.constant 1 : i32
    %while3A_49 = scf.for %while3A_83 = %while3A to %while3A_47 step %while3A_48 iter_args(%while3A_84 = %while3A_41) -> (i32)  : i32 {
      %mul3A_85 = arith.constant 2 : i32
      %mul3A_86 = arith.muli %mul3A_85, %while3A_83 : i32
      %dma_wait3A_87 = arith.constant 0 : i32
      %dma_wait3A_88 = arith.constant 0 : i32
      %dma_wait3A_89 = tpu.memref_slice %arg2[%dma_wait3A_87, %dma_wait3A_88] : memref<10240x128xf32, #tpu.memory_space<hbm>> -> memref<10240x128xf32, #tpu.memory_space<hbm>>
      tpu.wait_indirect_dma semaphore(%arg13 : memref<!tpu.dma_semaphore, #tpu.memory_space<semaphore_mem>>) src(%dma_wait3A_89 : memref<10240x128xf32, #tpu.memory_space<hbm>>) dst(%arg10 : memref<128x128xf32, #tpu.memory_space<vmem>>)
      "tpu.region"() ({
        %run_scoped3A = tpu.sem_alloc : memref<!tpu.dma_semaphore, #tpu.memory_space<semaphore_mem>>
        %dma_start3A_114 = arith.constant 0 : i32
        %dma_start3A_115 = arith.constant 0 : i32
        %dma_start3A_116 = tpu.memref_slice %arg12[%dma_start3A_114, %dma_start3A_115] : memref<10240x128xf32, #tpu.memory_space<vmem_shared>> -> memref<10240x128xf32, #tpu.memory_space<vmem_shared>>
        tpu.enqueue_indirect_dma source(%arg10 : memref<128x128xf32, #tpu.memory_space<vmem>>) target(%dma_start3A_116 : memref<10240x128xf32, #tpu.memory_space<vmem_shared>>) offsets(%arg8 : memref<128xi32, #tpu.memory_space<vmem>>) semaphore(%run_scoped3A : memref<!tpu.dma_semaphore, #tpu.memory_space<semaphore_mem>>) {add = true}
        %dma_wait3A_117 = arith.constant 0 : i32
        %dma_wait3A_118 = arith.constant 0 : i32
        %dma_wait3A_119 = tpu.memref_slice %arg12[%dma_wait3A_117, %dma_wait3A_118] : memref<10240x128xf32, #tpu.memory_space<vmem_shared>> -> memref<10240x128xf32, #tpu.memory_space<vmem_shared>>
        tpu.wait_indirect_dma semaphore(%run_scoped3A : memref<!tpu.dma_semaphore, #tpu.memory_space<semaphore_mem>>) src(%arg10 : memref<128x128xf32, #tpu.memory_space<vmem>>) dst(%dma_wait3A_119 : memref<10240x128xf32, #tpu.memory_space<vmem_shared>>)
        tpu.yield
      }) : () -> ()
      %add3A_90 = arith.constant 0 : i32
      %add3A_91 = arith.addi %mul3A_86, %add3A_90 : i32
      %add3A_92 = arith.constant 2 : i32
      %add3A_93 = arith.addi %add3A_91, %add3A_92 : i32
      %mul3A_94 = arith.constant 128 : i32
      %mul3A_95 = arith.muli %add3A_93, %mul3A_94 : i32
      %add3A_96 = arith.addi %mul3A_27, %mul3A_95 : i32
      "tpu.region"() ({
        %run_scoped3A = tpu.sem_alloc : memref<!tpu.dma_semaphore, #tpu.memory_space<semaphore_mem>>
        %dma_start3A_114 = tpu.memref_slice %arg3[%add3A_96] : memref<327936xi32, #tpu.memory_space<hbm>> -> memref<128xi32, #tpu.memory_space<hbm>>
        %dma_start3A_115 = tpu.memref_slice %arg3[%add3A_96] : memref<327936xi32, #tpu.memory_space<hbm>> -> memref<128xi32, #tpu.memory_space<hbm>>
        tpu.enqueue_dma source(%dma_start3A_115 : memref<128xi32, #tpu.memory_space<hbm>>) target(%arg6 : memref<128xi32, #tpu.memory_space<vmem>>) target_semaphore(%run_scoped3A : memref<!tpu.dma_semaphore, #tpu.memory_space<semaphore_mem>>)
        %dma_wait3A_116 = tpu.memref_slice %arg3[%add3A_96] : memref<327936xi32, #tpu.memory_space<hbm>> -> memref<128xi32, #tpu.memory_space<hbm>>
        %dma_wait3A_117 = tpu.memref_slice %arg3[%add3A_96] : memref<327936xi32, #tpu.memory_space<hbm>> -> memref<128xi32, #tpu.memory_space<hbm>>
        tpu.wait_dma2 semaphore(%run_scoped3A : memref<!tpu.dma_semaphore, #tpu.memory_space<semaphore_mem>>) src(%dma_wait3A_117 : memref<128xi32, #tpu.memory_space<hbm>>) dst(%arg6 : memref<128xi32, #tpu.memory_space<vmem>>)
        tpu.yield
      }) : () -> ()
      "tpu.region"() ({
        %run_scoped3A = tpu.sem_alloc : memref<!tpu.dma_semaphore, #tpu.memory_space<semaphore_mem>>
        %dma_start3A_114 = tpu.memref_slice %arg4[%add3A_96] : memref<327936xi32, #tpu.memory_space<hbm>> -> memref<128xi32, #tpu.memory_space<hbm>>
        %dma_start3A_115 = tpu.memref_slice %arg4[%add3A_96] : memref<327936xi32, #tpu.memory_space<hbm>> -> memref<128xi32, #tpu.memory_space<hbm>>
        tpu.enqueue_dma source(%dma_start3A_115 : memref<128xi32, #tpu.memory_space<hbm>>) target(%arg8 : memref<128xi32, #tpu.memory_space<vmem>>) target_semaphore(%run_scoped3A : memref<!tpu.dma_semaphore, #tpu.memory_space<semaphore_mem>>)
        %dma_wait3A_116 = tpu.memref_slice %arg4[%add3A_96] : memref<327936xi32, #tpu.memory_space<hbm>> -> memref<128xi32, #tpu.memory_space<hbm>>
        %dma_wait3A_117 = tpu.memref_slice %arg4[%add3A_96] : memref<327936xi32, #tpu.memory_space<hbm>> -> memref<128xi32, #tpu.memory_space<hbm>>
        tpu.wait_dma2 semaphore(%run_scoped3A : memref<!tpu.dma_semaphore, #tpu.memory_space<semaphore_mem>>) src(%dma_wait3A_117 : memref<128xi32, #tpu.memory_space<hbm>>) dst(%arg8 : memref<128xi32, #tpu.memory_space<vmem>>)
        tpu.yield
      }) : () -> ()
      %dma_start3A_97 = arith.constant 0 : i32
      %dma_start3A_98 = arith.constant 0 : i32
      %dma_start3A_99 = tpu.memref_slice %arg2[%dma_start3A_97, %dma_start3A_98] : memref<10240x128xf32, #tpu.memory_space<hbm>> -> memref<10240x128xf32, #tpu.memory_space<hbm>>
      tpu.enqueue_indirect_dma source(%dma_start3A_99 : memref<10240x128xf32, #tpu.memory_space<hbm>>) target(%arg10 : memref<128x128xf32, #tpu.memory_space<vmem>>) offsets(%arg6 : memref<128xi32, #tpu.memory_space<vmem>>) semaphore(%arg13 : memref<!tpu.dma_semaphore, #tpu.memory_space<semaphore_mem>>)
      %dma_wait3A_100 = arith.constant 0 : i32
      %dma_wait3A_101 = arith.constant 0 : i32
      %dma_wait3A_102 = tpu.memref_slice %arg2[%dma_wait3A_100, %dma_wait3A_101] : memref<10240x128xf32, #tpu.memory_space<hbm>> -> memref<10240x128xf32, #tpu.memory_space<hbm>>
      tpu.wait_indirect_dma semaphore(%arg14 : memref<!tpu.dma_semaphore, #tpu.memory_space<semaphore_mem>>) src(%dma_wait3A_102 : memref<10240x128xf32, #tpu.memory_space<hbm>>) dst(%arg11 : memref<128x128xf32, #tpu.memory_space<vmem>>)
      "tpu.region"() ({
        %run_scoped3A = tpu.sem_alloc : memref<!tpu.dma_semaphore, #tpu.memory_space<semaphore_mem>>
        %dma_start3A_114 = arith.constant 0 : i32
        %dma_start3A_115 = arith.constant 0 : i32
        %dma_start3A_116 = tpu.memref_slice %arg12[%dma_start3A_114, %dma_start3A_115] : memref<10240x128xf32, #tpu.memory_space<vmem_shared>> -> memref<10240x128xf32, #tpu.memory_space<vmem_shared>>
        tpu.enqueue_indirect_dma source(%arg11 : memref<128x128xf32, #tpu.memory_space<vmem>>) target(%dma_start3A_116 : memref<10240x128xf32, #tpu.memory_space<vmem_shared>>) offsets(%arg9 : memref<128xi32, #tpu.memory_space<vmem>>) semaphore(%run_scoped3A : memref<!tpu.dma_semaphore, #tpu.memory_space<semaphore_mem>>) {add = true}
        %dma_wait3A_117 = arith.constant 0 : i32
        %dma_wait3A_118 = arith.constant 0 : i32
        %dma_wait3A_119 = tpu.memref_slice %arg12[%dma_wait3A_117, %dma_wait3A_118] : memref<10240x128xf32, #tpu.memory_space<vmem_shared>> -> memref<10240x128xf32, #tpu.memory_space<vmem_shared>>
        tpu.wait_indirect_dma semaphore(%run_scoped3A : memref<!tpu.dma_semaphore, #tpu.memory_space<semaphore_mem>>) src(%arg11 : memref<128x128xf32, #tpu.memory_space<vmem>>) dst(%dma_wait3A_119 : memref<10240x128xf32, #tpu.memory_space<vmem_shared>>)
        tpu.yield
      }) : () -> ()
      %add3A_103 = arith.constant 1 : i32
      %add3A_104 = arith.addi %mul3A_86, %add3A_103 : i32
      %add3A_105 = arith.constant 2 : i32
      %add3A_106 = arith.addi %add3A_104, %add3A_105 : i32
      %mul3A_107 = arith.constant 128 : i32
      %mul3A_108 = arith.muli %add3A_106, %mul3A_107 : i32
      %add3A_109 = arith.addi %mul3A_27, %mul3A_108 : i32
      "tpu.region"() ({
        %run_scoped3A = tpu.sem_alloc : memref<!tpu.dma_semaphore, #tpu.memory_space<semaphore_mem>>
        %dma_start3A_114 = tpu.memref_slice %arg3[%add3A_109] : memref<327936xi32, #tpu.memory_space<hbm>> -> memref<128xi32, #tpu.memory_space<hbm>>
        %dma_start3A_115 = tpu.memref_slice %arg3[%add3A_109] : memref<327936xi32, #tpu.memory_space<hbm>> -> memref<128xi32, #tpu.memory_space<hbm>>
        tpu.enqueue_dma source(%dma_start3A_115 : memref<128xi32, #tpu.memory_space<hbm>>) target(%arg7 : memref<128xi32, #tpu.memory_space<vmem>>) target_semaphore(%run_scoped3A : memref<!tpu.dma_semaphore, #tpu.memory_space<semaphore_mem>>)
        %dma_wait3A_116 = tpu.memref_slice %arg3[%add3A_109] : memref<327936xi32, #tpu.memory_space<hbm>> -> memref<128xi32, #tpu.memory_space<hbm>>
        %dma_wait3A_117 = tpu.memref_slice %arg3[%add3A_109] : memref<327936xi32, #tpu.memory_space<hbm>> -> memref<128xi32, #tpu.memory_space<hbm>>
        tpu.wait_dma2 semaphore(%run_scoped3A : memref<!tpu.dma_semaphore, #tpu.memory_space<semaphore_mem>>) src(%dma_wait3A_117 : memref<128xi32, #tpu.memory_space<hbm>>) dst(%arg7 : memref<128xi32, #tpu.memory_space<vmem>>)
        tpu.yield
      }) : () -> ()
      "tpu.region"() ({
        %run_scoped3A = tpu.sem_alloc : memref<!tpu.dma_semaphore, #tpu.memory_space<semaphore_mem>>
        %dma_start3A_114 = tpu.memref_slice %arg4[%add3A_109] : memref<327936xi32, #tpu.memory_space<hbm>> -> memref<128xi32, #tpu.memory_space<hbm>>
        %dma_start3A_115 = tpu.memref_slice %arg4[%add3A_109] : memref<327936xi32, #tpu.memory_space<hbm>> -> memref<128xi32, #tpu.memory_space<hbm>>
        tpu.enqueue_dma source(%dma_start3A_115 : memref<128xi32, #tpu.memory_space<hbm>>) target(%arg9 : memref<128xi32, #tpu.memory_space<vmem>>) target_semaphore(%run_scoped3A : memref<!tpu.dma_semaphore, #tpu.memory_space<semaphore_mem>>)
        %dma_wait3A_116 = tpu.memref_slice %arg4[%add3A_109] : memref<327936xi32, #tpu.memory_space<hbm>> -> memref<128xi32, #tpu.memory_space<hbm>>
        %dma_wait3A_117 = tpu.memref_slice %arg4[%add3A_109] : memref<327936xi32, #tpu.memory_space<hbm>> -> memref<128xi32, #tpu.memory_space<hbm>>
        tpu.wait_dma2 semaphore(%run_scoped3A : memref<!tpu.dma_semaphore, #tpu.memory_space<semaphore_mem>>) src(%dma_wait3A_117 : memref<128xi32, #tpu.memory_space<hbm>>) dst(%arg9 : memref<128xi32, #tpu.memory_space<vmem>>)
        tpu.yield
      }) : () -> ()
      %dma_start3A_110 = arith.constant 0 : i32
      %dma_start3A_111 = arith.constant 0 : i32
      %dma_start3A_112 = tpu.memref_slice %arg2[%dma_start3A_110, %dma_start3A_111] : memref<10240x128xf32, #tpu.memory_space<hbm>> -> memref<10240x128xf32, #tpu.memory_space<hbm>>
      tpu.enqueue_indirect_dma source(%dma_start3A_112 : memref<10240x128xf32, #tpu.memory_space<hbm>>) target(%arg11 : memref<128x128xf32, #tpu.memory_space<vmem>>) offsets(%arg7 : memref<128xi32, #tpu.memory_space<vmem>>) semaphore(%arg14 : memref<!tpu.dma_semaphore, #tpu.memory_space<semaphore_mem>>)
      %while3A_113 = arith.constant 0 : i32
      scf.yield %while3A_113 : i32
    }
    %while3A_50 = arith.constant 1 : i32
    %while3A_51 = scf.for %while3A_83 = %while3A_47 to %while3A_43 step %while3A_50 iter_args(%while3A_84 = %while3A_49) -> (i32)  : i32 {
      %mul3A_85 = arith.constant 2 : i32
      %mul3A_86 = arith.muli %mul3A_85, %while3A_83 : i32
      %dma_wait3A_87 = arith.constant 0 : i32
      %dma_wait3A_88 = arith.constant 0 : i32
      %dma_wait3A_89 = tpu.memref_slice %arg2[%dma_wait3A_87, %dma_wait3A_88] : memref<10240x128xf32, #tpu.memory_space<hbm>> -> memref<10240x128xf32, #tpu.memory_space<hbm>>
      tpu.wait_indirect_dma semaphore(%arg13 : memref<!tpu.dma_semaphore, #tpu.memory_space<semaphore_mem>>) src(%dma_wait3A_89 : memref<10240x128xf32, #tpu.memory_space<hbm>>) dst(%arg10 : memref<128x128xf32, #tpu.memory_space<vmem>>)
      "tpu.region"() ({
        %run_scoped3A = tpu.sem_alloc : memref<!tpu.dma_semaphore, #tpu.memory_space<semaphore_mem>>
        %dma_start3A_114 = arith.constant 0 : i32
        %dma_start3A_115 = arith.constant 0 : i32
        %dma_start3A_116 = tpu.memref_slice %arg12[%dma_start3A_114, %dma_start3A_115] : memref<10240x128xf32, #tpu.memory_space<vmem_shared>> -> memref<10240x128xf32, #tpu.memory_space<vmem_shared>>
        tpu.enqueue_indirect_dma source(%arg10 : memref<128x128xf32, #tpu.memory_space<vmem>>) target(%dma_start3A_116 : memref<10240x128xf32, #tpu.memory_space<vmem_shared>>) offsets(%arg8 : memref<128xi32, #tpu.memory_space<vmem>>) semaphore(%run_scoped3A : memref<!tpu.dma_semaphore, #tpu.memory_space<semaphore_mem>>) {add = true}
        %dma_wait3A_117 = arith.constant 0 : i32
        %dma_wait3A_118 = arith.constant 0 : i32
        %dma_wait3A_119 = tpu.memref_slice %arg12[%dma_wait3A_117, %dma_wait3A_118] : memref<10240x128xf32, #tpu.memory_space<vmem_shared>> -> memref<10240x128xf32, #tpu.memory_space<vmem_shared>>
        tpu.wait_indirect_dma semaphore(%run_scoped3A : memref<!tpu.dma_semaphore, #tpu.memory_space<semaphore_mem>>) src(%arg10 : memref<128x128xf32, #tpu.memory_space<vmem>>) dst(%dma_wait3A_119 : memref<10240x128xf32, #tpu.memory_space<vmem_shared>>)
        tpu.yield
      }) : () -> ()
      %add3A_90 = arith.constant 0 : i32
      %add3A_91 = arith.addi %mul3A_86, %add3A_90 : i32
      %add3A_92 = arith.constant 2 : i32
      %add3A_93 = arith.addi %add3A_91, %add3A_92 : i32
      %mul3A_94 = arith.constant 128 : i32
      %mul3A_95 = arith.muli %add3A_93, %mul3A_94 : i32
      %add3A_96 = arith.addi %mul3A_27, %mul3A_95 : i32
      "tpu.region"() ({
        %run_scoped3A = tpu.sem_alloc : memref<!tpu.dma_semaphore, #tpu.memory_space<semaphore_mem>>
        %dma_start3A_114 = tpu.memref_slice %arg3[%add3A_96] : memref<327936xi32, #tpu.memory_space<hbm>> -> memref<128xi32, #tpu.memory_space<hbm>>
        %dma_start3A_115 = tpu.memref_slice %arg3[%add3A_96] : memref<327936xi32, #tpu.memory_space<hbm>> -> memref<128xi32, #tpu.memory_space<hbm>>
        tpu.enqueue_dma source(%dma_start3A_115 : memref<128xi32, #tpu.memory_space<hbm>>) target(%arg6 : memref<128xi32, #tpu.memory_space<vmem>>) target_semaphore(%run_scoped3A : memref<!tpu.dma_semaphore, #tpu.memory_space<semaphore_mem>>)
        %dma_wait3A_116 = tpu.memref_slice %arg3[%add3A_96] : memref<327936xi32, #tpu.memory_space<hbm>> -> memref<128xi32, #tpu.memory_space<hbm>>
        %dma_wait3A_117 = tpu.memref_slice %arg3[%add3A_96] : memref<327936xi32, #tpu.memory_space<hbm>> -> memref<128xi32, #tpu.memory_space<hbm>>
        tpu.wait_dma2 semaphore(%run_scoped3A : memref<!tpu.dma_semaphore, #tpu.memory_space<semaphore_mem>>) src(%dma_wait3A_117 : memref<128xi32, #tpu.memory_space<hbm>>) dst(%arg6 : memref<128xi32, #tpu.memory_space<vmem>>)
        tpu.yield
      }) : () -> ()
      "tpu.region"() ({
        %run_scoped3A = tpu.sem_alloc : memref<!tpu.dma_semaphore, #tpu.memory_space<semaphore_mem>>
        %dma_start3A_114 = tpu.memref_slice %arg4[%add3A_96] : memref<327936xi32, #tpu.memory_space<hbm>> -> memref<128xi32, #tpu.memory_space<hbm>>
        %dma_start3A_115 = tpu.memref_slice %arg4[%add3A_96] : memref<327936xi32, #tpu.memory_space<hbm>> -> memref<128xi32, #tpu.memory_space<hbm>>
        tpu.enqueue_dma source(%dma_start3A_115 : memref<128xi32, #tpu.memory_space<hbm>>) target(%arg8 : memref<128xi32, #tpu.memory_space<vmem>>) target_semaphore(%run_scoped3A : memref<!tpu.dma_semaphore, #tpu.memory_space<semaphore_mem>>)
        %dma_wait3A_116 = tpu.memref_slice %arg4[%add3A_96] : memref<327936xi32, #tpu.memory_space<hbm>> -> memref<128xi32, #tpu.memory_space<hbm>>
        %dma_wait3A_117 = tpu.memref_slice %arg4[%add3A_96] : memref<327936xi32, #tpu.memory_space<hbm>> -> memref<128xi32, #tpu.memory_space<hbm>>
        tpu.wait_dma2 semaphore(%run_scoped3A : memref<!tpu.dma_semaphore, #tpu.memory_space<semaphore_mem>>) src(%dma_wait3A_117 : memref<128xi32, #tpu.memory_space<hbm>>) dst(%arg8 : memref<128xi32, #tpu.memory_space<vmem>>)
        tpu.yield
      }) : () -> ()
      %dma_start3A_97 = arith.constant 0 : i32
      %dma_start3A_98 = arith.constant 0 : i32
      %dma_start3A_99 = tpu.memref_slice %arg2[%dma_start3A_97, %dma_start3A_98] : memref<10240x128xf32, #tpu.memory_space<hbm>> -> memref<10240x128xf32, #tpu.memory_space<hbm>>
      tpu.enqueue_indirect_dma source(%dma_start3A_99 : memref<10240x128xf32, #tpu.memory_space<hbm>>) target(%arg10 : memref<128x128xf32, #tpu.memory_space<vmem>>) offsets(%arg6 : memref<128xi32, #tpu.memory_space<vmem>>) semaphore(%arg13 : memref<!tpu.dma_semaphore, #tpu.memory_space<semaphore_mem>>)
      %dma_wait3A_100 = arith.constant 0 : i32
      %dma_wait3A_101 = arith.constant 0 : i32
      %dma_wait3A_102 = tpu.memref_slice %arg2[%dma_wait3A_100, %dma_wait3A_101] : memref<10240x128xf32, #tpu.memory_space<hbm>> -> memref<10240x128xf32, #tpu.memory_space<hbm>>
      tpu.wait_indirect_dma semaphore(%arg14 : memref<!tpu.dma_semaphore, #tpu.memory_space<semaphore_mem>>) src(%dma_wait3A_102 : memref<10240x128xf32, #tpu.memory_space<hbm>>) dst(%arg11 : memref<128x128xf32, #tpu.memory_space<vmem>>)
      "tpu.region"() ({
        %run_scoped3A = tpu.sem_alloc : memref<!tpu.dma_semaphore, #tpu.memory_space<semaphore_mem>>
        %dma_start3A_114 = arith.constant 0 : i32
        %dma_start3A_115 = arith.constant 0 : i32
        %dma_start3A_116 = tpu.memref_slice %arg12[%dma_start3A_114, %dma_start3A_115] : memref<10240x128xf32, #tpu.memory_space<vmem_shared>> -> memref<10240x128xf32, #tpu.memory_space<vmem_shared>>
        tpu.enqueue_indirect_dma source(%arg11 : memref<128x128xf32, #tpu.memory_space<vmem>>) target(%dma_start3A_116 : memref<10240x128xf32, #tpu.memory_space<vmem_shared>>) offsets(%arg9 : memref<128xi32, #tpu.memory_space<vmem>>) semaphore(%run_scoped3A : memref<!tpu.dma_semaphore, #tpu.memory_space<semaphore_mem>>) {add = true}
        %dma_wait3A_117 = arith.constant 0 : i32
        %dma_wait3A_118 = arith.constant 0 : i32
        %dma_wait3A_119 = tpu.memref_slice %arg12[%dma_wait3A_117, %dma_wait3A_118] : memref<10240x128xf32, #tpu.memory_space<vmem_shared>> -> memref<10240x128xf32, #tpu.memory_space<vmem_shared>>
        tpu.wait_indirect_dma semaphore(%run_scoped3A : memref<!tpu.dma_semaphore, #tpu.memory_space<semaphore_mem>>) src(%arg11 : memref<128x128xf32, #tpu.memory_space<vmem>>) dst(%dma_wait3A_119 : memref<10240x128xf32, #tpu.memory_space<vmem_shared>>)
        tpu.yield
      }) : () -> ()
      %add3A_103 = arith.constant 1 : i32
      %add3A_104 = arith.addi %mul3A_86, %add3A_103 : i32
      %add3A_105 = arith.constant 2 : i32
      %add3A_106 = arith.addi %add3A_104, %add3A_105 : i32
      %mul3A_107 = arith.constant 128 : i32
      %mul3A_108 = arith.muli %add3A_106, %mul3A_107 : i32
      %add3A_109 = arith.addi %mul3A_27, %mul3A_108 : i32
      "tpu.region"() ({
        %run_scoped3A = tpu.sem_alloc : memref<!tpu.dma_semaphore, #tpu.memory_space<semaphore_mem>>
        %dma_start3A_114 = tpu.memref_slice %arg3[%add3A_109] : memref<327936xi32, #tpu.memory_space<hbm>> -> memref<128xi32, #tpu.memory_space<hbm>>
        %dma_start3A_115 = tpu.memref_slice %arg3[%add3A_109] : memref<327936xi32, #tpu.memory_space<hbm>> -> memref<128xi32, #tpu.memory_space<hbm>>
        tpu.enqueue_dma source(%dma_start3A_115 : memref<128xi32, #tpu.memory_space<hbm>>) target(%arg7 : memref<128xi32, #tpu.memory_space<vmem>>) target_semaphore(%run_scoped3A : memref<!tpu.dma_semaphore, #tpu.memory_space<semaphore_mem>>)
        %dma_wait3A_116 = tpu.memref_slice %arg3[%add3A_109] : memref<327936xi32, #tpu.memory_space<hbm>> -> memref<128xi32, #tpu.memory_space<hbm>>
        %dma_wait3A_117 = tpu.memref_slice %arg3[%add3A_109] : memref<327936xi32, #tpu.memory_space<hbm>> -> memref<128xi32, #tpu.memory_space<hbm>>
        tpu.wait_dma2 semaphore(%run_scoped3A : memref<!tpu.dma_semaphore, #tpu.memory_space<semaphore_mem>>) src(%dma_wait3A_117 : memref<128xi32, #tpu.memory_space<hbm>>) dst(%arg7 : memref<128xi32, #tpu.memory_space<vmem>>)
        tpu.yield
      }) : () -> ()
      "tpu.region"() ({
        %run_scoped3A = tpu.sem_alloc : memref<!tpu.dma_semaphore, #tpu.memory_space<semaphore_mem>>
        %dma_start3A_114 = tpu.memref_slice %arg4[%add3A_109] : memref<327936xi32, #tpu.memory_space<hbm>> -> memref<128xi32, #tpu.memory_space<hbm>>
        %dma_start3A_115 = tpu.memref_slice %arg4[%add3A_109] : memref<327936xi32, #tpu.memory_space<hbm>> -> memref<128xi32, #tpu.memory_space<hbm>>
        tpu.enqueue_dma source(%dma_start3A_115 : memref<128xi32, #tpu.memory_space<hbm>>) target(%arg9 : memref<128xi32, #tpu.memory_space<vmem>>) target_semaphore(%run_scoped3A : memref<!tpu.dma_semaphore, #tpu.memory_space<semaphore_mem>>)
        %dma_wait3A_116 = tpu.memref_slice %arg4[%add3A_109] : memref<327936xi32, #tpu.memory_space<hbm>> -> memref<128xi32, #tpu.memory_space<hbm>>
        %dma_wait3A_117 = tpu.memref_slice %arg4[%add3A_109] : memref<327936xi32, #tpu.memory_space<hbm>> -> memref<128xi32, #tpu.memory_space<hbm>>
        tpu.wait_dma2 semaphore(%run_scoped3A : memref<!tpu.dma_semaphore, #tpu.memory_space<semaphore_mem>>) src(%dma_wait3A_117 : memref<128xi32, #tpu.memory_space<hbm>>) dst(%arg9 : memref<128xi32, #tpu.memory_space<vmem>>)
        tpu.yield
      }) : () -> ()
      %dma_start3A_110 = arith.constant 0 : i32
      %dma_start3A_111 = arith.constant 0 : i32
      %dma_start3A_112 = tpu.memref_slice %arg2[%dma_start3A_110, %dma_start3A_111] : memref<10240x128xf32, #tpu.memory_space<hbm>> -> memref<10240x128xf32, #tpu.memory_space<hbm>>
      tpu.enqueue_indirect_dma source(%dma_start3A_112 : memref<10240x128xf32, #tpu.memory_space<hbm>>) target(%arg11 : memref<128x128xf32, #tpu.memory_space<vmem>>) offsets(%arg7 : memref<128xi32, #tpu.memory_space<vmem>>) semaphore(%arg14 : memref<!tpu.dma_semaphore, #tpu.memory_space<semaphore_mem>>)
      %while3A_113 = arith.constant 0 : i32
      scf.yield %while3A_113 : i32
    }
    %dma_wait3A = arith.constant 0 : i32
    %dma_wait3A_52 = arith.constant 0 : i32
    %dma_wait3A_53 = tpu.memref_slice %arg2[%dma_wait3A, %dma_wait3A_52] : memref<10240x128xf32, #tpu.memory_space<hbm>> -> memref<10240x128xf32, #tpu.memory_space<hbm>>
    tpu.wait_indirect_dma semaphore(%arg13 : memref<!tpu.dma_semaphore, #tpu.memory_space<semaphore_mem>>) src(%dma_wait3A_53 : memref<10240x128xf32, #tpu.memory_space<hbm>>) dst(%arg10 : memref<128x128xf32, #tpu.memory_space<vmem>>)
    %dma_wait3A_54 = arith.constant 0 : i32
    %dma_wait3A_55 = arith.constant 0 : i32
    %dma_wait3A_56 = tpu.memref_slice %arg2[%dma_wait3A_54, %dma_wait3A_55] : memref<10240x128xf32, #tpu.memory_space<hbm>> -> memref<10240x128xf32, #tpu.memory_space<hbm>>
    tpu.wait_indirect_dma semaphore(%arg14 : memref<!tpu.dma_semaphore, #tpu.memory_space<semaphore_mem>>) src(%dma_wait3A_56 : memref<10240x128xf32, #tpu.memory_space<hbm>>) dst(%arg11 : memref<128x128xf32, #tpu.memory_space<vmem>>)
    %barrier3A_57 = arith.constant 0 : index
    tpu.barrier barrier_id(%barrier3A_57)
    %add3A_58 = arith.constant 0 : i32
    %add3A_59 = arith.addi %mul3A_8, %add3A_58 : i32
    "tpu.region"() ({
      %run_scoped3A = tpu.sem_alloc : memref<!tpu.dma_semaphore, #tpu.memory_space<semaphore_mem>>
      %dma_start3A_83 = arith.constant 0 : i32
      %dma_start3A_84 = tpu.memref_slice %arg12[%add3A_59, %dma_start3A_83] : memref<10240x128xf32, #tpu.memory_space<vmem_shared>> -> memref<128x128xf32, #tpu.memory_space<vmem_shared>>
      %dma_start3A_85 = arith.constant 0 : i32
      %dma_start3A_86 = tpu.memref_slice %arg12[%add3A_59, %dma_start3A_85] : memref<10240x128xf32, #tpu.memory_space<vmem_shared>> -> memref<128x128xf32, #tpu.memory_space<vmem_shared>>
      tpu.enqueue_dma source(%dma_start3A_86 : memref<128x128xf32, #tpu.memory_space<vmem_shared>>) target(%arg10 : memref<128x128xf32, #tpu.memory_space<vmem>>) target_semaphore(%run_scoped3A : memref<!tpu.dma_semaphore, #tpu.memory_space<semaphore_mem>>)
      %dma_wait3A_87 = arith.constant 0 : i32
      %dma_wait3A_88 = tpu.memref_slice %arg12[%add3A_59, %dma_wait3A_87] : memref<10240x128xf32, #tpu.memory_space<vmem_shared>> -> memref<128x128xf32, #tpu.memory_space<vmem_shared>>
      %dma_wait3A_89 = arith.constant 0 : i32
      %dma_wait3A_90 = tpu.memref_slice %arg12[%add3A_59, %dma_wait3A_89] : memref<10240x128xf32, #tpu.memory_space<vmem_shared>> -> memref<128x128xf32, #tpu.memory_space<vmem_shared>>
      tpu.wait_dma2 semaphore(%run_scoped3A : memref<!tpu.dma_semaphore, #tpu.memory_space<semaphore_mem>>) src(%dma_wait3A_90 : memref<128x128xf32, #tpu.memory_space<vmem_shared>>) dst(%arg10 : memref<128x128xf32, #tpu.memory_space<vmem>>)
      tpu.yield
    }) : () -> ()
    %mul3A_60 = arith.constant 10240 : i32
    %mul3A_61 = arith.muli %arg0, %mul3A_60 : i32
    %add3A_62 = arith.addi %mul3A_61, %add3A_59 : i32
    "tpu.region"() ({
      %run_scoped3A = tpu.sem_alloc : memref<!tpu.dma_semaphore, #tpu.memory_space<semaphore_mem>>
      %dma_start3A_83 = arith.constant 0 : i32
      %dma_start3A_84 = tpu.memref_slice %arg5[%add3A_62, %dma_start3A_83] : memref<20480x128xf32, #tpu.memory_space<hbm>> -> memref<128x128xf32, #tpu.memory_space<hbm>>
      %dma_start3A_85 = arith.constant 0 : i32
      %dma_start3A_86 = tpu.memref_slice %arg5[%add3A_62, %dma_start3A_85] : memref<20480x128xf32, #tpu.memory_space<hbm>> -> memref<128x128xf32, #tpu.memory_space<hbm>>
      tpu.enqueue_dma source(%arg10 : memref<128x128xf32, #tpu.memory_space<vmem>>) target(%dma_start3A_86 : memref<128x128xf32, #tpu.memory_space<hbm>>) target_semaphore(%run_scoped3A : memref<!tpu.dma_semaphore, #tpu.memory_space<semaphore_mem>>)
      %dma_wait3A_87 = arith.constant 0 : i32
      %dma_wait3A_88 = tpu.memref_slice %arg5[%add3A_62, %dma_wait3A_87] : memref<20480x128xf32, #tpu.memory_space<hbm>> -> memref<128x128xf32, #tpu.memory_space<hbm>>
      %dma_wait3A_89 = arith.constant 0 : i32
      %dma_wait3A_90 = tpu.memref_slice %arg5[%add3A_62, %dma_wait3A_89] : memref<20480x128xf32, #tpu.memory_space<hbm>> -> memref<128x128xf32, #tpu.memory_space<hbm>>
      tpu.wait_dma2 semaphore(%run_scoped3A : memref<!tpu.dma_semaphore, #tpu.memory_space<semaphore_mem>>) src(%arg10 : memref<128x128xf32, #tpu.memory_space<vmem>>) dst(%dma_wait3A_90 : memref<128x128xf32, #tpu.memory_space<hbm>>)
      tpu.yield
    }) : () -> ()
    %add3A_63 = arith.constant 128 : i32
    %add3A_64 = arith.addi %mul3A_8, %add3A_63 : i32
    "tpu.region"() ({
      %run_scoped3A = tpu.sem_alloc : memref<!tpu.dma_semaphore, #tpu.memory_space<semaphore_mem>>
      %dma_start3A_83 = arith.constant 0 : i32
      %dma_start3A_84 = tpu.memref_slice %arg12[%add3A_64, %dma_start3A_83] : memref<10240x128xf32, #tpu.memory_space<vmem_shared>> -> memref<128x128xf32, #tpu.memory_space<vmem_shared>>
      %dma_start3A_85 = arith.constant 0 : i32
      %dma_start3A_86 = tpu.memref_slice %arg12[%add3A_64, %dma_start3A_85] : memref<10240x128xf32, #tpu.memory_space<vmem_shared>> -> memref<128x128xf32, #tpu.memory_space<vmem_shared>>
      tpu.enqueue_dma source(%dma_start3A_86 : memref<128x128xf32, #tpu.memory_space<vmem_shared>>) target(%arg10 : memref<128x128xf32, #tpu.memory_space<vmem>>) target_semaphore(%run_scoped3A : memref<!tpu.dma_semaphore, #tpu.memory_space<semaphore_mem>>)
      %dma_wait3A_87 = arith.constant 0 : i32
      %dma_wait3A_88 = tpu.memref_slice %arg12[%add3A_64, %dma_wait3A_87] : memref<10240x128xf32, #tpu.memory_space<vmem_shared>> -> memref<128x128xf32, #tpu.memory_space<vmem_shared>>
      %dma_wait3A_89 = arith.constant 0 : i32
      %dma_wait3A_90 = tpu.memref_slice %arg12[%add3A_64, %dma_wait3A_89] : memref<10240x128xf32, #tpu.memory_space<vmem_shared>> -> memref<128x128xf32, #tpu.memory_space<vmem_shared>>
      tpu.wait_dma2 semaphore(%run_scoped3A : memref<!tpu.dma_semaphore, #tpu.memory_space<semaphore_mem>>) src(%dma_wait3A_90 : memref<128x128xf32, #tpu.memory_space<vmem_shared>>) dst(%arg10 : memref<128x128xf32, #tpu.memory_space<vmem>>)
      tpu.yield
    }) : () -> ()
    %mul3A_65 = arith.constant 10240 : i32
    %mul3A_66 = arith.muli %arg0, %mul3A_65 : i32
    %add3A_67 = arith.addi %mul3A_66, %add3A_64 : i32
    "tpu.region"() ({
      %run_scoped3A = tpu.sem_alloc : memref<!tpu.dma_semaphore, #tpu.memory_space<semaphore_mem>>
      %dma_start3A_83 = arith.constant 0 : i32
      %dma_start3A_84 = tpu.memref_slice %arg5[%add3A_67, %dma_start3A_83] : memref<20480x128xf32, #tpu.memory_space<hbm>> -> memref<128x128xf32, #tpu.memory_space<hbm>>
      %dma_start3A_85 = arith.constant 0 : i32
      %dma_start3A_86 = tpu.memref_slice %arg5[%add3A_67, %dma_start3A_85] : memref<20480x128xf32, #tpu.memory_space<hbm>> -> memref<128x128xf32, #tpu.memory_space<hbm>>
      tpu.enqueue_dma source(%arg10 : memref<128x128xf32, #tpu.memory_space<vmem>>) target(%dma_start3A_86 : memref<128x128xf32, #tpu.memory_space<hbm>>) target_semaphore(%run_scoped3A : memref<!tpu.dma_semaphore, #tpu.memory_space<semaphore_mem>>)
      %dma_wait3A_87 = arith.constant 0 : i32
      %dma_wait3A_88 = tpu.memref_slice %arg5[%add3A_67, %dma_wait3A_87] : memref<20480x128xf32, #tpu.memory_space<hbm>> -> memref<128x128xf32, #tpu.memory_space<hbm>>
      %dma_wait3A_89 = arith.constant 0 : i32
      %dma_wait3A_90 = tpu.memref_slice %arg5[%add3A_67, %dma_wait3A_89] : memref<20480x128xf32, #tpu.memory_space<hbm>> -> memref<128x128xf32, #tpu.memory_space<hbm>>
      tpu.wait_dma2 semaphore(%run_scoped3A : memref<!tpu.dma_semaphore, #tpu.memory_space<semaphore_mem>>) src(%arg10 : memref<128x128xf32, #tpu.memory_space<vmem>>) dst(%dma_wait3A_90 : memref<128x128xf32, #tpu.memory_space<hbm>>)
      tpu.yield
    }) : () -> ()
    %add3A_68 = arith.constant 256 : i32
    %add3A_69 = arith.addi %mul3A_8, %add3A_68 : i32
    "tpu.region"() ({
      %run_scoped3A = tpu.sem_alloc : memref<!tpu.dma_semaphore, #tpu.memory_space<semaphore_mem>>
      %dma_start3A_83 = arith.constant 0 : i32
      %dma_start3A_84 = tpu.memref_slice %arg12[%add3A_69, %dma_start3A_83] : memref<10240x128xf32, #tpu.memory_space<vmem_shared>> -> memref<128x128xf32, #tpu.memory_space<vmem_shared>>
      %dma_start3A_85 = arith.constant 0 : i32
      %dma_start3A_86 = tpu.memref_slice %arg12[%add3A_69, %dma_start3A_85] : memref<10240x128xf32, #tpu.memory_space<vmem_shared>> -> memref<128x128xf32, #tpu.memory_space<vmem_shared>>
      tpu.enqueue_dma source(%dma_start3A_86 : memref<128x128xf32, #tpu.memory_space<vmem_shared>>) target(%arg10 : memref<128x128xf32, #tpu.memory_space<vmem>>) target_semaphore(%run_scoped3A : memref<!tpu.dma_semaphore, #tpu.memory_space<semaphore_mem>>)
      %dma_wait3A_87 = arith.constant 0 : i32
      %dma_wait3A_88 = tpu.memref_slice %arg12[%add3A_69, %dma_wait3A_87] : memref<10240x128xf32, #tpu.memory_space<vmem_shared>> -> memref<128x128xf32, #tpu.memory_space<vmem_shared>>
      %dma_wait3A_89 = arith.constant 0 : i32
      %dma_wait3A_90 = tpu.memref_slice %arg12[%add3A_69, %dma_wait3A_89] : memref<10240x128xf32, #tpu.memory_space<vmem_shared>> -> memref<128x128xf32, #tpu.memory_space<vmem_shared>>
      tpu.wait_dma2 semaphore(%run_scoped3A : memref<!tpu.dma_semaphore, #tpu.memory_space<semaphore_mem>>) src(%dma_wait3A_90 : memref<128x128xf32, #tpu.memory_space<vmem_shared>>) dst(%arg10 : memref<128x128xf32, #tpu.memory_space<vmem>>)
      tpu.yield
    }) : () -> ()
    %mul3A_70 = arith.constant 10240 : i32
    %mul3A_71 = arith.muli %arg0, %mul3A_70 : i32
    %add3A_72 = arith.addi %mul3A_71, %add3A_69 : i32
    "tpu.region"() ({
      %run_scoped3A = tpu.sem_alloc : memref<!tpu.dma_semaphore, #tpu.memory_space<semaphore_mem>>
      %dma_start3A_83 = arith.constant 0 : i32
      %dma_start3A_84 = tpu.memref_slice %arg5[%add3A_72, %dma_start3A_83] : memref<20480x128xf32, #tpu.memory_space<hbm>> -> memref<128x128xf32, #tpu.memory_space<hbm>>
      %dma_start3A_85 = arith.constant 0 : i32
      %dma_start3A_86 = tpu.memref_slice %arg5[%add3A_72, %dma_start3A_85] : memref<20480x128xf32, #tpu.memory_space<hbm>> -> memref<128x128xf32, #tpu.memory_space<hbm>>
      tpu.enqueue_dma source(%arg10 : memref<128x128xf32, #tpu.memory_space<vmem>>) target(%dma_start3A_86 : memref<128x128xf32, #tpu.memory_space<hbm>>) target_semaphore(%run_scoped3A : memref<!tpu.dma_semaphore, #tpu.memory_space<semaphore_mem>>)
      %dma_wait3A_87 = arith.constant 0 : i32
      %dma_wait3A_88 = tpu.memref_slice %arg5[%add3A_72, %dma_wait3A_87] : memref<20480x128xf32, #tpu.memory_space<hbm>> -> memref<128x128xf32, #tpu.memory_space<hbm>>
      %dma_wait3A_89 = arith.constant 0 : i32
      %dma_wait3A_90 = tpu.memref_slice %arg5[%add3A_72, %dma_wait3A_89] : memref<20480x128xf32, #tpu.memory_space<hbm>> -> memref<128x128xf32, #tpu.memory_space<hbm>>
      tpu.wait_dma2 semaphore(%run_scoped3A : memref<!tpu.dma_semaphore, #tpu.memory_space<semaphore_mem>>) src(%arg10 : memref<128x128xf32, #tpu.memory_space<vmem>>) dst(%dma_wait3A_90 : memref<128x128xf32, #tpu.memory_space<hbm>>)
      tpu.yield
    }) : () -> ()
    %add3A_73 = arith.constant 384 : i32
    %add3A_74 = arith.addi %mul3A_8, %add3A_73 : i32
    "tpu.region"() ({
      %run_scoped3A = tpu.sem_alloc : memref<!tpu.dma_semaphore, #tpu.memory_space<semaphore_mem>>
      %dma_start3A_83 = arith.constant 0 : i32
      %dma_start3A_84 = tpu.memref_slice %arg12[%add3A_74, %dma_start3A_83] : memref<10240x128xf32, #tpu.memory_space<vmem_shared>> -> memref<128x128xf32, #tpu.memory_space<vmem_shared>>
      %dma_start3A_85 = arith.constant 0 : i32
      %dma_start3A_86 = tpu.memref_slice %arg12[%add3A_74, %dma_start3A_85] : memref<10240x128xf32, #tpu.memory_space<vmem_shared>> -> memref<128x128xf32, #tpu.memory_space<vmem_shared>>
      tpu.enqueue_dma source(%dma_start3A_86 : memref<128x128xf32, #tpu.memory_space<vmem_shared>>) target(%arg10 : memref<128x128xf32, #tpu.memory_space<vmem>>) target_semaphore(%run_scoped3A : memref<!tpu.dma_semaphore, #tpu.memory_space<semaphore_mem>>)
      %dma_wait3A_87 = arith.constant 0 : i32
      %dma_wait3A_88 = tpu.memref_slice %arg12[%add3A_74, %dma_wait3A_87] : memref<10240x128xf32, #tpu.memory_space<vmem_shared>> -> memref<128x128xf32, #tpu.memory_space<vmem_shared>>
      %dma_wait3A_89 = arith.constant 0 : i32
      %dma_wait3A_90 = tpu.memref_slice %arg12[%add3A_74, %dma_wait3A_89] : memref<10240x128xf32, #tpu.memory_space<vmem_shared>> -> memref<128x128xf32, #tpu.memory_space<vmem_shared>>
      tpu.wait_dma2 semaphore(%run_scoped3A : memref<!tpu.dma_semaphore, #tpu.memory_space<semaphore_mem>>) src(%dma_wait3A_90 : memref<128x128xf32, #tpu.memory_space<vmem_shared>>) dst(%arg10 : memref<128x128xf32, #tpu.memory_space<vmem>>)
      tpu.yield
    }) : () -> ()
    %mul3A_75 = arith.constant 10240 : i32
    %mul3A_76 = arith.muli %arg0, %mul3A_75 : i32
    %add3A_77 = arith.addi %mul3A_76, %add3A_74 : i32
    "tpu.region"() ({
      %run_scoped3A = tpu.sem_alloc : memref<!tpu.dma_semaphore, #tpu.memory_space<semaphore_mem>>
      %dma_start3A_83 = arith.constant 0 : i32
      %dma_start3A_84 = tpu.memref_slice %arg5[%add3A_77, %dma_start3A_83] : memref<20480x128xf32, #tpu.memory_space<hbm>> -> memref<128x128xf32, #tpu.memory_space<hbm>>
      %dma_start3A_85 = arith.constant 0 : i32
      %dma_start3A_86 = tpu.memref_slice %arg5[%add3A_77, %dma_start3A_85] : memref<20480x128xf32, #tpu.memory_space<hbm>> -> memref<128x128xf32, #tpu.memory_space<hbm>>
      tpu.enqueue_dma source(%arg10 : memref<128x128xf32, #tpu.memory_space<vmem>>) target(%dma_start3A_86 : memref<128x128xf32, #tpu.memory_space<hbm>>) target_semaphore(%run_scoped3A : memref<!tpu.dma_semaphore, #tpu.memory_space<semaphore_mem>>)
      %dma_wait3A_87 = arith.constant 0 : i32
      %dma_wait3A_88 = tpu.memref_slice %arg5[%add3A_77, %dma_wait3A_87] : memref<20480x128xf32, #tpu.memory_space<hbm>> -> memref<128x128xf32, #tpu.memory_space<hbm>>
      %dma_wait3A_89 = arith.constant 0 : i32
      %dma_wait3A_90 = tpu.memref_slice %arg5[%add3A_77, %dma_wait3A_89] : memref<20480x128xf32, #tpu.memory_space<hbm>> -> memref<128x128xf32, #tpu.memory_space<hbm>>
      tpu.wait_dma2 semaphore(%run_scoped3A : memref<!tpu.dma_semaphore, #tpu.memory_space<semaphore_mem>>) src(%arg10 : memref<128x128xf32, #tpu.memory_space<vmem>>) dst(%dma_wait3A_90 : memref<128x128xf32, #tpu.memory_space<hbm>>)
      tpu.yield
    }) : () -> ()
    %add3A_78 = arith.constant 512 : i32
    %add3A_79 = arith.addi %mul3A_8, %add3A_78 : i32
    "tpu.region"() ({
      %run_scoped3A = tpu.sem_alloc : memref<!tpu.dma_semaphore, #tpu.memory_space<semaphore_mem>>
      %dma_start3A_83 = arith.constant 0 : i32
      %dma_start3A_84 = tpu.memref_slice %arg12[%add3A_79, %dma_start3A_83] : memref<10240x128xf32, #tpu.memory_space<vmem_shared>> -> memref<128x128xf32, #tpu.memory_space<vmem_shared>>
      %dma_start3A_85 = arith.constant 0 : i32
      %dma_start3A_86 = tpu.memref_slice %arg12[%add3A_79, %dma_start3A_85] : memref<10240x128xf32, #tpu.memory_space<vmem_shared>> -> memref<128x128xf32, #tpu.memory_space<vmem_shared>>
      tpu.enqueue_dma source(%dma_start3A_86 : memref<128x128xf32, #tpu.memory_space<vmem_shared>>) target(%arg10 : memref<128x128xf32, #tpu.memory_space<vmem>>) target_semaphore(%run_scoped3A : memref<!tpu.dma_semaphore, #tpu.memory_space<semaphore_mem>>)
      %dma_wait3A_87 = arith.constant 0 : i32
      %dma_wait3A_88 = tpu.memref_slice %arg12[%add3A_79, %dma_wait3A_87] : memref<10240x128xf32, #tpu.memory_space<vmem_shared>> -> memref<128x128xf32, #tpu.memory_space<vmem_shared>>
      %dma_wait3A_89 = arith.constant 0 : i32
      %dma_wait3A_90 = tpu.memref_slice %arg12[%add3A_79, %dma_wait3A_89] : memref<10240x128xf32, #tpu.memory_space<vmem_shared>> -> memref<128x128xf32, #tpu.memory_space<vmem_shared>>
      tpu.wait_dma2 semaphore(%run_scoped3A : memref<!tpu.dma_semaphore, #tpu.memory_space<semaphore_mem>>) src(%dma_wait3A_90 : memref<128x128xf32, #tpu.memory_space<vmem_shared>>) dst(%arg10 : memref<128x128xf32, #tpu.memory_space<vmem>>)
      tpu.yield
    }) : () -> ()
    %mul3A_80 = arith.constant 10240 : i32
    %mul3A_81 = arith.muli %arg0, %mul3A_80 : i32
    %add3A_82 = arith.addi %mul3A_81, %add3A_79 : i32
    "tpu.region"() ({
      %run_scoped3A = tpu.sem_alloc : memref<!tpu.dma_semaphore, #tpu.memory_space<semaphore_mem>>
      %dma_start3A_83 = arith.constant 0 : i32
      %dma_start3A_84 = tpu.memref_slice %arg5[%add3A_82, %dma_start3A_83] : memref<20480x128xf32, #tpu.memory_space<hbm>> -> memref<128x128xf32, #tpu.memory_space<hbm>>
      %dma_start3A_85 = arith.constant 0 : i32
      %dma_start3A_86 = tpu.memref_slice %arg5[%add3A_82, %dma_start3A_85] : memref<20480x128xf32, #tpu.memory_space<hbm>> -> memref<128x128xf32, #tpu.memory_space<hbm>>
      tpu.enqueue_dma source(%arg10 : memref<128x128xf32, #tpu.memory_space<vmem>>) target(%dma_start3A_86 : memref<128x128xf32, #tpu.memory_space<hbm>>) target_semaphore(%run_scoped3A : memref<!tpu.dma_semaphore, #tpu.memory_space<semaphore_mem>>)
      %dma_wait3A_87 = arith.constant 0 : i32
      %dma_wait3A_88 = tpu.memref_slice %arg5[%add3A_82, %dma_wait3A_87] : memref<20480x128xf32, #tpu.memory_space<hbm>> -> memref<128x128xf32, #tpu.memory_space<hbm>>
      %dma_wait3A_89 = arith.constant 0 : i32
      %dma_wait3A_90 = tpu.memref_slice %arg5[%add3A_82, %dma_wait3A_89] : memref<20480x128xf32, #tpu.memory_space<hbm>> -> memref<128x128xf32, #tpu.memory_space<hbm>>
      tpu.wait_dma2 semaphore(%run_scoped3A : memref<!tpu.dma_semaphore, #tpu.memory_space<semaphore_mem>>) src(%arg10 : memref<128x128xf32, #tpu.memory_space<vmem>>) dst(%dma_wait3A_90 : memref<128x128xf32, #tpu.memory_space<hbm>>)
      tpu.yield
    }) : () -> ()
    return
  }
}

module attributes {stable_mosaic.version = 14 : i64} {
  func.func @_pre_body(%arg0: i32, %arg1: memref<512x128xf32, #tpu.memory_space<vmem>>, %arg2: memref<128x128xf32, #tpu.memory_space<vmem>>, %arg3: memref<128x128xf32, #tpu.memory_space<vmem>>, %arg4: memref<1x128xf32, #tpu.memory_space<vmem>>, %arg5: memref<512x128xf32, #tpu.memory_space<vmem>>, %arg6: memref<512x128xf32, #tpu.memory_space<vmem>>) attributes {dimension_semantics = [#tpu.dimension_semantics<arbitrary>], iteration_bounds = array<i64: 20>, scalar_prefetch = 0 : i64, scratch_operands = 0 : i64, tpu.core_type = #tpu.core_type<tc>, window_params = [{transform_indices = @transform_0, window_bounds = array<i64: 512, 128>}, {pipeline_mode = #tpu.pipeline_mode<synchronous>, transform_indices = @transform_1, window_bounds = array<i64: 128, 128>}, {pipeline_mode = #tpu.pipeline_mode<synchronous>, transform_indices = @transform_2, window_bounds = array<i64: 128, 128>}, {pipeline_mode = #tpu.pipeline_mode<synchronous>, transform_indices = @transform_3, window_bounds = array<i64: 1, 128>}, {transform_indices = @transform_4, window_bounds = array<i64: 512, 128>}, {transform_indices = @transform_5, window_bounds = array<i64: 512, 128>}]} {
    %get3A = arith.constant 0 : index
    %get3A_0 = arith.constant 0 : index
    %get3A_1 = vector.load %arg1[%get3A, %get3A_0] : memref<512x128xf32, #tpu.memory_space<vmem>>, vector<512x128xf32>
    %get3A_2 = arith.constant 0 : index
    %get3A_3 = arith.constant 0 : index
    %get3A_4 = vector.load %arg2[%get3A_2, %get3A_3] : memref<128x128xf32, #tpu.memory_space<vmem>>, vector<128x128xf32>
    %dot_general3A = arith.constant dense<0.000000e+00> : vector<512x128xf32>
    %dot_general3A_5 = tpu.matmul %get3A_1, %get3A_4, %dot_general3A {dimension_numbers = #tpu.dot_dimension_numbers<[1], [0], [0], [1], [0, 0, 1, 1], [], []>, transpose_lhs_hint = false} : vector<512x128xf32>, vector<128x128xf32>, vector<512x128xf32> -> vector<512x128xf32>
    %swap3A = arith.constant 0 : index
    %swap3A_6 = arith.constant 0 : index
    %swap3A_7 = vector.load %arg5[%swap3A, %swap3A_6] : memref<512x128xf32, #tpu.memory_space<vmem>>, vector<512x128xf32>
    tpu.vector_store %arg5[%swap3A, %swap3A_6], %dot_general3A_5 {strides = array<i32>} : memref<512x128xf32, #tpu.memory_space<vmem>>, vector<512x128xf32>,
    %get3A_8 = arith.constant 0 : index
    %get3A_9 = arith.constant 0 : index
    %get3A_10 = vector.load %arg3[%get3A_8, %get3A_9] : memref<128x128xf32, #tpu.memory_space<vmem>>, vector<128x128xf32>
    %dot_general3A_11 = arith.constant dense<0.000000e+00> : vector<512x128xf32>
    %dot_general3A_12 = tpu.matmul %get3A_1, %get3A_10, %dot_general3A_11 {dimension_numbers = #tpu.dot_dimension_numbers<[1], [0], [0], [1], [0, 0, 1, 1], [], []>, transpose_lhs_hint = false} : vector<512x128xf32>, vector<128x128xf32>, vector<512x128xf32> -> vector<512x128xf32>
    %get3A_13 = arith.constant 0 : index
    %get3A_14 = arith.constant 0 : index
    %get3A_15 = vector.load %arg4[%get3A_13, %get3A_14] : memref<1x128xf32, #tpu.memory_space<vmem>>, vector<1x128xf32>
    %add3A = vector.broadcast %get3A_15 : vector<1x128xf32> to vector<512x128xf32>
    %add3A_16 = arith.addf %dot_general3A_12, %add3A : vector<512x128xf32>
    %swap3A_17 = arith.constant 0 : index
    %swap3A_18 = arith.constant 0 : index
    %swap3A_19 = vector.load %arg6[%swap3A_17, %swap3A_18] : memref<512x128xf32, #tpu.memory_space<vmem>>, vector<512x128xf32>
    tpu.vector_store %arg6[%swap3A_17, %swap3A_18], %add3A_16 {strides = array<i32>} : memref<512x128xf32, #tpu.memory_space<vmem>>, vector<512x128xf32>,
    return
  }
  func.func @transform_0(%arg0: i32) -> (i32, i32) {
    %c0_i32 = arith.constant 0 : i32
    %c0_i32_0 = arith.constant 0 : i32
    return %arg0, %c0_i32 : i32, i32
  }
  func.func @transform_1(%arg0: i32) -> (i32, i32) {
    %c0_i32 = arith.constant 0 : i32
    %c0_i32_0 = arith.constant 0 : i32
    %c0_i32_1 = arith.constant 0 : i32
    return %c0_i32, %c0_i32_0 : i32, i32
  }
  func.func @transform_2(%arg0: i32) -> (i32, i32) {
    %c0_i32 = arith.constant 0 : i32
    %c0_i32_0 = arith.constant 0 : i32
    %c0_i32_1 = arith.constant 0 : i32
    return %c0_i32, %c0_i32_0 : i32, i32
  }
  func.func @transform_3(%arg0: i32) -> (i32, i32) {
    %c0_i32 = arith.constant 0 : i32
    %c0_i32_0 = arith.constant 0 : i32
    %c0_i32_1 = arith.constant 0 : i32
    return %c0_i32, %c0_i32_0 : i32, i32
  }
  func.func @transform_4(%arg0: i32) -> (i32, i32) {
    %c0_i32 = arith.constant 0 : i32
    %c0_i32_0 = arith.constant 0 : i32
    return %arg0, %c0_i32 : i32, i32
  }
  func.func @transform_5(%arg0: i32) -> (i32, i32) {
    %c0_i32 = arith.constant 0 : i32
    %c0_i32_0 = arith.constant 0 : i32
    return %arg0, %c0_i32 : i32, i32
  }
}

module attributes {stable_mosaic.version = 14 : i64} {
  func.func @_mid_body(%arg0: i32, %arg1: memref<2x512x128xf32, #tpu.memory_space<vmem>>, %arg2: memref<2x512x1xf32, #tpu.memory_space<vmem>>, %arg3: memref<512x128xf32, #tpu.memory_space<vmem>>, %arg4: memref<128x128xf32, #tpu.memory_space<vmem>>, %arg5: memref<128x128xf32, #tpu.memory_space<vmem>>, %arg6: memref<1x128xf32, #tpu.memory_space<vmem>>, %arg7: memref<512x128xf32, #tpu.memory_space<vmem>>, %arg8: memref<512x128xf32, #tpu.memory_space<vmem>>) attributes {dimension_semantics = [#tpu.dimension_semantics<arbitrary>], iteration_bounds = array<i64: 20>, scalar_prefetch = 0 : i64, scratch_operands = 0 : i64, tpu.core_type = #tpu.core_type<tc>, window_params = [{transform_indices = @transform_0, window_bounds = array<i64: 2, 512, 128>}, {transform_indices = @transform_1, window_bounds = array<i64: 2, 512, 1>}, {transform_indices = @transform_2, window_bounds = array<i64: 512, 128>}, {pipeline_mode = #tpu.pipeline_mode<synchronous>, transform_indices = @transform_3, window_bounds = array<i64: 128, 128>}, {pipeline_mode = #tpu.pipeline_mode<synchronous>, transform_indices = @transform_4, window_bounds = array<i64: 128, 128>}, {pipeline_mode = #tpu.pipeline_mode<synchronous>, transform_indices = @transform_5, window_bounds = array<i64: 1, 128>}, {transform_indices = @transform_6, window_bounds = array<i64: 512, 128>}, {transform_indices = @transform_7, window_bounds = array<i64: 512, 128>}]} {
    %get3A = arith.constant 0 : index
    %get3A_0 = arith.constant 0 : index
    %get3A_1 = arith.constant 0 : index
    %get3A_2 = vector.load %arg2[%get3A, %get3A_0, %get3A_1] : memref<2x512x1xf32, #tpu.memory_space<vmem>>, vector<1x512x1xf32>
    %get3A_3 = vector.shape_cast %get3A_2 : vector<1x512x1xf32> to vector<512x1xf32>
    %get3A_4 = arith.constant 1 : index
    %get3A_5 = arith.constant 0 : index
    %get3A_6 = arith.constant 0 : index
    %get3A_7 = vector.load %arg2[%get3A_4, %get3A_5, %get3A_6] : memref<2x512x1xf32, #tpu.memory_space<vmem>>, vector<1x512x1xf32>
    %get3A_8 = vector.shape_cast %get3A_7 : vector<1x512x1xf32> to vector<512x1xf32>
    %add3A = arith.addf %get3A_3, %get3A_8 : vector<512x1xf32>
    %get3A_9 = arith.constant 0 : index
    %get3A_10 = arith.constant 0 : index
    %get3A_11 = arith.constant 0 : index
    %get3A_12 = vector.load %arg1[%get3A_9, %get3A_10, %get3A_11] : memref<2x512x128xf32, #tpu.memory_space<vmem>>, vector<1x512x128xf32>
    %get3A_13 = vector.shape_cast %get3A_12 : vector<1x512x128xf32> to vector<512x128xf32>
    %get3A_14 = arith.constant 1 : index
    %get3A_15 = arith.constant 0 : index
    %get3A_16 = arith.constant 0 : index
    %get3A_17 = vector.load %arg1[%get3A_14, %get3A_15, %get3A_16] : memref<2x512x128xf32, #tpu.memory_space<vmem>>, vector<1x512x128xf32>
    %get3A_18 = vector.shape_cast %get3A_17 : vector<1x512x128xf32> to vector<512x128xf32>
    %add3A_19 = arith.addf %get3A_13, %get3A_18 : vector<512x128xf32>
    %max3A = arith.constant 1.000000e+00 : f32
    %max3A_20 = vector.broadcast %max3A : f32 to vector<512x1xf32>
    %max3A_21 = arith.maximumf %add3A, %max3A_20 : vector<512x1xf32>
    %div3A = vector.broadcast %max3A_21 : vector<512x1xf32> to vector<512x128xf32>
    %div3A_22 = arith.divf %add3A_19, %div3A : vector<512x128xf32>
    %get3A_23 = arith.constant 0 : index
    %get3A_24 = arith.constant 0 : index
    %get3A_25 = vector.load %arg3[%get3A_23, %get3A_24] : memref<512x128xf32, #tpu.memory_space<vmem>>, vector<512x128xf32>
    %add3A_26 = arith.addf %div3A_22, %get3A_25 : vector<512x128xf32>
    %max3A_27 = arith.constant 0.000000e+00 : f32
    %max3A_28 = vector.broadcast %max3A_27 : f32 to vector<512x128xf32>
    %max3A_29 = arith.maximumf %add3A_26, %max3A_28 : vector<512x128xf32>
    %get3A_30 = arith.constant 0 : index
    %get3A_31 = arith.constant 0 : index
    %get3A_32 = vector.load %arg4[%get3A_30, %get3A_31] : memref<128x128xf32, #tpu.memory_space<vmem>>, vector<128x128xf32>
    %dot_general3A = arith.constant dense<0.000000e+00> : vector<512x128xf32>
    %dot_general3A_33 = tpu.matmul %max3A_29, %get3A_32, %dot_general3A {dimension_numbers = #tpu.dot_dimension_numbers<[1], [0], [0], [1], [0, 0, 1, 1], [], []>, transpose_lhs_hint = false} : vector<512x128xf32>, vector<128x128xf32>, vector<512x128xf32> -> vector<512x128xf32>
    %swap3A = arith.constant 0 : index
    %swap3A_34 = arith.constant 0 : index
    %swap3A_35 = vector.load %arg7[%swap3A, %swap3A_34] : memref<512x128xf32, #tpu.memory_space<vmem>>, vector<512x128xf32>
    tpu.vector_store %arg7[%swap3A, %swap3A_34], %dot_general3A_33 {strides = array<i32>} : memref<512x128xf32, #tpu.memory_space<vmem>>, vector<512x128xf32>,
    %get3A_36 = arith.constant 0 : index
    %get3A_37 = arith.constant 0 : index
    %get3A_38 = vector.load %arg5[%get3A_36, %get3A_37] : memref<128x128xf32, #tpu.memory_space<vmem>>, vector<128x128xf32>
    %dot_general3A_39 = arith.constant dense<0.000000e+00> : vector<512x128xf32>
    %dot_general3A_40 = tpu.matmul %max3A_29, %get3A_38, %dot_general3A_39 {dimension_numbers = #tpu.dot_dimension_numbers<[1], [0], [0], [1], [0, 0, 1, 1], [], []>, transpose_lhs_hint = false} : vector<512x128xf32>, vector<128x128xf32>, vector<512x128xf32> -> vector<512x128xf32>
    %get3A_41 = arith.constant 0 : index
    %get3A_42 = arith.constant 0 : index
    %get3A_43 = vector.load %arg6[%get3A_41, %get3A_42] : memref<1x128xf32, #tpu.memory_space<vmem>>, vector<1x128xf32>
    %add3A_44 = vector.broadcast %get3A_43 : vector<1x128xf32> to vector<512x128xf32>
    %add3A_45 = arith.addf %dot_general3A_40, %add3A_44 : vector<512x128xf32>
    %swap3A_46 = arith.constant 0 : index
    %swap3A_47 = arith.constant 0 : index
    %swap3A_48 = vector.load %arg8[%swap3A_46, %swap3A_47] : memref<512x128xf32, #tpu.memory_space<vmem>>, vector<512x128xf32>
    tpu.vector_store %arg8[%swap3A_46, %swap3A_47], %add3A_45 {strides = array<i32>} : memref<512x128xf32, #tpu.memory_space<vmem>>, vector<512x128xf32>,
    return
  }
  func.func @transform_0(%arg0: i32) -> (i32, i32, i32) {
    %c0_i32 = arith.constant 0 : i32
    %c0_i32_0 = arith.constant 0 : i32
    %c0_i32_1 = arith.constant 0 : i32
    return %c0_i32, %arg0, %c0_i32_0 : i32, i32, i32
  }
  func.func @transform_1(%arg0: i32) -> (i32, i32, i32) {
    %c0_i32 = arith.constant 0 : i32
    %c0_i32_0 = arith.constant 0 : i32
    %c0_i32_1 = arith.constant 0 : i32
    return %c0_i32, %arg0, %c0_i32_0 : i32, i32, i32
  }
  func.func @transform_2(%arg0: i32) -> (i32, i32) {
    %c0_i32 = arith.constant 0 : i32
    %c0_i32_0 = arith.constant 0 : i32
    return %arg0, %c0_i32 : i32, i32
  }
  func.func @transform_3(%arg0: i32) -> (i32, i32) {
    %c0_i32 = arith.constant 0 : i32
    %c0_i32_0 = arith.constant 0 : i32
    %c0_i32_1 = arith.constant 0 : i32
    return %c0_i32, %c0_i32_0 : i32, i32
  }
  func.func @transform_4(%arg0: i32) -> (i32, i32) {
    %c0_i32 = arith.constant 0 : i32
    %c0_i32_0 = arith.constant 0 : i32
    %c0_i32_1 = arith.constant 0 : i32
    return %c0_i32, %c0_i32_0 : i32, i32
  }
  func.func @transform_5(%arg0: i32) -> (i32, i32) {
    %c0_i32 = arith.constant 0 : i32
    %c0_i32_0 = arith.constant 0 : i32
    %c0_i32_1 = arith.constant 0 : i32
    return %c0_i32, %c0_i32_0 : i32, i32
  }
  func.func @transform_6(%arg0: i32) -> (i32, i32) {
    %c0_i32 = arith.constant 0 : i32
    %c0_i32_0 = arith.constant 0 : i32
    return %arg0, %c0_i32 : i32, i32
  }
  func.func @transform_7(%arg0: i32) -> (i32, i32) {
    %c0_i32 = arith.constant 0 : i32
    %c0_i32_0 = arith.constant 0 : i32
    return %arg0, %c0_i32 : i32, i32
  }
}

module attributes {stable_mosaic.version = 14 : i64} {
  func.func @_mid_body(%arg0: i32, %arg1: memref<2x512x128xf32, #tpu.memory_space<vmem>>, %arg2: memref<2x512x1xf32, #tpu.memory_space<vmem>>, %arg3: memref<512x128xf32, #tpu.memory_space<vmem>>, %arg4: memref<128x128xf32, #tpu.memory_space<vmem>>, %arg5: memref<128x64xf32, #tpu.memory_space<vmem>>, %arg6: memref<1x64xf32, #tpu.memory_space<vmem>>, %arg7: memref<512x128xf32, #tpu.memory_space<vmem>>, %arg8: memref<512x64xf32, #tpu.memory_space<vmem>>) attributes {dimension_semantics = [#tpu.dimension_semantics<arbitrary>], iteration_bounds = array<i64: 20>, scalar_prefetch = 0 : i64, scratch_operands = 0 : i64, tpu.core_type = #tpu.core_type<tc>, window_params = [{transform_indices = @transform_0, window_bounds = array<i64: 2, 512, 128>}, {transform_indices = @transform_1, window_bounds = array<i64: 2, 512, 1>}, {transform_indices = @transform_2, window_bounds = array<i64: 512, 128>}, {pipeline_mode = #tpu.pipeline_mode<synchronous>, transform_indices = @transform_3, window_bounds = array<i64: 128, 128>}, {pipeline_mode = #tpu.pipeline_mode<synchronous>, transform_indices = @transform_4, window_bounds = array<i64: 128, 64>}, {pipeline_mode = #tpu.pipeline_mode<synchronous>, transform_indices = @transform_5, window_bounds = array<i64: 1, 64>}, {transform_indices = @transform_6, window_bounds = array<i64: 512, 128>}, {transform_indices = @transform_7, window_bounds = array<i64: 512, 64>}]} {
    %get3A = arith.constant 0 : index
    %get3A_0 = arith.constant 0 : index
    %get3A_1 = arith.constant 0 : index
    %get3A_2 = vector.load %arg2[%get3A, %get3A_0, %get3A_1] : memref<2x512x1xf32, #tpu.memory_space<vmem>>, vector<1x512x1xf32>
    %get3A_3 = vector.shape_cast %get3A_2 : vector<1x512x1xf32> to vector<512x1xf32>
    %get3A_4 = arith.constant 1 : index
    %get3A_5 = arith.constant 0 : index
    %get3A_6 = arith.constant 0 : index
    %get3A_7 = vector.load %arg2[%get3A_4, %get3A_5, %get3A_6] : memref<2x512x1xf32, #tpu.memory_space<vmem>>, vector<1x512x1xf32>
    %get3A_8 = vector.shape_cast %get3A_7 : vector<1x512x1xf32> to vector<512x1xf32>
    %add3A = arith.addf %get3A_3, %get3A_8 : vector<512x1xf32>
    %get3A_9 = arith.constant 0 : index
    %get3A_10 = arith.constant 0 : index
    %get3A_11 = arith.constant 0 : index
    %get3A_12 = vector.load %arg1[%get3A_9, %get3A_10, %get3A_11] : memref<2x512x128xf32, #tpu.memory_space<vmem>>, vector<1x512x128xf32>
    %get3A_13 = vector.shape_cast %get3A_12 : vector<1x512x128xf32> to vector<512x128xf32>
    %get3A_14 = arith.constant 1 : index
    %get3A_15 = arith.constant 0 : index
    %get3A_16 = arith.constant 0 : index
    %get3A_17 = vector.load %arg1[%get3A_14, %get3A_15, %get3A_16] : memref<2x512x128xf32, #tpu.memory_space<vmem>>, vector<1x512x128xf32>
    %get3A_18 = vector.shape_cast %get3A_17 : vector<1x512x128xf32> to vector<512x128xf32>
    %add3A_19 = arith.addf %get3A_13, %get3A_18 : vector<512x128xf32>
    %max3A = arith.constant 1.000000e+00 : f32
    %max3A_20 = vector.broadcast %max3A : f32 to vector<512x1xf32>
    %max3A_21 = arith.maximumf %add3A, %max3A_20 : vector<512x1xf32>
    %div3A = vector.broadcast %max3A_21 : vector<512x1xf32> to vector<512x128xf32>
    %div3A_22 = arith.divf %add3A_19, %div3A : vector<512x128xf32>
    %get3A_23 = arith.constant 0 : index
    %get3A_24 = arith.constant 0 : index
    %get3A_25 = vector.load %arg3[%get3A_23, %get3A_24] : memref<512x128xf32, #tpu.memory_space<vmem>>, vector<512x128xf32>
    %add3A_26 = arith.addf %div3A_22, %get3A_25 : vector<512x128xf32>
    %max3A_27 = arith.constant 0.000000e+00 : f32
    %max3A_28 = vector.broadcast %max3A_27 : f32 to vector<512x128xf32>
    %max3A_29 = arith.maximumf %add3A_26, %max3A_28 : vector<512x128xf32>
    %get3A_30 = arith.constant 0 : index
    %get3A_31 = arith.constant 0 : index
    %get3A_32 = vector.load %arg4[%get3A_30, %get3A_31] : memref<128x128xf32, #tpu.memory_space<vmem>>, vector<128x128xf32>
    %dot_general3A = arith.constant dense<0.000000e+00> : vector<512x128xf32>
    %dot_general3A_33 = tpu.matmul %max3A_29, %get3A_32, %dot_general3A {dimension_numbers = #tpu.dot_dimension_numbers<[1], [0], [0], [1], [0, 0, 1, 1], [], []>, transpose_lhs_hint = false} : vector<512x128xf32>, vector<128x128xf32>, vector<512x128xf32> -> vector<512x128xf32>
    %swap3A = arith.constant 0 : index
    %swap3A_34 = arith.constant 0 : index
    %swap3A_35 = vector.load %arg7[%swap3A, %swap3A_34] : memref<512x128xf32, #tpu.memory_space<vmem>>, vector<512x128xf32>
    tpu.vector_store %arg7[%swap3A, %swap3A_34], %dot_general3A_33 {strides = array<i32>} : memref<512x128xf32, #tpu.memory_space<vmem>>, vector<512x128xf32>,
    %get3A_36 = arith.constant 0 : index
    %get3A_37 = arith.constant 0 : index
    %get3A_38 = vector.load %arg5[%get3A_36, %get3A_37] : memref<128x64xf32, #tpu.memory_space<vmem>>, vector<128x64xf32>
    %dot_general3A_39 = arith.constant dense<0.000000e+00> : vector<512x64xf32>
    %dot_general3A_40 = tpu.matmul %max3A_29, %get3A_38, %dot_general3A_39 {dimension_numbers = #tpu.dot_dimension_numbers<[1], [0], [0], [1], [0, 0, 1, 1], [], []>, transpose_lhs_hint = false} : vector<512x128xf32>, vector<128x64xf32>, vector<512x64xf32> -> vector<512x64xf32>
    %get3A_41 = arith.constant 0 : index
    %get3A_42 = arith.constant 0 : index
    %get3A_43 = vector.load %arg6[%get3A_41, %get3A_42] : memref<1x64xf32, #tpu.memory_space<vmem>>, vector<1x64xf32>
    %add3A_44 = vector.broadcast %get3A_43 : vector<1x64xf32> to vector<512x64xf32>
    %add3A_45 = arith.addf %dot_general3A_40, %add3A_44 : vector<512x64xf32>
    %swap3A_46 = arith.constant 0 : index
    %swap3A_47 = arith.constant 0 : index
    %swap3A_48 = vector.load %arg8[%swap3A_46, %swap3A_47] : memref<512x64xf32, #tpu.memory_space<vmem>>, vector<512x64xf32>
    tpu.vector_store %arg8[%swap3A_46, %swap3A_47], %add3A_45 {strides = array<i32>} : memref<512x64xf32, #tpu.memory_space<vmem>>, vector<512x64xf32>,
    return
  }
  func.func @transform_0(%arg0: i32) -> (i32, i32, i32) {
    %c0_i32 = arith.constant 0 : i32
    %c0_i32_0 = arith.constant 0 : i32
    %c0_i32_1 = arith.constant 0 : i32
    return %c0_i32, %arg0, %c0_i32_0 : i32, i32, i32
  }
  func.func @transform_1(%arg0: i32) -> (i32, i32, i32) {
    %c0_i32 = arith.constant 0 : i32
    %c0_i32_0 = arith.constant 0 : i32
    %c0_i32_1 = arith.constant 0 : i32
    return %c0_i32, %arg0, %c0_i32_0 : i32, i32, i32
  }
  func.func @transform_2(%arg0: i32) -> (i32, i32) {
    %c0_i32 = arith.constant 0 : i32
    %c0_i32_0 = arith.constant 0 : i32
    return %arg0, %c0_i32 : i32, i32
  }
  func.func @transform_3(%arg0: i32) -> (i32, i32) {
    %c0_i32 = arith.constant 0 : i32
    %c0_i32_0 = arith.constant 0 : i32
    %c0_i32_1 = arith.constant 0 : i32
    return %c0_i32, %c0_i32_0 : i32, i32
  }
  func.func @transform_4(%arg0: i32) -> (i32, i32) {
    %c0_i32 = arith.constant 0 : i32
    %c0_i32_0 = arith.constant 0 : i32
    %c0_i32_1 = arith.constant 0 : i32
    return %c0_i32, %c0_i32_0 : i32, i32
  }
  func.func @transform_5(%arg0: i32) -> (i32, i32) {
    %c0_i32 = arith.constant 0 : i32
    %c0_i32_0 = arith.constant 0 : i32
    %c0_i32_1 = arith.constant 0 : i32
    return %c0_i32, %c0_i32_0 : i32, i32
  }
  func.func @transform_6(%arg0: i32) -> (i32, i32) {
    %c0_i32 = arith.constant 0 : i32
    %c0_i32_0 = arith.constant 0 : i32
    return %arg0, %c0_i32 : i32, i32
  }
  func.func @transform_7(%arg0: i32) -> (i32, i32) {
    %c0_i32 = arith.constant 0 : i32
    %c0_i32_0 = arith.constant 0 : i32
    return %arg0, %c0_i32 : i32, i32
  }
}

module attributes {stable_mosaic.version = 14 : i64} {
  func.func @_final_body(%arg0: i32, %arg1: memref<2x512x128xf32, #tpu.memory_space<vmem>>, %arg2: memref<2x512x1xf32, #tpu.memory_space<vmem>>, %arg3: memref<512x64xf32, #tpu.memory_space<vmem>>, %arg4: memref<512x64xf32, #tpu.memory_space<vmem>>) attributes {dimension_semantics = [#tpu.dimension_semantics<arbitrary>], iteration_bounds = array<i64: 20>, scalar_prefetch = 0 : i64, scratch_operands = 0 : i64, tpu.core_type = #tpu.core_type<tc>, window_params = [{transform_indices = @transform_0, window_bounds = array<i64: 2, 512, 128>}, {transform_indices = @transform_1, window_bounds = array<i64: 2, 512, 1>}, {transform_indices = @transform_2, window_bounds = array<i64: 512, 64>}, {transform_indices = @transform_3, window_bounds = array<i64: 512, 64>}]} {
    %get3A = arith.constant 0 : index
    %get3A_0 = arith.constant 0 : index
    %get3A_1 = arith.constant 0 : index
    %get3A_2 = vector.load %arg2[%get3A, %get3A_0, %get3A_1] : memref<2x512x1xf32, #tpu.memory_space<vmem>>, vector<1x512x1xf32>
    %get3A_3 = vector.shape_cast %get3A_2 : vector<1x512x1xf32> to vector<512x1xf32>
    %get3A_4 = arith.constant 1 : index
    %get3A_5 = arith.constant 0 : index
    %get3A_6 = arith.constant 0 : index
    %get3A_7 = vector.load %arg2[%get3A_4, %get3A_5, %get3A_6] : memref<2x512x1xf32, #tpu.memory_space<vmem>>, vector<1x512x1xf32>
    %get3A_8 = vector.shape_cast %get3A_7 : vector<1x512x1xf32> to vector<512x1xf32>
    %add3A = arith.addf %get3A_3, %get3A_8 : vector<512x1xf32>
    %get3A_9 = arith.constant 0 : index
    %get3A_10 = arith.constant 0 : index
    %get3A_11 = arith.constant 0 : index
    %get3A_12 = vector.load %arg1[%get3A_9, %get3A_10, %get3A_11] : memref<2x512x128xf32, #tpu.memory_space<vmem>>, vector<1x512x64xf32>
    %get3A_13 = vector.shape_cast %get3A_12 : vector<1x512x64xf32> to vector<512x64xf32>
    %get3A_14 = arith.constant 1 : index
    %get3A_15 = arith.constant 0 : index
    %get3A_16 = arith.constant 0 : index
    %get3A_17 = vector.load %arg1[%get3A_14, %get3A_15, %get3A_16] : memref<2x512x128xf32, #tpu.memory_space<vmem>>, vector<1x512x64xf32>
    %get3A_18 = vector.shape_cast %get3A_17 : vector<1x512x64xf32> to vector<512x64xf32>
    %add3A_19 = arith.addf %get3A_13, %get3A_18 : vector<512x64xf32>
    %max3A = arith.constant 1.000000e+00 : f32
    %max3A_20 = vector.broadcast %max3A : f32 to vector<512x1xf32>
    %max3A_21 = arith.maximumf %add3A, %max3A_20 : vector<512x1xf32>
    %div3A = vector.broadcast %max3A_21 : vector<512x1xf32> to vector<512x64xf32>
    %div3A_22 = arith.divf %add3A_19, %div3A : vector<512x64xf32>
    %get3A_23 = arith.constant 0 : index
    %get3A_24 = arith.constant 0 : index
    %get3A_25 = vector.load %arg3[%get3A_23, %get3A_24] : memref<512x64xf32, #tpu.memory_space<vmem>>, vector<512x64xf32>
    %add3A_26 = arith.addf %div3A_22, %get3A_25 : vector<512x64xf32>
    %reduce_max3A = arith.constant dense<0xFF800000> : vector<512xf32>
    %reduce_max3A_27 = vector.multi_reduction <maximumf>, %add3A_26, %reduce_max3A [1] : vector<512x64xf32> to vector<512xf32>
    %broadcast_in_dim3A = vector.shape_cast %reduce_max3A_27 : vector<512xf32> to vector<512x1xf32>
    %sub3A = vector.broadcast %broadcast_in_dim3A : vector<512x1xf32> to vector<512x64xf32>
    %sub3A_28 = arith.subf %add3A_26, %sub3A : vector<512x64xf32>
    %exp3A = math.exp %sub3A_28 : vector<512x64xf32>
    %reduce_sum3A = arith.constant dense<0.000000e+00> : vector<512xf32>
    %reduce_sum3A_29 = vector.multi_reduction <add>, %exp3A, %reduce_sum3A [1] : vector<512x64xf32> to vector<512xf32>
    %broadcast_in_dim3A_30 = vector.shape_cast %reduce_sum3A_29 : vector<512xf32> to vector<512x1xf32>
    %log3A = math.log %broadcast_in_dim3A_30 : vector<512x1xf32>
    %add3A_31 = arith.addf %log3A, %broadcast_in_dim3A : vector<512x1xf32>
    %sub3A_32 = vector.broadcast %add3A_31 : vector<512x1xf32> to vector<512x64xf32>
    %sub3A_33 = arith.subf %add3A_26, %sub3A_32 : vector<512x64xf32>
    %swap3A = arith.constant 0 : index
    %swap3A_34 = arith.constant 0 : index
    %swap3A_35 = vector.load %arg4[%swap3A, %swap3A_34] : memref<512x64xf32, #tpu.memory_space<vmem>>, vector<512x64xf32>
    tpu.vector_store %arg4[%swap3A, %swap3A_34], %sub3A_33 {strides = array<i32>} : memref<512x64xf32, #tpu.memory_space<vmem>>, vector<512x64xf32>,
    return
  }
  func.func @transform_0(%arg0: i32) -> (i32, i32, i32) {
    %c0_i32 = arith.constant 0 : i32
    %c0_i32_0 = arith.constant 0 : i32
    %c0_i32_1 = arith.constant 0 : i32
    return %c0_i32, %arg0, %c0_i32_0 : i32, i32, i32
  }
  func.func @transform_1(%arg0: i32) -> (i32, i32, i32) {
    %c0_i32 = arith.constant 0 : i32
    %c0_i32_0 = arith.constant 0 : i32
    %c0_i32_1 = arith.constant 0 : i32
    return %c0_i32, %arg0, %c0_i32_0 : i32, i32, i32
  }
  func.func @transform_2(%arg0: i32) -> (i32, i32) {
    %c0_i32 = arith.constant 0 : i32
    %c0_i32_0 = arith.constant 0 : i32
    return %arg0, %c0_i32 : i32, i32
  }
  func.func @transform_3(%arg0: i32) -> (i32, i32) {
    %c0_i32 = arith.constant 0 : i32
    %c0_i32_0 = arith.constant 0 : i32
    return %arg0, %c0_i32 : i32, i32
  }
}

</mosaic_0001>

<sc_bundles>
// kernel: kernel.10.cloned.1.call-start
scs
__scs_entry_jumppad:
0x0: {  	(pc) =	sbr.rel $0x88, $3  }
0x1: {  	(tag) =	ssettag $0x0;
	lr =	simm.s32 $0x1  }
0x2: {  	[smem:$0x3F96] =	sst lr;
	_ =	strace $0xD0000000  }
0x3: {  	_ = 	snop  }
0x4: {  	_ = 	snop  }
0x5: {  	_ = 	snop  }
0x6: {  	_ = 	snop  }
0x7: {  	_ = 	snop  }
__scs_overlays_trampoline_lowered:
0x8: {  	[smem:$0x3FA5] =	sst s0  }
0x9: {  	[smem:$0x3FA6] =	sst s1  }
0xa: {  	[smem:$0x3FA7] =	sst s2  }
0xb: {  	[smem:$0x3FA8] =	sst s3  }
0xc: {  	[smem:$0x3FA9] =	sst s4  }
0xd: {  	[smem:$0x3FAA] =	sst s5  }
0xe: {  	[smem:$0x3FAB] =	sst s6  }
0xf: {  	[smem:$0x3FAC] =	sst s7  }
0x10: {  	[smem:$0x3FAD] =	sst s8  }
0x11: {  	[smem:$0x3FAE] =	sst s9;
	s0 =	simm.s32 @!p0 $0x0  }
0x12: {  	s1 =	sld [smem:$0x3F94];
	s0 =	simm.s32 @p0 $0x1  }
0x13: {  	[smem:$0x3FAF] =	sst s0;
	s0 =	simm.s32 @!p1 $0x0  }
0x14: {  	s2 =	sld [smem:$0x3F93];
	s0 =	simm.s32 @p1 $0x1  }
0x15: {  	[smem:$0x3FB0] =	sst s0;
	s0 =	simm.s32 @!p2 $0x0  }
0x16: {  	s3 =	sld [smem:$0x3FDB];
	s0 =	simm.s32 @p2 $0x1  }
0x17: {  	s4 =	simm.s32 $0x1BF5;
	[smem:$0x3FB2] =	sst s0  }
0x18: {  	s0 =	sld [smem:$0x3F95];
	_ =	swait.ge [sflag:s4], $0x0  }
0x19: {  	s7 =	sld [smem:$0x3F96]  }
0x1a: {  	s8 =	sadd.s32 $0xFFFFE003, lr  }
0x1b: {  	s9 =	sadd.s32 $0xFFFFFEF7, lr;
	s5 =	simm.s32 $0xFFFFFFFF;
	p2 =	slt.u32 s8, $0xFFFFF086  }
0x1c: {  	p1 =	slt.u32 s9, $0xF7A;
	s5 =	simm.s32 @!p2 $0x0  }
0x1d: {  	s5 =	simm.s32 @p1 $0x1;
	p0 =	seq.s32 s7, s2  }
0x1e: {  	s7 =	smul.u32 @!p0 $0xF7A, s2;
	p2 =	seq.s32 @!p0 s5, $0x0  }
0x1f: {  	s9 =	smul.u32 $0xF7A, s1;
	s8 =	simm.s32 @!p0 $0x1BF5;
	p2 =	por !p2, p0  }
0x20: {  	[sflag:s8] =	ssyncset.s32 @!p0 $0xFFFFF086;
	s6 =	sadd.s32 @!p0 s3, s7;
	s7 =	simm.s32 @!p0 $0x108  }
0x21: {  	s3 =	sadd.s32 s3, s9;
	s6 =	sadd.s32 @!p0 $0x88, s6;
	s7 =	simm.s32 @p2 $0x1082  }
0x22: {  	[simem:s7], [sflag:s8] =	dma.local @!p0 [hbm:s6], $0xF7A  }
0x23: {  	s9 =	sor.u32 $0xD0000000, s2;
	s6 =	simm.s32 $0x108;
	_ =	swait.ge @!p0 [sflag:s8], $0x0  }
0x24: {  	s3 =	sadd.s32 $0x88, s3;
	s6 =	simm.s32 @!p1 $0x1082;
	[sflag:s4] =	ssyncset.s32 $0xFFFFF086  }
0x25: {  	[simem:s6], [sflag:s4] =	dma.local [hbm:s3], $0xF7A  }
0x26: {  	[smem:$0x3F96] =	sst s1;
	(tag) =	ssettag s2;
	_ =	strace s9  }
0x27: {  	s1 =	sld [smem:$0x3FA6]  }
0x28: {  	s2 =	sld [smem:$0x3FA7]  }
0x29: {  	s4 =	sld [smem:$0x3FA9]  }
0x2a: {  	p0 =	seq.s32 s5, $0x0;
	s5 =	sld [smem:$0x3FAA]  }
0x2b: {  	s6 =	sld [smem:$0x3FAB]  }
0x2c: {  	s7 =	sld [smem:$0x3FAC]  }
0x2d: {  	s3 =	simm.s32 $0x108;
	s8 =	sld [smem:$0x3FAD]  }
0x2e: {  	s3 =	simm.s32 @!p0 $0x1082;
	s9 =	sld [smem:$0x3FAE]  }
0x2f: {  	lr =	sadd.s32 s0, s3;
	s0 =	sld [smem:$0x3FA5]  }
0x30: {  	s3 =	sld [smem:$0x3FA8]  }
0x31: {  	[smem:$0x3FB1] =	sst s10  }
0x32: {  	s10 =	sld [smem:$0x3FAF];
	_ =	sdelay $0x3  }
0x33: {  	p0 =	seq.s32 s10, $0x1;
	s10 =	sld [smem:$0x3FB1];
	_ =	sdelay $0x3  }
0x34: {  	[smem:$0x3FB1] =	sst s10  }
0x35: {  	s10 =	sld [smem:$0x3FB0];
	_ =	sdelay $0x3  }
0x36: {  	p1 =	seq.s32 s10, $0x1;
	s10 =	sld [smem:$0x3FB1];
	_ =	sdelay $0x3  }
0x37: {  	[smem:$0x3FB1] =	sst s10  }
0x38: {  	s10 =	sld [smem:$0x3FB2]  }
0x39: {  	_ = 	snop;
	(pc) =	sbr.ind lr, $3  }
0x3a: {  	_ = 	snop  }
0x3b: {  	_ = 	snop  }
0x3c: {  	p2 =	seq.s32 s10, $0x1;
	s10 =	sld [smem:$0x3FB1]  }
0x3d: {  	_ =	shalt  }
0x3e: {  	_ =	shalt  }
0x3f: {  	_ =	shalt  }
0x40: {  	_ =	shalt  }
0x41: {  	_ =	shalt  }
0x42: {  	_ =	shalt  }
0x43: {  	_ =	shalt  }
0x44: {  	_ =	shalt  }
0x45: {  	_ =	shalt  }
0x46: {  	_ =	shalt  }
0x47: {  	_ =	shalt  }
0x48: {  	_ =	shalt  }
0x49: {  	_ =	shalt  }
0x4a: {  	_ =	shalt  }
0x4b: {  	_ =	shalt  }
0x4c: {  	_ =	shalt  }
0x4d: {  	_ =	shalt  }
0x4e: {  	_ =	shalt  }
0x4f: {  	_ =	shalt  }
0x50: {  	_ =	shalt  }
0x51: {  	_ =	shalt  }
0x52: {  	_ =	shalt  }
0x53: {  	_ =	shalt  }
0x54: {  	_ =	shalt  }
0x55: {  	_ =	shalt  }
0x56: {  	_ =	shalt  }
0x57: {  	_ =	shalt  }
0x58: {  	_ =	shalt  }
0x59: {  	_ =	shalt  }
0x5a: {  	_ =	shalt  }
0x5b: {  	_ =	shalt  }
0x5c: {  	_ =	shalt  }
0x5d: {  	_ =	shalt  }
0x5e: {  	_ =	shalt  }
0x5f: {  	_ =	shalt  }
0x60: {  	_ =	shalt  }
0x61: {  	_ =	shalt  }
0x62: {  	_ =	shalt  }
0x63: {  	_ =	shalt  }
0x64: {  	_ =	shalt  }
0x65: {  	_ =	shalt  }
0x66: {  	_ =	shalt  }
0x67: {  	_ =	shalt  }
0x68: {  	_ =	shalt  }
0x69: {  	_ =	shalt  }
0x6a: {  	_ =	shalt  }
0x6b: {  	_ =	shalt  }
0x6c: {  	_ =	shalt  }
0x6d: {  	_ =	shalt  }
0x6e: {  	_ =	shalt  }
0x6f: {  	_ =	shalt  }
0x70: {  	_ =	shalt  }
0x71: {  	_ =	shalt  }
0x72: {  	_ =	shalt  }
0x73: {  	_ =	shalt  }
0x74: {  	_ =	shalt  }
0x75: {  	_ =	shalt  }
0x76: {  	_ =	shalt  }
0x77: {  	_ =	shalt  }
0x78: {  	_ =	shalt  }
0x79: {  	_ =	shalt  }
0x7a: {  	_ =	shalt  }
0x7b: {  	_ =	shalt  }
0x7c: {  	_ =	shalt  }
0x7d: {  	_ =	shalt  }
0x7e: {  	_ =	shalt  }
0x7f: {  	_ =	shalt  }
0x80: {  	_ =	shalt  }
0x81: {  	_ =	shalt  }
0x82: {  	_ =	shalt  }
0x83: {  	_ =	shalt  }
0x84: {  	_ =	shalt  }
0x85: {  	_ =	shalt  }
0x86: {  	_ =	shalt  }
0x87: {  	_ =	shalt  }
.Lfunc_end0:
.L_simem_size_0:
called_computation_lowered:
.L_overlay_start_0:
0x88: {  	s2 =	sld [smem:$0x3FD9]  }
0x89: {  	s3 =	sld [smem:$0x3FFE];
	_ =	sdelay $0x1  }
0x8a: {  	s1 =	srdreg.scid  }
0x8b: {  	s0 =	sand.u32 $0x1, s1  }
0x8c: {  	s16 =	sshll.u32 s0, $0xA;
	s2 =	sadd.s32 s3, s2  }
0x8d: {  	s2 =	sadd.s32 s2, s16  }
0x8e: {  	[smem:$0x3FBD] =	sst s2  }
0x8f: {  	_ = 	snop  }
0x90: {  	(tm) =	ssettm $0x1  }
0x91: {  	s17 =	sld [smem:$0x3FFB];
	_ =	sdelay $0x3  }
0x92: {  	_ =	strace s17  }
0x93: {  	s2 =	sld [smem:$0x3FFC];
	_ =	sdelay $0x3  }
0x94: {  	_ =	strace s2  }
0x95: {  	s2 =	sld [smem:$0x3FFD];
	_ =	sdelay $0x3  }
0x96: {  	_ =	strace s2  }
0x97: {  	_ =	strace $0x8FFFFFFF  }
0x98: {  	s18 =	sld [smem:$0x3FDB];
	_ =	sdelay $0x1  }
0x99: {  	s19 =	simm.s32 $_scs_section_size  }
0x9a: {  	s4 =	simm.s32 $_size__tile_overlayer_lowered;
	s5 =	simm.s32 $_tile_overlayer_lowered  }
0x9b: {  	s22 =	simm.s32 $0x1BFF;
	s21 =	sshll.u32 s5, $0x1;
	s2 =	sadd.s32 s19, s18  }
0x9c: {  	s6 =	simm.s32 $0x0;
	s20 =	sshll.u32 s4, $0x1;
	s4 =	sadd.s32 s21, s2  }
0x9d: {  	[timem:s6], [sflag:s22] =	dma.local [hbm:s4], s20  }
0x9e: {  	_ =	swait.ge [sflag:s22], s20  }
0x9f: {  	s3 =	ssub.s32 $0x0, s20;
	[sflag:s22] =	ssyncset.done $0x0  }
0xa0: {  	[sflag:s22] =	ssyncadd.s32 s3;
	_ =	sdelay $0x1  }
0xa1: {  	s23 =	simm.s32 $0x1B8B  }
0xa2: {  	_ =	swait.ge [sflag:s23], $0x1  }
0xa3: {  	[sflag:s23] =	ssyncset.done $0x0  }
0xa4: {  	s25 =	simm.s32 $0x1B8E;
	s24 =	sld [smem:$0x3FFE];
	[sflag:s23] =	ssyncadd.s32 $0xFFFFFFFF  }
0xa5: {  	s26 =	simm.s32 $execute0_lowered;
	[smem:$0x3FD2] =	sst s25  }
0xa6: {  	s4 =	sshll.u32 s26, $0x1;
	_ =	strace $0x80000046;
	[dreg:$0x1] =	wrdreg $0xFFFFFFFF  }
0xa7: {  	s28 =	simm.s32 $_size_execute0_lowered;
	s2 =	sadd.s32 s2, s4;
	[dreg:$0x0] =	wrdreg $0x0  }
0xa8: {  	s4 =	sshll.u32 s28, $0x1;
	[dreg:$0x2] =	wrdreg s2  }
0xa9: {  	[dreg:$0x3] =	wrdreg s4  }
0xaa: {  	[dreg:$0x4] =	wrdreg $0xC0  }
0xab: {  	_ =	task [dreg:s6], $0x5FFFF  }
0xac: {  	[dreg:$0x1] =	wrdreg $0xFFFFFFFF  }
0xad: {  	[dreg:$0x0] =	wrdreg $0x60  }
0xae: {  	[dreg:$0x2] =	wrdreg s24  }
0xaf: {  	[dreg:$0x3] =	wrdreg $0x41000  }
0xb0: {  	[dreg:$0x4] =	wrdreg $0x9  }
0xb1: {  	_ =	task.clear_ibuf [dreg:s6], $0x5FFFF;
	_ =	strace $0x90000046  }
0xb2: {  	s29 =	simm.s32 $0x9;
	_ =	strace $0x80000048  }
0xb3: {  	_ =	swait.ge [sflag:s29], $0x1  }
0xb4: {  	[sflag:s29] =	ssyncadd.s32 $0xFFFFFFFF  }
0xb5: {  	_ =	strace $0x90000048  }
0xb6: {  	_ =	sfence  }
0xb7: {  	s30 =	sld [smem:$0x0];
	_ =	sdelay $0x2  }
0xb8: {  	s31 =	sshll.u32 s1, $0xD;
	s1 =	sshrl.u32 s1, $0x2  }
0xb9: {  	s3 =	sand.u32 $0x4000, s31;
	s1 =	sadd.s32 s1, s30  }
0xba: {  	s0 =	sor.u32 s3, s0;
	s1 =	sshll.u32 s1, $0x11  }
0xbb: {  	s0 =	sor.u32 s1, s0  }
0xbc: {  	s0 =	sadd.s32 $0x8F2B, s0  }
0xbd: {  	[sflag:s0] =	ssyncadd.remote.s32 $0x1  }
0xbe: {  	_ =	sfence.sel $0xFFFF  }
0xbf: {  	[dreg:$0x0] =	wrdreg $0xFFFFFFFF;
	(pc) =	sbr.abs _section_cstart, $3  }
0xc0: {  	[dreg:$0x1] =	wrdreg $0xFFFFFFFF  }
0xc1: {  	_ =	task.clear_ibuf [dreg:s6], $0x2FFFF;
	_ =	strace $0x9FFFFFFF  }
0xc2: {  	(tm) =	ssettm $0x7FFFFFFF  }
0xc3: {  	_ =	shalt  }
tec
execute0_lowered:
.L_overlay_start_1:
0x0: {  	(tag) =	ssettag $0x1  }
0x1: {  	s4 =	rddreg [dreg:$0x0]  }
0x2: {  	s1 =	rddreg [dreg:$0x1]  }
0x3: {  	s0 =	rddreg [dreg:$0x2];
	s2 =	simm.s32 $0x0;
	s3 =	srdreg.scid  }
0x4: {  	[smem:$0x7FF] =	sst s2;
	s12 =	sand.u32 $0x1, s3;
	s3 =	stileid.u32  }
0x5: {  	s17 =	sadd.s32 $0x3000, s4;
	s14 =	sadd.s32 $0xD200, s4;
	s9 =	smul.u32 $0x280, s3  }
0x6: {  	_ =	strace $0x80000047;
	s5 =	ssub.s32 $0x2, s12;
	s19 =	smul.u32 $0x50000, s3  }
0x7: {  	s18 =	sshll.u32 s12, $0x4;
	s25 =	smul.u32 $0x28000, s12;
	s16 =	sshrl.u32 s5, $0x1  }
0x8: {  	s29 =	smul.u32 $0x2800, s3;
	s7 =	sor.u32 s3, s18;
	s15 =	ssub.s32 s5, s16  }
0x9: {  	s10 =	sadd.s32 $0x80, s9;
	s13 =	sadd.s32 $0x100, s9;
	s20 =	sshrl.u32 s19, $0x2  }
0xa: {  	s16 =	sadd.s32 $0x180, s9;
	s18 =	sadd.s32 $0x200, s9;
	s19 =	smul.u32 $0x2800, s12  }
0xb: {  	s21 =	sshll.u32 s10, $0x7;
	s6 =	sshll.u32 s13, $0x7;
	s4 =	sadd.s32 s20, s1  }
0xc: {  	s8 =	sshll.u32 s16, $0x7;
	s11 =	sshll.u32 s18, $0x7;
	s20 =	smul.u32 $0x2800, s7  }
0xd: {  	s15 =	smax.u32 s15, $0x1;
	s5 =	sadd.s32 s21, s1;
	s6 =	sadd.s32 s6, s1  }
0xe: {  	s7 =	sadd.s32 s8, s1;
	s8 =	sadd.s32 s11, s1;
	s9 =	sadd.s32 s9, s19  }
0xf: {  	s21 =	sadd.s32 s19, s10;
	s13 =	sadd.s32 s19, s13;
	s28 =	sadd.s32 s19, s16  }
0x10: {  	s18 =	sadd.s32 s19, s18;
	s16 =	sadd.s32 s29, s25;
	s19 =	simm.s32 $0x1  }
0x11: {  	s22 =	sshrl.u32 s20, $0x3;
	s23 =	sshll.u32 s9, $0x4;
	s24 =	sshll.u32 s21, $0x4  }
0x12: {  	s26 =	sshll.u32 s13, $0x4;
	s13 =	sshll.u32 s28, $0x4;
	s18 =	sshll.u32 s18, $0x4  }
0x13: {  	s30 =	sor.u32 $0x100, s16;
	s16 =	sor.u32 $0x80, s16;
	s20 =	simm.s32 $0x80  }
0x14: {  	s21 =	simm.s32 $0x0;
	s9 =	sadd.s32 s17, s22;
	s10 =	sadd.s32 s14, s23  }
0x15: {  	s11 =	sadd.s32 s14, s24;
	s12 =	sadd.s32 s14, s26;
	s13 =	sadd.s32 s14, s13  }
0x16: {  	s14 =	sadd.s32 s14, s18;
	s18 =	sshrl.u32 s30, $0x3;
	s31 =	sshrl.u32 s16, $0x3  }
0x17: {  	v0 =	vimm.f32 $0.0e+00;
	v1 =	vimm.f32 $1.000000000e+00;
	s16 =	sadd.s32 s18, s17;
	s17 =	sadd.s32 s31, s17;
	s18 =	simm.s32 $0x100  }
.LBB2_1:
0x18: {  	s22 =	sand.u32 $0xFE00, s2  }
0x19: {  	s23 =	sand.u32 $0x70, s2;
	s24 =	sshrl.u32 s22, $0x2  }
0x1a: {  	s22 =	simm.s32 $0x40;
	s24 =	sor.u32 s23, s24;
	s23 =	simm.s32 $0x0  }
.LBB2_2:
0x1b: {  	p0 =	sne.s32 s22, $0xFFC0  }
0x1c: {  	[tilespmem:s24+$0x100] =	vst v0;
	s23 =	sadd.s32 $0x10, s23;
	s24 =	smov.u32 s22;
	s22 =	sadd.s32 $0x40, s22  }
.Ltmp0:
0x1d: {  	(pc) =	sbr.rel @p0 .LBB2_2-.Ltmp0, $4  }
0x1e: {  	_ = 	snop  }
0x1f: {  	s24 =	sand.u32 $0xFE00, s24  }
0x20: {  	s25 =	sand.u32 $0x70, s23;
	s24 =	sshrl.u32 s24, $0x2  }
0x21: {  	s24 =	sor.u32 s25, s24  }
0x22: {  	[tilespmem:s24+$0x100] =	vst v0  }
0x23: {  	[spmem:s4] =	stream.linear.scatter [tilespmem:s18], [sflag:$0x1], $0x4000, $0x38;
	[tilespmem:$0x18100] =	vst v63  }
0x24: {  	_ =	swait.ge [sflag:s19], $0x4000  }
0x25: {  	[sflag:s19] =	ssyncset.done $0x0  }
0x26: {  	[sflag:s19] =	ssyncadd.s32 $0xFFFFC000  }
0x27: {  	[spmem:s5] =	stream.linear.scatter [tilespmem:s18], [sflag:$0x1], $0x4000, $0x38;
	[tilespmem:$0x18100] =	vst v63  }
0x28: {  	_ =	swait.ge [sflag:s19], $0x4000  }
0x29: {  	[sflag:s19] =	ssyncset.done $0x0  }
0x2a: {  	[sflag:s19] =	ssyncadd.s32 $0xFFFFC000  }
0x2b: {  	[spmem:s6] =	stream.linear.scatter [tilespmem:s18], [sflag:$0x1], $0x4000, $0x38;
	[tilespmem:$0x18100] =	vst v63  }
0x2c: {  	_ =	swait.ge [sflag:s19], $0x4000  }
0x2d: {  	[sflag:s19] =	ssyncset.done $0x0  }
0x2e: {  	[sflag:s19] =	ssyncadd.s32 $0xFFFFC000  }
0x2f: {  	[spmem:s7] =	stream.linear.scatter [tilespmem:s18], [sflag:$0x1], $0x4000, $0x38;
	[tilespmem:$0x18100] =	vst v63  }
0x30: {  	_ =	swait.ge [sflag:s19], $0x4000  }
0x31: {  	[sflag:s19] =	ssyncset.done $0x0  }
0x32: {  	s22 =	simm.s32 $0x0;
	[sflag:s19] =	ssyncadd.s32 $0xFFFFC000  }
0x33: {  	[spmem:s8] =	stream.linear.scatter [tilespmem:s18], [sflag:$0x1], $0x4000, $0x38;
	[tilespmem:$0x18100] =	vst v63  }
0x34: {  	s23 =	sand.u32 $0xFE00, s22;
	_ =	swait.ge [sflag:s19], $0x4000  }
0x35: {  	s31 =	sand.u32 $0x70, s22;
	s25 =	sshrl.u32 s23, $0x2;
	[sflag:s19] =	ssyncset.done $0x0  }
0x36: {  	s23 =	simm.s32 $0x40;
	s24 =	sor.u32 s31, s25;
	[sflag:s19] =	ssyncadd.s32 $0xFFFFC000  }
.LBB2_4:
0x37: {  	p0 =	sne.s32 s23, $0xFFC0  }
0x38: {  	[tilespmem:s24+$0x100] =	vst v1;
	s22 =	sadd.s32 $0x10, s22;
	s24 =	smov.u32 s23;
	s23 =	sadd.s32 $0x40, s23  }
.Ltmp1:
0x39: {  	(pc) =	sbr.rel @p0 .LBB2_4-.Ltmp1, $4  }
0x3a: {  	_ = 	snop  }
0x3b: {  	s24 =	sand.u32 $0xFE00, s24  }
0x3c: {  	s25 =	sand.u32 $0x70, s22;
	s24 =	sshrl.u32 s24, $0x2  }
0x3d: {  	s24 =	sor.u32 s25, s24  }
0x3e: {  	[tilespmem:s24+$0x100] =	vst v1  }
0x3f: {  	s22 =	simm.s32 $0x0;
	[bflag:$0x0] =	sbarrier.arrive $0xFFFF  }
0x40: {  	[tilespmem:s22], [sflag:$0x1] =	stream.linear.gather [hbm4b:s9+s22], $0x80, $0x38;
	[tilespmem:$0x18100] =	vst v63  }
0x41: {  	_ =	swait.ge [sflag:s19], $0x80  }
0x42: {  	[sflag:s19] =	ssyncset.done $0x0  }
0x43: {  	s30 =	sadd.s32 $0x0, s17;
	[sflag:s19] =	ssyncadd.s32 $0xFFFFFF80  }
0x44: {  	[tilespmem:s20], [sflag:$0x1] =	stream.linear.gather [hbm4b:s30+s2], $0x80, $0x38;
	[tilespmem:$0x18100] =	vst v63  }
0x45: {  	_ =	swait.ge [sflag:s19], $0x80  }
0x46: {  	[sflag:s19] =	ssyncset.done $0x0  }
0x47: {  	[sflag:s19] =	ssyncadd.s32 $0xFFFFFF80  }
0x48: {  	[spmem:s1] =	stream.indirect.scatter.add.f32 [tilespmem:s18], [sflag:$0x1], $0x80, s2, s20, $0xb8;
	[tilespmem:$0x18100] =	vst v63  }
0x49: {  	_ =	swait.ge [sflag:s19], $0x4000  }
0x4a: {  	[sflag:s19] =	ssyncset.done $0x0  }
0x4b: {  	s31 =	sadd.s32 $0x0, s16;
	[sflag:s19] =	ssyncadd.s32 $0xFFFFC000  }
0x4c: {  	[tilespmem:s2], [sflag:$0x1] =	stream.linear.gather [hbm4b:s31+s2], $0x80, $0x38;
	[tilespmem:$0x18100] =	vst v63  }
0x4d: {  	_ =	swait.ge [sflag:s19], $0x80  }
0x4e: {  	[sflag:s19] =	ssyncset.done $0x0  }
0x4f: {  	[sflag:s19] =	ssyncadd.s32 $0xFFFFFF80  }
0x50: {  	[spmem:s1] =	stream.indirect.scatter.add.f32 [tilespmem:s18], [sflag:$0x1], $0x80, s20, s20, $0xb8;
	[tilespmem:$0x18100] =	vst v63  }
0x51: {  	_ =	swait.ge [sflag:s19], $0x4000  }
0x52: {  	s23 =	simm.s32 $0x40;
	s22 =	simm.s32 $0x20;
	[sflag:s19] =	ssyncset.done $0x0  }
.LBB2_6:
0x53: {  	s24 =	sadd.s32 s22, s17  }
0x54: {  	[sflag:s19] =	ssyncadd.s32 $0xFFFFC000;
	s25 =	smov.u32 s23;
	s26 =	sadd.s32 $0x20, s23  }
0x55: {  	[tilespmem:s20], [sflag:$0x1] =	stream.linear.gather [hbm4b:s24+s2], $0x80, $0x38;
	[tilespmem:$0x18100] =	vst v63  }
0x56: {  	p0 =	sne.s32 s23, $0x4E0;
	_ =	swait.ge [sflag:s19], $0x80  }
0x57: {  	[sflag:s19] =	ssyncset.done $0x0  }
0x58: {  	[sflag:s19] =	ssyncadd.s32 $0xFFFFFF80  }
0x59: {  	[spmem:s1] =	stream.indirect.scatter.add.f32 [tilespmem:s18], [sflag:$0x1], $0x80, s2, s20, $0xb8;
	[tilespmem:$0x18100] =	vst v63  }
0x5a: {  	_ =	swait.ge [sflag:s19], $0x4000  }
0x5b: {  	[sflag:s19] =	ssyncset.done $0x0  }
0x5c: {  	s23 =	sadd.s32 s22, s16;
	s22 =	smov.u32 s25;
	[sflag:s19] =	ssyncadd.s32 $0xFFFFC000  }
0x5d: {  	[tilespmem:s2], [sflag:$0x1] =	stream.linear.gather [hbm4b:s23+s2], $0x80, $0x38;
	[tilespmem:$0x18100] =	vst v63  }
0x5e: {  	_ =	swait.ge [sflag:s19], $0x80  }
.Ltmp2:
0x5f: {  	[sflag:s19] =	ssyncset.done $0x0;
	(pc) =	sbr.rel @p0 .LBB2_6-.Ltmp2, $4  }
0x60: {  	[sflag:s19] =	ssyncadd.s32 $0xFFFFFF80  }
0x61: {  	[spmem:s1] =	stream.indirect.scatter.add.f32 [tilespmem:s18], [sflag:$0x1], $0x80, s20, s20, $0xb8;
	[tilespmem:$0x18100] =	vst v63  }
0x62: {  	_ =	swait.ge [sflag:s19], $0x4000  }
0x63: {  	s23 =	smov.u32 s26;
	[sflag:s19] =	ssyncset.done $0x0  }
0x64: {  	s23 =	sadd.s32 s22, s17;
	[sflag:s19] =	ssyncadd.s32 $0xFFFFC000  }
0x65: {  	[tilespmem:s20], [sflag:$0x1] =	stream.linear.gather [hbm4b:s23+s2], $0x80, $0x38;
	[tilespmem:$0x18100] =	vst v63  }
0x66: {  	_ =	swait.ge [sflag:s19], $0x80  }
0x67: {  	[sflag:s19] =	ssyncset.done $0x0  }
0x68: {  	[sflag:s19] =	ssyncadd.s32 $0xFFFFFF80  }
0x69: {  	[spmem:s1] =	stream.indirect.scatter.add.f32 [tilespmem:s18], [sflag:$0x1], $0x80, s2, s20, $0xb8;
	[tilespmem:$0x18100] =	vst v63  }
0x6a: {  	_ =	swait.ge [sflag:s19], $0x4000  }
0x6b: {  	[sflag:s19] =	ssyncset.done $0x0  }
0x6c: {  	s31 =	sadd.s32 s22, s16;
	[sflag:s19] =	ssyncadd.s32 $0xFFFFC000  }
0x6d: {  	[tilespmem:s2], [sflag:$0x1] =	stream.linear.gather [hbm4b:s31+s2], $0x80, $0x38;
	[tilespmem:$0x18100] =	vst v63  }
0x6e: {  	_ =	swait.ge [sflag:s19], $0x80  }
0x6f: {  	[sflag:s19] =	ssyncset.done $0x0  }
0x70: {  	[sflag:s19] =	ssyncadd.s32 $0xFFFFFF80  }
0x71: {  	[spmem:s1] =	stream.indirect.scatter.add.f32 [tilespmem:s18], [sflag:$0x1], $0x80, s20, s20, $0xb8;
	[tilespmem:$0x18100] =	vst v63  }
0x72: {  	_ =	swait.ge [sflag:s19], $0x4000  }
0x73: {  	[sflag:s19] =	ssyncset.done $0x0  }
0x74: {  	[sflag:s19] =	ssyncadd.s32 $0xFFFFC000  }
0x75: {  	[bflag:$0x0] =	sbarrier.arrive $0xFFFF  }
0x76: {  	[tilespmem:s18], [sflag:$0x1] =	stream.linear.gather [spmem:s4], $0x4000, $0x38;
	[tilespmem:$0x18100] =	vst v63  }
0x77: {  	_ =	swait.ge [sflag:s19], $0x4000  }
0x78: {  	[sflag:s19] =	ssyncset.done $0x0  }
0x79: {  	[sflag:s19] =	ssyncadd.s32 $0xFFFFC000  }
0x7a: {  	[hbm4b:s10+s2] =	stream.linear.scatter [tilespmem:s18], [sflag:$0x1], $0x4000, $0x38;
	[tilespmem:$0x18100] =	vst v63  }
0x7b: {  	_ =	swait.ge [sflag:s19], $0x4000  }
0x7c: {  	[sflag:s19] =	ssyncset.done $0x0  }
0x7d: {  	[sflag:s19] =	ssyncadd.s32 $0xFFFFC000  }
0x7e: {  	[tilespmem:s18], [sflag:$0x1] =	stream.linear.gather [spmem:s5], $0x4000, $0x38;
	[tilespmem:$0x18100] =	vst v63  }
0x7f: {  	_ =	swait.ge [sflag:s19], $0x4000  }
0x80: {  	[sflag:s19] =	ssyncset.done $0x0  }
0x81: {  	[sflag:s19] =	ssyncadd.s32 $0xFFFFC000  }
0x82: {  	[hbm4b:s11+s2] =	stream.linear.scatter [tilespmem:s18], [sflag:$0x1], $0x4000, $0x38;
	[tilespmem:$0x18100] =	vst v63  }
0x83: {  	_ =	swait.ge [sflag:s19], $0x4000  }
0x84: {  	[sflag:s19] =	ssyncset.done $0x0  }
0x85: {  	[sflag:s19] =	ssyncadd.s32 $0xFFFFC000  }
0x86: {  	[tilespmem:s18], [sflag:$0x1] =	stream.linear.gather [spmem:s6], $0x4000, $0x38;
	[tilespmem:$0x18100] =	vst v63  }
0x87: {  	_ =	swait.ge [sflag:s19], $0x4000  }
0x88: {  	[sflag:s19] =	ssyncset.done $0x0  }
0x89: {  	[sflag:s19] =	ssyncadd.s32 $0xFFFFC000  }
0x8a: {  	[hbm4b:s12+s2] =	stream.linear.scatter [tilespmem:s18], [sflag:$0x1], $0x4000, $0x38;
	[tilespmem:$0x18100] =	vst v63  }
0x8b: {  	_ =	swait.ge [sflag:s19], $0x4000  }
0x8c: {  	[sflag:s19] =	ssyncset.done $0x0  }
0x8d: {  	[sflag:s19] =	ssyncadd.s32 $0xFFFFC000  }
0x8e: {  	[tilespmem:s18], [sflag:$0x1] =	stream.linear.gather [spmem:s7], $0x4000, $0x38;
	[tilespmem:$0x18100] =	vst v63  }
0x8f: {  	_ =	swait.ge [sflag:s19], $0x4000  }
0x90: {  	[sflag:s19] =	ssyncset.done $0x0  }
0x91: {  	[sflag:s19] =	ssyncadd.s32 $0xFFFFC000  }
0x92: {  	[hbm4b:s13+s2] =	stream.linear.scatter [tilespmem:s18], [sflag:$0x1], $0x4000, $0x38;
	[tilespmem:$0x18100] =	vst v63  }
0x93: {  	_ =	swait.ge [sflag:s19], $0x4000  }
0x94: {  	[sflag:s19] =	ssyncset.done $0x0  }
0x95: {  	[sflag:s19] =	ssyncadd.s32 $0xFFFFC000  }
0x96: {  	[tilespmem:s18], [sflag:$0x1] =	stream.linear.gather [spmem:s8], $0x4000, $0x38;
	[tilespmem:$0x18100] =	vst v63  }
0x97: {  	s21 =	sadd.s32 $0x1, s21;
	_ =	swait.ge [sflag:s19], $0x4000  }
0x98: {  	p0 =	sne.s32 s21, s15;
	[sflag:s19] =	ssyncset.done $0x0  }
.Ltmp3:
0x99: {  	[sflag:s19] =	ssyncadd.s32 $0xFFFFC000;
	(pc) =	sbr.rel @p0 .LBB2_1-.Ltmp3, $4  }
0x9a: {  	[hbm4b:s14+s2] =	stream.linear.scatter [tilespmem:s18], [sflag:$0x1], $0x4000, $0x38;
	[tilespmem:$0x18100] =	vst v63  }
0x9b: {  	_ =	swait.ge [sflag:s19], $0x4000  }
0x9c: {  	[sflag:s19] =	ssyncset.done $0x0  }
0x9d: {  	[sflag:s19] =	ssyncadd.s32 $0xFFFFC000  }
0x9e: {  	_ =	sfence.sel $0x180000  }
0x9f: {  	[bflag:$0x0] =	sbarrier.arrive $0xFFFF  }
0xa0: {  	p0 =	sne.s32 s3, $0x0;
	_ =	strace $0x90000047  }
0xa1: {  	s0 =	sadd.s32 @!p0 $0x100000, s0;
	[bflag:$0x2] =	sbarrier.arrive $0xFFFF  }
0xa2: {  	[sflag:s0] =	ssyncadd.tile.s32 @!p0 $0x1;
	_ =	shalt  }
.Lfunc_end2:
_tile_overlayer_lowered:
.L_overlay_start_2:
0xa3: {  	(tag) =	ssettag $0x2  }
0xa4: {  	s0 =	rddreg [dreg:$0x0];
	s2 =	stileid.u32  }
0xa5: {  	s1 =	rddreg [dreg:$0x1];
	p0 =	sne.s32 s2, $0x0  }
0xa6: {  	s3 =	rddreg [dreg:$0x2];
	[bflag:$0x3] =	sbarrier.arrive $0xFFFF;
	s2 =	simm.s32 @!p0 $0x1C01  }
0xa7: {  	[timem:s3], [sflag:s2] =	dma.local @!p0 [hbm:s0], s1  }
0xa8: {  	s0 =	simm.s32 @!p0 $0x1  }
0xa9: {  	_ =	swait.ge @!p0 [sflag:s0], s1  }
0xaa: {  	s1 =	ssub.s32 @!p0 $0x0, s1;
	[sflag:s0] =	ssyncset.done @!p0 $0x0  }
0xab: {  	[sflag:s0] =	ssyncadd.s32 @!p0 s1  }
0xac: {  	[bflag:$0x3] =	sbarrier.arrive $0xFFFF  }
0xad: {  	_ =	shalt  }

// kernel: kernel.13.cloned.1.call-start
scs
__scs_entry_jumppad:
0x0: {  	(pc) =	sbr.rel $0x88, $3  }
0x1: {  	(tag) =	ssettag $0x0;
	lr =	simm.s32 $0x1  }
0x2: {  	[smem:$0x3F96] =	sst lr;
	_ =	strace $0xD0000000  }
0x3: {  	_ = 	snop  }
0x4: {  	_ = 	snop  }
0x5: {  	_ = 	snop  }
0x6: {  	_ = 	snop  }
0x7: {  	_ = 	snop  }
__scs_overlays_trampoline_lowered:
0x8: {  	[smem:$0x3FA5] =	sst s0  }
0x9: {  	[smem:$0x3FA6] =	sst s1  }
0xa: {  	[smem:$0x3FA7] =	sst s2  }
0xb: {  	[smem:$0x3FA8] =	sst s3  }
0xc: {  	[smem:$0x3FA9] =	sst s4  }
0xd: {  	[smem:$0x3FAA] =	sst s5  }
0xe: {  	[smem:$0x3FAB] =	sst s6  }
0xf: {  	[smem:$0x3FAC] =	sst s7  }
0x10: {  	[smem:$0x3FAD] =	sst s8  }
0x11: {  	[smem:$0x3FAE] =	sst s9;
	s0 =	simm.s32 @!p0 $0x0  }
0x12: {  	s1 =	sld [smem:$0x3F94];
	s0 =	simm.s32 @p0 $0x1  }
0x13: {  	[smem:$0x3FAF] =	sst s0;
	s0 =	simm.s32 @!p1 $0x0  }
0x14: {  	s2 =	sld [smem:$0x3F93];
	s0 =	simm.s32 @p1 $0x1  }
0x15: {  	[smem:$0x3FB0] =	sst s0;
	s0 =	simm.s32 @!p2 $0x0  }
0x16: {  	s3 =	sld [smem:$0x3FDB];
	s0 =	simm.s32 @p2 $0x1  }
0x17: {  	s4 =	simm.s32 $0x1BF5;
	[smem:$0x3FB2] =	sst s0  }
0x18: {  	s0 =	sld [smem:$0x3F95];
	_ =	swait.ge [sflag:s4], $0x0  }
0x19: {  	s7 =	sld [smem:$0x3F96]  }
0x1a: {  	s8 =	sadd.s32 $0xFFFFE003, lr  }
0x1b: {  	s9 =	sadd.s32 $0xFFFFFEF7, lr;
	s5 =	simm.s32 $0xFFFFFFFF;
	p2 =	slt.u32 s8, $0xFFFFF086  }
0x1c: {  	p1 =	slt.u32 s9, $0xF7A;
	s5 =	simm.s32 @!p2 $0x0  }
0x1d: {  	s5 =	simm.s32 @p1 $0x1;
	p0 =	seq.s32 s7, s2  }
0x1e: {  	s7 =	smul.u32 @!p0 $0xF7A, s2;
	p2 =	seq.s32 @!p0 s5, $0x0  }
0x1f: {  	s9 =	smul.u32 $0xF7A, s1;
	s8 =	simm.s32 @!p0 $0x1BF5;
	p2 =	por !p2, p0  }
0x20: {  	[sflag:s8] =	ssyncset.s32 @!p0 $0xFFFFF086;
	s6 =	sadd.s32 @!p0 s3, s7;
	s7 =	simm.s32 @!p0 $0x108  }
0x21: {  	s3 =	sadd.s32 s3, s9;
	s6 =	sadd.s32 @!p0 $0x88, s6;
	s7 =	simm.s32 @p2 $0x1082  }
0x22: {  	[simem:s7], [sflag:s8] =	dma.local @!p0 [hbm:s6], $0xF7A  }
0x23: {  	s9 =	sor.u32 $0xD0000000, s2;
	s6 =	simm.s32 $0x108;
	_ =	swait.ge @!p0 [sflag:s8], $0x0  }
0x24: {  	s3 =	sadd.s32 $0x88, s3;
	s6 =	simm.s32 @!p1 $0x1082;
	[sflag:s4] =	ssyncset.s32 $0xFFFFF086  }
0x25: {  	[simem:s6], [sflag:s4] =	dma.local [hbm:s3], $0xF7A  }
0x26: {  	[smem:$0x3F96] =	sst s1;
	(tag) =	ssettag s2;
	_ =	strace s9  }
0x27: {  	s1 =	sld [smem:$0x3FA6]  }
0x28: {  	s2 =	sld [smem:$0x3FA7]  }
0x29: {  	s4 =	sld [smem:$0x3FA9]  }
0x2a: {  	p0 =	seq.s32 s5, $0x0;
	s5 =	sld [smem:$0x3FAA]  }
0x2b: {  	s6 =	sld [smem:$0x3FAB]  }
0x2c: {  	s7 =	sld [smem:$0x3FAC]  }
0x2d: {  	s3 =	simm.s32 $0x108;
	s8 =	sld [smem:$0x3FAD]  }
0x2e: {  	s3 =	simm.s32 @!p0 $0x1082;
	s9 =	sld [smem:$0x3FAE]  }
0x2f: {  	lr =	sadd.s32 s0, s3;
	s0 =	sld [smem:$0x3FA5]  }
0x30: {  	s3 =	sld [smem:$0x3FA8]  }
0x31: {  	[smem:$0x3FB1] =	sst s10  }
0x32: {  	s10 =	sld [smem:$0x3FAF];
	_ =	sdelay $0x3  }
0x33: {  	p0 =	seq.s32 s10, $0x1;
	s10 =	sld [smem:$0x3FB1];
	_ =	sdelay $0x3  }
0x34: {  	[smem:$0x3FB1] =	sst s10  }
0x35: {  	s10 =	sld [smem:$0x3FB0];
	_ =	sdelay $0x3  }
0x36: {  	p1 =	seq.s32 s10, $0x1;
	s10 =	sld [smem:$0x3FB1];
	_ =	sdelay $0x3  }
0x37: {  	[smem:$0x3FB1] =	sst s10  }
0x38: {  	s10 =	sld [smem:$0x3FB2]  }
0x39: {  	_ = 	snop;
	(pc) =	sbr.ind lr, $3  }
0x3a: {  	_ = 	snop  }
0x3b: {  	_ = 	snop  }
0x3c: {  	p2 =	seq.s32 s10, $0x1;
	s10 =	sld [smem:$0x3FB1]  }
0x3d: {  	_ =	shalt  }
0x3e: {  	_ =	shalt  }
0x3f: {  	_ =	shalt  }
0x40: {  	_ =	shalt  }
0x41: {  	_ =	shalt  }
0x42: {  	_ =	shalt  }
0x43: {  	_ =	shalt  }
0x44: {  	_ =	shalt  }
0x45: {  	_ =	shalt  }
0x46: {  	_ =	shalt  }
0x47: {  	_ =	shalt  }
0x48: {  	_ =	shalt  }
0x49: {  	_ =	shalt  }
0x4a: {  	_ =	shalt  }
0x4b: {  	_ =	shalt  }
0x4c: {  	_ =	shalt  }
0x4d: {  	_ =	shalt  }
0x4e: {  	_ =	shalt  }
0x4f: {  	_ =	shalt  }
0x50: {  	_ =	shalt  }
0x51: {  	_ =	shalt  }
0x52: {  	_ =	shalt  }
0x53: {  	_ =	shalt  }
0x54: {  	_ =	shalt  }
0x55: {  	_ =	shalt  }
0x56: {  	_ =	shalt  }
0x57: {  	_ =	shalt  }
0x58: {  	_ =	shalt  }
0x59: {  	_ =	shalt  }
0x5a: {  	_ =	shalt  }
0x5b: {  	_ =	shalt  }
0x5c: {  	_ =	shalt  }
0x5d: {  	_ =	shalt  }
0x5e: {  	_ =	shalt  }
0x5f: {  	_ =	shalt  }
0x60: {  	_ =	shalt  }
0x61: {  	_ =	shalt  }
0x62: {  	_ =	shalt  }
0x63: {  	_ =	shalt  }
0x64: {  	_ =	shalt  }
0x65: {  	_ =	shalt  }
0x66: {  	_ =	shalt  }
0x67: {  	_ =	shalt  }
0x68: {  	_ =	shalt  }
0x69: {  	_ =	shalt  }
0x6a: {  	_ =	shalt  }
0x6b: {  	_ =	shalt  }
0x6c: {  	_ =	shalt  }
0x6d: {  	_ =	shalt  }
0x6e: {  	_ =	shalt  }
0x6f: {  	_ =	shalt  }
0x70: {  	_ =	shalt  }
0x71: {  	_ =	shalt  }
0x72: {  	_ =	shalt  }
0x73: {  	_ =	shalt  }
0x74: {  	_ =	shalt  }
0x75: {  	_ =	shalt  }
0x76: {  	_ =	shalt  }
0x77: {  	_ =	shalt  }
0x78: {  	_ =	shalt  }
0x79: {  	_ =	shalt  }
0x7a: {  	_ =	shalt  }
0x7b: {  	_ =	shalt  }
0x7c: {  	_ =	shalt  }
0x7d: {  	_ =	shalt  }
0x7e: {  	_ =	shalt  }
0x7f: {  	_ =	shalt  }
0x80: {  	_ =	shalt  }
0x81: {  	_ =	shalt  }
0x82: {  	_ =	shalt  }
0x83: {  	_ =	shalt  }
0x84: {  	_ =	shalt  }
0x85: {  	_ =	shalt  }
0x86: {  	_ =	shalt  }
0x87: {  	_ =	shalt  }
.Lfunc_end0:
.L_simem_size_0:
called_computation.1_lowered:
.L_overlay_start_0:
0x88: {  	s2 =	sld [smem:$0x3FD9]  }
0x89: {  	s3 =	sld [smem:$0x3FFE];
	_ =	sdelay $0x1  }
0x8a: {  	s1 =	srdreg.scid  }
0x8b: {  	s0 =	sand.u32 $0x1, s1  }
0x8c: {  	s17 =	sshll.u32 s0, $0xA;
	s2 =	sadd.s32 s3, s2  }
0x8d: {  	s2 =	sadd.s32 s2, s17  }
0x8e: {  	[smem:$0x3FBD] =	sst s2  }
0x8f: {  	_ = 	snop  }
0x90: {  	s18 =	sld [smem:$0x3FD0];
	(tm) =	ssettm $0x1  }
0x91: {  	s19 =	sld [smem:$0x3FFB];
	_ =	sdelay $0x3  }
0x92: {  	_ =	strace s19  }
0x93: {  	s2 =	sld [smem:$0x3FFC];
	_ =	sdelay $0x3  }
0x94: {  	_ =	strace s2  }
0x95: {  	s2 =	sld [smem:$0x3FFD];
	_ =	sdelay $0x3  }
0x96: {  	_ =	strace s2  }
0x97: {  	_ =	strace $0x8FFFFFFF  }
0x98: {  	s20 =	sld [smem:$0x3FDB];
	_ =	sdelay $0x1  }
0x99: {  	s4 =	simm.s32 $_scs_section_size  }
0x9a: {  	s5 =	simm.s32 $_size__tile_overlayer_lowered;
	s6 =	simm.s32 $_tile_overlayer_lowered  }
0x9b: {  	s7 =	simm.s32 $0x1BFF;
	s21 =	sshll.u32 s6, $0x1;
	s4 =	sadd.s32 s4, s20  }
0x9c: {  	s22 =	simm.s32 $0x0;
	s5 =	sshll.u32 s5, $0x1;
	s6 =	sadd.s32 s21, s4  }
0x9d: {  	[timem:s22], [sflag:s7] =	dma.local [hbm:s6], s5  }
0x9e: {  	_ =	swait.ge [sflag:s7], s5  }
0x9f: {  	s5 =	ssub.s32 $0x0, s5;
	[sflag:s7] =	ssyncset.done $0x0  }
0xa0: {  	[sflag:s7] =	ssyncadd.s32 s5;
	_ =	sdelay $0x1  }
0xa1: {  	s23 =	simm.s32 $0x1B8B  }
0xa2: {  	_ =	swait.ge [sflag:s23], $0x1  }
0xa3: {  	[sflag:s23] =	ssyncset.done $0x0  }
0xa4: {  	[sflag:s23] =	ssyncadd.s32 $0xFFFFFFFF  }
0xa5: {  	s5 =	sld [smem:$0x0]  }
0xa6: {  	s6 =	sand.u32 $0xFFFFFFFE, s1  }
0xa7: {  	p0 =	sne.s32 s1, s6  }
0xa8: {  	s6 =	sshll.u32 @p0 s6, $0xE  }
0xa9: {  	s6 =	sadd.s32 @p0 $0x11B8D, s6;
	s7 =	sshll.u32 @p0 s5, $0x11  }
0xaa: {  	s6 =	sor.u32 @p0 s7, s6  }
0xab: {  	[sflag:s6] =	ssyncadd.remote.s32 @p0 $0x1;
	_ =	sdelay $0x1  }
0xac: {  	s6 =	simm.s32 @p0 $0x1B8D  }
0xad: {  	_ =	swait.eq @p0 [sflag:s6], $0x1  }
0xae: {  	[sflag:s6] =	ssyncadd.s32 @p0 $0xFFFFFFFF  }
0xaf: {  	s7 =	sshll.u32 @!p0 s1, $0xE  }
0xb0: {  	s7 =	sor.u32 @!p0 $0x4000, s7;
	s6 =	simm.s32 @!p0 $0x1B8D  }
0xb1: {  	s5 =	sshll.u32 @!p0 s5, $0x11;
	s7 =	sadd.s32 @!p0 $0x11B8D, s7;
	_ =	swait.eq @!p0 [sflag:s6], $0x1  }
0xb2: {  	s5 =	sor.u32 @!p0 s5, s7;
	[sflag:s6] =	ssyncadd.s32 @!p0 $0xFFFFFFFF  }
0xb3: {  	s25 =	simm.s32 $0x1B8E;
	s24 =	sld [smem:$0x3FFE];
	[sflag:s5] =	ssyncadd.remote.s32 @!p0 $0x1  }
0xb4: {  	s26 =	simm.s32 $execute0_lowered;
	[smem:$0x3FD2] =	sst s25  }
0xb5: {  	s6 =	sshll.u32 s26, $0x1;
	_ =	strace $0x80000049;
	[dreg:$0x1] =	wrdreg $0xFFFFFFFF  }
0xb6: {  	s28 =	simm.s32 $_size_execute0_lowered;
	s4 =	sadd.s32 s4, s6;
	[dreg:$0x0] =	wrdreg $0x0  }
0xb7: {  	s6 =	sshll.u32 s28, $0x1;
	[dreg:$0x2] =	wrdreg s4  }
0xb8: {  	[dreg:$0x3] =	wrdreg s6  }
0xb9: {  	[dreg:$0x4] =	wrdreg $0xC0  }
0xba: {  	_ =	task [dreg:s22], $0x5FFFF  }
0xbb: {  	[dreg:$0x1] =	wrdreg $0xFFFFFFFF  }
0xbc: {  	[dreg:$0x0] =	wrdreg $0x60  }
0xbd: {  	[dreg:$0x2] =	wrdreg s24  }
0xbe: {  	[dreg:$0x3] =	wrdreg s18  }
0xbf: {  	[dreg:$0x4] =	wrdreg $0x82000  }
0xc0: {  	[dreg:$0x5] =	wrdreg $0xA  }
0xc1: {  	_ =	task.clear_ibuf [dreg:s22], $0x6FFFF;
	_ =	strace $0x90000049  }
0xc2: {  	s29 =	simm.s32 $0xA;
	_ =	strace $0x8000004B  }
0xc3: {  	_ =	swait.ge [sflag:s29], $0x1  }
0xc4: {  	[sflag:s29] =	ssyncadd.s32 $0xFFFFFFFF  }
0xc5: {  	_ =	strace $0x9000004B  }
0xc6: {  	_ =	sfence  }
0xc7: {  	s30 =	sld [smem:$0x0];
	_ =	sdelay $0x2  }
0xc8: {  	s31 =	sshll.u32 s1, $0xD;
	s1 =	sshrl.u32 s1, $0x2  }
0xc9: {  	s4 =	sand.u32 $0x4000, s31;
	s1 =	sadd.s32 s1, s30  }
0xca: {  	s0 =	sor.u32 s4, s0;
	s1 =	sshll.u32 s1, $0x11  }
0xcb: {  	s0 =	sor.u32 s1, s0  }
0xcc: {  	s0 =	sadd.s32 $0x8F2B, s0  }
0xcd: {  	[sflag:s0] =	ssyncadd.remote.s32 $0x1  }
0xce: {  	_ =	sfence.sel $0xFFFF  }
0xcf: {  	[dreg:$0x0] =	wrdreg $0xFFFFFFFF;
	(pc) =	sbr.abs _section_cstart, $3  }
0xd0: {  	[dreg:$0x1] =	wrdreg $0xFFFFFFFF  }
0xd1: {  	_ =	task.clear_ibuf [dreg:s22], $0x2FFFF;
	_ =	strace $0x9FFFFFFF  }
0xd2: {  	(tm) =	ssettm $0x7FFFFFFF  }
0xd3: {  	_ =	shalt  }
tec
execute0_lowered:
.L_overlay_start_1:
0x0: {  	(tag) =	ssettag $0x1  }
0x1: {  	s0 =	rddreg [dreg:$0x0]  }
0x2: {  	s2 =	rddreg [dreg:$0x1]  }
0x3: {  	s1 =	rddreg [dreg:$0x2];
	s3 =	simm.s32 $0x0  }
0x4: {  	s4 =	srdreg.scid;
	s10 =	stileid.u32;
	s28 =	simm.s32 $0x180  }
0x5: {  	s29 =	simm.s32 $0x4200;
	s30 =	simm.s32 $0x1;
	s13 =	smul.u32 $0x280, s10  }
0x6: {  	s31 =	simm.s32 $0x2;
	[smem:$0x7FF] =	sst s3;
	s7 =	smul.u32 $0x50000, s10  }
0x7: {  	s11 =	sand.u32 $0x1, s4;
	s4 =	sadd.s32 $0x5D200, s0;
	s8 =	smul.u32 $0x78, s10  }
0x8: {  	s14 =	sadd.s32 $0x3000, s0;
	s0 =	sadd.s32 $0x85200, s0;
	s10 =	smul.u32 $0x28, s10  }
0x9: {  	_ =	strace $0x8000004A;
	s5 =	ssub.s32 $0x2, s11;
	p0 =	seq.s32 s11, $0x0  }
0xa: {  	s6 =	sshrl.u32 s5, $0x1;
	s15 =	sadd.s32 $0x80, s13;
	s18 =	sshrl.u32 s7, $0x2  }
0xb: {  	s17 =	sadd.s32 $0x100, s13;
	s16 =	sadd.s32 $0x280, s8;
	s20 =	ssub.s32 s5, s6  }
0xc: {  	s19 =	sshll.u32 s15, $0x7;
	s5 =	sadd.s32 s18, s1;
	s21 =	sshll.u32 s17, $0x7  }
0xd: {  	s18 =	sadd.s32 $0x180, s13;
	s16 =	smov.u32 @p0 s10;
	s10 =	simm.s32 $0x14  }
0xe: {  	s6 =	sadd.s32 s19, s1;
	s7 =	sadd.s32 s21, s1;
	s9 =	sshll.u32 s18, $0x7  }
0xf: {  	s19 =	sadd.s32 $0x200, s13;
	s16 =	sshll.u32 s16, $0x4;
	s21 =	smul.u32 $0x2800, s11  }
0x10: {  	s10 =	simm.s32 @!p0 $0x3C;
	s20 =	smax.u32 s20, $0x1;
	s12 =	sshll.u32 s19, $0x7  }
0x11: {  	s8 =	sadd.s32 s9, s1;
	s11 =	sadd.s32 s2, s16;
	s9 =	sadd.s32 s12, s1  }
0x12: {  	s12 =	sadd.s32 s14, s16;
	s16 =	sor.u32 $0x10, s16;
	s13 =	sadd.s32 s13, s21  }
0x13: {  	s15 =	sadd.s32 s21, s15;
	s24 =	sadd.s32 s21, s17;
	s25 =	sadd.s32 s21, s18  }
0x14: {  	s26 =	sadd.s32 s21, s19;
	s2 =	sadd.s32 s2, s16;
	s22 =	sshll.u32 s13, $0x4  }
0x15: {  	s23 =	sshll.u32 s15, $0x4;
	s14 =	sadd.s32 s14, s16;
	s13 =	sshll.u32 s25, $0x4  }
0x16: {  	s21 =	sadd.s32 $0x30, s12;
	s15 =	smov.u32 s11;
	[dreg:$0x4] =	wrdreg s2  }
0x17: {  	s25 =	simm.s32 $0x100;
	[dreg:$0x5] =	wrdreg s14;
	s2 =	sadd.s32 s0, s22  }
0x18: {  	s16 =	sadd.s32 s0, s23;
	s14 =	sshll.u32 s26, $0x4;
	s18 =	sadd.s32 s0, s13  }
0x19: {  	s22 =	sadd.s32 $0x30, s11;
	s23 =	simm.s32 $0x200;
	s26 =	simm.s32 $0x80  }
0x1a: {  	[dreg:$0x6] =	wrdreg s2;
	s2 =	sshll.u32 s24, $0x4;
	s19 =	sadd.s32 s0, s14  }
0x1b: {  	v0 =	vimm.f32 $0.0e+00;
	s24 =	simm.s32 $0x3;
	s17 =	sadd.s32 s0, s2;
	s0 =	simm.s32 $0x0  }
.LBB2_1:
0x1c: {  	s2 =	sand.u32 $0xFE00, s3  }
0x1d: {  	s13 =	sand.u32 $0x70, s3;
	s14 =	sshrl.u32 s2, $0x2  }
0x1e: {  	s2 =	simm.s32 $0x40;
	s14 =	sor.u32 s13, s14;
	s13 =	simm.s32 $0x0  }
.LBB2_2:
0x1f: {  	p0 =	sne.s32 s2, $0xFFC0  }
0x20: {  	[tilespmem:s14+$0x200] =	vst v0;
	s13 =	sadd.s32 $0x10, s13;
	s14 =	smov.u32 s2;
	s2 =	sadd.s32 $0x40, s2  }
.Ltmp0:
0x21: {  	(pc) =	sbr.rel @p0 .LBB2_2-.Ltmp0, $4  }
0x22: {  	_ = 	snop  }
0x23: {  	s14 =	sand.u32 $0xFE00, s14  }
0x24: {  	s11 =	sand.u32 $0x70, s13;
	s14 =	sshrl.u32 s14, $0x2  }
0x25: {  	s14 =	sor.u32 s11, s14  }
0x26: {  	[tilespmem:s14+$0x200] =	vst v0  }
0x27: {  	[spmem:s5] =	stream.linear.scatter [tilespmem:s23], [sflag:$0x3], $0x4000, $0x38;
	[tilespmem:$0x1C200] =	vst v63  }
0x28: {  	_ =	swait.ge [sflag:s24], $0x4000  }
0x29: {  	[sflag:s24] =	ssyncset.done $0x0  }
0x2a: {  	[sflag:s24] =	ssyncadd.s32 $0xFFFFC000  }
0x2b: {  	[spmem:s6] =	stream.linear.scatter [tilespmem:s23], [sflag:$0x3], $0x4000, $0x38;
	[tilespmem:$0x1C200] =	vst v63  }
0x2c: {  	_ =	swait.ge [sflag:s24], $0x4000  }
0x2d: {  	[sflag:s24] =	ssyncset.done $0x0  }
0x2e: {  	[sflag:s24] =	ssyncadd.s32 $0xFFFFC000  }
0x2f: {  	[spmem:s7] =	stream.linear.scatter [tilespmem:s23], [sflag:$0x3], $0x4000, $0x38;
	[tilespmem:$0x1C200] =	vst v63  }
0x30: {  	_ =	swait.ge [sflag:s24], $0x4000  }
0x31: {  	[sflag:s24] =	ssyncset.done $0x0  }
0x32: {  	[sflag:s24] =	ssyncadd.s32 $0xFFFFC000  }
0x33: {  	[spmem:s8] =	stream.linear.scatter [tilespmem:s23], [sflag:$0x3], $0x4000, $0x38;
	[tilespmem:$0x1C200] =	vst v63  }
0x34: {  	_ =	swait.ge [sflag:s24], $0x4000  }
0x35: {  	[sflag:s24] =	ssyncset.done $0x0  }
0x36: {  	[sflag:s24] =	ssyncadd.s32 $0xFFFFC000  }
0x37: {  	[spmem:s9] =	stream.linear.scatter [tilespmem:s23], [sflag:$0x3], $0x4000, $0x38;
	[tilespmem:$0x1C200] =	vst v63  }
0x38: {  	_ =	swait.ge [sflag:s24], $0x4000  }
0x39: {  	[sflag:s24] =	ssyncset.done $0x0  }
0x3a: {  	[sflag:s24] =	ssyncadd.s32 $0xFFFFC000  }
0x3b: {  	[bflag:$0x0] =	sbarrier.arrive $0xFFFF  }
0x3c: {  	[tilespmem:s3], [sflag:$0x3] =	stream.linear.gather [hbm4b:s15+s3], $0x80, $0x38;
	[tilespmem:$0x1C200] =	vst v63  }
0x3d: {  	_ =	swait.ge [sflag:s24], $0x80  }
0x3e: {  	[sflag:s24] =	ssyncset.done $0x0  }
0x3f: {  	[sflag:s24] =	ssyncadd.s32 $0xFFFFFF80  }
0x40: {  	[tilespmem:s25], [sflag:$0x3] =	stream.linear.gather [hbm4b:s12+s3], $0x80, $0x38;
	[tilespmem:$0x1C200] =	vst v63  }
0x41: {  	_ =	swait.ge [sflag:s24], $0x80  }
0x42: {  	[sflag:s24] =	ssyncset.done $0x0  }
0x43: {  	[sflag:s24] =	ssyncadd.s32 $0xFFFFFF80  }
0x44: {  	[tilespmem:s23], [sflag:$0x1] =	stream.indirect.gather [hbm4b:s4+s26], $0x80, s3, s26, $0xb8;
	[tilespmem:$0x1C200] =	vst v63  }
0x45: {  	s2 =	rddreg [dreg:$0x4]  }
0x46: {  	[tilespmem:s26], [sflag:$0x3] =	stream.linear.gather [hbm4b:s2+s3], $0x80, $0x38;
	[tilespmem:$0x1C200] =	vst v63  }
0x47: {  	_ =	swait.ge [sflag:s24], $0x80  }
0x48: {  	[sflag:s24] =	ssyncset.done $0x0  }
0x49: {  	s11 =	rddreg [dreg:$0x5];
	[sflag:s24] =	ssyncadd.s32 $0xFFFFFF80  }
0x4a: {  	[tilespmem:s28], [sflag:$0x3] =	stream.linear.gather [hbm4b:s11+s3], $0x80, $0x38;
	[tilespmem:$0x1C200] =	vst v63  }
0x4b: {  	_ =	swait.ge [sflag:s24], $0x80  }
0x4c: {  	[sflag:s24] =	ssyncset.done $0x0  }
0x4d: {  	[sflag:s24] =	ssyncadd.s32 $0xFFFFFF80  }
0x4e: {  	[tilespmem:s29], [sflag:$0x2] =	stream.indirect.gather [hbm4b:s4+s26], $0x80, s26, s26, $0xb8;
	[tilespmem:$0x1C200] =	vst v63  }
0x4f: {  	_ =	swait.ge [sflag:s30], $0x4000  }
0x50: {  	[sflag:s30] =	ssyncset.done $0x0  }
0x51: {  	[sflag:s30] =	ssyncadd.s32 $0xFFFFC000  }
0x52: {  	[spmem:s1] =	stream.indirect.scatter.add.f32 [tilespmem:s23], [sflag:$0x3], $0x80, s25, s26, $0xb8;
	[tilespmem:$0x1C200] =	vst v63  }
0x53: {  	_ =	swait.ge [sflag:s24], $0x4000  }
0x54: {  	[sflag:s24] =	ssyncset.done $0x0  }
0x55: {  	s13 =	sadd.s32 $0xFFFFFFF0, s22;
	[sflag:s24] =	ssyncadd.s32 $0xFFFFC000  }
0x56: {  	[tilespmem:s3], [sflag:$0x3] =	stream.linear.gather [hbm4b:s13+s3], $0x80, $0x38;
	[tilespmem:$0x1C200] =	vst v63  }
0x57: {  	_ =	swait.ge [sflag:s24], $0x80  }
0x58: {  	[sflag:s24] =	ssyncset.done $0x0  }
0x59: {  	s14 =	sadd.s32 $0xFFFFFFF0, s21;
	[sflag:s24] =	ssyncadd.s32 $0xFFFFFF80  }
0x5a: {  	[tilespmem:s25], [sflag:$0x3] =	stream.linear.gather [hbm4b:s14+s3], $0x80, $0x38;
	[tilespmem:$0x1C200] =	vst v63  }
0x5b: {  	_ =	swait.ge [sflag:s24], $0x80  }
0x5c: {  	[sflag:s24] =	ssyncset.done $0x0  }
0x5d: {  	[sflag:s24] =	ssyncadd.s32 $0xFFFFFF80  }
0x5e: {  	[tilespmem:s23], [sflag:$0x1] =	stream.indirect.gather [hbm4b:s4+s26], $0x80, s3, s26, $0xb8;
	[tilespmem:$0x1C200] =	vst v63  }
0x5f: {  	_ =	swait.ge [sflag:s31], $0x4000  }
0x60: {  	[sflag:s31] =	ssyncset.done $0x0  }
0x61: {  	[sflag:s31] =	ssyncadd.s32 $0xFFFFC000  }
0x62: {  	[spmem:s1] =	stream.indirect.scatter.add.f32 [tilespmem:s29], [sflag:$0x3], $0x80, s28, s26, $0xb8;
	[tilespmem:$0x1C200] =	vst v63  }
0x63: {  	_ =	swait.ge [sflag:s24], $0x4000  }
0x64: {  	[sflag:s24] =	ssyncset.done $0x0  }
0x65: {  	[sflag:s24] =	ssyncadd.s32 $0xFFFFC000  }
0x66: {  	[tilespmem:s26], [sflag:$0x3] =	stream.linear.gather [hbm4b:s22+s3], $0x80, $0x38;
	[tilespmem:$0x1C200] =	vst v63  }
0x67: {  	_ =	swait.ge [sflag:s24], $0x80  }
0x68: {  	p0 =	sne.s32 s10, $0x1;
	[sflag:s24] =	ssyncset.done $0x0  }
.Ltmp1:
0x69: {  	[sflag:s24] =	ssyncadd.s32 $0xFFFFFF80;
	(pc) =	sbr.rel @!p0 .LBB2_5-.Ltmp1, $4  }
0x6a: {  	[tilespmem:s28], [sflag:$0x3] =	stream.linear.gather [hbm4b:s21+s3], $0x80, $0x38;
	[tilespmem:$0x1C200] =	vst v63  }
0x6b: {  	_ =	swait.ge [sflag:s24], $0x80  }
0x6c: {  	s2 =	sadd.s32 $0xFFFFFFFF, s10;
	[sflag:s24] =	ssyncset.done $0x0  }
0x6d: {  	s13 =	sadd.s32 $0x20, s21;
	s14 =	sadd.s32 $0x20, s22;
	[sflag:s24] =	ssyncadd.s32 $0xFFFFFF80  }
.LBB2_4:
0x6e: {  	[tilespmem:s29], [sflag:$0x2] =	stream.indirect.gather [hbm4b:s4+s26], $0x80, s26, s26, $0xb8;
	[tilespmem:$0x1C200] =	vst v63  }
0x6f: {  	p0 =	sne.s32 s2, $0x1;
	s2 =	sadd.s32 $0xFFFFFFFF, s2;
	_ =	swait.ge [sflag:s30], $0x4000  }
0x70: {  	[sflag:s30] =	ssyncset.done $0x0  }
0x71: {  	[sflag:s30] =	ssyncadd.s32 $0xFFFFC000  }
0x72: {  	[spmem:s1] =	stream.indirect.scatter.add.f32 [tilespmem:s23], [sflag:$0x3], $0x80, s25, s26, $0xb8;
	[tilespmem:$0x1C200] =	vst v63  }
0x73: {  	_ =	swait.ge [sflag:s24], $0x4000  }
0x74: {  	[sflag:s24] =	ssyncset.done $0x0  }
0x75: {  	s11 =	sadd.s32 $0xFFFFFFF0, s14;
	[sflag:s24] =	ssyncadd.s32 $0xFFFFC000  }
0x76: {  	[tilespmem:s3], [sflag:$0x3] =	stream.linear.gather [hbm4b:s11+s3], $0x80, $0x38;
	[tilespmem:$0x1C200] =	vst v63  }
0x77: {  	_ =	swait.ge [sflag:s24], $0x80  }
0x78: {  	[sflag:s24] =	ssyncset.done $0x0  }
0x79: {  	s11 =	sadd.s32 $0xFFFFFFF0, s13;
	[sflag:s24] =	ssyncadd.s32 $0xFFFFFF80  }
0x7a: {  	[tilespmem:s25], [sflag:$0x3] =	stream.linear.gather [hbm4b:s11+s3], $0x80, $0x38;
	[tilespmem:$0x1C200] =	vst v63  }
0x7b: {  	_ =	swait.ge [sflag:s24], $0x80  }
0x7c: {  	[sflag:s24] =	ssyncset.done $0x0  }
0x7d: {  	[sflag:s24] =	ssyncadd.s32 $0xFFFFFF80  }
0x7e: {  	[tilespmem:s23], [sflag:$0x1] =	stream.indirect.gather [hbm4b:s4+s26], $0x80, s3, s26, $0xb8;
	[tilespmem:$0x1C200] =	vst v63  }
0x7f: {  	_ =	swait.ge [sflag:s31], $0x4000  }
0x80: {  	[sflag:s31] =	ssyncset.done $0x0  }
0x81: {  	[sflag:s31] =	ssyncadd.s32 $0xFFFFC000  }
0x82: {  	[spmem:s1] =	stream.indirect.scatter.add.f32 [tilespmem:s29], [sflag:$0x3], $0x80, s28, s26, $0xb8;
	[tilespmem:$0x1C200] =	vst v63  }
0x83: {  	_ =	swait.ge [sflag:s24], $0x4000  }
0x84: {  	[sflag:s24] =	ssyncset.done $0x0  }
0x85: {  	[sflag:s24] =	ssyncadd.s32 $0xFFFFC000  }
0x86: {  	[tilespmem:s26], [sflag:$0x3] =	stream.linear.gather [hbm4b:s14+s3], $0x80, $0x38;
	[tilespmem:$0x1C200] =	vst v63  }
0x87: {  	_ =	swait.ge [sflag:s24], $0x80  }
0x88: {  	[sflag:s24] =	ssyncset.done $0x0  }
.Ltmp2:
0x89: {  	[sflag:s24] =	ssyncadd.s32 $0xFFFFFF80;
	(pc) =	sbr.rel @p0 .LBB2_4-.Ltmp2, $4  }
0x8a: {  	[tilespmem:s28], [sflag:$0x3] =	stream.linear.gather [hbm4b:s13+s3], $0x80, $0x38;
	[tilespmem:$0x1C200] =	vst v63  }
0x8b: {  	_ =	swait.ge [sflag:s24], $0x80  }
0x8c: {  	[sflag:s24] =	ssyncset.done $0x0  }
0x8d: {  	s14 =	sadd.s32 $0x20, s14;
	s13 =	sadd.s32 $0x20, s13;
	[sflag:s24] =	ssyncadd.s32 $0xFFFFFF80  }
.LBB2_5:
0x8e: {  	[tilespmem:s29], [sflag:$0x2] =	stream.indirect.gather [hbm4b:s4+s26], $0x80, s26, s26, $0xb8;
	[tilespmem:$0x1C200] =	vst v63  }
0x8f: {  	_ =	swait.ge [sflag:s30], $0x4000  }
0x90: {  	[sflag:s30] =	ssyncset.done $0x0  }
0x91: {  	[sflag:s30] =	ssyncadd.s32 $0xFFFFC000  }
0x92: {  	_ =	swait.ge [sflag:s31], $0x4000  }
0x93: {  	[sflag:s31] =	ssyncset.done $0x0  }
0x94: {  	[sflag:s31] =	ssyncadd.s32 $0xFFFFC000  }
0x95: {  	[bflag:$0x0] =	sbarrier.arrive $0xFFFF  }
0x96: {  	[tilespmem:s23], [sflag:$0x3] =	stream.linear.gather [spmem:s5], $0x4000, $0x38;
	[tilespmem:$0x1C200] =	vst v63  }
0x97: {  	_ =	swait.ge [sflag:s24], $0x4000  }
0x98: {  	[sflag:s24] =	ssyncset.done $0x0  }
0x99: {  	s2 =	rddreg [dreg:$0x6];
	[sflag:s24] =	ssyncadd.s32 $0xFFFFC000  }
0x9a: {  	[hbm4b:s2+s3] =	stream.linear.scatter [tilespmem:s23], [sflag:$0x3], $0x4000, $0x38;
	[tilespmem:$0x1C200] =	vst v63  }
0x9b: {  	_ =	swait.ge [sflag:s24], $0x4000  }
0x9c: {  	[sflag:s24] =	ssyncset.done $0x0  }
0x9d: {  	[sflag:s24] =	ssyncadd.s32 $0xFFFFC000  }
0x9e: {  	[tilespmem:s23], [sflag:$0x3] =	stream.linear.gather [spmem:s6], $0x4000, $0x38;
	[tilespmem:$0x1C200] =	vst v63  }
0x9f: {  	_ =	swait.ge [sflag:s24], $0x4000  }
0xa0: {  	[sflag:s24] =	ssyncset.done $0x0  }
0xa1: {  	[sflag:s24] =	ssyncadd.s32 $0xFFFFC000  }
0xa2: {  	[hbm4b:s16+s3] =	stream.linear.scatter [tilespmem:s23], [sflag:$0x3], $0x4000, $0x38;
	[tilespmem:$0x1C200] =	vst v63  }
0xa3: {  	_ =	swait.ge [sflag:s24], $0x4000  }
0xa4: {  	[sflag:s24] =	ssyncset.done $0x0  }
0xa5: {  	[sflag:s24] =	ssyncadd.s32 $0xFFFFC000  }
0xa6: {  	[tilespmem:s23], [sflag:$0x3] =	stream.linear.gather [spmem:s7], $0x4000, $0x38;
	[tilespmem:$0x1C200] =	vst v63  }
0xa7: {  	_ =	swait.ge [sflag:s24], $0x4000  }
0xa8: {  	[sflag:s24] =	ssyncset.done $0x0  }
0xa9: {  	[sflag:s24] =	ssyncadd.s32 $0xFFFFC000  }
0xaa: {  	[hbm4b:s17+s3] =	stream.linear.scatter [tilespmem:s23], [sflag:$0x3], $0x4000, $0x38;
	[tilespmem:$0x1C200] =	vst v63  }
0xab: {  	_ =	swait.ge [sflag:s24], $0x4000  }
0xac: {  	[sflag:s24] =	ssyncset.done $0x0  }
0xad: {  	[sflag:s24] =	ssyncadd.s32 $0xFFFFC000  }
0xae: {  	[tilespmem:s23], [sflag:$0x3] =	stream.linear.gather [spmem:s8], $0x4000, $0x38;
	[tilespmem:$0x1C200] =	vst v63  }
0xaf: {  	_ =	swait.ge [sflag:s24], $0x4000  }
0xb0: {  	[sflag:s24] =	ssyncset.done $0x0  }
0xb1: {  	[sflag:s24] =	ssyncadd.s32 $0xFFFFC000  }
0xb2: {  	[hbm4b:s18+s3] =	stream.linear.scatter [tilespmem:s23], [sflag:$0x3], $0x4000, $0x38;
	[tilespmem:$0x1C200] =	vst v63  }
0xb3: {  	_ =	swait.ge [sflag:s24], $0x4000  }
0xb4: {  	[sflag:s24] =	ssyncset.done $0x0  }
0xb5: {  	[sflag:s24] =	ssyncadd.s32 $0xFFFFC000  }
0xb6: {  	[tilespmem:s23], [sflag:$0x3] =	stream.linear.gather [spmem:s9], $0x4000, $0x38;
	[tilespmem:$0x1C200] =	vst v63  }
0xb7: {  	s0 =	sadd.s32 $0x1, s0;
	_ =	swait.ge [sflag:s24], $0x4000  }
0xb8: {  	p0 =	sne.s32 s0, s20;
	[sflag:s24] =	ssyncset.done $0x0  }
.Ltmp3:
0xb9: {  	[sflag:s24] =	ssyncadd.s32 $0xFFFFC000;
	(pc) =	sbr.rel @p0 .LBB2_1-.Ltmp3, $4  }
0xba: {  	[hbm4b:s19+s3] =	stream.linear.scatter [tilespmem:s23], [sflag:$0x3], $0x4000, $0x38;
	[tilespmem:$0x1C200] =	vst v63  }
0xbb: {  	_ =	swait.ge [sflag:s24], $0x4000  }
0xbc: {  	[sflag:s24] =	ssyncset.done $0x0  }
0xbd: {  	[sflag:s24] =	ssyncadd.s32 $0xFFFFC000  }
0xbe: {  	_ =	sfence.sel $0x180000  }
0xbf: {  	[bflag:$0x0] =	sbarrier.arrive $0xFFFF  }
0xc0: {  	_ =	strace $0x9000004A  }
0xc1: {  	s0 =	stileid.u32;
	[bflag:$0x2] =	sbarrier.arrive $0xFFFF  }
0xc2: {  	p0 =	sne.s32 s0, $0x0;
	s0 =	rddreg [dreg:$0x3]  }
0xc3: {  	s0 =	sadd.s32 @!p0 $0x100000, s0  }
0xc4: {  	[sflag:s0] =	ssyncadd.tile.s32 @!p0 $0x1;
	_ =	shalt  }
.Lfunc_end2:
_tile_overlayer_lowered:
.L_overlay_start_2:
0xc5: {  	(tag) =	ssettag $0x2  }
0xc6: {  	s0 =	rddreg [dreg:$0x0];
	s2 =	stileid.u32  }
0xc7: {  	s1 =	rddreg [dreg:$0x1];
	p0 =	sne.s32 s2, $0x0  }
0xc8: {  	s3 =	rddreg [dreg:$0x2];
	[bflag:$0x3] =	sbarrier.arrive $0xFFFF;
	s2 =	simm.s32 @!p0 $0x1C03  }
0xc9: {  	[timem:s3], [sflag:s2] =	dma.local @!p0 [hbm:s0], s1  }
0xca: {  	s0 =	simm.s32 @!p0 $0x3  }
0xcb: {  	_ =	swait.ge @!p0 [sflag:s0], s1  }
0xcc: {  	s1 =	ssub.s32 @!p0 $0x0, s1;
	[sflag:s0] =	ssyncset.done @!p0 $0x0  }
0xcd: {  	[sflag:s0] =	ssyncadd.s32 @!p0 s1  }
0xce: {  	[bflag:$0x3] =	sbarrier.arrive $0xFFFF  }
0xcf: {  	_ =	shalt  }

// kernel: kernel.16.cloned.1.call-start
scs
__scs_entry_jumppad:
0x0: {  	(pc) =	sbr.rel $0x88, $3  }
0x1: {  	(tag) =	ssettag $0x0;
	lr =	simm.s32 $0x1  }
0x2: {  	[smem:$0x3F96] =	sst lr;
	_ =	strace $0xD0000000  }
0x3: {  	_ = 	snop  }
0x4: {  	_ = 	snop  }
0x5: {  	_ = 	snop  }
0x6: {  	_ = 	snop  }
0x7: {  	_ = 	snop  }
__scs_overlays_trampoline_lowered:
0x8: {  	[smem:$0x3FA5] =	sst s0  }
0x9: {  	[smem:$0x3FA6] =	sst s1  }
0xa: {  	[smem:$0x3FA7] =	sst s2  }
0xb: {  	[smem:$0x3FA8] =	sst s3  }
0xc: {  	[smem:$0x3FA9] =	sst s4  }
0xd: {  	[smem:$0x3FAA] =	sst s5  }
0xe: {  	[smem:$0x3FAB] =	sst s6  }
0xf: {  	[smem:$0x3FAC] =	sst s7  }
0x10: {  	[smem:$0x3FAD] =	sst s8  }
0x11: {  	[smem:$0x3FAE] =	sst s9;
	s0 =	simm.s32 @!p0 $0x0  }
0x12: {  	s1 =	sld [smem:$0x3F94];
	s0 =	simm.s32 @p0 $0x1  }
0x13: {  	[smem:$0x3FAF] =	sst s0;
	s0 =	simm.s32 @!p1 $0x0  }
0x14: {  	s2 =	sld [smem:$0x3F93];
	s0 =	simm.s32 @p1 $0x1  }
0x15: {  	[smem:$0x3FB0] =	sst s0;
	s0 =	simm.s32 @!p2 $0x0  }
0x16: {  	s3 =	sld [smem:$0x3FDB];
	s0 =	simm.s32 @p2 $0x1  }
0x17: {  	s4 =	simm.s32 $0x1BF5;
	[smem:$0x3FB2] =	sst s0  }
0x18: {  	s0 =	sld [smem:$0x3F95];
	_ =	swait.ge [sflag:s4], $0x0  }
0x19: {  	s7 =	sld [smem:$0x3F96]  }
0x1a: {  	s8 =	sadd.s32 $0xFFFFE003, lr  }
0x1b: {  	s9 =	sadd.s32 $0xFFFFFEF7, lr;
	s5 =	simm.s32 $0xFFFFFFFF;
	p2 =	slt.u32 s8, $0xFFFFF086  }
0x1c: {  	p1 =	slt.u32 s9, $0xF7A;
	s5 =	simm.s32 @!p2 $0x0  }
0x1d: {  	s5 =	simm.s32 @p1 $0x1;
	p0 =	seq.s32 s7, s2  }
0x1e: {  	s7 =	smul.u32 @!p0 $0xF7A, s2;
	p2 =	seq.s32 @!p0 s5, $0x0  }
0x1f: {  	s9 =	smul.u32 $0xF7A, s1;
	s8 =	simm.s32 @!p0 $0x1BF5;
	p2 =	por !p2, p0  }
0x20: {  	[sflag:s8] =	ssyncset.s32 @!p0 $0xFFFFF086;
	s6 =	sadd.s32 @!p0 s3, s7;
	s7 =	simm.s32 @!p0 $0x108  }
0x21: {  	s3 =	sadd.s32 s3, s9;
	s6 =	sadd.s32 @!p0 $0x88, s6;
	s7 =	simm.s32 @p2 $0x1082  }
0x22: {  	[simem:s7], [sflag:s8] =	dma.local @!p0 [hbm:s6], $0xF7A  }
0x23: {  	s9 =	sor.u32 $0xD0000000, s2;
	s6 =	simm.s32 $0x108;
	_ =	swait.ge @!p0 [sflag:s8], $0x0  }
0x24: {  	s3 =	sadd.s32 $0x88, s3;
	s6 =	simm.s32 @!p1 $0x1082;
	[sflag:s4] =	ssyncset.s32 $0xFFFFF086  }
0x25: {  	[simem:s6], [sflag:s4] =	dma.local [hbm:s3], $0xF7A  }
0x26: {  	[smem:$0x3F96] =	sst s1;
	(tag) =	ssettag s2;
	_ =	strace s9  }
0x27: {  	s1 =	sld [smem:$0x3FA6]  }
0x28: {  	s2 =	sld [smem:$0x3FA7]  }
0x29: {  	s4 =	sld [smem:$0x3FA9]  }
0x2a: {  	p0 =	seq.s32 s5, $0x0;
	s5 =	sld [smem:$0x3FAA]  }
0x2b: {  	s6 =	sld [smem:$0x3FAB]  }
0x2c: {  	s7 =	sld [smem:$0x3FAC]  }
0x2d: {  	s3 =	simm.s32 $0x108;
	s8 =	sld [smem:$0x3FAD]  }
0x2e: {  	s3 =	simm.s32 @!p0 $0x1082;
	s9 =	sld [smem:$0x3FAE]  }
0x2f: {  	lr =	sadd.s32 s0, s3;
	s0 =	sld [smem:$0x3FA5]  }
0x30: {  	s3 =	sld [smem:$0x3FA8]  }
0x31: {  	[smem:$0x3FB1] =	sst s10  }
0x32: {  	s10 =	sld [smem:$0x3FAF];
	_ =	sdelay $0x3  }
0x33: {  	p0 =	seq.s32 s10, $0x1;
	s10 =	sld [smem:$0x3FB1];
	_ =	sdelay $0x3  }
0x34: {  	[smem:$0x3FB1] =	sst s10  }
0x35: {  	s10 =	sld [smem:$0x3FB0];
	_ =	sdelay $0x3  }
0x36: {  	p1 =	seq.s32 s10, $0x1;
	s10 =	sld [smem:$0x3FB1];
	_ =	sdelay $0x3  }
0x37: {  	[smem:$0x3FB1] =	sst s10  }
0x38: {  	s10 =	sld [smem:$0x3FB2]  }
0x39: {  	_ = 	snop;
	(pc) =	sbr.ind lr, $3  }
0x3a: {  	_ = 	snop  }
0x3b: {  	_ = 	snop  }
0x3c: {  	p2 =	seq.s32 s10, $0x1;
	s10 =	sld [smem:$0x3FB1]  }
0x3d: {  	_ =	shalt  }
0x3e: {  	_ =	shalt  }
0x3f: {  	_ =	shalt  }
0x40: {  	_ =	shalt  }
0x41: {  	_ =	shalt  }
0x42: {  	_ =	shalt  }
0x43: {  	_ =	shalt  }
0x44: {  	_ =	shalt  }
0x45: {  	_ =	shalt  }
0x46: {  	_ =	shalt  }
0x47: {  	_ =	shalt  }
0x48: {  	_ =	shalt  }
0x49: {  	_ =	shalt  }
0x4a: {  	_ =	shalt  }
0x4b: {  	_ =	shalt  }
0x4c: {  	_ =	shalt  }
0x4d: {  	_ =	shalt  }
0x4e: {  	_ =	shalt  }
0x4f: {  	_ =	shalt  }
0x50: {  	_ =	shalt  }
0x51: {  	_ =	shalt  }
0x52: {  	_ =	shalt  }
0x53: {  	_ =	shalt  }
0x54: {  	_ =	shalt  }
0x55: {  	_ =	shalt  }
0x56: {  	_ =	shalt  }
0x57: {  	_ =	shalt  }
0x58: {  	_ =	shalt  }
0x59: {  	_ =	shalt  }
0x5a: {  	_ =	shalt  }
0x5b: {  	_ =	shalt  }
0x5c: {  	_ =	shalt  }
0x5d: {  	_ =	shalt  }
0x5e: {  	_ =	shalt  }
0x5f: {  	_ =	shalt  }
0x60: {  	_ =	shalt  }
0x61: {  	_ =	shalt  }
0x62: {  	_ =	shalt  }
0x63: {  	_ =	shalt  }
0x64: {  	_ =	shalt  }
0x65: {  	_ =	shalt  }
0x66: {  	_ =	shalt  }
0x67: {  	_ =	shalt  }
0x68: {  	_ =	shalt  }
0x69: {  	_ =	shalt  }
0x6a: {  	_ =	shalt  }
0x6b: {  	_ =	shalt  }
0x6c: {  	_ =	shalt  }
0x6d: {  	_ =	shalt  }
0x6e: {  	_ =	shalt  }
0x6f: {  	_ =	shalt  }
0x70: {  	_ =	shalt  }
0x71: {  	_ =	shalt  }
0x72: {  	_ =	shalt  }
0x73: {  	_ =	shalt  }
0x74: {  	_ =	shalt  }
0x75: {  	_ =	shalt  }
0x76: {  	_ =	shalt  }
0x77: {  	_ =	shalt  }
0x78: {  	_ =	shalt  }
0x79: {  	_ =	shalt  }
0x7a: {  	_ =	shalt  }
0x7b: {  	_ =	shalt  }
0x7c: {  	_ =	shalt  }
0x7d: {  	_ =	shalt  }
0x7e: {  	_ =	shalt  }
0x7f: {  	_ =	shalt  }
0x80: {  	_ =	shalt  }
0x81: {  	_ =	shalt  }
0x82: {  	_ =	shalt  }
0x83: {  	_ =	shalt  }
0x84: {  	_ =	shalt  }
0x85: {  	_ =	shalt  }
0x86: {  	_ =	shalt  }
0x87: {  	_ =	shalt  }
.Lfunc_end0:
.L_simem_size_0:
called_computation.2_lowered:
.L_overlay_start_0:
0x88: {  	s2 =	sld [smem:$0x3FD9]  }
0x89: {  	s3 =	sld [smem:$0x3FFE];
	_ =	sdelay $0x1  }
0x8a: {  	s1 =	srdreg.scid  }
0x8b: {  	s0 =	sand.u32 $0x1, s1  }
0x8c: {  	s17 =	sshll.u32 s0, $0xA;
	s2 =	sadd.s32 s3, s2  }
0x8d: {  	s2 =	sadd.s32 s2, s17  }
0x8e: {  	[smem:$0x3FBD] =	sst s2  }
0x8f: {  	_ = 	snop  }
0x90: {  	s2 =	sld [smem:$0x3FD0];
	(tm) =	ssettm $0x1  }
0x91: {  	s18 =	sld [smem:$0x3FFB];
	_ =	sdelay $0x3  }
0x92: {  	_ =	strace s18  }
0x93: {  	s3 =	sld [smem:$0x3FFC];
	_ =	sdelay $0x3  }
0x94: {  	_ =	strace s3  }
0x95: {  	s3 =	sld [smem:$0x3FFD];
	_ =	sdelay $0x3  }
0x96: {  	_ =	strace s3  }
0x97: {  	_ =	strace $0x8FFFFFFF  }
0x98: {  	s19 =	sld [smem:$0x3FDB];
	_ =	sdelay $0x1  }
0x99: {  	s4 =	simm.s32 $_scs_section_size  }
0x9a: {  	s5 =	simm.s32 $_size__tile_overlayer_lowered;
	s6 =	simm.s32 $_tile_overlayer_lowered  }
0x9b: {  	s22 =	simm.s32 $0x1BFF;
	s21 =	sshll.u32 s6, $0x1;
	s3 =	sadd.s32 s4, s19  }
0x9c: {  	s7 =	simm.s32 $0x0;
	s20 =	sshll.u32 s5, $0x1;
	s5 =	sadd.s32 s21, s3  }
0x9d: {  	[timem:s7], [sflag:s22] =	dma.local [hbm:s5], s20  }
0x9e: {  	_ =	swait.ge [sflag:s22], s20  }
0x9f: {  	s4 =	ssub.s32 $0x0, s20;
	[sflag:s22] =	ssyncset.done $0x0  }
0xa0: {  	[sflag:s22] =	ssyncadd.s32 s4;
	_ =	sdelay $0x1  }
0xa1: {  	s23 =	simm.s32 $0x1B8B  }
0xa2: {  	_ =	swait.ge [sflag:s23], $0x1  }
0xa3: {  	[sflag:s23] =	ssyncset.done $0x0  }
0xa4: {  	s25 =	simm.s32 $0x1B8E;
	s24 =	sld [smem:$0x3FFE];
	[sflag:s23] =	ssyncadd.s32 $0xFFFFFFFF  }
0xa5: {  	s26 =	simm.s32 $execute0_lowered;
	[smem:$0x3FD2] =	sst s25  }
0xa6: {  	s5 =	sshll.u32 s26, $0x1;
	_ =	strace $0x8000004C;
	[dreg:$0x1] =	wrdreg $0xFFFFFFFF  }
0xa7: {  	s28 =	simm.s32 $_size_execute0_lowered;
	s3 =	sadd.s32 s3, s5;
	[dreg:$0x0] =	wrdreg $0x0  }
0xa8: {  	s5 =	sshll.u32 s28, $0x1;
	[dreg:$0x2] =	wrdreg s3  }
0xa9: {  	[dreg:$0x3] =	wrdreg s5  }
0xaa: {  	[dreg:$0x4] =	wrdreg $0xC0  }
0xab: {  	_ =	task [dreg:s7], $0x5FFFF  }
0xac: {  	[dreg:$0x1] =	wrdreg $0xFFFFFFFF  }
0xad: {  	[dreg:$0x0] =	wrdreg $0x60  }
0xae: {  	[dreg:$0x2] =	wrdreg s24  }
0xaf: {  	[dreg:$0x3] =	wrdreg s2  }
0xb0: {  	[dreg:$0x4] =	wrdreg $0x82000  }
0xb1: {  	[dreg:$0x5] =	wrdreg $0x9  }
0xb2: {  	_ =	task.clear_ibuf [dreg:s7], $0x6FFFF;
	_ =	strace $0x9000004C  }
0xb3: {  	s29 =	simm.s32 $0x9;
	_ =	strace $0x8000004E  }
0xb4: {  	_ =	swait.ge [sflag:s29], $0x1  }
0xb5: {  	[sflag:s29] =	ssyncadd.s32 $0xFFFFFFFF  }
0xb6: {  	_ =	strace $0x9000004E  }
0xb7: {  	_ =	sfence  }
0xb8: {  	s30 =	sld [smem:$0x0];
	_ =	sdelay $0x2  }
0xb9: {  	s31 =	sshll.u32 s1, $0xD;
	s1 =	sshrl.u32 s1, $0x2  }
0xba: {  	s3 =	sand.u32 $0x4000, s31;
	s1 =	sadd.s32 s1, s30  }
0xbb: {  	s0 =	sor.u32 s3, s0;
	s1 =	sshll.u32 s1, $0x11  }
0xbc: {  	s0 =	sor.u32 s1, s0  }
0xbd: {  	s0 =	sadd.s32 $0x8F2B, s0  }
0xbe: {  	[sflag:s0] =	ssyncadd.remote.s32 $0x1  }
0xbf: {  	_ =	sfence.sel $0xFFFF  }
0xc0: {  	[dreg:$0x0] =	wrdreg $0xFFFFFFFF;
	(pc) =	sbr.abs _section_cstart, $3  }
0xc1: {  	[dreg:$0x1] =	wrdreg $0xFFFFFFFF  }
0xc2: {  	_ =	task.clear_ibuf [dreg:s7], $0x2FFFF;
	_ =	strace $0x9FFFFFFF  }
0xc3: {  	(tm) =	ssettm $0x7FFFFFFF  }
tec
execute0_lowered:
.L_overlay_start_1:
0x0: {  	(tag) =	ssettag $0x1  }
0x1: {  	s0 =	rddreg [dreg:$0x0]  }
0x2: {  	s2 =	rddreg [dreg:$0x1]  }
0x3: {  	s1 =	rddreg [dreg:$0x2];
	s3 =	simm.s32 $0x0  }
0x4: {  	s4 =	srdreg.scid;
	s10 =	stileid.u32;
	s28 =	simm.s32 $0x180  }
0x5: {  	s29 =	simm.s32 $0x4200;
	s30 =	simm.s32 $0x1;
	s13 =	smul.u32 $0x280, s10  }
0x6: {  	s31 =	simm.s32 $0x2;
	[smem:$0x7FF] =	sst s3;
	s7 =	smul.u32 $0x50000, s10  }
0x7: {  	s11 =	sand.u32 $0x1, s4;
	s4 =	sadd.s32 $0x5D200, s0;
	s8 =	smul.u32 $0x78, s10  }
0x8: {  	s14 =	sadd.s32 $0x3000, s0;
	s0 =	sadd.s32 $0x85200, s0;
	s10 =	smul.u32 $0x28, s10  }
0x9: {  	_ =	strace $0x8000004D;
	s5 =	ssub.s32 $0x2, s11;
	p0 =	seq.s32 s11, $0x0  }
0xa: {  	s6 =	sshrl.u32 s5, $0x1;
	s15 =	sadd.s32 $0x80, s13;
	s18 =	sshrl.u32 s7, $0x2  }
0xb: {  	s17 =	sadd.s32 $0x100, s13;
	s16 =	sadd.s32 $0x280, s8;
	s20 =	ssub.s32 s5, s6  }
0xc: {  	s19 =	sshll.u32 s15, $0x7;
	s5 =	sadd.s32 s18, s1;
	s21 =	sshll.u32 s17, $0x7  }
0xd: {  	s18 =	sadd.s32 $0x180, s13;
	s16 =	smov.u32 @p0 s10;
	s10 =	simm.s32 $0x14  }
0xe: {  	s6 =	sadd.s32 s19, s1;
	s7 =	sadd.s32 s21, s1;
	s9 =	sshll.u32 s18, $0x7  }
0xf: {  	s19 =	sadd.s32 $0x200, s13;
	s16 =	sshll.u32 s16, $0x4;
	s21 =	smul.u32 $0x2800, s11  }
0x10: {  	s10 =	simm.s32 @!p0 $0x3C;
	s20 =	smax.u32 s20, $0x1;
	s12 =	sshll.u32 s19, $0x7  }
0x11: {  	s8 =	sadd.s32 s9, s1;
	s11 =	sadd.s32 s2, s16;
	s9 =	sadd.s32 s12, s1  }
0x12: {  	s12 =	sadd.s32 s14, s16;
	s16 =	sor.u32 $0x10, s16;
	s13 =	sadd.s32 s13, s21  }
0x13: {  	s15 =	sadd.s32 s21, s15;
	s24 =	sadd.s32 s21, s17;
	s25 =	sadd.s32 s21, s18  }
0x14: {  	s26 =	sadd.s32 s21, s19;
	s2 =	sadd.s32 s2, s16;
	s22 =	sshll.u32 s13, $0x4  }
0x15: {  	s23 =	sshll.u32 s15, $0x4;
	s14 =	sadd.s32 s14, s16;
	s13 =	sshll.u32 s25, $0x4  }
0x16: {  	s21 =	sadd.s32 $0x30, s12;
	s15 =	smov.u32 s11;
	[dreg:$0x4] =	wrdreg s2  }
0x17: {  	s25 =	simm.s32 $0x100;
	[dreg:$0x5] =	wrdreg s14;
	s2 =	sadd.s32 s0, s22  }
0x18: {  	s16 =	sadd.s32 s0, s23;
	s14 =	sshll.u32 s26, $0x4;
	s18 =	sadd.s32 s0, s13  }
0x19: {  	s22 =	sadd.s32 $0x30, s11;
	s23 =	simm.s32 $0x200;
	s26 =	simm.s32 $0x80  }
0x1a: {  	[dreg:$0x6] =	wrdreg s2;
	s2 =	sshll.u32 s24, $0x4;
	s19 =	sadd.s32 s0, s14  }
0x1b: {  	v0 =	vimm.f32 $0.0e+00;
	s24 =	simm.s32 $0x3;
	s17 =	sadd.s32 s0, s2;
	s0 =	simm.s32 $0x0  }
.LBB2_1:
0x1c: {  	s2 =	sand.u32 $0xFE00, s3  }
0x1d: {  	s13 =	sand.u32 $0x70, s3;
	s14 =	sshrl.u32 s2, $0x2  }
0x1e: {  	s2 =	simm.s32 $0x40;
	s14 =	sor.u32 s13, s14;
	s13 =	simm.s32 $0x0  }
.LBB2_2:
0x1f: {  	p0 =	sne.s32 s2, $0xFFC0  }
0x20: {  	[tilespmem:s14+$0x200] =	vst v0;
	s13 =	sadd.s32 $0x10, s13;
	s14 =	smov.u32 s2;
	s2 =	sadd.s32 $0x40, s2  }
.Ltmp0:
0x21: {  	(pc) =	sbr.rel @p0 .LBB2_2-.Ltmp0, $4  }
0x22: {  	_ = 	snop  }
0x23: {  	s14 =	sand.u32 $0xFE00, s14  }
0x24: {  	s11 =	sand.u32 $0x70, s13;
	s14 =	sshrl.u32 s14, $0x2  }
0x25: {  	s14 =	sor.u32 s11, s14  }
0x26: {  	[tilespmem:s14+$0x200] =	vst v0  }
0x27: {  	[spmem:s5] =	stream.linear.scatter [tilespmem:s23], [sflag:$0x3], $0x4000, $0x38;
	[tilespmem:$0x1C200] =	vst v63  }
0x28: {  	_ =	swait.ge [sflag:s24], $0x4000  }
0x29: {  	[sflag:s24] =	ssyncset.done $0x0  }
0x2a: {  	[sflag:s24] =	ssyncadd.s32 $0xFFFFC000  }
0x2b: {  	[spmem:s6] =	stream.linear.scatter [tilespmem:s23], [sflag:$0x3], $0x4000, $0x38;
	[tilespmem:$0x1C200] =	vst v63  }
0x2c: {  	_ =	swait.ge [sflag:s24], $0x4000  }
0x2d: {  	[sflag:s24] =	ssyncset.done $0x0  }
0x2e: {  	[sflag:s24] =	ssyncadd.s32 $0xFFFFC000  }
0x2f: {  	[spmem:s7] =	stream.linear.scatter [tilespmem:s23], [sflag:$0x3], $0x4000, $0x38;
	[tilespmem:$0x1C200] =	vst v63  }
0x30: {  	_ =	swait.ge [sflag:s24], $0x4000  }
0x31: {  	[sflag:s24] =	ssyncset.done $0x0  }
0x32: {  	[sflag:s24] =	ssyncadd.s32 $0xFFFFC000  }
0x33: {  	[spmem:s8] =	stream.linear.scatter [tilespmem:s23], [sflag:$0x3], $0x4000, $0x38;
	[tilespmem:$0x1C200] =	vst v63  }
0x34: {  	_ =	swait.ge [sflag:s24], $0x4000  }
0x35: {  	[sflag:s24] =	ssyncset.done $0x0  }
0x36: {  	[sflag:s24] =	ssyncadd.s32 $0xFFFFC000  }
0x37: {  	[spmem:s9] =	stream.linear.scatter [tilespmem:s23], [sflag:$0x3], $0x4000, $0x38;
	[tilespmem:$0x1C200] =	vst v63  }
0x38: {  	_ =	swait.ge [sflag:s24], $0x4000  }
0x39: {  	[sflag:s24] =	ssyncset.done $0x0  }
0x3a: {  	[sflag:s24] =	ssyncadd.s32 $0xFFFFC000  }
0x3b: {  	[bflag:$0x0] =	sbarrier.arrive $0xFFFF  }
0x3c: {  	[tilespmem:s3], [sflag:$0x3] =	stream.linear.gather [hbm4b:s15+s3], $0x80, $0x38;
	[tilespmem:$0x1C200] =	vst v63  }
0x3d: {  	_ =	swait.ge [sflag:s24], $0x80  }
0x3e: {  	[sflag:s24] =	ssyncset.done $0x0  }
0x3f: {  	[sflag:s24] =	ssyncadd.s32 $0xFFFFFF80  }
0x40: {  	[tilespmem:s25], [sflag:$0x3] =	stream.linear.gather [hbm4b:s12+s3], $0x80, $0x38;
	[tilespmem:$0x1C200] =	vst v63  }
0x41: {  	_ =	swait.ge [sflag:s24], $0x80  }
0x42: {  	[sflag:s24] =	ssyncset.done $0x0  }
0x43: {  	[sflag:s24] =	ssyncadd.s32 $0xFFFFFF80  }
0x44: {  	[tilespmem:s23], [sflag:$0x1] =	stream.indirect.gather [hbm4b:s4+s26], $0x80, s3, s26, $0xb8;
	[tilespmem:$0x1C200] =	vst v63  }
0x45: {  	s2 =	rddreg [dreg:$0x4]  }
0x46: {  	[tilespmem:s26], [sflag:$0x3] =	stream.linear.gather [hbm4b:s2+s3], $0x80, $0x38;
	[tilespmem:$0x1C200] =	vst v63  }
0x47: {  	_ =	swait.ge [sflag:s24], $0x80  }
0x48: {  	[sflag:s24] =	ssyncset.done $0x0  }
0x49: {  	s11 =	rddreg [dreg:$0x5];
	[sflag:s24] =	ssyncadd.s32 $0xFFFFFF80  }
0x4a: {  	[tilespmem:s28], [sflag:$0x3] =	stream.linear.gather [hbm4b:s11+s3], $0x80, $0x38;
	[tilespmem:$0x1C200] =	vst v63  }
0x4b: {  	_ =	swait.ge [sflag:s24], $0x80  }
0x4c: {  	[sflag:s24] =	ssyncset.done $0x0  }
0x4d: {  	[sflag:s24] =	ssyncadd.s32 $0xFFFFFF80  }
0x4e: {  	[tilespmem:s29], [sflag:$0x2] =	stream.indirect.gather [hbm4b:s4+s26], $0x80, s26, s26, $0xb8;
	[tilespmem:$0x1C200] =	vst v63  }
0x4f: {  	_ =	swait.ge [sflag:s30], $0x4000  }
0x50: {  	[sflag:s30] =	ssyncset.done $0x0  }
0x51: {  	[sflag:s30] =	ssyncadd.s32 $0xFFFFC000  }
0x52: {  	[spmem:s1] =	stream.indirect.scatter.add.f32 [tilespmem:s23], [sflag:$0x3], $0x80, s25, s26, $0xb8;
	[tilespmem:$0x1C200] =	vst v63  }
0x53: {  	_ =	swait.ge [sflag:s24], $0x4000  }
0x54: {  	[sflag:s24] =	ssyncset.done $0x0  }
0x55: {  	s13 =	sadd.s32 $0xFFFFFFF0, s22;
	[sflag:s24] =	ssyncadd.s32 $0xFFFFC000  }
0x56: {  	[tilespmem:s3], [sflag:$0x3] =	stream.linear.gather [hbm4b:s13+s3], $0x80, $0x38;
	[tilespmem:$0x1C200] =	vst v63  }
0x57: {  	_ =	swait.ge [sflag:s24], $0x80  }
0x58: {  	[sflag:s24] =	ssyncset.done $0x0  }
0x59: {  	s14 =	sadd.s32 $0xFFFFFFF0, s21;
	[sflag:s24] =	ssyncadd.s32 $0xFFFFFF80  }
0x5a: {  	[tilespmem:s25], [sflag:$0x3] =	stream.linear.gather [hbm4b:s14+s3], $0x80, $0x38;
	[tilespmem:$0x1C200] =	vst v63  }
0x5b: {  	_ =	swait.ge [sflag:s24], $0x80  }
0x5c: {  	[sflag:s24] =	ssyncset.done $0x0  }
0x5d: {  	[sflag:s24] =	ssyncadd.s32 $0xFFFFFF80  }
0x5e: {  	[tilespmem:s23], [sflag:$0x1] =	stream.indirect.gather [hbm4b:s4+s26], $0x80, s3, s26, $0xb8;
	[tilespmem:$0x1C200] =	vst v63  }
0x5f: {  	_ =	swait.ge [sflag:s31], $0x4000  }
0x60: {  	[sflag:s31] =	ssyncset.done $0x0  }
0x61: {  	[sflag:s31] =	ssyncadd.s32 $0xFFFFC000  }
0x62: {  	[spmem:s1] =	stream.indirect.scatter.add.f32 [tilespmem:s29], [sflag:$0x3], $0x80, s28, s26, $0xb8;
	[tilespmem:$0x1C200] =	vst v63  }
0x63: {  	_ =	swait.ge [sflag:s24], $0x4000  }
0x64: {  	[sflag:s24] =	ssyncset.done $0x0  }
0x65: {  	[sflag:s24] =	ssyncadd.s32 $0xFFFFC000  }
0x66: {  	[tilespmem:s26], [sflag:$0x3] =	stream.linear.gather [hbm4b:s22+s3], $0x80, $0x38;
	[tilespmem:$0x1C200] =	vst v63  }
0x67: {  	_ =	swait.ge [sflag:s24], $0x80  }
0x68: {  	p0 =	sne.s32 s10, $0x1;
	[sflag:s24] =	ssyncset.done $0x0  }
.Ltmp1:
0x69: {  	[sflag:s24] =	ssyncadd.s32 $0xFFFFFF80;
	(pc) =	sbr.rel @!p0 .LBB2_5-.Ltmp1, $4  }
0x6a: {  	[tilespmem:s28], [sflag:$0x3] =	stream.linear.gather [hbm4b:s21+s3], $0x80, $0x38;
	[tilespmem:$0x1C200] =	vst v63  }
0x6b: {  	_ =	swait.ge [sflag:s24], $0x80  }
0x6c: {  	s2 =	sadd.s32 $0xFFFFFFFF, s10;
	[sflag:s24] =	ssyncset.done $0x0  }
0x6d: {  	s13 =	sadd.s32 $0x20, s21;
	s14 =	sadd.s32 $0x20, s22;
	[sflag:s24] =	ssyncadd.s32 $0xFFFFFF80  }
.LBB2_4:
0x6e: {  	[tilespmem:s29], [sflag:$0x2] =	stream.indirect.gather [hbm4b:s4+s26], $0x80, s26, s26, $0xb8;
	[tilespmem:$0x1C200] =	vst v63  }
0x6f: {  	p0 =	sne.s32 s2, $0x1;
	s2 =	sadd.s32 $0xFFFFFFFF, s2;
	_ =	swait.ge [sflag:s30], $0x4000  }
0x70: {  	[sflag:s30] =	ssyncset.done $0x0  }
0x71: {  	[sflag:s30] =	ssyncadd.s32 $0xFFFFC000  }
0x72: {  	[spmem:s1] =	stream.indirect.scatter.add.f32 [tilespmem:s23], [sflag:$0x3], $0x80, s25, s26, $0xb8;
	[tilespmem:$0x1C200] =	vst v63  }
0x73: {  	_ =	swait.ge [sflag:s24], $0x4000  }
0x74: {  	[sflag:s24] =	ssyncset.done $0x0  }
0x75: {  	s11 =	sadd.s32 $0xFFFFFFF0, s14;
	[sflag:s24] =	ssyncadd.s32 $0xFFFFC000  }
0x76: {  	[tilespmem:s3], [sflag:$0x3] =	stream.linear.gather [hbm4b:s11+s3], $0x80, $0x38;
	[tilespmem:$0x1C200] =	vst v63  }
0x77: {  	_ =	swait.ge [sflag:s24], $0x80  }
0x78: {  	[sflag:s24] =	ssyncset.done $0x0  }
0x79: {  	s11 =	sadd.s32 $0xFFFFFFF0, s13;
	[sflag:s24] =	ssyncadd.s32 $0xFFFFFF80  }
0x7a: {  	[tilespmem:s25], [sflag:$0x3] =	stream.linear.gather [hbm4b:s11+s3], $0x80, $0x38;
	[tilespmem:$0x1C200] =	vst v63  }
0x7b: {  	_ =	swait.ge [sflag:s24], $0x80  }
0x7c: {  	[sflag:s24] =	ssyncset.done $0x0  }
0x7d: {  	[sflag:s24] =	ssyncadd.s32 $0xFFFFFF80  }
0x7e: {  	[tilespmem:s23], [sflag:$0x1] =	stream.indirect.gather [hbm4b:s4+s26], $0x80, s3, s26, $0xb8;
	[tilespmem:$0x1C200] =	vst v63  }
0x7f: {  	_ =	swait.ge [sflag:s31], $0x4000  }
0x80: {  	[sflag:s31] =	ssyncset.done $0x0  }
0x81: {  	[sflag:s31] =	ssyncadd.s32 $0xFFFFC000  }
0x82: {  	[spmem:s1] =	stream.indirect.scatter.add.f32 [tilespmem:s29], [sflag:$0x3], $0x80, s28, s26, $0xb8;
	[tilespmem:$0x1C200] =	vst v63  }
0x83: {  	_ =	swait.ge [sflag:s24], $0x4000  }
0x84: {  	[sflag:s24] =	ssyncset.done $0x0  }
0x85: {  	[sflag:s24] =	ssyncadd.s32 $0xFFFFC000  }
0x86: {  	[tilespmem:s26], [sflag:$0x3] =	stream.linear.gather [hbm4b:s14+s3], $0x80, $0x38;
	[tilespmem:$0x1C200] =	vst v63  }
0x87: {  	_ =	swait.ge [sflag:s24], $0x80  }
0x88: {  	[sflag:s24] =	ssyncset.done $0x0  }
.Ltmp2:
0x89: {  	[sflag:s24] =	ssyncadd.s32 $0xFFFFFF80;
	(pc) =	sbr.rel @p0 .LBB2_4-.Ltmp2, $4  }
0x8a: {  	[tilespmem:s28], [sflag:$0x3] =	stream.linear.gather [hbm4b:s13+s3], $0x80, $0x38;
	[tilespmem:$0x1C200] =	vst v63  }
0x8b: {  	_ =	swait.ge [sflag:s24], $0x80  }
0x8c: {  	[sflag:s24] =	ssyncset.done $0x0  }
0x8d: {  	s14 =	sadd.s32 $0x20, s14;
	s13 =	sadd.s32 $0x20, s13;
	[sflag:s24] =	ssyncadd.s32 $0xFFFFFF80  }
.LBB2_5:
0x8e: {  	[tilespmem:s29], [sflag:$0x2] =	stream.indirect.gather [hbm4b:s4+s26], $0x80, s26, s26, $0xb8;
	[tilespmem:$0x1C200] =	vst v63  }
0x8f: {  	_ =	swait.ge [sflag:s30], $0x4000  }
0x90: {  	[sflag:s30] =	ssyncset.done $0x0  }
0x91: {  	[sflag:s30] =	ssyncadd.s32 $0xFFFFC000  }
0x92: {  	_ =	swait.ge [sflag:s31], $0x4000  }
0x93: {  	[sflag:s31] =	ssyncset.done $0x0  }
0x94: {  	[sflag:s31] =	ssyncadd.s32 $0xFFFFC000  }
0x95: {  	[bflag:$0x0] =	sbarrier.arrive $0xFFFF  }
0x96: {  	[tilespmem:s23], [sflag:$0x3] =	stream.linear.gather [spmem:s5], $0x4000, $0x38;
	[tilespmem:$0x1C200] =	vst v63  }
0x97: {  	_ =	swait.ge [sflag:s24], $0x4000  }
0x98: {  	[sflag:s24] =	ssyncset.done $0x0  }
0x99: {  	s2 =	rddreg [dreg:$0x6];
	[sflag:s24] =	ssyncadd.s32 $0xFFFFC000  }
0x9a: {  	[hbm4b:s2+s3] =	stream.linear.scatter [tilespmem:s23], [sflag:$0x3], $0x4000, $0x38;
	[tilespmem:$0x1C200] =	vst v63  }
0x9b: {  	_ =	swait.ge [sflag:s24], $0x4000  }
0x9c: {  	[sflag:s24] =	ssyncset.done $0x0  }
0x9d: {  	[sflag:s24] =	ssyncadd.s32 $0xFFFFC000  }
0x9e: {  	[tilespmem:s23], [sflag:$0x3] =	stream.linear.gather [spmem:s6], $0x4000, $0x38;
	[tilespmem:$0x1C200] =	vst v63  }
0x9f: {  	_ =	swait.ge [sflag:s24], $0x4000  }
0xa0: {  	[sflag:s24] =	ssyncset.done $0x0  }
0xa1: {  	[sflag:s24] =	ssyncadd.s32 $0xFFFFC000  }
0xa2: {  	[hbm4b:s16+s3] =	stream.linear.scatter [tilespmem:s23], [sflag:$0x3], $0x4000, $0x38;
	[tilespmem:$0x1C200] =	vst v63  }
0xa3: {  	_ =	swait.ge [sflag:s24], $0x4000  }
0xa4: {  	[sflag:s24] =	ssyncset.done $0x0  }
0xa5: {  	[sflag:s24] =	ssyncadd.s32 $0xFFFFC000  }
0xa6: {  	[tilespmem:s23], [sflag:$0x3] =	stream.linear.gather [spmem:s7], $0x4000, $0x38;
	[tilespmem:$0x1C200] =	vst v63  }
0xa7: {  	_ =	swait.ge [sflag:s24], $0x4000  }
0xa8: {  	[sflag:s24] =	ssyncset.done $0x0  }
0xa9: {  	[sflag:s24] =	ssyncadd.s32 $0xFFFFC000  }
0xaa: {  	[hbm4b:s17+s3] =	stream.linear.scatter [tilespmem:s23], [sflag:$0x3], $0x4000, $0x38;
	[tilespmem:$0x1C200] =	vst v63  }
0xab: {  	_ =	swait.ge [sflag:s24], $0x4000  }
0xac: {  	[sflag:s24] =	ssyncset.done $0x0  }
0xad: {  	[sflag:s24] =	ssyncadd.s32 $0xFFFFC000  }
0xae: {  	[tilespmem:s23], [sflag:$0x3] =	stream.linear.gather [spmem:s8], $0x4000, $0x38;
	[tilespmem:$0x1C200] =	vst v63  }
0xaf: {  	_ =	swait.ge [sflag:s24], $0x4000  }
0xb0: {  	[sflag:s24] =	ssyncset.done $0x0  }
0xb1: {  	[sflag:s24] =	ssyncadd.s32 $0xFFFFC000  }
0xb2: {  	[hbm4b:s18+s3] =	stream.linear.scatter [tilespmem:s23], [sflag:$0x3], $0x4000, $0x38;
	[tilespmem:$0x1C200] =	vst v63  }
0xb3: {  	_ =	swait.ge [sflag:s24], $0x4000  }
0xb4: {  	[sflag:s24] =	ssyncset.done $0x0  }
0xb5: {  	[sflag:s24] =	ssyncadd.s32 $0xFFFFC000  }
0xb6: {  	[tilespmem:s23], [sflag:$0x3] =	stream.linear.gather [spmem:s9], $0x4000, $0x38;
	[tilespmem:$0x1C200] =	vst v63  }
0xb7: {  	s0 =	sadd.s32 $0x1, s0;
	_ =	swait.ge [sflag:s24], $0x4000  }
0xb8: {  	p0 =	sne.s32 s0, s20;
	[sflag:s24] =	ssyncset.done $0x0  }
.Ltmp3:
0xb9: {  	[sflag:s24] =	ssyncadd.s32 $0xFFFFC000;
	(pc) =	sbr.rel @p0 .LBB2_1-.Ltmp3, $4  }
0xba: {  	[hbm4b:s19+s3] =	stream.linear.scatter [tilespmem:s23], [sflag:$0x3], $0x4000, $0x38;
	[tilespmem:$0x1C200] =	vst v63  }
0xbb: {  	_ =	swait.ge [sflag:s24], $0x4000  }
0xbc: {  	[sflag:s24] =	ssyncset.done $0x0  }
0xbd: {  	[sflag:s24] =	ssyncadd.s32 $0xFFFFC000  }
0xbe: {  	_ =	sfence.sel $0x180000  }
0xbf: {  	[bflag:$0x0] =	sbarrier.arrive $0xFFFF  }
0xc0: {  	_ =	strace $0x9000004D  }
0xc1: {  	s0 =	stileid.u32;
	[bflag:$0x2] =	sbarrier.arrive $0xFFFF  }
0xc2: {  	p0 =	sne.s32 s0, $0x0;
	s0 =	rddreg [dreg:$0x3]  }
0xc3: {  	s0 =	sadd.s32 @!p0 $0x100000, s0  }
0xc4: {  	[sflag:s0] =	ssyncadd.tile.s32 @!p0 $0x1;
	_ =	shalt  }
.Lfunc_end2:
_tile_overlayer_lowered:
.L_overlay_start_2:
0xc5: {  	(tag) =	ssettag $0x2  }
0xc6: {  	s0 =	rddreg [dreg:$0x0];
	s2 =	stileid.u32  }
0xc7: {  	s1 =	rddreg [dreg:$0x1];
	p0 =	sne.s32 s2, $0x0  }
0xc8: {  	s3 =	rddreg [dreg:$0x2];
	[bflag:$0x3] =	sbarrier.arrive $0xFFFF;
	s2 =	simm.s32 @!p0 $0x1C03  }
0xc9: {  	[timem:s3], [sflag:s2] =	dma.local @!p0 [hbm:s0], s1  }
0xca: {  	s0 =	simm.s32 @!p0 $0x3  }
0xcb: {  	_ =	swait.ge @!p0 [sflag:s0], s1  }
0xcc: {  	s1 =	ssub.s32 @!p0 $0x0, s1;
	[sflag:s0] =	ssyncset.done @!p0 $0x0  }
0xcd: {  	[sflag:s0] =	ssyncadd.s32 @!p0 s1  }
0xce: {  	[bflag:$0x3] =	sbarrier.arrive $0xFFFF  }
0xcf: {  	_ =	shalt  }

// kernel: kernel.19.cloned.1.call-start
scs
__scs_entry_jumppad:
0x0: {  	(pc) =	sbr.rel $0x88, $3  }
0x1: {  	(tag) =	ssettag $0x0;
	lr =	simm.s32 $0x1  }
0x2: {  	[smem:$0x3F96] =	sst lr;
	_ =	strace $0xD0000000  }
0x3: {  	_ = 	snop  }
0x4: {  	_ = 	snop  }
0x5: {  	_ = 	snop  }
0x6: {  	_ = 	snop  }
0x7: {  	_ = 	snop  }
__scs_overlays_trampoline_lowered:
0x8: {  	[smem:$0x3FA5] =	sst s0  }
0x9: {  	[smem:$0x3FA6] =	sst s1  }
0xa: {  	[smem:$0x3FA7] =	sst s2  }
0xb: {  	[smem:$0x3FA8] =	sst s3  }
0xc: {  	[smem:$0x3FA9] =	sst s4  }
0xd: {  	[smem:$0x3FAA] =	sst s5  }
0xe: {  	[smem:$0x3FAB] =	sst s6  }
0xf: {  	[smem:$0x3FAC] =	sst s7  }
0x10: {  	[smem:$0x3FAD] =	sst s8  }
0x11: {  	[smem:$0x3FAE] =	sst s9;
	s0 =	simm.s32 @!p0 $0x0  }
0x12: {  	s1 =	sld [smem:$0x3F94];
	s0 =	simm.s32 @p0 $0x1  }
0x13: {  	[smem:$0x3FAF] =	sst s0;
	s0 =	simm.s32 @!p1 $0x0  }
0x14: {  	s2 =	sld [smem:$0x3F93];
	s0 =	simm.s32 @p1 $0x1  }
0x15: {  	[smem:$0x3FB0] =	sst s0;
	s0 =	simm.s32 @!p2 $0x0  }
0x16: {  	s3 =	sld [smem:$0x3FDB];
	s0 =	simm.s32 @p2 $0x1  }
0x17: {  	s4 =	simm.s32 $0x1BF5;
	[smem:$0x3FB2] =	sst s0  }
0x18: {  	s0 =	sld [smem:$0x3F95];
	_ =	swait.ge [sflag:s4], $0x0  }
0x19: {  	s7 =	sld [smem:$0x3F96]  }
0x1a: {  	s8 =	sadd.s32 $0xFFFFE003, lr  }
0x1b: {  	s9 =	sadd.s32 $0xFFFFFEF7, lr;
	s5 =	simm.s32 $0xFFFFFFFF;
	p2 =	slt.u32 s8, $0xFFFFF086  }
0x1c: {  	p1 =	slt.u32 s9, $0xF7A;
	s5 =	simm.s32 @!p2 $0x0  }
0x1d: {  	s5 =	simm.s32 @p1 $0x1;
	p0 =	seq.s32 s7, s2  }
0x1e: {  	s7 =	smul.u32 @!p0 $0xF7A, s2;
	p2 =	seq.s32 @!p0 s5, $0x0  }
0x1f: {  	s9 =	smul.u32 $0xF7A, s1;
	s8 =	simm.s32 @!p0 $0x1BF5;
	p2 =	por !p2, p0  }
0x20: {  	[sflag:s8] =	ssyncset.s32 @!p0 $0xFFFFF086;
	s6 =	sadd.s32 @!p0 s3, s7;
	s7 =	simm.s32 @!p0 $0x108  }
0x21: {  	s3 =	sadd.s32 s3, s9;
	s6 =	sadd.s32 @!p0 $0x88, s6;
	s7 =	simm.s32 @p2 $0x1082  }
0x22: {  	[simem:s7], [sflag:s8] =	dma.local @!p0 [hbm:s6], $0xF7A  }
0x23: {  	s9 =	sor.u32 $0xD0000000, s2;
	s6 =	simm.s32 $0x108;
	_ =	swait.ge @!p0 [sflag:s8], $0x0  }
0x24: {  	s3 =	sadd.s32 $0x88, s3;
	s6 =	simm.s32 @!p1 $0x1082;
	[sflag:s4] =	ssyncset.s32 $0xFFFFF086  }
0x25: {  	[simem:s6], [sflag:s4] =	dma.local [hbm:s3], $0xF7A  }
0x26: {  	[smem:$0x3F96] =	sst s1;
	(tag) =	ssettag s2;
	_ =	strace s9  }
0x27: {  	s1 =	sld [smem:$0x3FA6]  }
0x28: {  	s2 =	sld [smem:$0x3FA7]  }
0x29: {  	s4 =	sld [smem:$0x3FA9]  }
0x2a: {  	p0 =	seq.s32 s5, $0x0;
	s5 =	sld [smem:$0x3FAA]  }
0x2b: {  	s6 =	sld [smem:$0x3FAB]  }
0x2c: {  	s7 =	sld [smem:$0x3FAC]  }
0x2d: {  	s3 =	simm.s32 $0x108;
	s8 =	sld [smem:$0x3FAD]  }
0x2e: {  	s3 =	simm.s32 @!p0 $0x1082;
	s9 =	sld [smem:$0x3FAE]  }
0x2f: {  	lr =	sadd.s32 s0, s3;
	s0 =	sld [smem:$0x3FA5]  }
0x30: {  	s3 =	sld [smem:$0x3FA8]  }
0x31: {  	[smem:$0x3FB1] =	sst s10  }
0x32: {  	s10 =	sld [smem:$0x3FAF];
	_ =	sdelay $0x3  }
0x33: {  	p0 =	seq.s32 s10, $0x1;
	s10 =	sld [smem:$0x3FB1];
	_ =	sdelay $0x3  }
0x34: {  	[smem:$0x3FB1] =	sst s10  }
0x35: {  	s10 =	sld [smem:$0x3FB0];
	_ =	sdelay $0x3  }
0x36: {  	p1 =	seq.s32 s10, $0x1;
	s10 =	sld [smem:$0x3FB1];
	_ =	sdelay $0x3  }
0x37: {  	[smem:$0x3FB1] =	sst s10  }
0x38: {  	s10 =	sld [smem:$0x3FB2]  }
0x39: {  	_ = 	snop;
	(pc) =	sbr.ind lr, $3  }
0x3a: {  	_ = 	snop  }
0x3b: {  	_ = 	snop  }
0x3c: {  	p2 =	seq.s32 s10, $0x1;
	s10 =	sld [smem:$0x3FB1]  }
0x3d: {  	_ =	shalt  }
0x3e: {  	_ =	shalt  }
0x3f: {  	_ =	shalt  }
0x40: {  	_ =	shalt  }
0x41: {  	_ =	shalt  }
0x42: {  	_ =	shalt  }
0x43: {  	_ =	shalt  }
0x44: {  	_ =	shalt  }
0x45: {  	_ =	shalt  }
0x46: {  	_ =	shalt  }
0x47: {  	_ =	shalt  }
0x48: {  	_ =	shalt  }
0x49: {  	_ =	shalt  }
0x4a: {  	_ =	shalt  }
0x4b: {  	_ =	shalt  }
0x4c: {  	_ =	shalt  }
0x4d: {  	_ =	shalt  }
0x4e: {  	_ =	shalt  }
0x4f: {  	_ =	shalt  }
0x50: {  	_ =	shalt  }
0x51: {  	_ =	shalt  }
0x52: {  	_ =	shalt  }
0x53: {  	_ =	shalt  }
0x54: {  	_ =	shalt  }
0x55: {  	_ =	shalt  }
0x56: {  	_ =	shalt  }
0x57: {  	_ =	shalt  }
0x58: {  	_ =	shalt  }
0x59: {  	_ =	shalt  }
0x5a: {  	_ =	shalt  }
0x5b: {  	_ =	shalt  }
0x5c: {  	_ =	shalt  }
0x5d: {  	_ =	shalt  }
0x5e: {  	_ =	shalt  }
0x5f: {  	_ =	shalt  }
0x60: {  	_ =	shalt  }
0x61: {  	_ =	shalt  }
0x62: {  	_ =	shalt  }
0x63: {  	_ =	shalt  }
0x64: {  	_ =	shalt  }
0x65: {  	_ =	shalt  }
0x66: {  	_ =	shalt  }
0x67: {  	_ =	shalt  }
0x68: {  	_ =	shalt  }
0x69: {  	_ =	shalt  }
0x6a: {  	_ =	shalt  }
0x6b: {  	_ =	shalt  }
0x6c: {  	_ =	shalt  }
0x6d: {  	_ =	shalt  }
0x6e: {  	_ =	shalt  }
0x6f: {  	_ =	shalt  }
0x70: {  	_ =	shalt  }
0x71: {  	_ =	shalt  }
0x72: {  	_ =	shalt  }
0x73: {  	_ =	shalt  }
0x74: {  	_ =	shalt  }
0x75: {  	_ =	shalt  }
0x76: {  	_ =	shalt  }
0x77: {  	_ =	shalt  }
0x78: {  	_ =	shalt  }
0x79: {  	_ =	shalt  }
0x7a: {  	_ =	shalt  }
0x7b: {  	_ =	shalt  }
0x7c: {  	_ =	shalt  }
0x7d: {  	_ =	shalt  }
0x7e: {  	_ =	shalt  }
0x7f: {  	_ =	shalt  }
0x80: {  	_ =	shalt  }
0x81: {  	_ =	shalt  }
0x82: {  	_ =	shalt  }
0x83: {  	_ =	shalt  }
0x84: {  	_ =	shalt  }
0x85: {  	_ =	shalt  }
0x86: {  	_ =	shalt  }
0x87: {  	_ =	shalt  }
.Lfunc_end0:
.L_simem_size_0:
called_computation.3_lowered:
.L_overlay_start_0:
0x88: {  	s2 =	sld [smem:$0x3FD9]  }
0x89: {  	s3 =	sld [smem:$0x3FFE];
	_ =	sdelay $0x1  }
0x8a: {  	s1 =	srdreg.scid  }
0x8b: {  	s0 =	sand.u32 $0x1, s1  }
0x8c: {  	s17 =	sshll.u32 s0, $0xA;
	s2 =	sadd.s32 s3, s2  }
0x8d: {  	s2 =	sadd.s32 s2, s17  }
0x8e: {  	[smem:$0x3FBD] =	sst s2  }
0x8f: {  	_ = 	snop  }
0x90: {  	s2 =	sld [smem:$0x3FD0];
	(tm) =	ssettm $0x1  }
0x91: {  	s18 =	sld [smem:$0x3FFB];
	_ =	sdelay $0x3  }
0x92: {  	_ =	strace s18  }
0x93: {  	s3 =	sld [smem:$0x3FFC];
	_ =	sdelay $0x3  }
0x94: {  	_ =	strace s3  }
0x95: {  	s3 =	sld [smem:$0x3FFD];
	_ =	sdelay $0x3  }
0x96: {  	_ =	strace s3  }
0x97: {  	_ =	strace $0x8FFFFFFF  }
0x98: {  	s19 =	sld [smem:$0x3FDB];
	_ =	sdelay $0x1  }
0x99: {  	s4 =	simm.s32 $_scs_section_size  }
0x9a: {  	s5 =	simm.s32 $_size__tile_overlayer_lowered;
	s6 =	simm.s32 $_tile_overlayer_lowered  }
0x9b: {  	s22 =	simm.s32 $0x1BFF;
	s21 =	sshll.u32 s6, $0x1;
	s3 =	sadd.s32 s4, s19  }
0x9c: {  	s7 =	simm.s32 $0x0;
	s20 =	sshll.u32 s5, $0x1;
	s5 =	sadd.s32 s21, s3  }
0x9d: {  	[timem:s7], [sflag:s22] =	dma.local [hbm:s5], s20  }
0x9e: {  	_ =	swait.ge [sflag:s22], s20  }
0x9f: {  	s4 =	ssub.s32 $0x0, s20;
	[sflag:s22] =	ssyncset.done $0x0  }
0xa0: {  	[sflag:s22] =	ssyncadd.s32 s4;
	_ =	sdelay $0x1  }
0xa1: {  	s23 =	simm.s32 $0x1B8B  }
0xa2: {  	_ =	swait.ge [sflag:s23], $0x1  }
0xa3: {  	[sflag:s23] =	ssyncset.done $0x0  }
0xa4: {  	s25 =	simm.s32 $0x1B8E;
	s24 =	sld [smem:$0x3FFE];
	[sflag:s23] =	ssyncadd.s32 $0xFFFFFFFF  }
0xa5: {  	s26 =	simm.s32 $execute0_lowered;
	[smem:$0x3FD2] =	sst s25  }
0xa6: {  	s5 =	sshll.u32 s26, $0x1;
	_ =	strace $0x8000004F;
	[dreg:$0x1] =	wrdreg $0xFFFFFFFF  }
0xa7: {  	s28 =	simm.s32 $_size_execute0_lowered;
	s3 =	sadd.s32 s3, s5;
	[dreg:$0x0] =	wrdreg $0x0  }
0xa8: {  	s5 =	sshll.u32 s28, $0x1;
	[dreg:$0x2] =	wrdreg s3  }
0xa9: {  	[dreg:$0x3] =	wrdreg s5  }
0xaa: {  	[dreg:$0x4] =	wrdreg $0xC0  }
0xab: {  	_ =	task [dreg:s7], $0x5FFFF  }
0xac: {  	[dreg:$0x1] =	wrdreg $0xFFFFFFFF  }
0xad: {  	[dreg:$0x0] =	wrdreg $0x60  }
0xae: {  	[dreg:$0x2] =	wrdreg s24  }
0xaf: {  	[dreg:$0x3] =	wrdreg s2  }
0xb0: {  	[dreg:$0x4] =	wrdreg $0x82000  }
0xb1: {  	[dreg:$0x5] =	wrdreg $0x9  }
0xb2: {  	_ =	task.clear_ibuf [dreg:s7], $0x6FFFF;
	_ =	strace $0x9000004F  }
0xb3: {  	s29 =	simm.s32 $0x9;
	_ =	strace $0x80000051  }
0xb4: {  	_ =	swait.ge [sflag:s29], $0x1  }
0xb5: {  	[sflag:s29] =	ssyncadd.s32 $0xFFFFFFFF  }
0xb6: {  	_ =	strace $0x90000051  }
0xb7: {  	_ =	sfence  }
0xb8: {  	s30 =	sld [smem:$0x0];
	_ =	sdelay $0x2  }
0xb9: {  	s31 =	sshll.u32 s1, $0xD;
	s1 =	sshrl.u32 s1, $0x2  }
0xba: {  	s3 =	sand.u32 $0x4000, s31;
	s1 =	sadd.s32 s1, s30  }
0xbb: {  	s0 =	sor.u32 s3, s0;
	s1 =	sshll.u32 s1, $0x11  }
0xbc: {  	s0 =	sor.u32 s1, s0  }
0xbd: {  	s0 =	sadd.s32 $0x8F2B, s0  }
0xbe: {  	[sflag:s0] =	ssyncadd.remote.s32 $0x1  }
0xbf: {  	_ =	sfence.sel $0xFFFF  }
0xc0: {  	[dreg:$0x0] =	wrdreg $0xFFFFFFFF;
	(pc) =	sbr.abs _section_cstart, $3  }
0xc1: {  	[dreg:$0x1] =	wrdreg $0xFFFFFFFF  }
0xc2: {  	_ =	task.clear_ibuf [dreg:s7], $0x2FFFF;
	_ =	strace $0x9FFFFFFF  }
0xc3: {  	(tm) =	ssettm $0x7FFFFFFF  }
tec
execute0_lowered:
.L_overlay_start_1:
0x0: {  	(tag) =	ssettag $0x1  }
0x1: {  	s0 =	rddreg [dreg:$0x0]  }
0x2: {  	s2 =	rddreg [dreg:$0x1]  }
0x3: {  	s1 =	rddreg [dreg:$0x2];
	s3 =	simm.s32 $0x0  }
0x4: {  	s4 =	srdreg.scid;
	s10 =	stileid.u32;
	s28 =	simm.s32 $0x180  }
0x5: {  	s29 =	simm.s32 $0x4200;
	s30 =	simm.s32 $0x1;
	s13 =	smul.u32 $0x280, s10  }
0x6: {  	s31 =	simm.s32 $0x2;
	[smem:$0x7FF] =	sst s3;
	s7 =	smul.u32 $0x50000, s10  }
0x7: {  	s11 =	sand.u32 $0x1, s4;
	s4 =	sadd.s32 $0x5D200, s0;
	s8 =	smul.u32 $0x78, s10  }
0x8: {  	s14 =	sadd.s32 $0x3000, s0;
	s0 =	sadd.s32 $0x85200, s0;
	s10 =	smul.u32 $0x28, s10  }
0x9: {  	_ =	strace $0x80000050;
	s5 =	ssub.s32 $0x2, s11;
	p0 =	seq.s32 s11, $0x0  }
0xa: {  	s6 =	sshrl.u32 s5, $0x1;
	s15 =	sadd.s32 $0x80, s13;
	s18 =	sshrl.u32 s7, $0x2  }
0xb: {  	s17 =	sadd.s32 $0x100, s13;
	s16 =	sadd.s32 $0x280, s8;
	s20 =	ssub.s32 s5, s6  }
0xc: {  	s19 =	sshll.u32 s15, $0x7;
	s5 =	sadd.s32 s18, s1;
	s21 =	sshll.u32 s17, $0x7  }
0xd: {  	s18 =	sadd.s32 $0x180, s13;
	s16 =	smov.u32 @p0 s10;
	s10 =	simm.s32 $0x14  }
0xe: {  	s6 =	sadd.s32 s19, s1;
	s7 =	sadd.s32 s21, s1;
	s9 =	sshll.u32 s18, $0x7  }
0xf: {  	s19 =	sadd.s32 $0x200, s13;
	s16 =	sshll.u32 s16, $0x4;
	s21 =	smul.u32 $0x2800, s11  }
0x10: {  	s10 =	simm.s32 @!p0 $0x3C;
	s20 =	smax.u32 s20, $0x1;
	s12 =	sshll.u32 s19, $0x7  }
0x11: {  	s8 =	sadd.s32 s9, s1;
	s11 =	sadd.s32 s2, s16;
	s9 =	sadd.s32 s12, s1  }
0x12: {  	s12 =	sadd.s32 s14, s16;
	s16 =	sor.u32 $0x10, s16;
	s13 =	sadd.s32 s13, s21  }
0x13: {  	s15 =	sadd.s32 s21, s15;
	s24 =	sadd.s32 s21, s17;
	s25 =	sadd.s32 s21, s18  }
0x14: {  	s26 =	sadd.s32 s21, s19;
	s2 =	sadd.s32 s2, s16;
	s22 =	sshll.u32 s13, $0x4  }
0x15: {  	s23 =	sshll.u32 s15, $0x4;
	s14 =	sadd.s32 s14, s16;
	s13 =	sshll.u32 s25, $0x4  }
0x16: {  	s21 =	sadd.s32 $0x30, s12;
	s15 =	smov.u32 s11;
	[dreg:$0x4] =	wrdreg s2  }
0x17: {  	s25 =	simm.s32 $0x100;
	[dreg:$0x5] =	wrdreg s14;
	s2 =	sadd.s32 s0, s22  }
0x18: {  	s16 =	sadd.s32 s0, s23;
	s14 =	sshll.u32 s26, $0x4;
	s18 =	sadd.s32 s0, s13  }
0x19: {  	s22 =	sadd.s32 $0x30, s11;
	s23 =	simm.s32 $0x200;
	s26 =	simm.s32 $0x80  }
0x1a: {  	[dreg:$0x6] =	wrdreg s2;
	s2 =	sshll.u32 s24, $0x4;
	s19 =	sadd.s32 s0, s14  }
0x1b: {  	v0 =	vimm.f32 $0.0e+00;
	s24 =	simm.s32 $0x3;
	s17 =	sadd.s32 s0, s2;
	s0 =	simm.s32 $0x0  }
.LBB2_1:
0x1c: {  	s2 =	sand.u32 $0xFE00, s3  }
0x1d: {  	s13 =	sand.u32 $0x70, s3;
	s14 =	sshrl.u32 s2, $0x2  }
0x1e: {  	s2 =	simm.s32 $0x40;
	s14 =	sor.u32 s13, s14;
	s13 =	simm.s32 $0x0  }
.LBB2_2:
0x1f: {  	p0 =	sne.s32 s2, $0xFFC0  }
0x20: {  	[tilespmem:s14+$0x200] =	vst v0;
	s13 =	sadd.s32 $0x10, s13;
	s14 =	smov.u32 s2;
	s2 =	sadd.s32 $0x40, s2  }
.Ltmp0:
0x21: {  	(pc) =	sbr.rel @p0 .LBB2_2-.Ltmp0, $4  }
0x22: {  	_ = 	snop  }
0x23: {  	s14 =	sand.u32 $0xFE00, s14  }
0x24: {  	s11 =	sand.u32 $0x70, s13;
	s14 =	sshrl.u32 s14, $0x2  }
0x25: {  	s14 =	sor.u32 s11, s14  }
0x26: {  	[tilespmem:s14+$0x200] =	vst v0  }
0x27: {  	[spmem:s5] =	stream.linear.scatter [tilespmem:s23], [sflag:$0x3], $0x4000, $0x38;
	[tilespmem:$0x1C200] =	vst v63  }
0x28: {  	_ =	swait.ge [sflag:s24], $0x4000  }
0x29: {  	[sflag:s24] =	ssyncset.done $0x0  }
0x2a: {  	[sflag:s24] =	ssyncadd.s32 $0xFFFFC000  }
0x2b: {  	[spmem:s6] =	stream.linear.scatter [tilespmem:s23], [sflag:$0x3], $0x4000, $0x38;
	[tilespmem:$0x1C200] =	vst v63  }
0x2c: {  	_ =	swait.ge [sflag:s24], $0x4000  }
0x2d: {  	[sflag:s24] =	ssyncset.done $0x0  }
0x2e: {  	[sflag:s24] =	ssyncadd.s32 $0xFFFFC000  }
0x2f: {  	[spmem:s7] =	stream.linear.scatter [tilespmem:s23], [sflag:$0x3], $0x4000, $0x38;
	[tilespmem:$0x1C200] =	vst v63  }
0x30: {  	_ =	swait.ge [sflag:s24], $0x4000  }
0x31: {  	[sflag:s24] =	ssyncset.done $0x0  }
0x32: {  	[sflag:s24] =	ssyncadd.s32 $0xFFFFC000  }
0x33: {  	[spmem:s8] =	stream.linear.scatter [tilespmem:s23], [sflag:$0x3], $0x4000, $0x38;
	[tilespmem:$0x1C200] =	vst v63  }
0x34: {  	_ =	swait.ge [sflag:s24], $0x4000  }
0x35: {  	[sflag:s24] =	ssyncset.done $0x0  }
0x36: {  	[sflag:s24] =	ssyncadd.s32 $0xFFFFC000  }
0x37: {  	[spmem:s9] =	stream.linear.scatter [tilespmem:s23], [sflag:$0x3], $0x4000, $0x38;
	[tilespmem:$0x1C200] =	vst v63  }
0x38: {  	_ =	swait.ge [sflag:s24], $0x4000  }
0x39: {  	[sflag:s24] =	ssyncset.done $0x0  }
0x3a: {  	[sflag:s24] =	ssyncadd.s32 $0xFFFFC000  }
0x3b: {  	[bflag:$0x0] =	sbarrier.arrive $0xFFFF  }
0x3c: {  	[tilespmem:s3], [sflag:$0x3] =	stream.linear.gather [hbm4b:s15+s3], $0x80, $0x38;
	[tilespmem:$0x1C200] =	vst v63  }
0x3d: {  	_ =	swait.ge [sflag:s24], $0x80  }
0x3e: {  	[sflag:s24] =	ssyncset.done $0x0  }
0x3f: {  	[sflag:s24] =	ssyncadd.s32 $0xFFFFFF80  }
0x40: {  	[tilespmem:s25], [sflag:$0x3] =	stream.linear.gather [hbm4b:s12+s3], $0x80, $0x38;
	[tilespmem:$0x1C200] =	vst v63  }
0x41: {  	_ =	swait.ge [sflag:s24], $0x80  }
0x42: {  	[sflag:s24] =	ssyncset.done $0x0  }
0x43: {  	[sflag:s24] =	ssyncadd.s32 $0xFFFFFF80  }
0x44: {  	[tilespmem:s23], [sflag:$0x1] =	stream.indirect.gather [hbm4b:s4+s26], $0x80, s3, s26, $0xb8;
	[tilespmem:$0x1C200] =	vst v63  }
0x45: {  	s2 =	rddreg [dreg:$0x4]  }
0x46: {  	[tilespmem:s26], [sflag:$0x3] =	stream.linear.gather [hbm4b:s2+s3], $0x80, $0x38;
	[tilespmem:$0x1C200] =	vst v63  }
0x47: {  	_ =	swait.ge [sflag:s24], $0x80  }
0x48: {  	[sflag:s24] =	ssyncset.done $0x0  }
0x49: {  	s11 =	rddreg [dreg:$0x5];
	[sflag:s24] =	ssyncadd.s32 $0xFFFFFF80  }
0x4a: {  	[tilespmem:s28], [sflag:$0x3] =	stream.linear.gather [hbm4b:s11+s3], $0x80, $0x38;
	[tilespmem:$0x1C200] =	vst v63  }
0x4b: {  	_ =	swait.ge [sflag:s24], $0x80  }
0x4c: {  	[sflag:s24] =	ssyncset.done $0x0  }
0x4d: {  	[sflag:s24] =	ssyncadd.s32 $0xFFFFFF80  }
0x4e: {  	[tilespmem:s29], [sflag:$0x2] =	stream.indirect.gather [hbm4b:s4+s26], $0x80, s26, s26, $0xb8;
	[tilespmem:$0x1C200] =	vst v63  }
0x4f: {  	_ =	swait.ge [sflag:s30], $0x4000  }
0x50: {  	[sflag:s30] =	ssyncset.done $0x0  }
0x51: {  	[sflag:s30] =	ssyncadd.s32 $0xFFFFC000  }
0x52: {  	[spmem:s1] =	stream.indirect.scatter.add.f32 [tilespmem:s23], [sflag:$0x3], $0x80, s25, s26, $0xb8;
	[tilespmem:$0x1C200] =	vst v63  }
0x53: {  	_ =	swait.ge [sflag:s24], $0x4000  }
0x54: {  	[sflag:s24] =	ssyncset.done $0x0  }
0x55: {  	s13 =	sadd.s32 $0xFFFFFFF0, s22;
	[sflag:s24] =	ssyncadd.s32 $0xFFFFC000  }
0x56: {  	[tilespmem:s3], [sflag:$0x3] =	stream.linear.gather [hbm4b:s13+s3], $0x80, $0x38;
	[tilespmem:$0x1C200] =	vst v63  }
0x57: {  	_ =	swait.ge [sflag:s24], $0x80  }
0x58: {  	[sflag:s24] =	ssyncset.done $0x0  }
0x59: {  	s14 =	sadd.s32 $0xFFFFFFF0, s21;
	[sflag:s24] =	ssyncadd.s32 $0xFFFFFF80  }
0x5a: {  	[tilespmem:s25], [sflag:$0x3] =	stream.linear.gather [hbm4b:s14+s3], $0x80, $0x38;
	[tilespmem:$0x1C200] =	vst v63  }
0x5b: {  	_ =	swait.ge [sflag:s24], $0x80  }
0x5c: {  	[sflag:s24] =	ssyncset.done $0x0  }
0x5d: {  	[sflag:s24] =	ssyncadd.s32 $0xFFFFFF80  }
0x5e: {  	[tilespmem:s23], [sflag:$0x1] =	stream.indirect.gather [hbm4b:s4+s26], $0x80, s3, s26, $0xb8;
	[tilespmem:$0x1C200] =	vst v63  }
0x5f: {  	_ =	swait.ge [sflag:s31], $0x4000  }
0x60: {  	[sflag:s31] =	ssyncset.done $0x0  }
0x61: {  	[sflag:s31] =	ssyncadd.s32 $0xFFFFC000  }
0x62: {  	[spmem:s1] =	stream.indirect.scatter.add.f32 [tilespmem:s29], [sflag:$0x3], $0x80, s28, s26, $0xb8;
	[tilespmem:$0x1C200] =	vst v63  }
0x63: {  	_ =	swait.ge [sflag:s24], $0x4000  }
0x64: {  	[sflag:s24] =	ssyncset.done $0x0  }
0x65: {  	[sflag:s24] =	ssyncadd.s32 $0xFFFFC000  }
0x66: {  	[tilespmem:s26], [sflag:$0x3] =	stream.linear.gather [hbm4b:s22+s3], $0x80, $0x38;
	[tilespmem:$0x1C200] =	vst v63  }
0x67: {  	_ =	swait.ge [sflag:s24], $0x80  }
0x68: {  	p0 =	sne.s32 s10, $0x1;
	[sflag:s24] =	ssyncset.done $0x0  }
.Ltmp1:
0x69: {  	[sflag:s24] =	ssyncadd.s32 $0xFFFFFF80;
	(pc) =	sbr.rel @!p0 .LBB2_5-.Ltmp1, $4  }
0x6a: {  	[tilespmem:s28], [sflag:$0x3] =	stream.linear.gather [hbm4b:s21+s3], $0x80, $0x38;
	[tilespmem:$0x1C200] =	vst v63  }
0x6b: {  	_ =	swait.ge [sflag:s24], $0x80  }
0x6c: {  	s2 =	sadd.s32 $0xFFFFFFFF, s10;
	[sflag:s24] =	ssyncset.done $0x0  }
0x6d: {  	s13 =	sadd.s32 $0x20, s21;
	s14 =	sadd.s32 $0x20, s22;
	[sflag:s24] =	ssyncadd.s32 $0xFFFFFF80  }
.LBB2_4:
0x6e: {  	[tilespmem:s29], [sflag:$0x2] =	stream.indirect.gather [hbm4b:s4+s26], $0x80, s26, s26, $0xb8;
	[tilespmem:$0x1C200] =	vst v63  }
0x6f: {  	p0 =	sne.s32 s2, $0x1;
	s2 =	sadd.s32 $0xFFFFFFFF, s2;
	_ =	swait.ge [sflag:s30], $0x4000  }
0x70: {  	[sflag:s30] =	ssyncset.done $0x0  }
0x71: {  	[sflag:s30] =	ssyncadd.s32 $0xFFFFC000  }
0x72: {  	[spmem:s1] =	stream.indirect.scatter.add.f32 [tilespmem:s23], [sflag:$0x3], $0x80, s25, s26, $0xb8;
	[tilespmem:$0x1C200] =	vst v63  }
0x73: {  	_ =	swait.ge [sflag:s24], $0x4000  }
0x74: {  	[sflag:s24] =	ssyncset.done $0x0  }
0x75: {  	s11 =	sadd.s32 $0xFFFFFFF0, s14;
	[sflag:s24] =	ssyncadd.s32 $0xFFFFC000  }
0x76: {  	[tilespmem:s3], [sflag:$0x3] =	stream.linear.gather [hbm4b:s11+s3], $0x80, $0x38;
	[tilespmem:$0x1C200] =	vst v63  }
0x77: {  	_ =	swait.ge [sflag:s24], $0x80  }
0x78: {  	[sflag:s24] =	ssyncset.done $0x0  }
0x79: {  	s11 =	sadd.s32 $0xFFFFFFF0, s13;
	[sflag:s24] =	ssyncadd.s32 $0xFFFFFF80  }
0x7a: {  	[tilespmem:s25], [sflag:$0x3] =	stream.linear.gather [hbm4b:s11+s3], $0x80, $0x38;
	[tilespmem:$0x1C200] =	vst v63  }
0x7b: {  	_ =	swait.ge [sflag:s24], $0x80  }
0x7c: {  	[sflag:s24] =	ssyncset.done $0x0  }
0x7d: {  	[sflag:s24] =	ssyncadd.s32 $0xFFFFFF80  }
0x7e: {  	[tilespmem:s23], [sflag:$0x1] =	stream.indirect.gather [hbm4b:s4+s26], $0x80, s3, s26, $0xb8;
	[tilespmem:$0x1C200] =	vst v63  }
0x7f: {  	_ =	swait.ge [sflag:s31], $0x4000  }
0x80: {  	[sflag:s31] =	ssyncset.done $0x0  }
0x81: {  	[sflag:s31] =	ssyncadd.s32 $0xFFFFC000  }
0x82: {  	[spmem:s1] =	stream.indirect.scatter.add.f32 [tilespmem:s29], [sflag:$0x3], $0x80, s28, s26, $0xb8;
	[tilespmem:$0x1C200] =	vst v63  }
0x83: {  	_ =	swait.ge [sflag:s24], $0x4000  }
0x84: {  	[sflag:s24] =	ssyncset.done $0x0  }
0x85: {  	[sflag:s24] =	ssyncadd.s32 $0xFFFFC000  }
0x86: {  	[tilespmem:s26], [sflag:$0x3] =	stream.linear.gather [hbm4b:s14+s3], $0x80, $0x38;
	[tilespmem:$0x1C200] =	vst v63  }
0x87: {  	_ =	swait.ge [sflag:s24], $0x80  }
0x88: {  	[sflag:s24] =	ssyncset.done $0x0  }
.Ltmp2:
0x89: {  	[sflag:s24] =	ssyncadd.s32 $0xFFFFFF80;
	(pc) =	sbr.rel @p0 .LBB2_4-.Ltmp2, $4  }
0x8a: {  	[tilespmem:s28], [sflag:$0x3] =	stream.linear.gather [hbm4b:s13+s3], $0x80, $0x38;
	[tilespmem:$0x1C200] =	vst v63  }
0x8b: {  	_ =	swait.ge [sflag:s24], $0x80  }
0x8c: {  	[sflag:s24] =	ssyncset.done $0x0  }
0x8d: {  	s14 =	sadd.s32 $0x20, s14;
	s13 =	sadd.s32 $0x20, s13;
	[sflag:s24] =	ssyncadd.s32 $0xFFFFFF80  }
.LBB2_5:
0x8e: {  	[tilespmem:s29], [sflag:$0x2] =	stream.indirect.gather [hbm4b:s4+s26], $0x80, s26, s26, $0xb8;
	[tilespmem:$0x1C200] =	vst v63  }
0x8f: {  	_ =	swait.ge [sflag:s30], $0x4000  }
0x90: {  	[sflag:s30] =	ssyncset.done $0x0  }
0x91: {  	[sflag:s30] =	ssyncadd.s32 $0xFFFFC000  }
0x92: {  	_ =	swait.ge [sflag:s31], $0x4000  }
0x93: {  	[sflag:s31] =	ssyncset.done $0x0  }
0x94: {  	[sflag:s31] =	ssyncadd.s32 $0xFFFFC000  }
0x95: {  	[bflag:$0x0] =	sbarrier.arrive $0xFFFF  }
0x96: {  	[tilespmem:s23], [sflag:$0x3] =	stream.linear.gather [spmem:s5], $0x4000, $0x38;
	[tilespmem:$0x1C200] =	vst v63  }
0x97: {  	_ =	swait.ge [sflag:s24], $0x4000  }
0x98: {  	[sflag:s24] =	ssyncset.done $0x0  }
0x99: {  	s2 =	rddreg [dreg:$0x6];
	[sflag:s24] =	ssyncadd.s32 $0xFFFFC000  }
0x9a: {  	[hbm4b:s2+s3] =	stream.linear.scatter [tilespmem:s23], [sflag:$0x3], $0x4000, $0x38;
	[tilespmem:$0x1C200] =	vst v63  }
0x9b: {  	_ =	swait.ge [sflag:s24], $0x4000  }
0x9c: {  	[sflag:s24] =	ssyncset.done $0x0  }
0x9d: {  	[sflag:s24] =	ssyncadd.s32 $0xFFFFC000  }
0x9e: {  	[tilespmem:s23], [sflag:$0x3] =	stream.linear.gather [spmem:s6], $0x4000, $0x38;
	[tilespmem:$0x1C200] =	vst v63  }
0x9f: {  	_ =	swait.ge [sflag:s24], $0x4000  }
0xa0: {  	[sflag:s24] =	ssyncset.done $0x0  }
0xa1: {  	[sflag:s24] =	ssyncadd.s32 $0xFFFFC000  }
0xa2: {  	[hbm4b:s16+s3] =	stream.linear.scatter [tilespmem:s23], [sflag:$0x3], $0x4000, $0x38;
	[tilespmem:$0x1C200] =	vst v63  }
0xa3: {  	_ =	swait.ge [sflag:s24], $0x4000  }
0xa4: {  	[sflag:s24] =	ssyncset.done $0x0  }
0xa5: {  	[sflag:s24] =	ssyncadd.s32 $0xFFFFC000  }
0xa6: {  	[tilespmem:s23], [sflag:$0x3] =	stream.linear.gather [spmem:s7], $0x4000, $0x38;
	[tilespmem:$0x1C200] =	vst v63  }
0xa7: {  	_ =	swait.ge [sflag:s24], $0x4000  }
0xa8: {  	[sflag:s24] =	ssyncset.done $0x0  }
0xa9: {  	[sflag:s24] =	ssyncadd.s32 $0xFFFFC000  }
0xaa: {  	[hbm4b:s17+s3] =	stream.linear.scatter [tilespmem:s23], [sflag:$0x3], $0x4000, $0x38;
	[tilespmem:$0x1C200] =	vst v63  }
0xab: {  	_ =	swait.ge [sflag:s24], $0x4000  }
0xac: {  	[sflag:s24] =	ssyncset.done $0x0  }
0xad: {  	[sflag:s24] =	ssyncadd.s32 $0xFFFFC000  }
0xae: {  	[tilespmem:s23], [sflag:$0x3] =	stream.linear.gather [spmem:s8], $0x4000, $0x38;
	[tilespmem:$0x1C200] =	vst v63  }
0xaf: {  	_ =	swait.ge [sflag:s24], $0x4000  }
0xb0: {  	[sflag:s24] =	ssyncset.done $0x0  }
0xb1: {  	[sflag:s24] =	ssyncadd.s32 $0xFFFFC000  }
0xb2: {  	[hbm4b:s18+s3] =	stream.linear.scatter [tilespmem:s23], [sflag:$0x3], $0x4000, $0x38;
	[tilespmem:$0x1C200] =	vst v63  }
0xb3: {  	_ =	swait.ge [sflag:s24], $0x4000  }
0xb4: {  	[sflag:s24] =	ssyncset.done $0x0  }
0xb5: {  	[sflag:s24] =	ssyncadd.s32 $0xFFFFC000  }
0xb6: {  	[tilespmem:s23], [sflag:$0x3] =	stream.linear.gather [spmem:s9], $0x4000, $0x38;
	[tilespmem:$0x1C200] =	vst v63  }
0xb7: {  	s0 =	sadd.s32 $0x1, s0;
	_ =	swait.ge [sflag:s24], $0x4000  }
0xb8: {  	p0 =	sne.s32 s0, s20;
	[sflag:s24] =	ssyncset.done $0x0  }
.Ltmp3:
0xb9: {  	[sflag:s24] =	ssyncadd.s32 $0xFFFFC000;
	(pc) =	sbr.rel @p0 .LBB2_1-.Ltmp3, $4  }
0xba: {  	[hbm4b:s19+s3] =	stream.linear.scatter [tilespmem:s23], [sflag:$0x3], $0x4000, $0x38;
	[tilespmem:$0x1C200] =	vst v63  }
0xbb: {  	_ =	swait.ge [sflag:s24], $0x4000  }
0xbc: {  	[sflag:s24] =	ssyncset.done $0x0  }
0xbd: {  	[sflag:s24] =	ssyncadd.s32 $0xFFFFC000  }
0xbe: {  	_ =	sfence.sel $0x180000  }
0xbf: {  	[bflag:$0x0] =	sbarrier.arrive $0xFFFF  }
0xc0: {  	_ =	strace $0x90000050  }
0xc1: {  	s0 =	stileid.u32;
	[bflag:$0x2] =	sbarrier.arrive $0xFFFF  }
0xc2: {  	p0 =	sne.s32 s0, $0x0;
	s0 =	rddreg [dreg:$0x3]  }
0xc3: {  	s0 =	sadd.s32 @!p0 $0x100000, s0  }
0xc4: {  	[sflag:s0] =	ssyncadd.tile.s32 @!p0 $0x1;
	_ =	shalt  }
.Lfunc_end2:
_tile_overlayer_lowered:
.L_overlay_start_2:
0xc5: {  	(tag) =	ssettag $0x2  }
0xc6: {  	s0 =	rddreg [dreg:$0x0];
	s2 =	stileid.u32  }
0xc7: {  	s1 =	rddreg [dreg:$0x1];
	p0 =	sne.s32 s2, $0x0  }
0xc8: {  	s3 =	rddreg [dreg:$0x2];
	[bflag:$0x3] =	sbarrier.arrive $0xFFFF;
	s2 =	simm.s32 @!p0 $0x1C03  }
0xc9: {  	[timem:s3], [sflag:s2] =	dma.local @!p0 [hbm:s0], s1  }
0xca: {  	s0 =	simm.s32 @!p0 $0x3  }
0xcb: {  	_ =	swait.ge @!p0 [sflag:s0], s1  }
0xcc: {  	s1 =	ssub.s32 @!p0 $0x0, s1;
	[sflag:s0] =	ssyncset.done @!p0 $0x0  }
0xcd: {  	[sflag:s0] =	ssyncadd.s32 @!p0 s1  }
0xce: {  	[bflag:$0x3] =	sbarrier.arrive $0xFFFF  }
0xcf: {  	_ =	shalt  }

</sc_bundles>
